<compile_context>
chip_gen: v7x
topology: tpu7x:2x2x1
jax: 0.10.2.dev20260603
libtpu: 0.0.44.dev20260713+nightly
codegen_flags: <defaults>
</compile_context>

<pallas_src>
import functools

import jax
import jax.numpy as jnp
from jax import lax
from jax.experimental import pallas as pl
from jax.experimental.pallas import tpu as pltpu
from jax.experimental.pallas import tpu_sc as plsc

_NC = 2
_NS = 16
_G = 64
_K = 128
_M = 10
_NB = 5


def _sc_mesh():
    return plsc.VectorSubcoreMesh(core_axis_name="c", subcore_axis_name="s")


def _sc_degree(edges3, npad):
    _, idx_rows, _ = edges3.shape
    chunks = idx_rows // (_NC * _NS)

    @functools.partial(
        pl.kernel,
        mesh=_sc_mesh(),
        compiler_params=pltpu.CompilerParams(use_tc_tiling_on_sc=False),
        out_type=jax.ShapeDtypeStruct((_NC * npad,), jnp.float32),
        scratch_types=[
            pltpu.VMEM((chunks, _K), jnp.int32),
            pltpu.VMEM((_K,), jnp.float32),
            pltpu.VMEM_SHARED((npad,), jnp.float32),
            pltpu.VMEM((npad,), jnp.float32),
            pltpu.SemaphoreType.DMA,
        ],
    )
    def deg_kernel(edges_hbm, out_hbm, dstall, onesb, acc, wb, sem):
        c = lax.axis_index("c")
        s = lax.axis_index("s")
        for j in range(_K // 16):
            onesb[pl.ds(j * 16, 16)] = jnp.ones((16,), jnp.float32)

        row0 = pl.multiple_of((c * _NS + s) * chunks, 8)
        pltpu.sync_copy(edges_hbm.at[1, pl.ds(row0, chunks)], dstall)

        @pl.when(s == 0)
        def _():
            def zbody(i, carry):
                wb[pl.ds(i * 16, 16)] = jnp.zeros((16,), jnp.float32)
                return carry

            lax.fori_loop(0, npad // 16, zbody, 0)
            pltpu.sync_copy(wb, acc)

        plsc.subcore_barrier()

        def body(i, carry):
            pltpu.async_copy(onesb, acc.at[dstall.at[i]], sem, add=True)
            return carry

        lax.fori_loop(0, chunks, body, 0)
        pltpu.make_async_copy(
            edges_hbm.at[1, pl.ds(row0, chunks)], dstall, sem).wait()
        plsc.subcore_barrier()

        @pl.when(s == 0)
        def _():
            pltpu.sync_copy(acc, wb)
            pltpu.sync_copy(wb, out_hbm.at[pl.ds(pl.multiple_of(c * npad, 8),
                                                 npad)])

    return deg_kernel(edges3)


def _sc_scatter(edges3, rows_tbl, npad):
    _, idx_rows, _ = edges3.shape
    n_nodes, feat = rows_tbl.shape
    chunks = idx_rows // (_NC * _NS)
    rpt = npad // _NS

    @functools.partial(
        pl.kernel,
        mesh=_sc_mesh(),
        compiler_params=pltpu.CompilerParams(use_tc_tiling_on_sc=False),
        out_type=jax.ShapeDtypeStruct((_NC, npad, feat), jnp.float32),
        scratch_types=[
            pltpu.VMEM((chunks, _K), jnp.int32),
            pltpu.VMEM((chunks, _K), jnp.int32),
            pltpu.VMEM((_M, _K, feat), jnp.float32),
            pltpu.VMEM_SHARED((npad, feat), jnp.float32),
            pltpu.VMEM((rpt, feat), jnp.float32),
            pltpu.SemaphoreType.DMA((_M,)),
            pltpu.SemaphoreType.DMA((_M,)),
        ],
    )
    def scat_kernel(edges_hbm, tbl_hbm, out_hbm,
                    srcall, dstall, rows, acc, wb, gsem, ssem):
        c = lax.axis_index("c")
        s = lax.axis_index("s")
        row0 = pl.multiple_of((c * _NS + s) * chunks, 8)
        pltpu.sync_copy(edges_hbm.at[0, pl.ds(row0, chunks)], srcall)
        pltpu.sync_copy(edges_hbm.at[1, pl.ds(row0, chunks)], dstall)

        r0 = pl.multiple_of(s * rpt, 8)

        def zbody(i, carry):
            for j in range(feat // 16):
                wb[i, pl.ds(j * 16, 16)] = jnp.zeros((16,), jnp.float32)
            return carry

        lax.fori_loop(0, rpt, zbody, 0)
        pltpu.sync_copy(wb, acc.at[pl.ds(r0, rpt)])
        plsc.subcore_barrier()

        def _dummy_wait(b, sem):
            pltpu.make_async_copy(
                tbl_hbm.at[pl.ds(0, _K)], rows.at[b], sem.at[b]).wait()

        for b in range(_NB):
            pltpu.async_copy(tbl_hbm.at[srcall.at[b]], rows.at[b], gsem.at[b])

        def outer(o, carry):
            for b in range(_M):
                ch = o * _M + b
                _dummy_wait(b, gsem)
                pltpu.async_copy(rows.at[b], acc.at[dstall.at[ch]],
                                 ssem.at[b], add=True)
                nxt = ch + _NB
                bp = (b + _NB) % _M

                @pl.when(nxt < chunks)
                def _():
                    @pl.when(ch >= _M - _NB)
                    def _():
                        _dummy_wait(bp, ssem)
                    pltpu.async_copy(tbl_hbm.at[srcall.at[nxt]],
                                     rows.at[bp], gsem.at[bp])
            return carry

        lax.fori_loop(0, chunks // _M, outer, 0)
        for b in range(_M):
            _dummy_wait(b, ssem)
        plsc.subcore_barrier()

        pltpu.sync_copy(acc.at[pl.ds(r0, rpt)], wb)
        pltpu.sync_copy(wb, out_hbm.at[c, pl.ds(r0, rpt)])

    return scat_kernel(edges3, rows_tbl)


def _col(v, n):
    return v.reshape(n, 1)


def _tc_first(x, w1, degp_flat, npad):
    n_nodes, _ = x.shape
    h1 = w1.shape[1]

    def body(x_ref, w_ref, dp_ref, h1p_ref, dinv_ref):
        dp = dp_ref[...]
        deg = dp[:n_nodes] + dp[npad:npad + n_nodes] + 1.0
        dinv = lax.rsqrt(deg)
        dinv_ref[...] = dinv
        h = jnp.dot(x_ref[...], w_ref[...], preferred_element_type=jnp.float32)
        h1p_ref[...] = h * _col(dinv, n_nodes)

    return pl.pallas_call(
        body,
        out_shape=(
            jax.ShapeDtypeStruct((n_nodes, h1), jnp.float32),
            jax.ShapeDtypeStruct((n_nodes,), jnp.float32),
        ),
    )(x, w1, degp_flat)


def _tc_mid(s1p, h1p, dinv, b1r, w2):
    n_nodes, h1 = h1p.shape
    h2 = w2.shape[1]

    def body(s1p_ref, h1p_ref, dinv_ref, b1_ref, w2_ref, h2p_ref):
        ssum = (s1p_ref[0, :n_nodes] + s1p_ref[1, :n_nodes] + h1p_ref[...])
        dinv = _col(dinv_ref[...], n_nodes)
        act = jnp.maximum(dinv * ssum + b1_ref[...], 0.0)
        h = jnp.dot(act, w2_ref[...], preferred_element_type=jnp.float32)
        h2p_ref[...] = h * dinv

    return pl.pallas_call(
        body,
        out_shape=jax.ShapeDtypeStruct((n_nodes, h2), jnp.float32),
    )(s1p, h1p, dinv, b1r, w2)


def _tc_final(s2p, h2p, dinv, b2r, bi, wfc, bfcr):
    n_nodes, h2 = h2p.shape
    n_cls = wfc.shape[1]

    def body(s2p_ref, h2p_ref, dinv_ref, b2_ref, bi_ref, wfc_ref, bfc_ref,
             out_ref):
        ssum = (s2p_ref[0, :n_nodes] + s2p_ref[1, :n_nodes] + h2p_ref[...])
        act = jnp.maximum(_col(dinv_ref[...], n_nodes) * ssum + b2_ref[...],
                          0.0)
        gid = lax.broadcasted_iota(jnp.int32, (_G, n_nodes), 0)
        onehot = (gid == bi_ref[...].reshape(1, n_nodes)).astype(jnp.float32)
        sums = jnp.dot(onehot, act, preferred_element_type=jnp.float32)
        counts = jnp.sum(onehot, axis=1, keepdims=True)
        pooled = sums / jnp.maximum(counts, 1.0)
        logits = jnp.dot(pooled, wfc_ref[...],
                         preferred_element_type=jnp.float32) + bfc_ref[...]
        m = jnp.max(logits, axis=1, keepdims=True)
        e = jnp.exp(logits - m)
        out_ref[...] = e / jnp.sum(e, axis=1, keepdims=True)

    return pl.pallas_call(
        body,
        out_shape=jax.ShapeDtypeStruct((_G, n_cls), jnp.float32),
    )(s2p, h2p, dinv, b2r, bi, wfc, bfcr)


def kernel(x, edge_index, batch_index, W1, b1, W2, b2, Wfc, bfc):
    n_nodes, _ = x.shape
    h1 = W1.shape[1]
    h2 = W2.shape[1]
    n_edges = edge_index.shape[1]

    npad = ((n_nodes // _NS) // 8 + (1 if n_nodes % (_NS * 8) else 0)) * 8 * _NS
    group = _NC * _NS * _M * _K
    e_pad = -(-n_edges // group) * group
    pe = e_pad - n_edges
    pad_src = (jnp.arange(pe, dtype=jnp.int32) * 131) % n_nodes
    pad_dst = n_nodes + jnp.arange(pe, dtype=jnp.int32) % (npad - n_nodes)
    pad_blk = jnp.stack([pad_src, pad_dst])
    edges3 = jnp.concatenate([edge_index, pad_blk], axis=1).reshape(
        2, e_pad // _K, _K)

    degp = _sc_degree(edges3, npad)
    h1p, dinv = _tc_first(x, W1, degp, npad)
    s1p = _sc_scatter(edges3, h1p, npad)
    h2p = _tc_mid(s1p, h1p, dinv, b1.reshape(1, -1), W2)
    s2p = _sc_scatter(edges3, h2p, npad)
    return _tc_final(s2p, h2p, dinv, b2.reshape(1, -1),
                     batch_index, Wfc, bfc.reshape(1, -1))

# --- scband reference (transcript-rebuilt; emitter-appended) ---
"""Pipeline reference for scband-gcn-58299886076527 (READ-ONLY COPY).

The authoritative reference and input builder live on the scoring server;
editing this copy changes nothing except your own understanding.
"""

import jax, jax.numpy as jnp
import numpy as np

N = 10000
E = 320000
D = 128
H1 = 32
H2 = 16
C = 10
G = 64


def gcn_conv(x, edge_index, W, b, num_nodes):
    # GCNConv: x' = D^{-1/2} (A + I) D^{-1/2} X W + b
    src = edge_index[0]
    dst = edge_index[1]
    loop = jnp.arange(num_nodes, dtype=src.dtype)
    src = jnp.concatenate([src, loop])
    dst = jnp.concatenate([dst, loop])
    h = x @ W
    deg = jnp.zeros((num_nodes,), dtype=h.dtype).at[dst].add(1.0)
    deg_inv_sqrt = jnp.where(deg > 0, 1.0 / jnp.sqrt(jnp.maximum(deg, 1e-12)), 0.0)
    norm = deg_inv_sqrt[src] * deg_inv_sqrt[dst]
    msg = h[src] * norm[:, None]
    out = jax.ops.segment_sum(msg, dst, num_segments=num_nodes)
    return out + b


def setup_inputs(seed: int = 0):
    key = jax.random.key(seed)
    ks = jax.random.split(key, 10)
    x = jax.random.normal(ks[0], (N, D), dtype=jnp.float32)
    edge_index = jax.random.randint(ks[1], (2, E), 0, N, dtype=jnp.int32)
    batch_index = jnp.sort(jax.random.randint(ks[2], (N,), 0, G, dtype=jnp.int32))
    W1 = jax.random.normal(ks[3], (D, H1), dtype=jnp.float32) * (1.0 / np.sqrt(D))
    b1 = jnp.zeros((H1,), dtype=jnp.float32)
    W2 = jax.random.normal(ks[4], (H1, H2), dtype=jnp.float32) * (1.0 / np.sqrt(H1))
    b2 = jnp.zeros((H2,), dtype=jnp.float32)
    Wfc = jax.random.normal(ks[5], (H2, C), dtype=jnp.float32) * (1.0 / np.sqrt(H2))
    bfc = jnp.zeros((C,), dtype=jnp.float32)
    return {"x": x, "edge_index": edge_index, "batch_index": batch_index,
            "W1": W1, "b1": b1, "W2": W2, "b2": b2, "Wfc": Wfc, "bfc": bfc}


def reference(x, edge_index, batch_index, W1, b1, W2, b2, Wfc, bfc):
    h = gcn_conv(x, edge_index, W1, b1, N)
    h = jax.nn.relu(h)
    # F.dropout with training=False is identity (eval mode)
    h = gcn_conv(h, edge_index, W2, b2, N)
    h = jax.nn.relu(h)
    # global_mean_pool over batch_index
    sums = jax.ops.segment_sum(h, batch_index, num_segments=G)
    counts = jax.ops.segment_sum(jnp.ones((N, 1), dtype=h.dtype), batch_index, num_segments=G)
    pooled = sums / jnp.maximum(counts, 1.0)
    logits = pooled @ Wfc + bfc
    return jax.nn.softmax(logits, axis=1)

if __name__ == "__main__":
    import jax
    _d = setup_inputs()
    print(jax.jit(kernel)(*tuple(_d.values())))

</pallas_src>

<mosaic_0001>
#map = affine_map<(d0, d1) -> (0, 0, 0)>
#map1 = affine_map<(d0, d1) -> (0)>
module attributes {stable_mosaic.version = 14 : i64} {
  func.func @deg_kernel(%arg0: i32, %arg1: i32, %arg2: memref<2x2560x128xi32, #tpu.memory_space<hbm>>, %arg3: memref<20224xf32, #tpu.memory_space<hbm>>, %arg4: memref<80x128xi32, #tpu.memory_space<vmem>>, %arg5: memref<128xf32, #tpu.memory_space<vmem>>, %arg6: memref<10112xf32, #tpu.memory_space<vmem_shared>>, %arg7: memref<10112xf32, #tpu.memory_space<vmem>>, %arg8: memref<!tpu.dma_semaphore, #tpu.memory_space<semaphore_mem>>) attributes {dimension_semantics = [#tpu.dimension_semantics<core_parallel>, #tpu.dimension_semantics<subcore_parallel>], iteration_bounds = array<i64: 2, 16>, scalar_prefetch = 0 : i64, scratch_operands = 5 : i64, tpu.core_type = #tpu.core_type<sc_vector_subcore>, window_params = [{transform_indices = #map}, {transform_indices = #map1}]} {
    %broadcast_in_dim3A = arith.constant 1.000000e+00 : f32
    %broadcast_in_dim3A_0 = vector.broadcast %broadcast_in_dim3A : f32 to vector<16xf32>
    %swap3A = arith.constant 0 : index
    %swap3A_1 = tpu.vector_load %arg5[%swap3A] {strides = array<i32>} : memref<128xf32, #tpu.memory_space<vmem>>, vector<16xf32>,
    %swap3A_2 = vector.shape_cast %swap3A_1 : vector<16xf32> to vector<16xf32>
    %swap3A_3 = vector.shape_cast %broadcast_in_dim3A_0 : vector<16xf32> to vector<16xf32>
    tpu.vector_store %arg5[%swap3A], %swap3A_3 {strides = array<i32>} : memref<128xf32, #tpu.memory_space<vmem>>, vector<16xf32>,
    %broadcast_in_dim3A_4 = arith.constant 1.000000e+00 : f32
    %broadcast_in_dim3A_5 = vector.broadcast %broadcast_in_dim3A_4 : f32 to vector<16xf32>
    %swap3A_6 = arith.constant 16 : index
    %swap3A_7 = tpu.vector_load %arg5[%swap3A_6] {strides = array<i32>} : memref<128xf32, #tpu.memory_space<vmem>>, vector<16xf32>,
    %swap3A_8 = vector.shape_cast %swap3A_7 : vector<16xf32> to vector<16xf32>
    %swap3A_9 = vector.shape_cast %broadcast_in_dim3A_5 : vector<16xf32> to vector<16xf32>
    tpu.vector_store %arg5[%swap3A_6], %swap3A_9 {strides = array<i32>} : memref<128xf32, #tpu.memory_space<vmem>>, vector<16xf32>,
    %broadcast_in_dim3A_10 = arith.constant 1.000000e+00 : f32
    %broadcast_in_dim3A_11 = vector.broadcast %broadcast_in_dim3A_10 : f32 to vector<16xf32>
    %swap3A_12 = arith.constant 32 : index
    %swap3A_13 = tpu.vector_load %arg5[%swap3A_12] {strides = array<i32>} : memref<128xf32, #tpu.memory_space<vmem>>, vector<16xf32>,
    %swap3A_14 = vector.shape_cast %swap3A_13 : vector<16xf32> to vector<16xf32>
    %swap3A_15 = vector.shape_cast %broadcast_in_dim3A_11 : vector<16xf32> to vector<16xf32>
    tpu.vector_store %arg5[%swap3A_12], %swap3A_15 {strides = array<i32>} : memref<128xf32, #tpu.memory_space<vmem>>, vector<16xf32>,
    %broadcast_in_dim3A_16 = arith.constant 1.000000e+00 : f32
    %broadcast_in_dim3A_17 = vector.broadcast %broadcast_in_dim3A_16 : f32 to vector<16xf32>
    %swap3A_18 = arith.constant 48 : index
    %swap3A_19 = tpu.vector_load %arg5[%swap3A_18] {strides = array<i32>} : memref<128xf32, #tpu.memory_space<vmem>>, vector<16xf32>,
    %swap3A_20 = vector.shape_cast %swap3A_19 : vector<16xf32> to vector<16xf32>
    %swap3A_21 = vector.shape_cast %broadcast_in_dim3A_17 : vector<16xf32> to vector<16xf32>
    tpu.vector_store %arg5[%swap3A_18], %swap3A_21 {strides = array<i32>} : memref<128xf32, #tpu.memory_space<vmem>>, vector<16xf32>,
    %broadcast_in_dim3A_22 = arith.constant 1.000000e+00 : f32
    %broadcast_in_dim3A_23 = vector.broadcast %broadcast_in_dim3A_22 : f32 to vector<16xf32>
    %swap3A_24 = arith.constant 64 : index
    %swap3A_25 = tpu.vector_load %arg5[%swap3A_24] {strides = array<i32>} : memref<128xf32, #tpu.memory_space<vmem>>, vector<16xf32>,
    %swap3A_26 = vector.shape_cast %swap3A_25 : vector<16xf32> to vector<16xf32>
    %swap3A_27 = vector.shape_cast %broadcast_in_dim3A_23 : vector<16xf32> to vector<16xf32>
    tpu.vector_store %arg5[%swap3A_24], %swap3A_27 {strides = array<i32>} : memref<128xf32, #tpu.memory_space<vmem>>, vector<16xf32>,
    %broadcast_in_dim3A_28 = arith.constant 1.000000e+00 : f32
    %broadcast_in_dim3A_29 = vector.broadcast %broadcast_in_dim3A_28 : f32 to vector<16xf32>
    %swap3A_30 = arith.constant 80 : index
    %swap3A_31 = tpu.vector_load %arg5[%swap3A_30] {strides = array<i32>} : memref<128xf32, #tpu.memory_space<vmem>>, vector<16xf32>,
    %swap3A_32 = vector.shape_cast %swap3A_31 : vector<16xf32> to vector<16xf32>
    %swap3A_33 = vector.shape_cast %broadcast_in_dim3A_29 : vector<16xf32> to vector<16xf32>
    tpu.vector_store %arg5[%swap3A_30], %swap3A_33 {strides = array<i32>} : memref<128xf32, #tpu.memory_space<vmem>>, vector<16xf32>,
    %broadcast_in_dim3A_34 = arith.constant 1.000000e+00 : f32
    %broadcast_in_dim3A_35 = vector.broadcast %broadcast_in_dim3A_34 : f32 to vector<16xf32>
    %swap3A_36 = arith.constant 96 : index
    %swap3A_37 = tpu.vector_load %arg5[%swap3A_36] {strides = array<i32>} : memref<128xf32, #tpu.memory_space<vmem>>, vector<16xf32>,
    %swap3A_38 = vector.shape_cast %swap3A_37 : vector<16xf32> to vector<16xf32>
    %swap3A_39 = vector.shape_cast %broadcast_in_dim3A_35 : vector<16xf32> to vector<16xf32>
    tpu.vector_store %arg5[%swap3A_36], %swap3A_39 {strides = array<i32>} : memref<128xf32, #tpu.memory_space<vmem>>, vector<16xf32>,
    %broadcast_in_dim3A_40 = arith.constant 1.000000e+00 : f32
    %broadcast_in_dim3A_41 = vector.broadcast %broadcast_in_dim3A_40 : f32 to vector<16xf32>
    %swap3A_42 = arith.constant 112 : index
    %swap3A_43 = tpu.vector_load %arg5[%swap3A_42] {strides = array<i32>} : memref<128xf32, #tpu.memory_space<vmem>>, vector<16xf32>,
    %swap3A_44 = vector.shape_cast %swap3A_43 : vector<16xf32> to vector<16xf32>
    %swap3A_45 = vector.shape_cast %broadcast_in_dim3A_41 : vector<16xf32> to vector<16xf32>
    tpu.vector_store %arg5[%swap3A_42], %swap3A_45 {strides = array<i32>} : memref<128xf32, #tpu.memory_space<vmem>>, vector<16xf32>,
    %mul3A = arith.constant 16 : i32
    %mul3A_46 = arith.muli %arg0, %mul3A : i32
    %add3A = arith.addi %mul3A_46, %arg1 : i32
    %mul3A_47 = arith.constant 80 : i32
    %mul3A_48 = arith.muli %add3A, %mul3A_47 : i32
    %multiple_of3A = tpu.assume_multiple %mul3A_48, 8 : i32
    %run_scoped3A = arith.constant 1 : i32
    "tpu.region"() ({
      %run_scoped3A_68 = tpu.sem_alloc : memref<!tpu.dma_semaphore, #tpu.memory_space<semaphore_mem>>
      %dma_start3A = arith.constant 0 : i32
      %dma_start3A_69 = tpu.memref_slice %arg2[%run_scoped3A, %multiple_of3A, %dma_start3A] : memref<2x2560x128xi32, #tpu.memory_space<hbm>> -> memref<1x80x128xi32, #tpu.memory_space<hbm>>
      %dma_start3A_70 = tpu.memref_squeeze %dma_start3A_69 : memref<1x80x128xi32, #tpu.memory_space<hbm>> -> memref<80x128xi32, #tpu.memory_space<hbm>>
      %dma_start3A_71 = arith.constant 0 : i32
      %dma_start3A_72 = tpu.memref_slice %arg2[%run_scoped3A, %multiple_of3A, %dma_start3A_71] : memref<2x2560x128xi32, #tpu.memory_space<hbm>> -> memref<1x80x128xi32, #tpu.memory_space<hbm>>
      %dma_start3A_73 = tpu.memref_squeeze %dma_start3A_72 : memref<1x80x128xi32, #tpu.memory_space<hbm>> -> memref<80x128xi32, #tpu.memory_space<hbm>>
      tpu.enqueue_dma source(%dma_start3A_73 : memref<80x128xi32, #tpu.memory_space<hbm>>) target(%arg4 : memref<80x128xi32, #tpu.memory_space<vmem>>) target_semaphore(%run_scoped3A_68 : memref<!tpu.dma_semaphore, #tpu.memory_space<semaphore_mem>>)
      %dma_wait3A_74 = arith.constant 0 : i32
      %dma_wait3A_75 = tpu.memref_slice %arg2[%run_scoped3A, %multiple_of3A, %dma_wait3A_74] : memref<2x2560x128xi32, #tpu.memory_space<hbm>> -> memref<1x80x128xi32, #tpu.memory_space<hbm>>
      %dma_wait3A_76 = tpu.memref_squeeze %dma_wait3A_75 : memref<1x80x128xi32, #tpu.memory_space<hbm>> -> memref<80x128xi32, #tpu.memory_space<hbm>>
      %dma_wait3A_77 = arith.constant 0 : i32
      %dma_wait3A_78 = tpu.memref_slice %arg2[%run_scoped3A, %multiple_of3A, %dma_wait3A_77] : memref<2x2560x128xi32, #tpu.memory_space<hbm>> -> memref<1x80x128xi32, #tpu.memory_space<hbm>>
      %dma_wait3A_79 = tpu.memref_squeeze %dma_wait3A_78 : memref<1x80x128xi32, #tpu.memory_space<hbm>> -> memref<80x128xi32, #tpu.memory_space<hbm>>
      tpu.wait_dma2 semaphore(%run_scoped3A_68 : memref<!tpu.dma_semaphore, #tpu.memory_space<semaphore_mem>>) src(%dma_wait3A_79 : memref<80x128xi32, #tpu.memory_space<hbm>>) dst(%arg4 : memref<80x128xi32, #tpu.memory_space<vmem>>)
      tpu.yield
    }) : () -> ()
    %eq3A = arith.constant 0 : i32
    %eq3A_49 = arith.cmpi eq, %arg1, %eq3A : i32
    %convert_element_type3A = arith.extui %eq3A_49 : i1 to i32
    %cond3A = arith.constant 0 : i32
    %cond3A_50 = arith.cmpi ne, %convert_element_type3A, %cond3A : i32
    scf.if %cond3A_50 {
      %scan3A_68 = arith.constant 0 : i32
      %scan3A_69 = arith.constant 0 : i32
      %scan3A_70 = arith.constant 632 : i32
      %scan3A_71 = arith.addi %scan3A_69, %scan3A_70 : i32
      %scan3A_72 = arith.constant 1 : i32
      scf.for %scan3A_74 = %scan3A_69 to %scan3A_71 step %scan3A_72  : i32 {
        %broadcast_in_dim3A_75 = arith.constant 0.000000e+00 : f32
        %broadcast_in_dim3A_76 = vector.broadcast %broadcast_in_dim3A_75 : f32 to vector<16xf32>
        %mul3A_77 = arith.constant 16 : i32
        %mul3A_78 = arith.muli %scan3A_74, %mul3A_77 : i32
        %swap3A_79 = arith.index_cast %mul3A_78 : i32 to index
        %swap3A_80 = tpu.vector_load %arg7[%swap3A_79] {strides = array<i32>} : memref<10112xf32, #tpu.memory_space<vmem>>, vector<16xf32>,
        %swap3A_81 = vector.shape_cast %swap3A_80 : vector<16xf32> to vector<16xf32>
        %swap3A_82 = vector.shape_cast %broadcast_in_dim3A_76 : vector<16xf32> to vector<16xf32>
        tpu.vector_store %arg7[%swap3A_79], %swap3A_82 {strides = array<i32>} : memref<10112xf32, #tpu.memory_space<vmem>>, vector<16xf32>,
      }
      %scan3A_73 = arith.constant 632 : i32
      "tpu.region"() ({
        %run_scoped3A_74 = tpu.sem_alloc : memref<!tpu.dma_semaphore, #tpu.memory_space<semaphore_mem>>
        tpu.enqueue_dma source(%arg7 : memref<10112xf32, #tpu.memory_space<vmem>>) target(%arg6 : memref<10112xf32, #tpu.memory_space<vmem_shared>>) target_semaphore(%run_scoped3A_74 : memref<!tpu.dma_semaphore, #tpu.memory_space<semaphore_mem>>)
        tpu.wait_dma2 semaphore(%run_scoped3A_74 : memref<!tpu.dma_semaphore, #tpu.memory_space<semaphore_mem>>) src(%arg7 : memref<10112xf32, #tpu.memory_space<vmem>>) dst(%arg6 : memref<10112xf32, #tpu.memory_space<vmem_shared>>)
        tpu.yield
      }) : () -> ()
    } else {
    }
    %barrier3A = arith.constant 0 : index
    tpu.barrier barrier_id(%barrier3A)
    %scan3A = arith.constant 0 : i32
    %scan3A_51 = arith.constant 0 : i32
    %scan3A_52 = arith.constant 80 : i32
    %scan3A_53 = arith.addi %scan3A_51, %scan3A_52 : i32
    %scan3A_54 = arith.constant 1 : i32
    scf.for %scan3A_68 = %scan3A_51 to %scan3A_53 step %scan3A_54  : i32 {
      %dma_start3A = arith.constant 0 : i32
      %dma_start3A_69 = tpu.memref_slice %arg4[%scan3A_68, %dma_start3A] : memref<80x128xi32, #tpu.memory_space<vmem>> -> memref<1x128xi32, #tpu.memory_space<vmem>>
      %dma_start3A_70 = tpu.memref_squeeze %dma_start3A_69 : memref<1x128xi32, #tpu.memory_space<vmem>> -> memref<128xi32, #tpu.memory_space<vmem>>
      %dma_start3A_71 = arith.constant 0 : i32
      %dma_start3A_72 = tpu.memref_slice %arg6[%dma_start3A_71] : memref<10112xf32, #tpu.memory_space<vmem_shared>> -> memref<10112xf32, #tpu.memory_space<vmem_shared>>
      tpu.enqueue_indirect_dma source(%arg5 : memref<128xf32, #tpu.memory_space<vmem>>) target(%dma_start3A_72 : memref<10112xf32, #tpu.memory_space<vmem_shared>>) offsets(%dma_start3A_70 : memref<128xi32, #tpu.memory_space<vmem>>) semaphore(%arg8 : memref<!tpu.dma_semaphore, #tpu.memory_space<semaphore_mem>>) {add = true}
    }
    %scan3A_55 = arith.constant 80 : i32
    %dma_wait3A = arith.constant 1 : i32
    %dma_wait3A_56 = arith.constant 0 : i32
    %dma_wait3A_57 = tpu.memref_slice %arg2[%dma_wait3A, %multiple_of3A, %dma_wait3A_56] : memref<2x2560x128xi32, #tpu.memory_space<hbm>> -> memref<1x80x128xi32, #tpu.memory_space<hbm>>
    %dma_wait3A_58 = tpu.memref_squeeze %dma_wait3A_57 : memref<1x80x128xi32, #tpu.memory_space<hbm>> -> memref<80x128xi32, #tpu.memory_space<hbm>>
    %dma_wait3A_59 = arith.constant 0 : i32
    %dma_wait3A_60 = tpu.memref_slice %arg2[%dma_wait3A, %multiple_of3A, %dma_wait3A_59] : memref<2x2560x128xi32, #tpu.memory_space<hbm>> -> memref<1x80x128xi32, #tpu.memory_space<hbm>>
    %dma_wait3A_61 = tpu.memref_squeeze %dma_wait3A_60 : memref<1x80x128xi32, #tpu.memory_space<hbm>> -> memref<80x128xi32, #tpu.memory_space<hbm>>
    tpu.wait_dma2 semaphore(%arg8 : memref<!tpu.dma_semaphore, #tpu.memory_space<semaphore_mem>>) src(%dma_wait3A_61 : memref<80x128xi32, #tpu.memory_space<hbm>>) dst(%arg4 : memref<80x128xi32, #tpu.memory_space<vmem>>)
    %barrier3A_62 = arith.constant 0 : index
    tpu.barrier barrier_id(%barrier3A_62)
    %eq3A_63 = arith.constant 0 : i32
    %eq3A_64 = arith.cmpi eq, %arg1, %eq3A_63 : i32
    %convert_element_type3A_65 = arith.extui %eq3A_64 : i1 to i32
    %cond3A_66 = arith.constant 0 : i32
    %cond3A_67 = arith.cmpi ne, %convert_element_type3A_65, %cond3A_66 : i32
    scf.if %cond3A_67 {
      "tpu.region"() ({
        %run_scoped3A_71 = tpu.sem_alloc : memref<!tpu.dma_semaphore, #tpu.memory_space<semaphore_mem>>
        tpu.enqueue_dma source(%arg6 : memref<10112xf32, #tpu.memory_space<vmem_shared>>) target(%arg7 : memref<10112xf32, #tpu.memory_space<vmem>>) target_semaphore(%run_scoped3A_71 : memref<!tpu.dma_semaphore, #tpu.memory_space<semaphore_mem>>)
        tpu.wait_dma2 semaphore(%run_scoped3A_71 : memref<!tpu.dma_semaphore, #tpu.memory_space<semaphore_mem>>) src(%arg6 : memref<10112xf32, #tpu.memory_space<vmem_shared>>) dst(%arg7 : memref<10112xf32, #tpu.memory_space<vmem>>)
        tpu.yield
      }) : () -> ()
      %mul3A_68 = arith.constant 10112 : i32
      %mul3A_69 = arith.muli %arg0, %mul3A_68 : i32
      %multiple_of3A_70 = tpu.assume_multiple %mul3A_69, 8 : i32
      "tpu.region"() ({
        %run_scoped3A_71 = tpu.sem_alloc : memref<!tpu.dma_semaphore, #tpu.memory_space<semaphore_mem>>
        %dma_start3A = tpu.memref_slice %arg3[%multiple_of3A_70] : memref<20224xf32, #tpu.memory_space<hbm>> -> memref<10112xf32, #tpu.memory_space<hbm>>
        %dma_start3A_72 = tpu.memref_slice %arg3[%multiple_of3A_70] : memref<20224xf32, #tpu.memory_space<hbm>> -> memref<10112xf32, #tpu.memory_space<hbm>>
        tpu.enqueue_dma source(%arg7 : memref<10112xf32, #tpu.memory_space<vmem>>) target(%dma_start3A_72 : memref<10112xf32, #tpu.memory_space<hbm>>) target_semaphore(%run_scoped3A_71 : memref<!tpu.dma_semaphore, #tpu.memory_space<semaphore_mem>>)
        %dma_wait3A_73 = tpu.memref_slice %arg3[%multiple_of3A_70] : memref<20224xf32, #tpu.memory_space<hbm>> -> memref<10112xf32, #tpu.memory_space<hbm>>
        %dma_wait3A_74 = tpu.memref_slice %arg3[%multiple_of3A_70] : memref<20224xf32, #tpu.memory_space<hbm>> -> memref<10112xf32, #tpu.memory_space<hbm>>
        tpu.wait_dma2 semaphore(%run_scoped3A_71 : memref<!tpu.dma_semaphore, #tpu.memory_space<semaphore_mem>>) src(%arg7 : memref<10112xf32, #tpu.memory_space<vmem>>) dst(%dma_wait3A_74 : memref<10112xf32, #tpu.memory_space<hbm>>)
        tpu.yield
      }) : () -> ()
    } else {
    }
    return
  }
}

#map = affine_map<(d0, d1) -> (0, 0, 0)>
#map1 = affine_map<(d0, d1) -> (0, 0)>
module attributes {stable_mosaic.version = 14 : i64} {
  func.func @scat_kernel(%arg0: i32, %arg1: i32, %arg2: memref<2x2560x128xi32, #tpu.memory_space<hbm>>, %arg3: memref<10000x16xf32, #tpu.memory_space<hbm>>, %arg4: memref<2x10112x16xf32, #tpu.memory_space<hbm>>, %arg5: memref<80x128xi32, #tpu.memory_space<vmem>>, %arg6: memref<80x128xi32, #tpu.memory_space<vmem>>, %arg7: memref<10x128x16xf32, #tpu.memory_space<vmem>>, %arg8: memref<10112x16xf32, #tpu.memory_space<vmem_shared>>, %arg9: memref<632x16xf32, #tpu.memory_space<vmem>>, %arg10: memref<10x!tpu.dma_semaphore, #tpu.memory_space<semaphore_mem>>, %arg11: memref<10x!tpu.dma_semaphore, #tpu.memory_space<semaphore_mem>>) attributes {dimension_semantics = [#tpu.dimension_semantics<core_parallel>, #tpu.dimension_semantics<subcore_parallel>], iteration_bounds = array<i64: 2, 16>, scalar_prefetch = 0 : i64, scratch_operands = 7 : i64, tpu.core_type = #tpu.core_type<sc_vector_subcore>, window_params = [{transform_indices = #map}, {transform_indices = #map1}, {transform_indices = #map}]} {
    %mul3A = arith.constant 16 : i32
    %mul3A_0 = arith.muli %arg0, %mul3A : i32
    %add3A = arith.addi %mul3A_0, %arg1 : i32
    %mul3A_1 = arith.constant 80 : i32
    %mul3A_2 = arith.muli %add3A, %mul3A_1 : i32
    %multiple_of3A = tpu.assume_multiple %mul3A_2, 8 : i32
    %run_scoped3A = arith.constant 0 : i32
    "tpu.region"() ({
      %run_scoped3A_272 = tpu.sem_alloc : memref<!tpu.dma_semaphore, #tpu.memory_space<semaphore_mem>>
      %dma_start3A_273 = arith.constant 0 : i32
      %dma_start3A_274 = tpu.memref_slice %arg2[%run_scoped3A, %multiple_of3A, %dma_start3A_273] : memref<2x2560x128xi32, #tpu.memory_space<hbm>> -> memref<1x80x128xi32, #tpu.memory_space<hbm>>
      %dma_start3A_275 = tpu.memref_squeeze %dma_start3A_274 : memref<1x80x128xi32, #tpu.memory_space<hbm>> -> memref<80x128xi32, #tpu.memory_space<hbm>>
      %dma_start3A_276 = arith.constant 0 : i32
      %dma_start3A_277 = tpu.memref_slice %arg2[%run_scoped3A, %multiple_of3A, %dma_start3A_276] : memref<2x2560x128xi32, #tpu.memory_space<hbm>> -> memref<1x80x128xi32, #tpu.memory_space<hbm>>
      %dma_start3A_278 = tpu.memref_squeeze %dma_start3A_277 : memref<1x80x128xi32, #tpu.memory_space<hbm>> -> memref<80x128xi32, #tpu.memory_space<hbm>>
      tpu.enqueue_dma source(%dma_start3A_278 : memref<80x128xi32, #tpu.memory_space<hbm>>) target(%arg5 : memref<80x128xi32, #tpu.memory_space<vmem>>) target_semaphore(%run_scoped3A_272 : memref<!tpu.dma_semaphore, #tpu.memory_space<semaphore_mem>>)
      %dma_wait3A_279 = arith.constant 0 : i32
      %dma_wait3A_280 = tpu.memref_slice %arg2[%run_scoped3A, %multiple_of3A, %dma_wait3A_279] : memref<2x2560x128xi32, #tpu.memory_space<hbm>> -> memref<1x80x128xi32, #tpu.memory_space<hbm>>
      %dma_wait3A_281 = tpu.memref_squeeze %dma_wait3A_280 : memref<1x80x128xi32, #tpu.memory_space<hbm>> -> memref<80x128xi32, #tpu.memory_space<hbm>>
      %dma_wait3A_282 = arith.constant 0 : i32
      %dma_wait3A_283 = tpu.memref_slice %arg2[%run_scoped3A, %multiple_of3A, %dma_wait3A_282] : memref<2x2560x128xi32, #tpu.memory_space<hbm>> -> memref<1x80x128xi32, #tpu.memory_space<hbm>>
      %dma_wait3A_284 = tpu.memref_squeeze %dma_wait3A_283 : memref<1x80x128xi32, #tpu.memory_space<hbm>> -> memref<80x128xi32, #tpu.memory_space<hbm>>
      tpu.wait_dma2 semaphore(%run_scoped3A_272 : memref<!tpu.dma_semaphore, #tpu.memory_space<semaphore_mem>>) src(%dma_wait3A_284 : memref<80x128xi32, #tpu.memory_space<hbm>>) dst(%arg5 : memref<80x128xi32, #tpu.memory_space<vmem>>)
      tpu.yield
    }) : () -> ()
    %run_scoped3A_3 = arith.constant 1 : i32
    "tpu.region"() ({
      %run_scoped3A_272 = tpu.sem_alloc : memref<!tpu.dma_semaphore, #tpu.memory_space<semaphore_mem>>
      %dma_start3A_273 = arith.constant 0 : i32
      %dma_start3A_274 = tpu.memref_slice %arg2[%run_scoped3A_3, %multiple_of3A, %dma_start3A_273] : memref<2x2560x128xi32, #tpu.memory_space<hbm>> -> memref<1x80x128xi32, #tpu.memory_space<hbm>>
      %dma_start3A_275 = tpu.memref_squeeze %dma_start3A_274 : memref<1x80x128xi32, #tpu.memory_space<hbm>> -> memref<80x128xi32, #tpu.memory_space<hbm>>
      %dma_start3A_276 = arith.constant 0 : i32
      %dma_start3A_277 = tpu.memref_slice %arg2[%run_scoped3A_3, %multiple_of3A, %dma_start3A_276] : memref<2x2560x128xi32, #tpu.memory_space<hbm>> -> memref<1x80x128xi32, #tpu.memory_space<hbm>>
      %dma_start3A_278 = tpu.memref_squeeze %dma_start3A_277 : memref<1x80x128xi32, #tpu.memory_space<hbm>> -> memref<80x128xi32, #tpu.memory_space<hbm>>
      tpu.enqueue_dma source(%dma_start3A_278 : memref<80x128xi32, #tpu.memory_space<hbm>>) target(%arg6 : memref<80x128xi32, #tpu.memory_space<vmem>>) target_semaphore(%run_scoped3A_272 : memref<!tpu.dma_semaphore, #tpu.memory_space<semaphore_mem>>)
      %dma_wait3A_279 = arith.constant 0 : i32
      %dma_wait3A_280 = tpu.memref_slice %arg2[%run_scoped3A_3, %multiple_of3A, %dma_wait3A_279] : memref<2x2560x128xi32, #tpu.memory_space<hbm>> -> memref<1x80x128xi32, #tpu.memory_space<hbm>>
      %dma_wait3A_281 = tpu.memref_squeeze %dma_wait3A_280 : memref<1x80x128xi32, #tpu.memory_space<hbm>> -> memref<80x128xi32, #tpu.memory_space<hbm>>
      %dma_wait3A_282 = arith.constant 0 : i32
      %dma_wait3A_283 = tpu.memref_slice %arg2[%run_scoped3A_3, %multiple_of3A, %dma_wait3A_282] : memref<2x2560x128xi32, #tpu.memory_space<hbm>> -> memref<1x80x128xi32, #tpu.memory_space<hbm>>
      %dma_wait3A_284 = tpu.memref_squeeze %dma_wait3A_283 : memref<1x80x128xi32, #tpu.memory_space<hbm>> -> memref<80x128xi32, #tpu.memory_space<hbm>>
      tpu.wait_dma2 semaphore(%run_scoped3A_272 : memref<!tpu.dma_semaphore, #tpu.memory_space<semaphore_mem>>) src(%dma_wait3A_284 : memref<80x128xi32, #tpu.memory_space<hbm>>) dst(%arg6 : memref<80x128xi32, #tpu.memory_space<vmem>>)
      tpu.yield
    }) : () -> ()
    %mul3A_4 = arith.constant 632 : i32
    %mul3A_5 = arith.muli %arg1, %mul3A_4 : i32
    %multiple_of3A_6 = tpu.assume_multiple %mul3A_5, 8 : i32
    %scan3A = arith.constant 0 : i32
    %scan3A_7 = arith.constant 0 : i32
    %scan3A_8 = arith.constant 632 : i32
    %scan3A_9 = arith.addi %scan3A_7, %scan3A_8 : i32
    %scan3A_10 = arith.constant 1 : i32
    scf.for %scan3A_272 = %scan3A_7 to %scan3A_9 step %scan3A_10  : i32 {
      %broadcast_in_dim3A = arith.constant 0.000000e+00 : f32
      %broadcast_in_dim3A_273 = vector.broadcast %broadcast_in_dim3A : f32 to vector<16xf32>
      %swap3A = arith.index_cast %scan3A_272 : i32 to index
      %swap3A_274 = arith.constant 0 : index
      %swap3A_275 = tpu.vector_load %arg9[%swap3A, %swap3A_274] {strides = array<i32>} : memref<632x16xf32, #tpu.memory_space<vmem>>, vector<1x16xf32>,
      %swap3A_276 = vector.shape_cast %swap3A_275 : vector<1x16xf32> to vector<16xf32>
      %swap3A_277 = vector.shape_cast %broadcast_in_dim3A_273 : vector<16xf32> to vector<1x16xf32>
      tpu.vector_store %arg9[%swap3A, %swap3A_274], %swap3A_277 {strides = array<i32>} : memref<632x16xf32, #tpu.memory_space<vmem>>, vector<1x16xf32>,
    }
    %scan3A_11 = arith.constant 632 : i32
    "tpu.region"() ({
      %run_scoped3A_272 = tpu.sem_alloc : memref<!tpu.dma_semaphore, #tpu.memory_space<semaphore_mem>>
      %dma_start3A_273 = arith.constant 0 : i32
      %dma_start3A_274 = tpu.memref_slice %arg8[%multiple_of3A_6, %dma_start3A_273] : memref<10112x16xf32, #tpu.memory_space<vmem_shared>> -> memref<632x16xf32, #tpu.memory_space<vmem_shared>>
      %dma_start3A_275 = arith.constant 0 : i32
      %dma_start3A_276 = tpu.memref_slice %arg8[%multiple_of3A_6, %dma_start3A_275] : memref<10112x16xf32, #tpu.memory_space<vmem_shared>> -> memref<632x16xf32, #tpu.memory_space<vmem_shared>>
      tpu.enqueue_dma source(%arg9 : memref<632x16xf32, #tpu.memory_space<vmem>>) target(%dma_start3A_276 : memref<632x16xf32, #tpu.memory_space<vmem_shared>>) target_semaphore(%run_scoped3A_272 : memref<!tpu.dma_semaphore, #tpu.memory_space<semaphore_mem>>)
      %dma_wait3A_277 = arith.constant 0 : i32
      %dma_wait3A_278 = tpu.memref_slice %arg8[%multiple_of3A_6, %dma_wait3A_277] : memref<10112x16xf32, #tpu.memory_space<vmem_shared>> -> memref<632x16xf32, #tpu.memory_space<vmem_shared>>
      %dma_wait3A_279 = arith.constant 0 : i32
      %dma_wait3A_280 = tpu.memref_slice %arg8[%multiple_of3A_6, %dma_wait3A_279] : memref<10112x16xf32, #tpu.memory_space<vmem_shared>> -> memref<632x16xf32, #tpu.memory_space<vmem_shared>>
      tpu.wait_dma2 semaphore(%run_scoped3A_272 : memref<!tpu.dma_semaphore, #tpu.memory_space<semaphore_mem>>) src(%arg9 : memref<632x16xf32, #tpu.memory_space<vmem>>) dst(%dma_wait3A_280 : memref<632x16xf32, #tpu.memory_space<vmem_shared>>)
      tpu.yield
    }) : () -> ()
    %barrier3A = arith.constant 0 : index
    tpu.barrier barrier_id(%barrier3A)
    %dma_start3A = arith.constant 0 : i32
    %dma_start3A_12 = arith.constant 0 : i32
    %dma_start3A_13 = arith.constant 0 : i32
    %dma_start3A_14 = arith.constant 0 : i32
    %dma_start3A_15 = arith.constant 0 : i32
    %dma_start3A_16 = tpu.memref_slice %arg7[%dma_start3A_12, %dma_start3A_14, %dma_start3A_15] : memref<10x128x16xf32, #tpu.memory_space<vmem>> -> memref<1x128x16xf32, #tpu.memory_space<vmem>>
    %dma_start3A_17 = tpu.memref_squeeze %dma_start3A_16 : memref<1x128x16xf32, #tpu.memory_space<vmem>> -> memref<128x16xf32, #tpu.memory_space<vmem>>
    %dma_start3A_18 = arith.constant 0 : i32
    %dma_start3A_19 = tpu.memref_slice %arg5[%dma_start3A, %dma_start3A_18] : memref<80x128xi32, #tpu.memory_space<vmem>> -> memref<1x128xi32, #tpu.memory_space<vmem>>
    %dma_start3A_20 = tpu.memref_squeeze %dma_start3A_19 : memref<1x128xi32, #tpu.memory_space<vmem>> -> memref<128xi32, #tpu.memory_space<vmem>>
    %dma_start3A_21 = arith.constant 0 : i32
    %dma_start3A_22 = arith.constant 0 : i32
    %dma_start3A_23 = tpu.memref_slice %arg3[%dma_start3A_21, %dma_start3A_22] : memref<10000x16xf32, #tpu.memory_space<hbm>> -> memref<10000x16xf32, #tpu.memory_space<hbm>>
    %dma_start3A_24 = tpu.memref_slice %arg10[%dma_start3A_13] : memref<10x!tpu.dma_semaphore, #tpu.memory_space<semaphore_mem>> -> memref<1x!tpu.dma_semaphore, #tpu.memory_space<semaphore_mem>>
    %dma_start3A_25 = tpu.memref_squeeze %dma_start3A_24 : memref<1x!tpu.dma_semaphore, #tpu.memory_space<semaphore_mem>> -> memref<!tpu.dma_semaphore, #tpu.memory_space<semaphore_mem>>
    tpu.enqueue_indirect_dma source(%dma_start3A_23 : memref<10000x16xf32, #tpu.memory_space<hbm>>) target(%dma_start3A_17 : memref<128x16xf32, #tpu.memory_space<vmem>>) offsets(%dma_start3A_20 : memref<128xi32, #tpu.memory_space<vmem>>) semaphore(%dma_start3A_25 : memref<!tpu.dma_semaphore, #tpu.memory_space<semaphore_mem>>)
    %dma_start3A_26 = arith.constant 1 : i32
    %dma_start3A_27 = arith.constant 1 : i32
    %dma_start3A_28 = arith.constant 1 : i32
    %dma_start3A_29 = arith.constant 0 : i32
    %dma_start3A_30 = arith.constant 0 : i32
    %dma_start3A_31 = tpu.memref_slice %arg7[%dma_start3A_27, %dma_start3A_29, %dma_start3A_30] : memref<10x128x16xf32, #tpu.memory_space<vmem>> -> memref<1x128x16xf32, #tpu.memory_space<vmem>>
    %dma_start3A_32 = tpu.memref_squeeze %dma_start3A_31 : memref<1x128x16xf32, #tpu.memory_space<vmem>> -> memref<128x16xf32, #tpu.memory_space<vmem>>
    %dma_start3A_33 = arith.constant 0 : i32
    %dma_start3A_34 = tpu.memref_slice %arg5[%dma_start3A_26, %dma_start3A_33] : memref<80x128xi32, #tpu.memory_space<vmem>> -> memref<1x128xi32, #tpu.memory_space<vmem>>
    %dma_start3A_35 = tpu.memref_squeeze %dma_start3A_34 : memref<1x128xi32, #tpu.memory_space<vmem>> -> memref<128xi32, #tpu.memory_space<vmem>>
    %dma_start3A_36 = arith.constant 0 : i32
    %dma_start3A_37 = arith.constant 0 : i32
    %dma_start3A_38 = tpu.memref_slice %arg3[%dma_start3A_36, %dma_start3A_37] : memref<10000x16xf32, #tpu.memory_space<hbm>> -> memref<10000x16xf32, #tpu.memory_space<hbm>>
    %dma_start3A_39 = tpu.memref_slice %arg10[%dma_start3A_28] : memref<10x!tpu.dma_semaphore, #tpu.memory_space<semaphore_mem>> -> memref<1x!tpu.dma_semaphore, #tpu.memory_space<semaphore_mem>>
    %dma_start3A_40 = tpu.memref_squeeze %dma_start3A_39 : memref<1x!tpu.dma_semaphore, #tpu.memory_space<semaphore_mem>> -> memref<!tpu.dma_semaphore, #tpu.memory_space<semaphore_mem>>
    tpu.enqueue_indirect_dma source(%dma_start3A_38 : memref<10000x16xf32, #tpu.memory_space<hbm>>) target(%dma_start3A_32 : memref<128x16xf32, #tpu.memory_space<vmem>>) offsets(%dma_start3A_35 : memref<128xi32, #tpu.memory_space<vmem>>) semaphore(%dma_start3A_40 : memref<!tpu.dma_semaphore, #tpu.memory_space<semaphore_mem>>)
    %dma_start3A_41 = arith.constant 2 : i32
    %dma_start3A_42 = arith.constant 2 : i32
    %dma_start3A_43 = arith.constant 2 : i32
    %dma_start3A_44 = arith.constant 0 : i32
    %dma_start3A_45 = arith.constant 0 : i32
    %dma_start3A_46 = tpu.memref_slice %arg7[%dma_start3A_42, %dma_start3A_44, %dma_start3A_45] : memref<10x128x16xf32, #tpu.memory_space<vmem>> -> memref<1x128x16xf32, #tpu.memory_space<vmem>>
    %dma_start3A_47 = tpu.memref_squeeze %dma_start3A_46 : memref<1x128x16xf32, #tpu.memory_space<vmem>> -> memref<128x16xf32, #tpu.memory_space<vmem>>
    %dma_start3A_48 = arith.constant 0 : i32
    %dma_start3A_49 = tpu.memref_slice %arg5[%dma_start3A_41, %dma_start3A_48] : memref<80x128xi32, #tpu.memory_space<vmem>> -> memref<1x128xi32, #tpu.memory_space<vmem>>
    %dma_start3A_50 = tpu.memref_squeeze %dma_start3A_49 : memref<1x128xi32, #tpu.memory_space<vmem>> -> memref<128xi32, #tpu.memory_space<vmem>>
    %dma_start3A_51 = arith.constant 0 : i32
    %dma_start3A_52 = arith.constant 0 : i32
    %dma_start3A_53 = tpu.memref_slice %arg3[%dma_start3A_51, %dma_start3A_52] : memref<10000x16xf32, #tpu.memory_space<hbm>> -> memref<10000x16xf32, #tpu.memory_space<hbm>>
    %dma_start3A_54 = tpu.memref_slice %arg10[%dma_start3A_43] : memref<10x!tpu.dma_semaphore, #tpu.memory_space<semaphore_mem>> -> memref<1x!tpu.dma_semaphore, #tpu.memory_space<semaphore_mem>>
    %dma_start3A_55 = tpu.memref_squeeze %dma_start3A_54 : memref<1x!tpu.dma_semaphore, #tpu.memory_space<semaphore_mem>> -> memref<!tpu.dma_semaphore, #tpu.memory_space<semaphore_mem>>
    tpu.enqueue_indirect_dma source(%dma_start3A_53 : memref<10000x16xf32, #tpu.memory_space<hbm>>) target(%dma_start3A_47 : memref<128x16xf32, #tpu.memory_space<vmem>>) offsets(%dma_start3A_50 : memref<128xi32, #tpu.memory_space<vmem>>) semaphore(%dma_start3A_55 : memref<!tpu.dma_semaphore, #tpu.memory_space<semaphore_mem>>)
    %dma_start3A_56 = arith.constant 3 : i32
    %dma_start3A_57 = arith.constant 3 : i32
    %dma_start3A_58 = arith.constant 3 : i32
    %dma_start3A_59 = arith.constant 0 : i32
    %dma_start3A_60 = arith.constant 0 : i32
    %dma_start3A_61 = tpu.memref_slice %arg7[%dma_start3A_57, %dma_start3A_59, %dma_start3A_60] : memref<10x128x16xf32, #tpu.memory_space<vmem>> -> memref<1x128x16xf32, #tpu.memory_space<vmem>>
    %dma_start3A_62 = tpu.memref_squeeze %dma_start3A_61 : memref<1x128x16xf32, #tpu.memory_space<vmem>> -> memref<128x16xf32, #tpu.memory_space<vmem>>
    %dma_start3A_63 = arith.constant 0 : i32
    %dma_start3A_64 = tpu.memref_slice %arg5[%dma_start3A_56, %dma_start3A_63] : memref<80x128xi32, #tpu.memory_space<vmem>> -> memref<1x128xi32, #tpu.memory_space<vmem>>
    %dma_start3A_65 = tpu.memref_squeeze %dma_start3A_64 : memref<1x128xi32, #tpu.memory_space<vmem>> -> memref<128xi32, #tpu.memory_space<vmem>>
    %dma_start3A_66 = arith.constant 0 : i32
    %dma_start3A_67 = arith.constant 0 : i32
    %dma_start3A_68 = tpu.memref_slice %arg3[%dma_start3A_66, %dma_start3A_67] : memref<10000x16xf32, #tpu.memory_space<hbm>> -> memref<10000x16xf32, #tpu.memory_space<hbm>>
    %dma_start3A_69 = tpu.memref_slice %arg10[%dma_start3A_58] : memref<10x!tpu.dma_semaphore, #tpu.memory_space<semaphore_mem>> -> memref<1x!tpu.dma_semaphore, #tpu.memory_space<semaphore_mem>>
    %dma_start3A_70 = tpu.memref_squeeze %dma_start3A_69 : memref<1x!tpu.dma_semaphore, #tpu.memory_space<semaphore_mem>> -> memref<!tpu.dma_semaphore, #tpu.memory_space<semaphore_mem>>
    tpu.enqueue_indirect_dma source(%dma_start3A_68 : memref<10000x16xf32, #tpu.memory_space<hbm>>) target(%dma_start3A_62 : memref<128x16xf32, #tpu.memory_space<vmem>>) offsets(%dma_start3A_65 : memref<128xi32, #tpu.memory_space<vmem>>) semaphore(%dma_start3A_70 : memref<!tpu.dma_semaphore, #tpu.memory_space<semaphore_mem>>)
    %dma_start3A_71 = arith.constant 4 : i32
    %dma_start3A_72 = arith.constant 4 : i32
    %dma_start3A_73 = arith.constant 4 : i32
    %dma_start3A_74 = arith.constant 0 : i32
    %dma_start3A_75 = arith.constant 0 : i32
    %dma_start3A_76 = tpu.memref_slice %arg7[%dma_start3A_72, %dma_start3A_74, %dma_start3A_75] : memref<10x128x16xf32, #tpu.memory_space<vmem>> -> memref<1x128x16xf32, #tpu.memory_space<vmem>>
    %dma_start3A_77 = tpu.memref_squeeze %dma_start3A_76 : memref<1x128x16xf32, #tpu.memory_space<vmem>> -> memref<128x16xf32, #tpu.memory_space<vmem>>
    %dma_start3A_78 = arith.constant 0 : i32
    %dma_start3A_79 = tpu.memref_slice %arg5[%dma_start3A_71, %dma_start3A_78] : memref<80x128xi32, #tpu.memory_space<vmem>> -> memref<1x128xi32, #tpu.memory_space<vmem>>
    %dma_start3A_80 = tpu.memref_squeeze %dma_start3A_79 : memref<1x128xi32, #tpu.memory_space<vmem>> -> memref<128xi32, #tpu.memory_space<vmem>>
    %dma_start3A_81 = arith.constant 0 : i32
    %dma_start3A_82 = arith.constant 0 : i32
    %dma_start3A_83 = tpu.memref_slice %arg3[%dma_start3A_81, %dma_start3A_82] : memref<10000x16xf32, #tpu.memory_space<hbm>> -> memref<10000x16xf32, #tpu.memory_space<hbm>>
    %dma_start3A_84 = tpu.memref_slice %arg10[%dma_start3A_73] : memref<10x!tpu.dma_semaphore, #tpu.memory_space<semaphore_mem>> -> memref<1x!tpu.dma_semaphore, #tpu.memory_space<semaphore_mem>>
    %dma_start3A_85 = tpu.memref_squeeze %dma_start3A_84 : memref<1x!tpu.dma_semaphore, #tpu.memory_space<semaphore_mem>> -> memref<!tpu.dma_semaphore, #tpu.memory_space<semaphore_mem>>
    tpu.enqueue_indirect_dma source(%dma_start3A_83 : memref<10000x16xf32, #tpu.memory_space<hbm>>) target(%dma_start3A_77 : memref<128x16xf32, #tpu.memory_space<vmem>>) offsets(%dma_start3A_80 : memref<128xi32, #tpu.memory_space<vmem>>) semaphore(%dma_start3A_85 : memref<!tpu.dma_semaphore, #tpu.memory_space<semaphore_mem>>)
    %scan3A_86 = arith.constant 0 : i32
    %scan3A_87 = arith.constant 0 : i32
    %scan3A_88 = arith.constant 8 : i32
    %scan3A_89 = arith.addi %scan3A_87, %scan3A_88 : i32
    %scan3A_90 = arith.constant 1 : i32
    scf.for %scan3A_272 = %scan3A_87 to %scan3A_89 step %scan3A_90  : i32 {
      %mul3A_273 = arith.constant 10 : i32
      %mul3A_274 = arith.muli %scan3A_272, %mul3A_273 : i32
      %add3A_275 = arith.constant 0 : i32
      %add3A_276 = arith.addi %mul3A_274, %add3A_275 : i32
      %dma_wait3A_277 = arith.constant 0 : i32
      %dma_wait3A_278 = arith.constant 0 : i32
      %dma_wait3A_279 = arith.constant 0 : i32
      %dma_wait3A_280 = arith.constant 0 : i32
      %dma_wait3A_281 = tpu.memref_slice %arg7[%dma_wait3A_277, %dma_wait3A_279, %dma_wait3A_280] : memref<10x128x16xf32, #tpu.memory_space<vmem>> -> memref<1x128x16xf32, #tpu.memory_space<vmem>>
      %dma_wait3A_282 = tpu.memref_squeeze %dma_wait3A_281 : memref<1x128x16xf32, #tpu.memory_space<vmem>> -> memref<128x16xf32, #tpu.memory_space<vmem>>
      %dma_wait3A_283 = arith.constant 0 : i32
      %dma_wait3A_284 = arith.constant 0 : i32
      %dma_wait3A_285 = tpu.memref_slice %arg3[%dma_wait3A_283, %dma_wait3A_284] : memref<10000x16xf32, #tpu.memory_space<hbm>> -> memref<128x16xf32, #tpu.memory_space<hbm>>
      %dma_wait3A_286 = tpu.memref_slice %arg10[%dma_wait3A_278] : memref<10x!tpu.dma_semaphore, #tpu.memory_space<semaphore_mem>> -> memref<1x!tpu.dma_semaphore, #tpu.memory_space<semaphore_mem>>
      %dma_wait3A_287 = tpu.memref_squeeze %dma_wait3A_286 : memref<1x!tpu.dma_semaphore, #tpu.memory_space<semaphore_mem>> -> memref<!tpu.dma_semaphore, #tpu.memory_space<semaphore_mem>>
      %dma_wait3A_288 = arith.constant 0 : i32
      %dma_wait3A_289 = arith.constant 0 : i32
      %dma_wait3A_290 = tpu.memref_slice %arg7[%dma_wait3A_277, %dma_wait3A_288, %dma_wait3A_289] : memref<10x128x16xf32, #tpu.memory_space<vmem>> -> memref<1x128x16xf32, #tpu.memory_space<vmem>>
      %dma_wait3A_291 = tpu.memref_squeeze %dma_wait3A_290 : memref<1x128x16xf32, #tpu.memory_space<vmem>> -> memref<128x16xf32, #tpu.memory_space<vmem>>
      %dma_wait3A_292 = arith.constant 0 : i32
      %dma_wait3A_293 = arith.constant 0 : i32
      %dma_wait3A_294 = tpu.memref_slice %arg3[%dma_wait3A_292, %dma_wait3A_293] : memref<10000x16xf32, #tpu.memory_space<hbm>> -> memref<128x16xf32, #tpu.memory_space<hbm>>
      tpu.wait_dma2 semaphore(%dma_wait3A_287 : memref<!tpu.dma_semaphore, #tpu.memory_space<semaphore_mem>>) src(%dma_wait3A_294 : memref<128x16xf32, #tpu.memory_space<hbm>>) dst(%dma_wait3A_291 : memref<128x16xf32, #tpu.memory_space<vmem>>)
      %dma_start3A_295 = arith.constant 0 : i32
      %dma_start3A_296 = arith.constant 0 : i32
      %dma_start3A_297 = arith.constant 0 : i32
      %dma_start3A_298 = arith.constant 0 : i32
      %dma_start3A_299 = tpu.memref_slice %arg7[%dma_start3A_295, %dma_start3A_297, %dma_start3A_298] : memref<10x128x16xf32, #tpu.memory_space<vmem>> -> memref<1x128x16xf32, #tpu.memory_space<vmem>>
      %dma_start3A_300 = tpu.memref_squeeze %dma_start3A_299 : memref<1x128x16xf32, #tpu.memory_space<vmem>> -> memref<128x16xf32, #tpu.memory_space<vmem>>
      %dma_start3A_301 = arith.constant 0 : i32
      %dma_start3A_302 = tpu.memref_slice %arg6[%add3A_276, %dma_start3A_301] : memref<80x128xi32, #tpu.memory_space<vmem>> -> memref<1x128xi32, #tpu.memory_space<vmem>>
      %dma_start3A_303 = tpu.memref_squeeze %dma_start3A_302 : memref<1x128xi32, #tpu.memory_space<vmem>> -> memref<128xi32, #tpu.memory_space<vmem>>
      %dma_start3A_304 = arith.constant 0 : i32
      %dma_start3A_305 = arith.constant 0 : i32
      %dma_start3A_306 = tpu.memref_slice %arg8[%dma_start3A_304, %dma_start3A_305] : memref<10112x16xf32, #tpu.memory_space<vmem_shared>> -> memref<10112x16xf32, #tpu.memory_space<vmem_shared>>
      %dma_start3A_307 = tpu.memref_slice %arg11[%dma_start3A_296] : memref<10x!tpu.dma_semaphore, #tpu.memory_space<semaphore_mem>> -> memref<1x!tpu.dma_semaphore, #tpu.memory_space<semaphore_mem>>
      %dma_start3A_308 = tpu.memref_squeeze %dma_start3A_307 : memref<1x!tpu.dma_semaphore, #tpu.memory_space<semaphore_mem>> -> memref<!tpu.dma_semaphore, #tpu.memory_space<semaphore_mem>>
      tpu.enqueue_indirect_dma source(%dma_start3A_300 : memref<128x16xf32, #tpu.memory_space<vmem>>) target(%dma_start3A_306 : memref<10112x16xf32, #tpu.memory_space<vmem_shared>>) offsets(%dma_start3A_303 : memref<128xi32, #tpu.memory_space<vmem>>) semaphore(%dma_start3A_308 : memref<!tpu.dma_semaphore, #tpu.memory_space<semaphore_mem>>) {add = true}
      %add3A_309 = arith.constant 5 : i32
      %add3A_310 = arith.addi %add3A_276, %add3A_309 : i32
      %lt3A = arith.constant 80 : i32
      %lt3A_311 = arith.cmpi slt, %add3A_310, %lt3A : i32
      %convert_element_type3A = arith.extui %lt3A_311 : i1 to i32
      %cond3A = arith.constant 0 : i32
      %cond3A_312 = arith.cmpi ne, %convert_element_type3A, %cond3A : i32
      scf.if %cond3A_312 {
        %ge3A = arith.constant 5 : i32
        %ge3A_700 = arith.cmpi sge, %add3A_276, %ge3A : i32
        %convert_element_type3A_701 = arith.extui %ge3A_700 : i1 to i32
        %cond3A_702 = arith.constant 0 : i32
        %cond3A_703 = arith.cmpi ne, %convert_element_type3A_701, %cond3A_702 : i32
        scf.if %cond3A_703 {
          %dma_wait3A_718 = arith.constant 5 : i32
          %dma_wait3A_719 = arith.constant 5 : i32
          %dma_wait3A_720 = arith.constant 0 : i32
          %dma_wait3A_721 = arith.constant 0 : i32
          %dma_wait3A_722 = tpu.memref_slice %arg7[%dma_wait3A_718, %dma_wait3A_720, %dma_wait3A_721] : memref<10x128x16xf32, #tpu.memory_space<vmem>> -> memref<1x128x16xf32, #tpu.memory_space<vmem>>
          %dma_wait3A_723 = tpu.memref_squeeze %dma_wait3A_722 : memref<1x128x16xf32, #tpu.memory_space<vmem>> -> memref<128x16xf32, #tpu.memory_space<vmem>>
          %dma_wait3A_724 = arith.constant 0 : i32
          %dma_wait3A_725 = arith.constant 0 : i32
          %dma_wait3A_726 = tpu.memref_slice %arg3[%dma_wait3A_724, %dma_wait3A_725] : memref<10000x16xf32, #tpu.memory_space<hbm>> -> memref<128x16xf32, #tpu.memory_space<hbm>>
          %dma_wait3A_727 = tpu.memref_slice %arg11[%dma_wait3A_719] : memref<10x!tpu.dma_semaphore, #tpu.memory_space<semaphore_mem>> -> memref<1x!tpu.dma_semaphore, #tpu.memory_space<semaphore_mem>>
          %dma_wait3A_728 = tpu.memref_squeeze %dma_wait3A_727 : memref<1x!tpu.dma_semaphore, #tpu.memory_space<semaphore_mem>> -> memref<!tpu.dma_semaphore, #tpu.memory_space<semaphore_mem>>
          %dma_wait3A_729 = arith.constant 0 : i32
          %dma_wait3A_730 = arith.constant 0 : i32
          %dma_wait3A_731 = tpu.memref_slice %arg7[%dma_wait3A_718, %dma_wait3A_729, %dma_wait3A_730] : memref<10x128x16xf32, #tpu.memory_space<vmem>> -> memref<1x128x16xf32, #tpu.memory_space<vmem>>
          %dma_wait3A_732 = tpu.memref_squeeze %dma_wait3A_731 : memref<1x128x16xf32, #tpu.memory_space<vmem>> -> memref<128x16xf32, #tpu.memory_space<vmem>>
          %dma_wait3A_733 = arith.constant 0 : i32
          %dma_wait3A_734 = arith.constant 0 : i32
          %dma_wait3A_735 = tpu.memref_slice %arg3[%dma_wait3A_733, %dma_wait3A_734] : memref<10000x16xf32, #tpu.memory_space<hbm>> -> memref<128x16xf32, #tpu.memory_space<hbm>>
          tpu.wait_dma2 semaphore(%dma_wait3A_728 : memref<!tpu.dma_semaphore, #tpu.memory_space<semaphore_mem>>) src(%dma_wait3A_735 : memref<128x16xf32, #tpu.memory_space<hbm>>) dst(%dma_wait3A_732 : memref<128x16xf32, #tpu.memory_space<vmem>>)
        } else {
        }
        %dma_start3A_704 = arith.constant 5 : i32
        %dma_start3A_705 = arith.constant 5 : i32
        %dma_start3A_706 = arith.constant 0 : i32
        %dma_start3A_707 = arith.constant 0 : i32
        %dma_start3A_708 = tpu.memref_slice %arg7[%dma_start3A_704, %dma_start3A_706, %dma_start3A_707] : memref<10x128x16xf32, #tpu.memory_space<vmem>> -> memref<1x128x16xf32, #tpu.memory_space<vmem>>
        %dma_start3A_709 = tpu.memref_squeeze %dma_start3A_708 : memref<1x128x16xf32, #tpu.memory_space<vmem>> -> memref<128x16xf32, #tpu.memory_space<vmem>>
        %dma_start3A_710 = arith.constant 0 : i32
        %dma_start3A_711 = tpu.memref_slice %arg5[%add3A_310, %dma_start3A_710] : memref<80x128xi32, #tpu.memory_space<vmem>> -> memref<1x128xi32, #tpu.memory_space<vmem>>
        %dma_start3A_712 = tpu.memref_squeeze %dma_start3A_711 : memref<1x128xi32, #tpu.memory_space<vmem>> -> memref<128xi32, #tpu.memory_space<vmem>>
        %dma_start3A_713 = arith.constant 0 : i32
        %dma_start3A_714 = arith.constant 0 : i32
        %dma_start3A_715 = tpu.memref_slice %arg3[%dma_start3A_713, %dma_start3A_714] : memref<10000x16xf32, #tpu.memory_space<hbm>> -> memref<10000x16xf32, #tpu.memory_space<hbm>>
        %dma_start3A_716 = tpu.memref_slice %arg10[%dma_start3A_705] : memref<10x!tpu.dma_semaphore, #tpu.memory_space<semaphore_mem>> -> memref<1x!tpu.dma_semaphore, #tpu.memory_space<semaphore_mem>>
        %dma_start3A_717 = tpu.memref_squeeze %dma_start3A_716 : memref<1x!tpu.dma_semaphore, #tpu.memory_space<semaphore_mem>> -> memref<!tpu.dma_semaphore, #tpu.memory_space<semaphore_mem>>
        tpu.enqueue_indirect_dma source(%dma_start3A_715 : memref<10000x16xf32, #tpu.memory_space<hbm>>) target(%dma_start3A_709 : memref<128x16xf32, #tpu.memory_space<vmem>>) offsets(%dma_start3A_712 : memref<128xi32, #tpu.memory_space<vmem>>) semaphore(%dma_start3A_717 : memref<!tpu.dma_semaphore, #tpu.memory_space<semaphore_mem>>)
      } else {
      }
      %mul3A_313 = arith.constant 10 : i32
      %mul3A_314 = arith.muli %scan3A_272, %mul3A_313 : i32
      %add3A_315 = arith.constant 1 : i32
      %add3A_316 = arith.addi %mul3A_314, %add3A_315 : i32
      %dma_wait3A_317 = arith.constant 1 : i32
      %dma_wait3A_318 = arith.constant 1 : i32
      %dma_wait3A_319 = arith.constant 0 : i32
      %dma_wait3A_320 = arith.constant 0 : i32
      %dma_wait3A_321 = tpu.memref_slice %arg7[%dma_wait3A_317, %dma_wait3A_319, %dma_wait3A_320] : memref<10x128x16xf32, #tpu.memory_space<vmem>> -> memref<1x128x16xf32, #tpu.memory_space<vmem>>
      %dma_wait3A_322 = tpu.memref_squeeze %dma_wait3A_321 : memref<1x128x16xf32, #tpu.memory_space<vmem>> -> memref<128x16xf32, #tpu.memory_space<vmem>>
      %dma_wait3A_323 = arith.constant 0 : i32
      %dma_wait3A_324 = arith.constant 0 : i32
      %dma_wait3A_325 = tpu.memref_slice %arg3[%dma_wait3A_323, %dma_wait3A_324] : memref<10000x16xf32, #tpu.memory_space<hbm>> -> memref<128x16xf32, #tpu.memory_space<hbm>>
      %dma_wait3A_326 = tpu.memref_slice %arg10[%dma_wait3A_318] : memref<10x!tpu.dma_semaphore, #tpu.memory_space<semaphore_mem>> -> memref<1x!tpu.dma_semaphore, #tpu.memory_space<semaphore_mem>>
      %dma_wait3A_327 = tpu.memref_squeeze %dma_wait3A_326 : memref<1x!tpu.dma_semaphore, #tpu.memory_space<semaphore_mem>> -> memref<!tpu.dma_semaphore, #tpu.memory_space<semaphore_mem>>
      %dma_wait3A_328 = arith.constant 0 : i32
      %dma_wait3A_329 = arith.constant 0 : i32
      %dma_wait3A_330 = tpu.memref_slice %arg7[%dma_wait3A_317, %dma_wait3A_328, %dma_wait3A_329] : memref<10x128x16xf32, #tpu.memory_space<vmem>> -> memref<1x128x16xf32, #tpu.memory_space<vmem>>
      %dma_wait3A_331 = tpu.memref_squeeze %dma_wait3A_330 : memref<1x128x16xf32, #tpu.memory_space<vmem>> -> memref<128x16xf32, #tpu.memory_space<vmem>>
      %dma_wait3A_332 = arith.constant 0 : i32
      %dma_wait3A_333 = arith.constant 0 : i32
      %dma_wait3A_334 = tpu.memref_slice %arg3[%dma_wait3A_332, %dma_wait3A_333] : memref<10000x16xf32, #tpu.memory_space<hbm>> -> memref<128x16xf32, #tpu.memory_space<hbm>>
      tpu.wait_dma2 semaphore(%dma_wait3A_327 : memref<!tpu.dma_semaphore, #tpu.memory_space<semaphore_mem>>) src(%dma_wait3A_334 : memref<128x16xf32, #tpu.memory_space<hbm>>) dst(%dma_wait3A_331 : memref<128x16xf32, #tpu.memory_space<vmem>>)
      %dma_start3A_335 = arith.constant 1 : i32
      %dma_start3A_336 = arith.constant 1 : i32
      %dma_start3A_337 = arith.constant 0 : i32
      %dma_start3A_338 = arith.constant 0 : i32
      %dma_start3A_339 = tpu.memref_slice %arg7[%dma_start3A_335, %dma_start3A_337, %dma_start3A_338] : memref<10x128x16xf32, #tpu.memory_space<vmem>> -> memref<1x128x16xf32, #tpu.memory_space<vmem>>
      %dma_start3A_340 = tpu.memref_squeeze %dma_start3A_339 : memref<1x128x16xf32, #tpu.memory_space<vmem>> -> memref<128x16xf32, #tpu.memory_space<vmem>>
      %dma_start3A_341 = arith.constant 0 : i32
      %dma_start3A_342 = tpu.memref_slice %arg6[%add3A_316, %dma_start3A_341] : memref<80x128xi32, #tpu.memory_space<vmem>> -> memref<1x128xi32, #tpu.memory_space<vmem>>
      %dma_start3A_343 = tpu.memref_squeeze %dma_start3A_342 : memref<1x128xi32, #tpu.memory_space<vmem>> -> memref<128xi32, #tpu.memory_space<vmem>>
      %dma_start3A_344 = arith.constant 0 : i32
      %dma_start3A_345 = arith.constant 0 : i32
      %dma_start3A_346 = tpu.memref_slice %arg8[%dma_start3A_344, %dma_start3A_345] : memref<10112x16xf32, #tpu.memory_space<vmem_shared>> -> memref<10112x16xf32, #tpu.memory_space<vmem_shared>>
      %dma_start3A_347 = tpu.memref_slice %arg11[%dma_start3A_336] : memref<10x!tpu.dma_semaphore, #tpu.memory_space<semaphore_mem>> -> memref<1x!tpu.dma_semaphore, #tpu.memory_space<semaphore_mem>>
      %dma_start3A_348 = tpu.memref_squeeze %dma_start3A_347 : memref<1x!tpu.dma_semaphore, #tpu.memory_space<semaphore_mem>> -> memref<!tpu.dma_semaphore, #tpu.memory_space<semaphore_mem>>
      tpu.enqueue_indirect_dma source(%dma_start3A_340 : memref<128x16xf32, #tpu.memory_space<vmem>>) target(%dma_start3A_346 : memref<10112x16xf32, #tpu.memory_space<vmem_shared>>) offsets(%dma_start3A_343 : memref<128xi32, #tpu.memory_space<vmem>>) semaphore(%dma_start3A_348 : memref<!tpu.dma_semaphore, #tpu.memory_space<semaphore_mem>>) {add = true}
      %add3A_349 = arith.constant 5 : i32
      %add3A_350 = arith.addi %add3A_316, %add3A_349 : i32
      %lt3A_351 = arith.constant 80 : i32
      %lt3A_352 = arith.cmpi slt, %add3A_350, %lt3A_351 : i32
      %convert_element_type3A_353 = arith.extui %lt3A_352 : i1 to i32
      %cond3A_354 = arith.constant 0 : i32
      %cond3A_355 = arith.cmpi ne, %convert_element_type3A_353, %cond3A_354 : i32
      scf.if %cond3A_355 {
        %ge3A = arith.constant 5 : i32
        %ge3A_700 = arith.cmpi sge, %add3A_316, %ge3A : i32
        %convert_element_type3A_701 = arith.extui %ge3A_700 : i1 to i32
        %cond3A_702 = arith.constant 0 : i32
        %cond3A_703 = arith.cmpi ne, %convert_element_type3A_701, %cond3A_702 : i32
        scf.if %cond3A_703 {
          %dma_wait3A_718 = arith.constant 6 : i32
          %dma_wait3A_719 = arith.constant 6 : i32
          %dma_wait3A_720 = arith.constant 0 : i32
          %dma_wait3A_721 = arith.constant 0 : i32
          %dma_wait3A_722 = tpu.memref_slice %arg7[%dma_wait3A_718, %dma_wait3A_720, %dma_wait3A_721] : memref<10x128x16xf32, #tpu.memory_space<vmem>> -> memref<1x128x16xf32, #tpu.memory_space<vmem>>
          %dma_wait3A_723 = tpu.memref_squeeze %dma_wait3A_722 : memref<1x128x16xf32, #tpu.memory_space<vmem>> -> memref<128x16xf32, #tpu.memory_space<vmem>>
          %dma_wait3A_724 = arith.constant 0 : i32
          %dma_wait3A_725 = arith.constant 0 : i32
          %dma_wait3A_726 = tpu.memref_slice %arg3[%dma_wait3A_724, %dma_wait3A_725] : memref<10000x16xf32, #tpu.memory_space<hbm>> -> memref<128x16xf32, #tpu.memory_space<hbm>>
          %dma_wait3A_727 = tpu.memref_slice %arg11[%dma_wait3A_719] : memref<10x!tpu.dma_semaphore, #tpu.memory_space<semaphore_mem>> -> memref<1x!tpu.dma_semaphore, #tpu.memory_space<semaphore_mem>>
          %dma_wait3A_728 = tpu.memref_squeeze %dma_wait3A_727 : memref<1x!tpu.dma_semaphore, #tpu.memory_space<semaphore_mem>> -> memref<!tpu.dma_semaphore, #tpu.memory_space<semaphore_mem>>
          %dma_wait3A_729 = arith.constant 0 : i32
          %dma_wait3A_730 = arith.constant 0 : i32
          %dma_wait3A_731 = tpu.memref_slice %arg7[%dma_wait3A_718, %dma_wait3A_729, %dma_wait3A_730] : memref<10x128x16xf32, #tpu.memory_space<vmem>> -> memref<1x128x16xf32, #tpu.memory_space<vmem>>
          %dma_wait3A_732 = tpu.memref_squeeze %dma_wait3A_731 : memref<1x128x16xf32, #tpu.memory_space<vmem>> -> memref<128x16xf32, #tpu.memory_space<vmem>>
          %dma_wait3A_733 = arith.constant 0 : i32
          %dma_wait3A_734 = arith.constant 0 : i32
          %dma_wait3A_735 = tpu.memref_slice %arg3[%dma_wait3A_733, %dma_wait3A_734] : memref<10000x16xf32, #tpu.memory_space<hbm>> -> memref<128x16xf32, #tpu.memory_space<hbm>>
          tpu.wait_dma2 semaphore(%dma_wait3A_728 : memref<!tpu.dma_semaphore, #tpu.memory_space<semaphore_mem>>) src(%dma_wait3A_735 : memref<128x16xf32, #tpu.memory_space<hbm>>) dst(%dma_wait3A_732 : memref<128x16xf32, #tpu.memory_space<vmem>>)
        } else {
        }
        %dma_start3A_704 = arith.constant 6 : i32
        %dma_start3A_705 = arith.constant 6 : i32
        %dma_start3A_706 = arith.constant 0 : i32
        %dma_start3A_707 = arith.constant 0 : i32
        %dma_start3A_708 = tpu.memref_slice %arg7[%dma_start3A_704, %dma_start3A_706, %dma_start3A_707] : memref<10x128x16xf32, #tpu.memory_space<vmem>> -> memref<1x128x16xf32, #tpu.memory_space<vmem>>
        %dma_start3A_709 = tpu.memref_squeeze %dma_start3A_708 : memref<1x128x16xf32, #tpu.memory_space<vmem>> -> memref<128x16xf32, #tpu.memory_space<vmem>>
        %dma_start3A_710 = arith.constant 0 : i32
        %dma_start3A_711 = tpu.memref_slice %arg5[%add3A_350, %dma_start3A_710] : memref<80x128xi32, #tpu.memory_space<vmem>> -> memref<1x128xi32, #tpu.memory_space<vmem>>
        %dma_start3A_712 = tpu.memref_squeeze %dma_start3A_711 : memref<1x128xi32, #tpu.memory_space<vmem>> -> memref<128xi32, #tpu.memory_space<vmem>>
        %dma_start3A_713 = arith.constant 0 : i32
        %dma_start3A_714 = arith.constant 0 : i32
        %dma_start3A_715 = tpu.memref_slice %arg3[%dma_start3A_713, %dma_start3A_714] : memref<10000x16xf32, #tpu.memory_space<hbm>> -> memref<10000x16xf32, #tpu.memory_space<hbm>>
        %dma_start3A_716 = tpu.memref_slice %arg10[%dma_start3A_705] : memref<10x!tpu.dma_semaphore, #tpu.memory_space<semaphore_mem>> -> memref<1x!tpu.dma_semaphore, #tpu.memory_space<semaphore_mem>>
        %dma_start3A_717 = tpu.memref_squeeze %dma_start3A_716 : memref<1x!tpu.dma_semaphore, #tpu.memory_space<semaphore_mem>> -> memref<!tpu.dma_semaphore, #tpu.memory_space<semaphore_mem>>
        tpu.enqueue_indirect_dma source(%dma_start3A_715 : memref<10000x16xf32, #tpu.memory_space<hbm>>) target(%dma_start3A_709 : memref<128x16xf32, #tpu.memory_space<vmem>>) offsets(%dma_start3A_712 : memref<128xi32, #tpu.memory_space<vmem>>) semaphore(%dma_start3A_717 : memref<!tpu.dma_semaphore, #tpu.memory_space<semaphore_mem>>)
      } else {
      }
      %mul3A_356 = arith.constant 10 : i32
      %mul3A_357 = arith.muli %scan3A_272, %mul3A_356 : i32
      %add3A_358 = arith.constant 2 : i32
      %add3A_359 = arith.addi %mul3A_357, %add3A_358 : i32
      %dma_wait3A_360 = arith.constant 2 : i32
      %dma_wait3A_361 = arith.constant 2 : i32
      %dma_wait3A_362 = arith.constant 0 : i32
      %dma_wait3A_363 = arith.constant 0 : i32
      %dma_wait3A_364 = tpu.memref_slice %arg7[%dma_wait3A_360, %dma_wait3A_362, %dma_wait3A_363] : memref<10x128x16xf32, #tpu.memory_space<vmem>> -> memref<1x128x16xf32, #tpu.memory_space<vmem>>
      %dma_wait3A_365 = tpu.memref_squeeze %dma_wait3A_364 : memref<1x128x16xf32, #tpu.memory_space<vmem>> -> memref<128x16xf32, #tpu.memory_space<vmem>>
      %dma_wait3A_366 = arith.constant 0 : i32
      %dma_wait3A_367 = arith.constant 0 : i32
      %dma_wait3A_368 = tpu.memref_slice %arg3[%dma_wait3A_366, %dma_wait3A_367] : memref<10000x16xf32, #tpu.memory_space<hbm>> -> memref<128x16xf32, #tpu.memory_space<hbm>>
      %dma_wait3A_369 = tpu.memref_slice %arg10[%dma_wait3A_361] : memref<10x!tpu.dma_semaphore, #tpu.memory_space<semaphore_mem>> -> memref<1x!tpu.dma_semaphore, #tpu.memory_space<semaphore_mem>>
      %dma_wait3A_370 = tpu.memref_squeeze %dma_wait3A_369 : memref<1x!tpu.dma_semaphore, #tpu.memory_space<semaphore_mem>> -> memref<!tpu.dma_semaphore, #tpu.memory_space<semaphore_mem>>
      %dma_wait3A_371 = arith.constant 0 : i32
      %dma_wait3A_372 = arith.constant 0 : i32
      %dma_wait3A_373 = tpu.memref_slice %arg7[%dma_wait3A_360, %dma_wait3A_371, %dma_wait3A_372] : memref<10x128x16xf32, #tpu.memory_space<vmem>> -> memref<1x128x16xf32, #tpu.memory_space<vmem>>
      %dma_wait3A_374 = tpu.memref_squeeze %dma_wait3A_373 : memref<1x128x16xf32, #tpu.memory_space<vmem>> -> memref<128x16xf32, #tpu.memory_space<vmem>>
      %dma_wait3A_375 = arith.constant 0 : i32
      %dma_wait3A_376 = arith.constant 0 : i32
      %dma_wait3A_377 = tpu.memref_slice %arg3[%dma_wait3A_375, %dma_wait3A_376] : memref<10000x16xf32, #tpu.memory_space<hbm>> -> memref<128x16xf32, #tpu.memory_space<hbm>>
      tpu.wait_dma2 semaphore(%dma_wait3A_370 : memref<!tpu.dma_semaphore, #tpu.memory_space<semaphore_mem>>) src(%dma_wait3A_377 : memref<128x16xf32, #tpu.memory_space<hbm>>) dst(%dma_wait3A_374 : memref<128x16xf32, #tpu.memory_space<vmem>>)
      %dma_start3A_378 = arith.constant 2 : i32
      %dma_start3A_379 = arith.constant 2 : i32
      %dma_start3A_380 = arith.constant 0 : i32
      %dma_start3A_381 = arith.constant 0 : i32
      %dma_start3A_382 = tpu.memref_slice %arg7[%dma_start3A_378, %dma_start3A_380, %dma_start3A_381] : memref<10x128x16xf32, #tpu.memory_space<vmem>> -> memref<1x128x16xf32, #tpu.memory_space<vmem>>
      %dma_start3A_383 = tpu.memref_squeeze %dma_start3A_382 : memref<1x128x16xf32, #tpu.memory_space<vmem>> -> memref<128x16xf32, #tpu.memory_space<vmem>>
      %dma_start3A_384 = arith.constant 0 : i32
      %dma_start3A_385 = tpu.memref_slice %arg6[%add3A_359, %dma_start3A_384] : memref<80x128xi32, #tpu.memory_space<vmem>> -> memref<1x128xi32, #tpu.memory_space<vmem>>
      %dma_start3A_386 = tpu.memref_squeeze %dma_start3A_385 : memref<1x128xi32, #tpu.memory_space<vmem>> -> memref<128xi32, #tpu.memory_space<vmem>>
      %dma_start3A_387 = arith.constant 0 : i32
      %dma_start3A_388 = arith.constant 0 : i32
      %dma_start3A_389 = tpu.memref_slice %arg8[%dma_start3A_387, %dma_start3A_388] : memref<10112x16xf32, #tpu.memory_space<vmem_shared>> -> memref<10112x16xf32, #tpu.memory_space<vmem_shared>>
      %dma_start3A_390 = tpu.memref_slice %arg11[%dma_start3A_379] : memref<10x!tpu.dma_semaphore, #tpu.memory_space<semaphore_mem>> -> memref<1x!tpu.dma_semaphore, #tpu.memory_space<semaphore_mem>>
      %dma_start3A_391 = tpu.memref_squeeze %dma_start3A_390 : memref<1x!tpu.dma_semaphore, #tpu.memory_space<semaphore_mem>> -> memref<!tpu.dma_semaphore, #tpu.memory_space<semaphore_mem>>
      tpu.enqueue_indirect_dma source(%dma_start3A_383 : memref<128x16xf32, #tpu.memory_space<vmem>>) target(%dma_start3A_389 : memref<10112x16xf32, #tpu.memory_space<vmem_shared>>) offsets(%dma_start3A_386 : memref<128xi32, #tpu.memory_space<vmem>>) semaphore(%dma_start3A_391 : memref<!tpu.dma_semaphore, #tpu.memory_space<semaphore_mem>>) {add = true}
      %add3A_392 = arith.constant 5 : i32
      %add3A_393 = arith.addi %add3A_359, %add3A_392 : i32
      %lt3A_394 = arith.constant 80 : i32
      %lt3A_395 = arith.cmpi slt, %add3A_393, %lt3A_394 : i32
      %convert_element_type3A_396 = arith.extui %lt3A_395 : i1 to i32
      %cond3A_397 = arith.constant 0 : i32
      %cond3A_398 = arith.cmpi ne, %convert_element_type3A_396, %cond3A_397 : i32
      scf.if %cond3A_398 {
        %ge3A = arith.constant 5 : i32
        %ge3A_700 = arith.cmpi sge, %add3A_359, %ge3A : i32
        %convert_element_type3A_701 = arith.extui %ge3A_700 : i1 to i32
        %cond3A_702 = arith.constant 0 : i32
        %cond3A_703 = arith.cmpi ne, %convert_element_type3A_701, %cond3A_702 : i32
        scf.if %cond3A_703 {
          %dma_wait3A_718 = arith.constant 7 : i32
          %dma_wait3A_719 = arith.constant 7 : i32
          %dma_wait3A_720 = arith.constant 0 : i32
          %dma_wait3A_721 = arith.constant 0 : i32
          %dma_wait3A_722 = tpu.memref_slice %arg7[%dma_wait3A_718, %dma_wait3A_720, %dma_wait3A_721] : memref<10x128x16xf32, #tpu.memory_space<vmem>> -> memref<1x128x16xf32, #tpu.memory_space<vmem>>
          %dma_wait3A_723 = tpu.memref_squeeze %dma_wait3A_722 : memref<1x128x16xf32, #tpu.memory_space<vmem>> -> memref<128x16xf32, #tpu.memory_space<vmem>>
          %dma_wait3A_724 = arith.constant 0 : i32
          %dma_wait3A_725 = arith.constant 0 : i32
          %dma_wait3A_726 = tpu.memref_slice %arg3[%dma_wait3A_724, %dma_wait3A_725] : memref<10000x16xf32, #tpu.memory_space<hbm>> -> memref<128x16xf32, #tpu.memory_space<hbm>>
          %dma_wait3A_727 = tpu.memref_slice %arg11[%dma_wait3A_719] : memref<10x!tpu.dma_semaphore, #tpu.memory_space<semaphore_mem>> -> memref<1x!tpu.dma_semaphore, #tpu.memory_space<semaphore_mem>>
          %dma_wait3A_728 = tpu.memref_squeeze %dma_wait3A_727 : memref<1x!tpu.dma_semaphore, #tpu.memory_space<semaphore_mem>> -> memref<!tpu.dma_semaphore, #tpu.memory_space<semaphore_mem>>
          %dma_wait3A_729 = arith.constant 0 : i32
          %dma_wait3A_730 = arith.constant 0 : i32
          %dma_wait3A_731 = tpu.memref_slice %arg7[%dma_wait3A_718, %dma_wait3A_729, %dma_wait3A_730] : memref<10x128x16xf32, #tpu.memory_space<vmem>> -> memref<1x128x16xf32, #tpu.memory_space<vmem>>
          %dma_wait3A_732 = tpu.memref_squeeze %dma_wait3A_731 : memref<1x128x16xf32, #tpu.memory_space<vmem>> -> memref<128x16xf32, #tpu.memory_space<vmem>>
          %dma_wait3A_733 = arith.constant 0 : i32
          %dma_wait3A_734 = arith.constant 0 : i32
          %dma_wait3A_735 = tpu.memref_slice %arg3[%dma_wait3A_733, %dma_wait3A_734] : memref<10000x16xf32, #tpu.memory_space<hbm>> -> memref<128x16xf32, #tpu.memory_space<hbm>>
          tpu.wait_dma2 semaphore(%dma_wait3A_728 : memref<!tpu.dma_semaphore, #tpu.memory_space<semaphore_mem>>) src(%dma_wait3A_735 : memref<128x16xf32, #tpu.memory_space<hbm>>) dst(%dma_wait3A_732 : memref<128x16xf32, #tpu.memory_space<vmem>>)
        } else {
        }
        %dma_start3A_704 = arith.constant 7 : i32
        %dma_start3A_705 = arith.constant 7 : i32
        %dma_start3A_706 = arith.constant 0 : i32
        %dma_start3A_707 = arith.constant 0 : i32
        %dma_start3A_708 = tpu.memref_slice %arg7[%dma_start3A_704, %dma_start3A_706, %dma_start3A_707] : memref<10x128x16xf32, #tpu.memory_space<vmem>> -> memref<1x128x16xf32, #tpu.memory_space<vmem>>
        %dma_start3A_709 = tpu.memref_squeeze %dma_start3A_708 : memref<1x128x16xf32, #tpu.memory_space<vmem>> -> memref<128x16xf32, #tpu.memory_space<vmem>>
        %dma_start3A_710 = arith.constant 0 : i32
        %dma_start3A_711 = tpu.memref_slice %arg5[%add3A_393, %dma_start3A_710] : memref<80x128xi32, #tpu.memory_space<vmem>> -> memref<1x128xi32, #tpu.memory_space<vmem>>
        %dma_start3A_712 = tpu.memref_squeeze %dma_start3A_711 : memref<1x128xi32, #tpu.memory_space<vmem>> -> memref<128xi32, #tpu.memory_space<vmem>>
        %dma_start3A_713 = arith.constant 0 : i32
        %dma_start3A_714 = arith.constant 0 : i32
        %dma_start3A_715 = tpu.memref_slice %arg3[%dma_start3A_713, %dma_start3A_714] : memref<10000x16xf32, #tpu.memory_space<hbm>> -> memref<10000x16xf32, #tpu.memory_space<hbm>>
        %dma_start3A_716 = tpu.memref_slice %arg10[%dma_start3A_705] : memref<10x!tpu.dma_semaphore, #tpu.memory_space<semaphore_mem>> -> memref<1x!tpu.dma_semaphore, #tpu.memory_space<semaphore_mem>>
        %dma_start3A_717 = tpu.memref_squeeze %dma_start3A_716 : memref<1x!tpu.dma_semaphore, #tpu.memory_space<semaphore_mem>> -> memref<!tpu.dma_semaphore, #tpu.memory_space<semaphore_mem>>
        tpu.enqueue_indirect_dma source(%dma_start3A_715 : memref<10000x16xf32, #tpu.memory_space<hbm>>) target(%dma_start3A_709 : memref<128x16xf32, #tpu.memory_space<vmem>>) offsets(%dma_start3A_712 : memref<128xi32, #tpu.memory_space<vmem>>) semaphore(%dma_start3A_717 : memref<!tpu.dma_semaphore, #tpu.memory_space<semaphore_mem>>)
      } else {
      }
      %mul3A_399 = arith.constant 10 : i32
      %mul3A_400 = arith.muli %scan3A_272, %mul3A_399 : i32
      %add3A_401 = arith.constant 3 : i32
      %add3A_402 = arith.addi %mul3A_400, %add3A_401 : i32
      %dma_wait3A_403 = arith.constant 3 : i32
      %dma_wait3A_404 = arith.constant 3 : i32
      %dma_wait3A_405 = arith.constant 0 : i32
      %dma_wait3A_406 = arith.constant 0 : i32
      %dma_wait3A_407 = tpu.memref_slice %arg7[%dma_wait3A_403, %dma_wait3A_405, %dma_wait3A_406] : memref<10x128x16xf32, #tpu.memory_space<vmem>> -> memref<1x128x16xf32, #tpu.memory_space<vmem>>
      %dma_wait3A_408 = tpu.memref_squeeze %dma_wait3A_407 : memref<1x128x16xf32, #tpu.memory_space<vmem>> -> memref<128x16xf32, #tpu.memory_space<vmem>>
      %dma_wait3A_409 = arith.constant 0 : i32
      %dma_wait3A_410 = arith.constant 0 : i32
      %dma_wait3A_411 = tpu.memref_slice %arg3[%dma_wait3A_409, %dma_wait3A_410] : memref<10000x16xf32, #tpu.memory_space<hbm>> -> memref<128x16xf32, #tpu.memory_space<hbm>>
      %dma_wait3A_412 = tpu.memref_slice %arg10[%dma_wait3A_404] : memref<10x!tpu.dma_semaphore, #tpu.memory_space<semaphore_mem>> -> memref<1x!tpu.dma_semaphore, #tpu.memory_space<semaphore_mem>>
      %dma_wait3A_413 = tpu.memref_squeeze %dma_wait3A_412 : memref<1x!tpu.dma_semaphore, #tpu.memory_space<semaphore_mem>> -> memref<!tpu.dma_semaphore, #tpu.memory_space<semaphore_mem>>
      %dma_wait3A_414 = arith.constant 0 : i32
      %dma_wait3A_415 = arith.constant 0 : i32
      %dma_wait3A_416 = tpu.memref_slice %arg7[%dma_wait3A_403, %dma_wait3A_414, %dma_wait3A_415] : memref<10x128x16xf32, #tpu.memory_space<vmem>> -> memref<1x128x16xf32, #tpu.memory_space<vmem>>
      %dma_wait3A_417 = tpu.memref_squeeze %dma_wait3A_416 : memref<1x128x16xf32, #tpu.memory_space<vmem>> -> memref<128x16xf32, #tpu.memory_space<vmem>>
      %dma_wait3A_418 = arith.constant 0 : i32
      %dma_wait3A_419 = arith.constant 0 : i32
      %dma_wait3A_420 = tpu.memref_slice %arg3[%dma_wait3A_418, %dma_wait3A_419] : memref<10000x16xf32, #tpu.memory_space<hbm>> -> memref<128x16xf32, #tpu.memory_space<hbm>>
      tpu.wait_dma2 semaphore(%dma_wait3A_413 : memref<!tpu.dma_semaphore, #tpu.memory_space<semaphore_mem>>) src(%dma_wait3A_420 : memref<128x16xf32, #tpu.memory_space<hbm>>) dst(%dma_wait3A_417 : memref<128x16xf32, #tpu.memory_space<vmem>>)
      %dma_start3A_421 = arith.constant 3 : i32
      %dma_start3A_422 = arith.constant 3 : i32
      %dma_start3A_423 = arith.constant 0 : i32
      %dma_start3A_424 = arith.constant 0 : i32
      %dma_start3A_425 = tpu.memref_slice %arg7[%dma_start3A_421, %dma_start3A_423, %dma_start3A_424] : memref<10x128x16xf32, #tpu.memory_space<vmem>> -> memref<1x128x16xf32, #tpu.memory_space<vmem>>
      %dma_start3A_426 = tpu.memref_squeeze %dma_start3A_425 : memref<1x128x16xf32, #tpu.memory_space<vmem>> -> memref<128x16xf32, #tpu.memory_space<vmem>>
      %dma_start3A_427 = arith.constant 0 : i32
      %dma_start3A_428 = tpu.memref_slice %arg6[%add3A_402, %dma_start3A_427] : memref<80x128xi32, #tpu.memory_space<vmem>> -> memref<1x128xi32, #tpu.memory_space<vmem>>
      %dma_start3A_429 = tpu.memref_squeeze %dma_start3A_428 : memref<1x128xi32, #tpu.memory_space<vmem>> -> memref<128xi32, #tpu.memory_space<vmem>>
      %dma_start3A_430 = arith.constant 0 : i32
      %dma_start3A_431 = arith.constant 0 : i32
      %dma_start3A_432 = tpu.memref_slice %arg8[%dma_start3A_430, %dma_start3A_431] : memref<10112x16xf32, #tpu.memory_space<vmem_shared>> -> memref<10112x16xf32, #tpu.memory_space<vmem_shared>>
      %dma_start3A_433 = tpu.memref_slice %arg11[%dma_start3A_422] : memref<10x!tpu.dma_semaphore, #tpu.memory_space<semaphore_mem>> -> memref<1x!tpu.dma_semaphore, #tpu.memory_space<semaphore_mem>>
      %dma_start3A_434 = tpu.memref_squeeze %dma_start3A_433 : memref<1x!tpu.dma_semaphore, #tpu.memory_space<semaphore_mem>> -> memref<!tpu.dma_semaphore, #tpu.memory_space<semaphore_mem>>
      tpu.enqueue_indirect_dma source(%dma_start3A_426 : memref<128x16xf32, #tpu.memory_space<vmem>>) target(%dma_start3A_432 : memref<10112x16xf32, #tpu.memory_space<vmem_shared>>) offsets(%dma_start3A_429 : memref<128xi32, #tpu.memory_space<vmem>>) semaphore(%dma_start3A_434 : memref<!tpu.dma_semaphore, #tpu.memory_space<semaphore_mem>>) {add = true}
      %add3A_435 = arith.constant 5 : i32
      %add3A_436 = arith.addi %add3A_402, %add3A_435 : i32
      %lt3A_437 = arith.constant 80 : i32
      %lt3A_438 = arith.cmpi slt, %add3A_436, %lt3A_437 : i32
      %convert_element_type3A_439 = arith.extui %lt3A_438 : i1 to i32
      %cond3A_440 = arith.constant 0 : i32
      %cond3A_441 = arith.cmpi ne, %convert_element_type3A_439, %cond3A_440 : i32
      scf.if %cond3A_441 {
        %ge3A = arith.constant 5 : i32
        %ge3A_700 = arith.cmpi sge, %add3A_402, %ge3A : i32
        %convert_element_type3A_701 = arith.extui %ge3A_700 : i1 to i32
        %cond3A_702 = arith.constant 0 : i32
        %cond3A_703 = arith.cmpi ne, %convert_element_type3A_701, %cond3A_702 : i32
        scf.if %cond3A_703 {
          %dma_wait3A_718 = arith.constant 8 : i32
          %dma_wait3A_719 = arith.constant 8 : i32
          %dma_wait3A_720 = arith.constant 0 : i32
          %dma_wait3A_721 = arith.constant 0 : i32
          %dma_wait3A_722 = tpu.memref_slice %arg7[%dma_wait3A_718, %dma_wait3A_720, %dma_wait3A_721] : memref<10x128x16xf32, #tpu.memory_space<vmem>> -> memref<1x128x16xf32, #tpu.memory_space<vmem>>
          %dma_wait3A_723 = tpu.memref_squeeze %dma_wait3A_722 : memref<1x128x16xf32, #tpu.memory_space<vmem>> -> memref<128x16xf32, #tpu.memory_space<vmem>>
          %dma_wait3A_724 = arith.constant 0 : i32
          %dma_wait3A_725 = arith.constant 0 : i32
          %dma_wait3A_726 = tpu.memref_slice %arg3[%dma_wait3A_724, %dma_wait3A_725] : memref<10000x16xf32, #tpu.memory_space<hbm>> -> memref<128x16xf32, #tpu.memory_space<hbm>>
          %dma_wait3A_727 = tpu.memref_slice %arg11[%dma_wait3A_719] : memref<10x!tpu.dma_semaphore, #tpu.memory_space<semaphore_mem>> -> memref<1x!tpu.dma_semaphore, #tpu.memory_space<semaphore_mem>>
          %dma_wait3A_728 = tpu.memref_squeeze %dma_wait3A_727 : memref<1x!tpu.dma_semaphore, #tpu.memory_space<semaphore_mem>> -> memref<!tpu.dma_semaphore, #tpu.memory_space<semaphore_mem>>
          %dma_wait3A_729 = arith.constant 0 : i32
          %dma_wait3A_730 = arith.constant 0 : i32
          %dma_wait3A_731 = tpu.memref_slice %arg7[%dma_wait3A_718, %dma_wait3A_729, %dma_wait3A_730] : memref<10x128x16xf32, #tpu.memory_space<vmem>> -> memref<1x128x16xf32, #tpu.memory_space<vmem>>
          %dma_wait3A_732 = tpu.memref_squeeze %dma_wait3A_731 : memref<1x128x16xf32, #tpu.memory_space<vmem>> -> memref<128x16xf32, #tpu.memory_space<vmem>>
          %dma_wait3A_733 = arith.constant 0 : i32
          %dma_wait3A_734 = arith.constant 0 : i32
          %dma_wait3A_735 = tpu.memref_slice %arg3[%dma_wait3A_733, %dma_wait3A_734] : memref<10000x16xf32, #tpu.memory_space<hbm>> -> memref<128x16xf32, #tpu.memory_space<hbm>>
          tpu.wait_dma2 semaphore(%dma_wait3A_728 : memref<!tpu.dma_semaphore, #tpu.memory_space<semaphore_mem>>) src(%dma_wait3A_735 : memref<128x16xf32, #tpu.memory_space<hbm>>) dst(%dma_wait3A_732 : memref<128x16xf32, #tpu.memory_space<vmem>>)
        } else {
        }
        %dma_start3A_704 = arith.constant 8 : i32
        %dma_start3A_705 = arith.constant 8 : i32
        %dma_start3A_706 = arith.constant 0 : i32
        %dma_start3A_707 = arith.constant 0 : i32
        %dma_start3A_708 = tpu.memref_slice %arg7[%dma_start3A_704, %dma_start3A_706, %dma_start3A_707] : memref<10x128x16xf32, #tpu.memory_space<vmem>> -> memref<1x128x16xf32, #tpu.memory_space<vmem>>
        %dma_start3A_709 = tpu.memref_squeeze %dma_start3A_708 : memref<1x128x16xf32, #tpu.memory_space<vmem>> -> memref<128x16xf32, #tpu.memory_space<vmem>>
        %dma_start3A_710 = arith.constant 0 : i32
        %dma_start3A_711 = tpu.memref_slice %arg5[%add3A_436, %dma_start3A_710] : memref<80x128xi32, #tpu.memory_space<vmem>> -> memref<1x128xi32, #tpu.memory_space<vmem>>
        %dma_start3A_712 = tpu.memref_squeeze %dma_start3A_711 : memref<1x128xi32, #tpu.memory_space<vmem>> -> memref<128xi32, #tpu.memory_space<vmem>>
        %dma_start3A_713 = arith.constant 0 : i32
        %dma_start3A_714 = arith.constant 0 : i32
        %dma_start3A_715 = tpu.memref_slice %arg3[%dma_start3A_713, %dma_start3A_714] : memref<10000x16xf32, #tpu.memory_space<hbm>> -> memref<10000x16xf32, #tpu.memory_space<hbm>>
        %dma_start3A_716 = tpu.memref_slice %arg10[%dma_start3A_705] : memref<10x!tpu.dma_semaphore, #tpu.memory_space<semaphore_mem>> -> memref<1x!tpu.dma_semaphore, #tpu.memory_space<semaphore_mem>>
        %dma_start3A_717 = tpu.memref_squeeze %dma_start3A_716 : memref<1x!tpu.dma_semaphore, #tpu.memory_space<semaphore_mem>> -> memref<!tpu.dma_semaphore, #tpu.memory_space<semaphore_mem>>
        tpu.enqueue_indirect_dma source(%dma_start3A_715 : memref<10000x16xf32, #tpu.memory_space<hbm>>) target(%dma_start3A_709 : memref<128x16xf32, #tpu.memory_space<vmem>>) offsets(%dma_start3A_712 : memref<128xi32, #tpu.memory_space<vmem>>) semaphore(%dma_start3A_717 : memref<!tpu.dma_semaphore, #tpu.memory_space<semaphore_mem>>)
      } else {
      }
      %mul3A_442 = arith.constant 10 : i32
      %mul3A_443 = arith.muli %scan3A_272, %mul3A_442 : i32
      %add3A_444 = arith.constant 4 : i32
      %add3A_445 = arith.addi %mul3A_443, %add3A_444 : i32
      %dma_wait3A_446 = arith.constant 4 : i32
      %dma_wait3A_447 = arith.constant 4 : i32
      %dma_wait3A_448 = arith.constant 0 : i32
      %dma_wait3A_449 = arith.constant 0 : i32
      %dma_wait3A_450 = tpu.memref_slice %arg7[%dma_wait3A_446, %dma_wait3A_448, %dma_wait3A_449] : memref<10x128x16xf32, #tpu.memory_space<vmem>> -> memref<1x128x16xf32, #tpu.memory_space<vmem>>
      %dma_wait3A_451 = tpu.memref_squeeze %dma_wait3A_450 : memref<1x128x16xf32, #tpu.memory_space<vmem>> -> memref<128x16xf32, #tpu.memory_space<vmem>>
      %dma_wait3A_452 = arith.constant 0 : i32
      %dma_wait3A_453 = arith.constant 0 : i32
      %dma_wait3A_454 = tpu.memref_slice %arg3[%dma_wait3A_452, %dma_wait3A_453] : memref<10000x16xf32, #tpu.memory_space<hbm>> -> memref<128x16xf32, #tpu.memory_space<hbm>>
      %dma_wait3A_455 = tpu.memref_slice %arg10[%dma_wait3A_447] : memref<10x!tpu.dma_semaphore, #tpu.memory_space<semaphore_mem>> -> memref<1x!tpu.dma_semaphore, #tpu.memory_space<semaphore_mem>>
      %dma_wait3A_456 = tpu.memref_squeeze %dma_wait3A_455 : memref<1x!tpu.dma_semaphore, #tpu.memory_space<semaphore_mem>> -> memref<!tpu.dma_semaphore, #tpu.memory_space<semaphore_mem>>
      %dma_wait3A_457 = arith.constant 0 : i32
      %dma_wait3A_458 = arith.constant 0 : i32
      %dma_wait3A_459 = tpu.memref_slice %arg7[%dma_wait3A_446, %dma_wait3A_457, %dma_wait3A_458] : memref<10x128x16xf32, #tpu.memory_space<vmem>> -> memref<1x128x16xf32, #tpu.memory_space<vmem>>
      %dma_wait3A_460 = tpu.memref_squeeze %dma_wait3A_459 : memref<1x128x16xf32, #tpu.memory_space<vmem>> -> memref<128x16xf32, #tpu.memory_space<vmem>>
      %dma_wait3A_461 = arith.constant 0 : i32
      %dma_wait3A_462 = arith.constant 0 : i32
      %dma_wait3A_463 = tpu.memref_slice %arg3[%dma_wait3A_461, %dma_wait3A_462] : memref<10000x16xf32, #tpu.memory_space<hbm>> -> memref<128x16xf32, #tpu.memory_space<hbm>>
      tpu.wait_dma2 semaphore(%dma_wait3A_456 : memref<!tpu.dma_semaphore, #tpu.memory_space<semaphore_mem>>) src(%dma_wait3A_463 : memref<128x16xf32, #tpu.memory_space<hbm>>) dst(%dma_wait3A_460 : memref<128x16xf32, #tpu.memory_space<vmem>>)
      %dma_start3A_464 = arith.constant 4 : i32
      %dma_start3A_465 = arith.constant 4 : i32
      %dma_start3A_466 = arith.constant 0 : i32
      %dma_start3A_467 = arith.constant 0 : i32
      %dma_start3A_468 = tpu.memref_slice %arg7[%dma_start3A_464, %dma_start3A_466, %dma_start3A_467] : memref<10x128x16xf32, #tpu.memory_space<vmem>> -> memref<1x128x16xf32, #tpu.memory_space<vmem>>
      %dma_start3A_469 = tpu.memref_squeeze %dma_start3A_468 : memref<1x128x16xf32, #tpu.memory_space<vmem>> -> memref<128x16xf32, #tpu.memory_space<vmem>>
      %dma_start3A_470 = arith.constant 0 : i32
      %dma_start3A_471 = tpu.memref_slice %arg6[%add3A_445, %dma_start3A_470] : memref<80x128xi32, #tpu.memory_space<vmem>> -> memref<1x128xi32, #tpu.memory_space<vmem>>
      %dma_start3A_472 = tpu.memref_squeeze %dma_start3A_471 : memref<1x128xi32, #tpu.memory_space<vmem>> -> memref<128xi32, #tpu.memory_space<vmem>>
      %dma_start3A_473 = arith.constant 0 : i32
      %dma_start3A_474 = arith.constant 0 : i32
      %dma_start3A_475 = tpu.memref_slice %arg8[%dma_start3A_473, %dma_start3A_474] : memref<10112x16xf32, #tpu.memory_space<vmem_shared>> -> memref<10112x16xf32, #tpu.memory_space<vmem_shared>>
      %dma_start3A_476 = tpu.memref_slice %arg11[%dma_start3A_465] : memref<10x!tpu.dma_semaphore, #tpu.memory_space<semaphore_mem>> -> memref<1x!tpu.dma_semaphore, #tpu.memory_space<semaphore_mem>>
      %dma_start3A_477 = tpu.memref_squeeze %dma_start3A_476 : memref<1x!tpu.dma_semaphore, #tpu.memory_space<semaphore_mem>> -> memref<!tpu.dma_semaphore, #tpu.memory_space<semaphore_mem>>
      tpu.enqueue_indirect_dma source(%dma_start3A_469 : memref<128x16xf32, #tpu.memory_space<vmem>>) target(%dma_start3A_475 : memref<10112x16xf32, #tpu.memory_space<vmem_shared>>) offsets(%dma_start3A_472 : memref<128xi32, #tpu.memory_space<vmem>>) semaphore(%dma_start3A_477 : memref<!tpu.dma_semaphore, #tpu.memory_space<semaphore_mem>>) {add = true}
      %add3A_478 = arith.constant 5 : i32
      %add3A_479 = arith.addi %add3A_445, %add3A_478 : i32
      %lt3A_480 = arith.constant 80 : i32
      %lt3A_481 = arith.cmpi slt, %add3A_479, %lt3A_480 : i32
      %convert_element_type3A_482 = arith.extui %lt3A_481 : i1 to i32
      %cond3A_483 = arith.constant 0 : i32
      %cond3A_484 = arith.cmpi ne, %convert_element_type3A_482, %cond3A_483 : i32
      scf.if %cond3A_484 {
        %ge3A = arith.constant 5 : i32
        %ge3A_700 = arith.cmpi sge, %add3A_445, %ge3A : i32
        %convert_element_type3A_701 = arith.extui %ge3A_700 : i1 to i32
        %cond3A_702 = arith.constant 0 : i32
        %cond3A_703 = arith.cmpi ne, %convert_element_type3A_701, %cond3A_702 : i32
        scf.if %cond3A_703 {
          %dma_wait3A_718 = arith.constant 9 : i32
          %dma_wait3A_719 = arith.constant 9 : i32
          %dma_wait3A_720 = arith.constant 0 : i32
          %dma_wait3A_721 = arith.constant 0 : i32
          %dma_wait3A_722 = tpu.memref_slice %arg7[%dma_wait3A_718, %dma_wait3A_720, %dma_wait3A_721] : memref<10x128x16xf32, #tpu.memory_space<vmem>> -> memref<1x128x16xf32, #tpu.memory_space<vmem>>
          %dma_wait3A_723 = tpu.memref_squeeze %dma_wait3A_722 : memref<1x128x16xf32, #tpu.memory_space<vmem>> -> memref<128x16xf32, #tpu.memory_space<vmem>>
          %dma_wait3A_724 = arith.constant 0 : i32
          %dma_wait3A_725 = arith.constant 0 : i32
          %dma_wait3A_726 = tpu.memref_slice %arg3[%dma_wait3A_724, %dma_wait3A_725] : memref<10000x16xf32, #tpu.memory_space<hbm>> -> memref<128x16xf32, #tpu.memory_space<hbm>>
          %dma_wait3A_727 = tpu.memref_slice %arg11[%dma_wait3A_719] : memref<10x!tpu.dma_semaphore, #tpu.memory_space<semaphore_mem>> -> memref<1x!tpu.dma_semaphore, #tpu.memory_space<semaphore_mem>>
          %dma_wait3A_728 = tpu.memref_squeeze %dma_wait3A_727 : memref<1x!tpu.dma_semaphore, #tpu.memory_space<semaphore_mem>> -> memref<!tpu.dma_semaphore, #tpu.memory_space<semaphore_mem>>
          %dma_wait3A_729 = arith.constant 0 : i32
          %dma_wait3A_730 = arith.constant 0 : i32
          %dma_wait3A_731 = tpu.memref_slice %arg7[%dma_wait3A_718, %dma_wait3A_729, %dma_wait3A_730] : memref<10x128x16xf32, #tpu.memory_space<vmem>> -> memref<1x128x16xf32, #tpu.memory_space<vmem>>
          %dma_wait3A_732 = tpu.memref_squeeze %dma_wait3A_731 : memref<1x128x16xf32, #tpu.memory_space<vmem>> -> memref<128x16xf32, #tpu.memory_space<vmem>>
          %dma_wait3A_733 = arith.constant 0 : i32
          %dma_wait3A_734 = arith.constant 0 : i32
          %dma_wait3A_735 = tpu.memref_slice %arg3[%dma_wait3A_733, %dma_wait3A_734] : memref<10000x16xf32, #tpu.memory_space<hbm>> -> memref<128x16xf32, #tpu.memory_space<hbm>>
          tpu.wait_dma2 semaphore(%dma_wait3A_728 : memref<!tpu.dma_semaphore, #tpu.memory_space<semaphore_mem>>) src(%dma_wait3A_735 : memref<128x16xf32, #tpu.memory_space<hbm>>) dst(%dma_wait3A_732 : memref<128x16xf32, #tpu.memory_space<vmem>>)
        } else {
        }
        %dma_start3A_704 = arith.constant 9 : i32
        %dma_start3A_705 = arith.constant 9 : i32
        %dma_start3A_706 = arith.constant 0 : i32
        %dma_start3A_707 = arith.constant 0 : i32
        %dma_start3A_708 = tpu.memref_slice %arg7[%dma_start3A_704, %dma_start3A_706, %dma_start3A_707] : memref<10x128x16xf32, #tpu.memory_space<vmem>> -> memref<1x128x16xf32, #tpu.memory_space<vmem>>
        %dma_start3A_709 = tpu.memref_squeeze %dma_start3A_708 : memref<1x128x16xf32, #tpu.memory_space<vmem>> -> memref<128x16xf32, #tpu.memory_space<vmem>>
        %dma_start3A_710 = arith.constant 0 : i32
        %dma_start3A_711 = tpu.memref_slice %arg5[%add3A_479, %dma_start3A_710] : memref<80x128xi32, #tpu.memory_space<vmem>> -> memref<1x128xi32, #tpu.memory_space<vmem>>
        %dma_start3A_712 = tpu.memref_squeeze %dma_start3A_711 : memref<1x128xi32, #tpu.memory_space<vmem>> -> memref<128xi32, #tpu.memory_space<vmem>>
        %dma_start3A_713 = arith.constant 0 : i32
        %dma_start3A_714 = arith.constant 0 : i32
        %dma_start3A_715 = tpu.memref_slice %arg3[%dma_start3A_713, %dma_start3A_714] : memref<10000x16xf32, #tpu.memory_space<hbm>> -> memref<10000x16xf32, #tpu.memory_space<hbm>>
        %dma_start3A_716 = tpu.memref_slice %arg10[%dma_start3A_705] : memref<10x!tpu.dma_semaphore, #tpu.memory_space<semaphore_mem>> -> memref<1x!tpu.dma_semaphore, #tpu.memory_space<semaphore_mem>>
        %dma_start3A_717 = tpu.memref_squeeze %dma_start3A_716 : memref<1x!tpu.dma_semaphore, #tpu.memory_space<semaphore_mem>> -> memref<!tpu.dma_semaphore, #tpu.memory_space<semaphore_mem>>
        tpu.enqueue_indirect_dma source(%dma_start3A_715 : memref<10000x16xf32, #tpu.memory_space<hbm>>) target(%dma_start3A_709 : memref<128x16xf32, #tpu.memory_space<vmem>>) offsets(%dma_start3A_712 : memref<128xi32, #tpu.memory_space<vmem>>) semaphore(%dma_start3A_717 : memref<!tpu.dma_semaphore, #tpu.memory_space<semaphore_mem>>)
      } else {
      }
      %mul3A_485 = arith.constant 10 : i32
      %mul3A_486 = arith.muli %scan3A_272, %mul3A_485 : i32
      %add3A_487 = arith.constant 5 : i32
      %add3A_488 = arith.addi %mul3A_486, %add3A_487 : i32
      %dma_wait3A_489 = arith.constant 5 : i32
      %dma_wait3A_490 = arith.constant 5 : i32
      %dma_wait3A_491 = arith.constant 0 : i32
      %dma_wait3A_492 = arith.constant 0 : i32
      %dma_wait3A_493 = tpu.memref_slice %arg7[%dma_wait3A_489, %dma_wait3A_491, %dma_wait3A_492] : memref<10x128x16xf32, #tpu.memory_space<vmem>> -> memref<1x128x16xf32, #tpu.memory_space<vmem>>
      %dma_wait3A_494 = tpu.memref_squeeze %dma_wait3A_493 : memref<1x128x16xf32, #tpu.memory_space<vmem>> -> memref<128x16xf32, #tpu.memory_space<vmem>>
      %dma_wait3A_495 = arith.constant 0 : i32
      %dma_wait3A_496 = arith.constant 0 : i32
      %dma_wait3A_497 = tpu.memref_slice %arg3[%dma_wait3A_495, %dma_wait3A_496] : memref<10000x16xf32, #tpu.memory_space<hbm>> -> memref<128x16xf32, #tpu.memory_space<hbm>>
      %dma_wait3A_498 = tpu.memref_slice %arg10[%dma_wait3A_490] : memref<10x!tpu.dma_semaphore, #tpu.memory_space<semaphore_mem>> -> memref<1x!tpu.dma_semaphore, #tpu.memory_space<semaphore_mem>>
      %dma_wait3A_499 = tpu.memref_squeeze %dma_wait3A_498 : memref<1x!tpu.dma_semaphore, #tpu.memory_space<semaphore_mem>> -> memref<!tpu.dma_semaphore, #tpu.memory_space<semaphore_mem>>
      %dma_wait3A_500 = arith.constant 0 : i32
      %dma_wait3A_501 = arith.constant 0 : i32
      %dma_wait3A_502 = tpu.memref_slice %arg7[%dma_wait3A_489, %dma_wait3A_500, %dma_wait3A_501] : memref<10x128x16xf32, #tpu.memory_space<vmem>> -> memref<1x128x16xf32, #tpu.memory_space<vmem>>
      %dma_wait3A_503 = tpu.memref_squeeze %dma_wait3A_502 : memref<1x128x16xf32, #tpu.memory_space<vmem>> -> memref<128x16xf32, #tpu.memory_space<vmem>>
      %dma_wait3A_504 = arith.constant 0 : i32
      %dma_wait3A_505 = arith.constant 0 : i32
      %dma_wait3A_506 = tpu.memref_slice %arg3[%dma_wait3A_504, %dma_wait3A_505] : memref<10000x16xf32, #tpu.memory_space<hbm>> -> memref<128x16xf32, #tpu.memory_space<hbm>>
      tpu.wait_dma2 semaphore(%dma_wait3A_499 : memref<!tpu.dma_semaphore, #tpu.memory_space<semaphore_mem>>) src(%dma_wait3A_506 : memref<128x16xf32, #tpu.memory_space<hbm>>) dst(%dma_wait3A_503 : memref<128x16xf32, #tpu.memory_space<vmem>>)
      %dma_start3A_507 = arith.constant 5 : i32
      %dma_start3A_508 = arith.constant 5 : i32
      %dma_start3A_509 = arith.constant 0 : i32
      %dma_start3A_510 = arith.constant 0 : i32
      %dma_start3A_511 = tpu.memref_slice %arg7[%dma_start3A_507, %dma_start3A_509, %dma_start3A_510] : memref<10x128x16xf32, #tpu.memory_space<vmem>> -> memref<1x128x16xf32, #tpu.memory_space<vmem>>
      %dma_start3A_512 = tpu.memref_squeeze %dma_start3A_511 : memref<1x128x16xf32, #tpu.memory_space<vmem>> -> memref<128x16xf32, #tpu.memory_space<vmem>>
      %dma_start3A_513 = arith.constant 0 : i32
      %dma_start3A_514 = tpu.memref_slice %arg6[%add3A_488, %dma_start3A_513] : memref<80x128xi32, #tpu.memory_space<vmem>> -> memref<1x128xi32, #tpu.memory_space<vmem>>
      %dma_start3A_515 = tpu.memref_squeeze %dma_start3A_514 : memref<1x128xi32, #tpu.memory_space<vmem>> -> memref<128xi32, #tpu.memory_space<vmem>>
      %dma_start3A_516 = arith.constant 0 : i32
      %dma_start3A_517 = arith.constant 0 : i32
      %dma_start3A_518 = tpu.memref_slice %arg8[%dma_start3A_516, %dma_start3A_517] : memref<10112x16xf32, #tpu.memory_space<vmem_shared>> -> memref<10112x16xf32, #tpu.memory_space<vmem_shared>>
      %dma_start3A_519 = tpu.memref_slice %arg11[%dma_start3A_508] : memref<10x!tpu.dma_semaphore, #tpu.memory_space<semaphore_mem>> -> memref<1x!tpu.dma_semaphore, #tpu.memory_space<semaphore_mem>>
      %dma_start3A_520 = tpu.memref_squeeze %dma_start3A_519 : memref<1x!tpu.dma_semaphore, #tpu.memory_space<semaphore_mem>> -> memref<!tpu.dma_semaphore, #tpu.memory_space<semaphore_mem>>
      tpu.enqueue_indirect_dma source(%dma_start3A_512 : memref<128x16xf32, #tpu.memory_space<vmem>>) target(%dma_start3A_518 : memref<10112x16xf32, #tpu.memory_space<vmem_shared>>) offsets(%dma_start3A_515 : memref<128xi32, #tpu.memory_space<vmem>>) semaphore(%dma_start3A_520 : memref<!tpu.dma_semaphore, #tpu.memory_space<semaphore_mem>>) {add = true}
      %add3A_521 = arith.constant 5 : i32
      %add3A_522 = arith.addi %add3A_488, %add3A_521 : i32
      %lt3A_523 = arith.constant 80 : i32
      %lt3A_524 = arith.cmpi slt, %add3A_522, %lt3A_523 : i32
      %convert_element_type3A_525 = arith.extui %lt3A_524 : i1 to i32
      %cond3A_526 = arith.constant 0 : i32
      %cond3A_527 = arith.cmpi ne, %convert_element_type3A_525, %cond3A_526 : i32
      scf.if %cond3A_527 {
        %ge3A = arith.constant 5 : i32
        %ge3A_700 = arith.cmpi sge, %add3A_488, %ge3A : i32
        %convert_element_type3A_701 = arith.extui %ge3A_700 : i1 to i32
        %cond3A_702 = arith.constant 0 : i32
        %cond3A_703 = arith.cmpi ne, %convert_element_type3A_701, %cond3A_702 : i32
        scf.if %cond3A_703 {
          %dma_wait3A_718 = arith.constant 0 : i32
          %dma_wait3A_719 = arith.constant 0 : i32
          %dma_wait3A_720 = arith.constant 0 : i32
          %dma_wait3A_721 = arith.constant 0 : i32
          %dma_wait3A_722 = tpu.memref_slice %arg7[%dma_wait3A_718, %dma_wait3A_720, %dma_wait3A_721] : memref<10x128x16xf32, #tpu.memory_space<vmem>> -> memref<1x128x16xf32, #tpu.memory_space<vmem>>
          %dma_wait3A_723 = tpu.memref_squeeze %dma_wait3A_722 : memref<1x128x16xf32, #tpu.memory_space<vmem>> -> memref<128x16xf32, #tpu.memory_space<vmem>>
          %dma_wait3A_724 = arith.constant 0 : i32
          %dma_wait3A_725 = arith.constant 0 : i32
          %dma_wait3A_726 = tpu.memref_slice %arg3[%dma_wait3A_724, %dma_wait3A_725] : memref<10000x16xf32, #tpu.memory_space<hbm>> -> memref<128x16xf32, #tpu.memory_space<hbm>>
          %dma_wait3A_727 = tpu.memref_slice %arg11[%dma_wait3A_719] : memref<10x!tpu.dma_semaphore, #tpu.memory_space<semaphore_mem>> -> memref<1x!tpu.dma_semaphore, #tpu.memory_space<semaphore_mem>>
          %dma_wait3A_728 = tpu.memref_squeeze %dma_wait3A_727 : memref<1x!tpu.dma_semaphore, #tpu.memory_space<semaphore_mem>> -> memref<!tpu.dma_semaphore, #tpu.memory_space<semaphore_mem>>
          %dma_wait3A_729 = arith.constant 0 : i32
          %dma_wait3A_730 = arith.constant 0 : i32
          %dma_wait3A_731 = tpu.memref_slice %arg7[%dma_wait3A_718, %dma_wait3A_729, %dma_wait3A_730] : memref<10x128x16xf32, #tpu.memory_space<vmem>> -> memref<1x128x16xf32, #tpu.memory_space<vmem>>
          %dma_wait3A_732 = tpu.memref_squeeze %dma_wait3A_731 : memref<1x128x16xf32, #tpu.memory_space<vmem>> -> memref<128x16xf32, #tpu.memory_space<vmem>>
          %dma_wait3A_733 = arith.constant 0 : i32
          %dma_wait3A_734 = arith.constant 0 : i32
          %dma_wait3A_735 = tpu.memref_slice %arg3[%dma_wait3A_733, %dma_wait3A_734] : memref<10000x16xf32, #tpu.memory_space<hbm>> -> memref<128x16xf32, #tpu.memory_space<hbm>>
          tpu.wait_dma2 semaphore(%dma_wait3A_728 : memref<!tpu.dma_semaphore, #tpu.memory_space<semaphore_mem>>) src(%dma_wait3A_735 : memref<128x16xf32, #tpu.memory_space<hbm>>) dst(%dma_wait3A_732 : memref<128x16xf32, #tpu.memory_space<vmem>>)
        } else {
        }
        %dma_start3A_704 = arith.constant 0 : i32
        %dma_start3A_705 = arith.constant 0 : i32
        %dma_start3A_706 = arith.constant 0 : i32
        %dma_start3A_707 = arith.constant 0 : i32
        %dma_start3A_708 = tpu.memref_slice %arg7[%dma_start3A_704, %dma_start3A_706, %dma_start3A_707] : memref<10x128x16xf32, #tpu.memory_space<vmem>> -> memref<1x128x16xf32, #tpu.memory_space<vmem>>
        %dma_start3A_709 = tpu.memref_squeeze %dma_start3A_708 : memref<1x128x16xf32, #tpu.memory_space<vmem>> -> memref<128x16xf32, #tpu.memory_space<vmem>>
        %dma_start3A_710 = arith.constant 0 : i32
        %dma_start3A_711 = tpu.memref_slice %arg5[%add3A_522, %dma_start3A_710] : memref<80x128xi32, #tpu.memory_space<vmem>> -> memref<1x128xi32, #tpu.memory_space<vmem>>
        %dma_start3A_712 = tpu.memref_squeeze %dma_start3A_711 : memref<1x128xi32, #tpu.memory_space<vmem>> -> memref<128xi32, #tpu.memory_space<vmem>>
        %dma_start3A_713 = arith.constant 0 : i32
        %dma_start3A_714 = arith.constant 0 : i32
        %dma_start3A_715 = tpu.memref_slice %arg3[%dma_start3A_713, %dma_start3A_714] : memref<10000x16xf32, #tpu.memory_space<hbm>> -> memref<10000x16xf32, #tpu.memory_space<hbm>>
        %dma_start3A_716 = tpu.memref_slice %arg10[%dma_start3A_705] : memref<10x!tpu.dma_semaphore, #tpu.memory_space<semaphore_mem>> -> memref<1x!tpu.dma_semaphore, #tpu.memory_space<semaphore_mem>>
        %dma_start3A_717 = tpu.memref_squeeze %dma_start3A_716 : memref<1x!tpu.dma_semaphore, #tpu.memory_space<semaphore_mem>> -> memref<!tpu.dma_semaphore, #tpu.memory_space<semaphore_mem>>
        tpu.enqueue_indirect_dma source(%dma_start3A_715 : memref<10000x16xf32, #tpu.memory_space<hbm>>) target(%dma_start3A_709 : memref<128x16xf32, #tpu.memory_space<vmem>>) offsets(%dma_start3A_712 : memref<128xi32, #tpu.memory_space<vmem>>) semaphore(%dma_start3A_717 : memref<!tpu.dma_semaphore, #tpu.memory_space<semaphore_mem>>)
      } else {
      }
      %mul3A_528 = arith.constant 10 : i32
      %mul3A_529 = arith.muli %scan3A_272, %mul3A_528 : i32
      %add3A_530 = arith.constant 6 : i32
      %add3A_531 = arith.addi %mul3A_529, %add3A_530 : i32
      %dma_wait3A_532 = arith.constant 6 : i32
      %dma_wait3A_533 = arith.constant 6 : i32
      %dma_wait3A_534 = arith.constant 0 : i32
      %dma_wait3A_535 = arith.constant 0 : i32
      %dma_wait3A_536 = tpu.memref_slice %arg7[%dma_wait3A_532, %dma_wait3A_534, %dma_wait3A_535] : memref<10x128x16xf32, #tpu.memory_space<vmem>> -> memref<1x128x16xf32, #tpu.memory_space<vmem>>
      %dma_wait3A_537 = tpu.memref_squeeze %dma_wait3A_536 : memref<1x128x16xf32, #tpu.memory_space<vmem>> -> memref<128x16xf32, #tpu.memory_space<vmem>>
      %dma_wait3A_538 = arith.constant 0 : i32
      %dma_wait3A_539 = arith.constant 0 : i32
      %dma_wait3A_540 = tpu.memref_slice %arg3[%dma_wait3A_538, %dma_wait3A_539] : memref<10000x16xf32, #tpu.memory_space<hbm>> -> memref<128x16xf32, #tpu.memory_space<hbm>>
      %dma_wait3A_541 = tpu.memref_slice %arg10[%dma_wait3A_533] : memref<10x!tpu.dma_semaphore, #tpu.memory_space<semaphore_mem>> -> memref<1x!tpu.dma_semaphore, #tpu.memory_space<semaphore_mem>>
      %dma_wait3A_542 = tpu.memref_squeeze %dma_wait3A_541 : memref<1x!tpu.dma_semaphore, #tpu.memory_space<semaphore_mem>> -> memref<!tpu.dma_semaphore, #tpu.memory_space<semaphore_mem>>
      %dma_wait3A_543 = arith.constant 0 : i32
      %dma_wait3A_544 = arith.constant 0 : i32
      %dma_wait3A_545 = tpu.memref_slice %arg7[%dma_wait3A_532, %dma_wait3A_543, %dma_wait3A_544] : memref<10x128x16xf32, #tpu.memory_space<vmem>> -> memref<1x128x16xf32, #tpu.memory_space<vmem>>
      %dma_wait3A_546 = tpu.memref_squeeze %dma_wait3A_545 : memref<1x128x16xf32, #tpu.memory_space<vmem>> -> memref<128x16xf32, #tpu.memory_space<vmem>>
      %dma_wait3A_547 = arith.constant 0 : i32
      %dma_wait3A_548 = arith.constant 0 : i32
      %dma_wait3A_549 = tpu.memref_slice %arg3[%dma_wait3A_547, %dma_wait3A_548] : memref<10000x16xf32, #tpu.memory_space<hbm>> -> memref<128x16xf32, #tpu.memory_space<hbm>>
      tpu.wait_dma2 semaphore(%dma_wait3A_542 : memref<!tpu.dma_semaphore, #tpu.memory_space<semaphore_mem>>) src(%dma_wait3A_549 : memref<128x16xf32, #tpu.memory_space<hbm>>) dst(%dma_wait3A_546 : memref<128x16xf32, #tpu.memory_space<vmem>>)
      %dma_start3A_550 = arith.constant 6 : i32
      %dma_start3A_551 = arith.constant 6 : i32
      %dma_start3A_552 = arith.constant 0 : i32
      %dma_start3A_553 = arith.constant 0 : i32
      %dma_start3A_554 = tpu.memref_slice %arg7[%dma_start3A_550, %dma_start3A_552, %dma_start3A_553] : memref<10x128x16xf32, #tpu.memory_space<vmem>> -> memref<1x128x16xf32, #tpu.memory_space<vmem>>
      %dma_start3A_555 = tpu.memref_squeeze %dma_start3A_554 : memref<1x128x16xf32, #tpu.memory_space<vmem>> -> memref<128x16xf32, #tpu.memory_space<vmem>>
      %dma_start3A_556 = arith.constant 0 : i32
      %dma_start3A_557 = tpu.memref_slice %arg6[%add3A_531, %dma_start3A_556] : memref<80x128xi32, #tpu.memory_space<vmem>> -> memref<1x128xi32, #tpu.memory_space<vmem>>
      %dma_start3A_558 = tpu.memref_squeeze %dma_start3A_557 : memref<1x128xi32, #tpu.memory_space<vmem>> -> memref<128xi32, #tpu.memory_space<vmem>>
      %dma_start3A_559 = arith.constant 0 : i32
      %dma_start3A_560 = arith.constant 0 : i32
      %dma_start3A_561 = tpu.memref_slice %arg8[%dma_start3A_559, %dma_start3A_560] : memref<10112x16xf32, #tpu.memory_space<vmem_shared>> -> memref<10112x16xf32, #tpu.memory_space<vmem_shared>>
      %dma_start3A_562 = tpu.memref_slice %arg11[%dma_start3A_551] : memref<10x!tpu.dma_semaphore, #tpu.memory_space<semaphore_mem>> -> memref<1x!tpu.dma_semaphore, #tpu.memory_space<semaphore_mem>>
      %dma_start3A_563 = tpu.memref_squeeze %dma_start3A_562 : memref<1x!tpu.dma_semaphore, #tpu.memory_space<semaphore_mem>> -> memref<!tpu.dma_semaphore, #tpu.memory_space<semaphore_mem>>
      tpu.enqueue_indirect_dma source(%dma_start3A_555 : memref<128x16xf32, #tpu.memory_space<vmem>>) target(%dma_start3A_561 : memref<10112x16xf32, #tpu.memory_space<vmem_shared>>) offsets(%dma_start3A_558 : memref<128xi32, #tpu.memory_space<vmem>>) semaphore(%dma_start3A_563 : memref<!tpu.dma_semaphore, #tpu.memory_space<semaphore_mem>>) {add = true}
      %add3A_564 = arith.constant 5 : i32
      %add3A_565 = arith.addi %add3A_531, %add3A_564 : i32
      %lt3A_566 = arith.constant 80 : i32
      %lt3A_567 = arith.cmpi slt, %add3A_565, %lt3A_566 : i32
      %convert_element_type3A_568 = arith.extui %lt3A_567 : i1 to i32
      %cond3A_569 = arith.constant 0 : i32
      %cond3A_570 = arith.cmpi ne, %convert_element_type3A_568, %cond3A_569 : i32
      scf.if %cond3A_570 {
        %ge3A = arith.constant 5 : i32
        %ge3A_700 = arith.cmpi sge, %add3A_531, %ge3A : i32
        %convert_element_type3A_701 = arith.extui %ge3A_700 : i1 to i32
        %cond3A_702 = arith.constant 0 : i32
        %cond3A_703 = arith.cmpi ne, %convert_element_type3A_701, %cond3A_702 : i32
        scf.if %cond3A_703 {
          %dma_wait3A_718 = arith.constant 1 : i32
          %dma_wait3A_719 = arith.constant 1 : i32
          %dma_wait3A_720 = arith.constant 0 : i32
          %dma_wait3A_721 = arith.constant 0 : i32
          %dma_wait3A_722 = tpu.memref_slice %arg7[%dma_wait3A_718, %dma_wait3A_720, %dma_wait3A_721] : memref<10x128x16xf32, #tpu.memory_space<vmem>> -> memref<1x128x16xf32, #tpu.memory_space<vmem>>
          %dma_wait3A_723 = tpu.memref_squeeze %dma_wait3A_722 : memref<1x128x16xf32, #tpu.memory_space<vmem>> -> memref<128x16xf32, #tpu.memory_space<vmem>>
          %dma_wait3A_724 = arith.constant 0 : i32
          %dma_wait3A_725 = arith.constant 0 : i32
          %dma_wait3A_726 = tpu.memref_slice %arg3[%dma_wait3A_724, %dma_wait3A_725] : memref<10000x16xf32, #tpu.memory_space<hbm>> -> memref<128x16xf32, #tpu.memory_space<hbm>>
          %dma_wait3A_727 = tpu.memref_slice %arg11[%dma_wait3A_719] : memref<10x!tpu.dma_semaphore, #tpu.memory_space<semaphore_mem>> -> memref<1x!tpu.dma_semaphore, #tpu.memory_space<semaphore_mem>>
          %dma_wait3A_728 = tpu.memref_squeeze %dma_wait3A_727 : memref<1x!tpu.dma_semaphore, #tpu.memory_space<semaphore_mem>> -> memref<!tpu.dma_semaphore, #tpu.memory_space<semaphore_mem>>
          %dma_wait3A_729 = arith.constant 0 : i32
          %dma_wait3A_730 = arith.constant 0 : i32
          %dma_wait3A_731 = tpu.memref_slice %arg7[%dma_wait3A_718, %dma_wait3A_729, %dma_wait3A_730] : memref<10x128x16xf32, #tpu.memory_space<vmem>> -> memref<1x128x16xf32, #tpu.memory_space<vmem>>
          %dma_wait3A_732 = tpu.memref_squeeze %dma_wait3A_731 : memref<1x128x16xf32, #tpu.memory_space<vmem>> -> memref<128x16xf32, #tpu.memory_space<vmem>>
          %dma_wait3A_733 = arith.constant 0 : i32
          %dma_wait3A_734 = arith.constant 0 : i32
          %dma_wait3A_735 = tpu.memref_slice %arg3[%dma_wait3A_733, %dma_wait3A_734] : memref<10000x16xf32, #tpu.memory_space<hbm>> -> memref<128x16xf32, #tpu.memory_space<hbm>>
          tpu.wait_dma2 semaphore(%dma_wait3A_728 : memref<!tpu.dma_semaphore, #tpu.memory_space<semaphore_mem>>) src(%dma_wait3A_735 : memref<128x16xf32, #tpu.memory_space<hbm>>) dst(%dma_wait3A_732 : memref<128x16xf32, #tpu.memory_space<vmem>>)
        } else {
        }
        %dma_start3A_704 = arith.constant 1 : i32
        %dma_start3A_705 = arith.constant 1 : i32
        %dma_start3A_706 = arith.constant 0 : i32
        %dma_start3A_707 = arith.constant 0 : i32
        %dma_start3A_708 = tpu.memref_slice %arg7[%dma_start3A_704, %dma_start3A_706, %dma_start3A_707] : memref<10x128x16xf32, #tpu.memory_space<vmem>> -> memref<1x128x16xf32, #tpu.memory_space<vmem>>
        %dma_start3A_709 = tpu.memref_squeeze %dma_start3A_708 : memref<1x128x16xf32, #tpu.memory_space<vmem>> -> memref<128x16xf32, #tpu.memory_space<vmem>>
        %dma_start3A_710 = arith.constant 0 : i32
        %dma_start3A_711 = tpu.memref_slice %arg5[%add3A_565, %dma_start3A_710] : memref<80x128xi32, #tpu.memory_space<vmem>> -> memref<1x128xi32, #tpu.memory_space<vmem>>
        %dma_start3A_712 = tpu.memref_squeeze %dma_start3A_711 : memref<1x128xi32, #tpu.memory_space<vmem>> -> memref<128xi32, #tpu.memory_space<vmem>>
        %dma_start3A_713 = arith.constant 0 : i32
        %dma_start3A_714 = arith.constant 0 : i32
        %dma_start3A_715 = tpu.memref_slice %arg3[%dma_start3A_713, %dma_start3A_714] : memref<10000x16xf32, #tpu.memory_space<hbm>> -> memref<10000x16xf32, #tpu.memory_space<hbm>>
        %dma_start3A_716 = tpu.memref_slice %arg10[%dma_start3A_705] : memref<10x!tpu.dma_semaphore, #tpu.memory_space<semaphore_mem>> -> memref<1x!tpu.dma_semaphore, #tpu.memory_space<semaphore_mem>>
        %dma_start3A_717 = tpu.memref_squeeze %dma_start3A_716 : memref<1x!tpu.dma_semaphore, #tpu.memory_space<semaphore_mem>> -> memref<!tpu.dma_semaphore, #tpu.memory_space<semaphore_mem>>
        tpu.enqueue_indirect_dma source(%dma_start3A_715 : memref<10000x16xf32, #tpu.memory_space<hbm>>) target(%dma_start3A_709 : memref<128x16xf32, #tpu.memory_space<vmem>>) offsets(%dma_start3A_712 : memref<128xi32, #tpu.memory_space<vmem>>) semaphore(%dma_start3A_717 : memref<!tpu.dma_semaphore, #tpu.memory_space<semaphore_mem>>)
      } else {
      }
      %mul3A_571 = arith.constant 10 : i32
      %mul3A_572 = arith.muli %scan3A_272, %mul3A_571 : i32
      %add3A_573 = arith.constant 7 : i32
      %add3A_574 = arith.addi %mul3A_572, %add3A_573 : i32
      %dma_wait3A_575 = arith.constant 7 : i32
      %dma_wait3A_576 = arith.constant 7 : i32
      %dma_wait3A_577 = arith.constant 0 : i32
      %dma_wait3A_578 = arith.constant 0 : i32
      %dma_wait3A_579 = tpu.memref_slice %arg7[%dma_wait3A_575, %dma_wait3A_577, %dma_wait3A_578] : memref<10x128x16xf32, #tpu.memory_space<vmem>> -> memref<1x128x16xf32, #tpu.memory_space<vmem>>
      %dma_wait3A_580 = tpu.memref_squeeze %dma_wait3A_579 : memref<1x128x16xf32, #tpu.memory_space<vmem>> -> memref<128x16xf32, #tpu.memory_space<vmem>>
      %dma_wait3A_581 = arith.constant 0 : i32
      %dma_wait3A_582 = arith.constant 0 : i32
      %dma_wait3A_583 = tpu.memref_slice %arg3[%dma_wait3A_581, %dma_wait3A_582] : memref<10000x16xf32, #tpu.memory_space<hbm>> -> memref<128x16xf32, #tpu.memory_space<hbm>>
      %dma_wait3A_584 = tpu.memref_slice %arg10[%dma_wait3A_576] : memref<10x!tpu.dma_semaphore, #tpu.memory_space<semaphore_mem>> -> memref<1x!tpu.dma_semaphore, #tpu.memory_space<semaphore_mem>>
      %dma_wait3A_585 = tpu.memref_squeeze %dma_wait3A_584 : memref<1x!tpu.dma_semaphore, #tpu.memory_space<semaphore_mem>> -> memref<!tpu.dma_semaphore, #tpu.memory_space<semaphore_mem>>
      %dma_wait3A_586 = arith.constant 0 : i32
      %dma_wait3A_587 = arith.constant 0 : i32
      %dma_wait3A_588 = tpu.memref_slice %arg7[%dma_wait3A_575, %dma_wait3A_586, %dma_wait3A_587] : memref<10x128x16xf32, #tpu.memory_space<vmem>> -> memref<1x128x16xf32, #tpu.memory_space<vmem>>
      %dma_wait3A_589 = tpu.memref_squeeze %dma_wait3A_588 : memref<1x128x16xf32, #tpu.memory_space<vmem>> -> memref<128x16xf32, #tpu.memory_space<vmem>>
      %dma_wait3A_590 = arith.constant 0 : i32
      %dma_wait3A_591 = arith.constant 0 : i32
      %dma_wait3A_592 = tpu.memref_slice %arg3[%dma_wait3A_590, %dma_wait3A_591] : memref<10000x16xf32, #tpu.memory_space<hbm>> -> memref<128x16xf32, #tpu.memory_space<hbm>>
      tpu.wait_dma2 semaphore(%dma_wait3A_585 : memref<!tpu.dma_semaphore, #tpu.memory_space<semaphore_mem>>) src(%dma_wait3A_592 : memref<128x16xf32, #tpu.memory_space<hbm>>) dst(%dma_wait3A_589 : memref<128x16xf32, #tpu.memory_space<vmem>>)
      %dma_start3A_593 = arith.constant 7 : i32
      %dma_start3A_594 = arith.constant 7 : i32
      %dma_start3A_595 = arith.constant 0 : i32
      %dma_start3A_596 = arith.constant 0 : i32
      %dma_start3A_597 = tpu.memref_slice %arg7[%dma_start3A_593, %dma_start3A_595, %dma_start3A_596] : memref<10x128x16xf32, #tpu.memory_space<vmem>> -> memref<1x128x16xf32, #tpu.memory_space<vmem>>
      %dma_start3A_598 = tpu.memref_squeeze %dma_start3A_597 : memref<1x128x16xf32, #tpu.memory_space<vmem>> -> memref<128x16xf32, #tpu.memory_space<vmem>>
      %dma_start3A_599 = arith.constant 0 : i32
      %dma_start3A_600 = tpu.memref_slice %arg6[%add3A_574, %dma_start3A_599] : memref<80x128xi32, #tpu.memory_space<vmem>> -> memref<1x128xi32, #tpu.memory_space<vmem>>
      %dma_start3A_601 = tpu.memref_squeeze %dma_start3A_600 : memref<1x128xi32, #tpu.memory_space<vmem>> -> memref<128xi32, #tpu.memory_space<vmem>>
      %dma_start3A_602 = arith.constant 0 : i32
      %dma_start3A_603 = arith.constant 0 : i32
      %dma_start3A_604 = tpu.memref_slice %arg8[%dma_start3A_602, %dma_start3A_603] : memref<10112x16xf32, #tpu.memory_space<vmem_shared>> -> memref<10112x16xf32, #tpu.memory_space<vmem_shared>>
      %dma_start3A_605 = tpu.memref_slice %arg11[%dma_start3A_594] : memref<10x!tpu.dma_semaphore, #tpu.memory_space<semaphore_mem>> -> memref<1x!tpu.dma_semaphore, #tpu.memory_space<semaphore_mem>>
      %dma_start3A_606 = tpu.memref_squeeze %dma_start3A_605 : memref<1x!tpu.dma_semaphore, #tpu.memory_space<semaphore_mem>> -> memref<!tpu.dma_semaphore, #tpu.memory_space<semaphore_mem>>
      tpu.enqueue_indirect_dma source(%dma_start3A_598 : memref<128x16xf32, #tpu.memory_space<vmem>>) target(%dma_start3A_604 : memref<10112x16xf32, #tpu.memory_space<vmem_shared>>) offsets(%dma_start3A_601 : memref<128xi32, #tpu.memory_space<vmem>>) semaphore(%dma_start3A_606 : memref<!tpu.dma_semaphore, #tpu.memory_space<semaphore_mem>>) {add = true}
      %add3A_607 = arith.constant 5 : i32
      %add3A_608 = arith.addi %add3A_574, %add3A_607 : i32
      %lt3A_609 = arith.constant 80 : i32
      %lt3A_610 = arith.cmpi slt, %add3A_608, %lt3A_609 : i32
      %convert_element_type3A_611 = arith.extui %lt3A_610 : i1 to i32
      %cond3A_612 = arith.constant 0 : i32
      %cond3A_613 = arith.cmpi ne, %convert_element_type3A_611, %cond3A_612 : i32
      scf.if %cond3A_613 {
        %ge3A = arith.constant 5 : i32
        %ge3A_700 = arith.cmpi sge, %add3A_574, %ge3A : i32
        %convert_element_type3A_701 = arith.extui %ge3A_700 : i1 to i32
        %cond3A_702 = arith.constant 0 : i32
        %cond3A_703 = arith.cmpi ne, %convert_element_type3A_701, %cond3A_702 : i32
        scf.if %cond3A_703 {
          %dma_wait3A_718 = arith.constant 2 : i32
          %dma_wait3A_719 = arith.constant 2 : i32
          %dma_wait3A_720 = arith.constant 0 : i32
          %dma_wait3A_721 = arith.constant 0 : i32
          %dma_wait3A_722 = tpu.memref_slice %arg7[%dma_wait3A_718, %dma_wait3A_720, %dma_wait3A_721] : memref<10x128x16xf32, #tpu.memory_space<vmem>> -> memref<1x128x16xf32, #tpu.memory_space<vmem>>
          %dma_wait3A_723 = tpu.memref_squeeze %dma_wait3A_722 : memref<1x128x16xf32, #tpu.memory_space<vmem>> -> memref<128x16xf32, #tpu.memory_space<vmem>>
          %dma_wait3A_724 = arith.constant 0 : i32
          %dma_wait3A_725 = arith.constant 0 : i32
          %dma_wait3A_726 = tpu.memref_slice %arg3[%dma_wait3A_724, %dma_wait3A_725] : memref<10000x16xf32, #tpu.memory_space<hbm>> -> memref<128x16xf32, #tpu.memory_space<hbm>>
          %dma_wait3A_727 = tpu.memref_slice %arg11[%dma_wait3A_719] : memref<10x!tpu.dma_semaphore, #tpu.memory_space<semaphore_mem>> -> memref<1x!tpu.dma_semaphore, #tpu.memory_space<semaphore_mem>>
          %dma_wait3A_728 = tpu.memref_squeeze %dma_wait3A_727 : memref<1x!tpu.dma_semaphore, #tpu.memory_space<semaphore_mem>> -> memref<!tpu.dma_semaphore, #tpu.memory_space<semaphore_mem>>
          %dma_wait3A_729 = arith.constant 0 : i32
          %dma_wait3A_730 = arith.constant 0 : i32
          %dma_wait3A_731 = tpu.memref_slice %arg7[%dma_wait3A_718, %dma_wait3A_729, %dma_wait3A_730] : memref<10x128x16xf32, #tpu.memory_space<vmem>> -> memref<1x128x16xf32, #tpu.memory_space<vmem>>
          %dma_wait3A_732 = tpu.memref_squeeze %dma_wait3A_731 : memref<1x128x16xf32, #tpu.memory_space<vmem>> -> memref<128x16xf32, #tpu.memory_space<vmem>>
          %dma_wait3A_733 = arith.constant 0 : i32
          %dma_wait3A_734 = arith.constant 0 : i32
          %dma_wait3A_735 = tpu.memref_slice %arg3[%dma_wait3A_733, %dma_wait3A_734] : memref<10000x16xf32, #tpu.memory_space<hbm>> -> memref<128x16xf32, #tpu.memory_space<hbm>>
          tpu.wait_dma2 semaphore(%dma_wait3A_728 : memref<!tpu.dma_semaphore, #tpu.memory_space<semaphore_mem>>) src(%dma_wait3A_735 : memref<128x16xf32, #tpu.memory_space<hbm>>) dst(%dma_wait3A_732 : memref<128x16xf32, #tpu.memory_space<vmem>>)
        } else {
        }
        %dma_start3A_704 = arith.constant 2 : i32
        %dma_start3A_705 = arith.constant 2 : i32
        %dma_start3A_706 = arith.constant 0 : i32
        %dma_start3A_707 = arith.constant 0 : i32
        %dma_start3A_708 = tpu.memref_slice %arg7[%dma_start3A_704, %dma_start3A_706, %dma_start3A_707] : memref<10x128x16xf32, #tpu.memory_space<vmem>> -> memref<1x128x16xf32, #tpu.memory_space<vmem>>
        %dma_start3A_709 = tpu.memref_squeeze %dma_start3A_708 : memref<1x128x16xf32, #tpu.memory_space<vmem>> -> memref<128x16xf32, #tpu.memory_space<vmem>>
        %dma_start3A_710 = arith.constant 0 : i32
        %dma_start3A_711 = tpu.memref_slice %arg5[%add3A_608, %dma_start3A_710] : memref<80x128xi32, #tpu.memory_space<vmem>> -> memref<1x128xi32, #tpu.memory_space<vmem>>
        %dma_start3A_712 = tpu.memref_squeeze %dma_start3A_711 : memref<1x128xi32, #tpu.memory_space<vmem>> -> memref<128xi32, #tpu.memory_space<vmem>>
        %dma_start3A_713 = arith.constant 0 : i32
        %dma_start3A_714 = arith.constant 0 : i32
        %dma_start3A_715 = tpu.memref_slice %arg3[%dma_start3A_713, %dma_start3A_714] : memref<10000x16xf32, #tpu.memory_space<hbm>> -> memref<10000x16xf32, #tpu.memory_space<hbm>>
        %dma_start3A_716 = tpu.memref_slice %arg10[%dma_start3A_705] : memref<10x!tpu.dma_semaphore, #tpu.memory_space<semaphore_mem>> -> memref<1x!tpu.dma_semaphore, #tpu.memory_space<semaphore_mem>>
        %dma_start3A_717 = tpu.memref_squeeze %dma_start3A_716 : memref<1x!tpu.dma_semaphore, #tpu.memory_space<semaphore_mem>> -> memref<!tpu.dma_semaphore, #tpu.memory_space<semaphore_mem>>
        tpu.enqueue_indirect_dma source(%dma_start3A_715 : memref<10000x16xf32, #tpu.memory_space<hbm>>) target(%dma_start3A_709 : memref<128x16xf32, #tpu.memory_space<vmem>>) offsets(%dma_start3A_712 : memref<128xi32, #tpu.memory_space<vmem>>) semaphore(%dma_start3A_717 : memref<!tpu.dma_semaphore, #tpu.memory_space<semaphore_mem>>)
      } else {
      }
      %mul3A_614 = arith.constant 10 : i32
      %mul3A_615 = arith.muli %scan3A_272, %mul3A_614 : i32
      %add3A_616 = arith.constant 8 : i32
      %add3A_617 = arith.addi %mul3A_615, %add3A_616 : i32
      %dma_wait3A_618 = arith.constant 8 : i32
      %dma_wait3A_619 = arith.constant 8 : i32
      %dma_wait3A_620 = arith.constant 0 : i32
      %dma_wait3A_621 = arith.constant 0 : i32
      %dma_wait3A_622 = tpu.memref_slice %arg7[%dma_wait3A_618, %dma_wait3A_620, %dma_wait3A_621] : memref<10x128x16xf32, #tpu.memory_space<vmem>> -> memref<1x128x16xf32, #tpu.memory_space<vmem>>
      %dma_wait3A_623 = tpu.memref_squeeze %dma_wait3A_622 : memref<1x128x16xf32, #tpu.memory_space<vmem>> -> memref<128x16xf32, #tpu.memory_space<vmem>>
      %dma_wait3A_624 = arith.constant 0 : i32
      %dma_wait3A_625 = arith.constant 0 : i32
      %dma_wait3A_626 = tpu.memref_slice %arg3[%dma_wait3A_624, %dma_wait3A_625] : memref<10000x16xf32, #tpu.memory_space<hbm>> -> memref<128x16xf32, #tpu.memory_space<hbm>>
      %dma_wait3A_627 = tpu.memref_slice %arg10[%dma_wait3A_619] : memref<10x!tpu.dma_semaphore, #tpu.memory_space<semaphore_mem>> -> memref<1x!tpu.dma_semaphore, #tpu.memory_space<semaphore_mem>>
      %dma_wait3A_628 = tpu.memref_squeeze %dma_wait3A_627 : memref<1x!tpu.dma_semaphore, #tpu.memory_space<semaphore_mem>> -> memref<!tpu.dma_semaphore, #tpu.memory_space<semaphore_mem>>
      %dma_wait3A_629 = arith.constant 0 : i32
      %dma_wait3A_630 = arith.constant 0 : i32
      %dma_wait3A_631 = tpu.memref_slice %arg7[%dma_wait3A_618, %dma_wait3A_629, %dma_wait3A_630] : memref<10x128x16xf32, #tpu.memory_space<vmem>> -> memref<1x128x16xf32, #tpu.memory_space<vmem>>
      %dma_wait3A_632 = tpu.memref_squeeze %dma_wait3A_631 : memref<1x128x16xf32, #tpu.memory_space<vmem>> -> memref<128x16xf32, #tpu.memory_space<vmem>>
      %dma_wait3A_633 = arith.constant 0 : i32
      %dma_wait3A_634 = arith.constant 0 : i32
      %dma_wait3A_635 = tpu.memref_slice %arg3[%dma_wait3A_633, %dma_wait3A_634] : memref<10000x16xf32, #tpu.memory_space<hbm>> -> memref<128x16xf32, #tpu.memory_space<hbm>>
      tpu.wait_dma2 semaphore(%dma_wait3A_628 : memref<!tpu.dma_semaphore, #tpu.memory_space<semaphore_mem>>) src(%dma_wait3A_635 : memref<128x16xf32, #tpu.memory_space<hbm>>) dst(%dma_wait3A_632 : memref<128x16xf32, #tpu.memory_space<vmem>>)
      %dma_start3A_636 = arith.constant 8 : i32
      %dma_start3A_637 = arith.constant 8 : i32
      %dma_start3A_638 = arith.constant 0 : i32
      %dma_start3A_639 = arith.constant 0 : i32
      %dma_start3A_640 = tpu.memref_slice %arg7[%dma_start3A_636, %dma_start3A_638, %dma_start3A_639] : memref<10x128x16xf32, #tpu.memory_space<vmem>> -> memref<1x128x16xf32, #tpu.memory_space<vmem>>
      %dma_start3A_641 = tpu.memref_squeeze %dma_start3A_640 : memref<1x128x16xf32, #tpu.memory_space<vmem>> -> memref<128x16xf32, #tpu.memory_space<vmem>>
      %dma_start3A_642 = arith.constant 0 : i32
      %dma_start3A_643 = tpu.memref_slice %arg6[%add3A_617, %dma_start3A_642] : memref<80x128xi32, #tpu.memory_space<vmem>> -> memref<1x128xi32, #tpu.memory_space<vmem>>
      %dma_start3A_644 = tpu.memref_squeeze %dma_start3A_643 : memref<1x128xi32, #tpu.memory_space<vmem>> -> memref<128xi32, #tpu.memory_space<vmem>>
      %dma_start3A_645 = arith.constant 0 : i32
      %dma_start3A_646 = arith.constant 0 : i32
      %dma_start3A_647 = tpu.memref_slice %arg8[%dma_start3A_645, %dma_start3A_646] : memref<10112x16xf32, #tpu.memory_space<vmem_shared>> -> memref<10112x16xf32, #tpu.memory_space<vmem_shared>>
      %dma_start3A_648 = tpu.memref_slice %arg11[%dma_start3A_637] : memref<10x!tpu.dma_semaphore, #tpu.memory_space<semaphore_mem>> -> memref<1x!tpu.dma_semaphore, #tpu.memory_space<semaphore_mem>>
      %dma_start3A_649 = tpu.memref_squeeze %dma_start3A_648 : memref<1x!tpu.dma_semaphore, #tpu.memory_space<semaphore_mem>> -> memref<!tpu.dma_semaphore, #tpu.memory_space<semaphore_mem>>
      tpu.enqueue_indirect_dma source(%dma_start3A_641 : memref<128x16xf32, #tpu.memory_space<vmem>>) target(%dma_start3A_647 : memref<10112x16xf32, #tpu.memory_space<vmem_shared>>) offsets(%dma_start3A_644 : memref<128xi32, #tpu.memory_space<vmem>>) semaphore(%dma_start3A_649 : memref<!tpu.dma_semaphore, #tpu.memory_space<semaphore_mem>>) {add = true}
      %add3A_650 = arith.constant 5 : i32
      %add3A_651 = arith.addi %add3A_617, %add3A_650 : i32
      %lt3A_652 = arith.constant 80 : i32
      %lt3A_653 = arith.cmpi slt, %add3A_651, %lt3A_652 : i32
      %convert_element_type3A_654 = arith.extui %lt3A_653 : i1 to i32
      %cond3A_655 = arith.constant 0 : i32
      %cond3A_656 = arith.cmpi ne, %convert_element_type3A_654, %cond3A_655 : i32
      scf.if %cond3A_656 {
        %ge3A = arith.constant 5 : i32
        %ge3A_700 = arith.cmpi sge, %add3A_617, %ge3A : i32
        %convert_element_type3A_701 = arith.extui %ge3A_700 : i1 to i32
        %cond3A_702 = arith.constant 0 : i32
        %cond3A_703 = arith.cmpi ne, %convert_element_type3A_701, %cond3A_702 : i32
        scf.if %cond3A_703 {
          %dma_wait3A_718 = arith.constant 3 : i32
          %dma_wait3A_719 = arith.constant 3 : i32
          %dma_wait3A_720 = arith.constant 0 : i32
          %dma_wait3A_721 = arith.constant 0 : i32
          %dma_wait3A_722 = tpu.memref_slice %arg7[%dma_wait3A_718, %dma_wait3A_720, %dma_wait3A_721] : memref<10x128x16xf32, #tpu.memory_space<vmem>> -> memref<1x128x16xf32, #tpu.memory_space<vmem>>
          %dma_wait3A_723 = tpu.memref_squeeze %dma_wait3A_722 : memref<1x128x16xf32, #tpu.memory_space<vmem>> -> memref<128x16xf32, #tpu.memory_space<vmem>>
          %dma_wait3A_724 = arith.constant 0 : i32
          %dma_wait3A_725 = arith.constant 0 : i32
          %dma_wait3A_726 = tpu.memref_slice %arg3[%dma_wait3A_724, %dma_wait3A_725] : memref<10000x16xf32, #tpu.memory_space<hbm>> -> memref<128x16xf32, #tpu.memory_space<hbm>>
          %dma_wait3A_727 = tpu.memref_slice %arg11[%dma_wait3A_719] : memref<10x!tpu.dma_semaphore, #tpu.memory_space<semaphore_mem>> -> memref<1x!tpu.dma_semaphore, #tpu.memory_space<semaphore_mem>>
          %dma_wait3A_728 = tpu.memref_squeeze %dma_wait3A_727 : memref<1x!tpu.dma_semaphore, #tpu.memory_space<semaphore_mem>> -> memref<!tpu.dma_semaphore, #tpu.memory_space<semaphore_mem>>
          %dma_wait3A_729 = arith.constant 0 : i32
          %dma_wait3A_730 = arith.constant 0 : i32
          %dma_wait3A_731 = tpu.memref_slice %arg7[%dma_wait3A_718, %dma_wait3A_729, %dma_wait3A_730] : memref<10x128x16xf32, #tpu.memory_space<vmem>> -> memref<1x128x16xf32, #tpu.memory_space<vmem>>
          %dma_wait3A_732 = tpu.memref_squeeze %dma_wait3A_731 : memref<1x128x16xf32, #tpu.memory_space<vmem>> -> memref<128x16xf32, #tpu.memory_space<vmem>>
          %dma_wait3A_733 = arith.constant 0 : i32
          %dma_wait3A_734 = arith.constant 0 : i32
          %dma_wait3A_735 = tpu.memref_slice %arg3[%dma_wait3A_733, %dma_wait3A_734] : memref<10000x16xf32, #tpu.memory_space<hbm>> -> memref<128x16xf32, #tpu.memory_space<hbm>>
          tpu.wait_dma2 semaphore(%dma_wait3A_728 : memref<!tpu.dma_semaphore, #tpu.memory_space<semaphore_mem>>) src(%dma_wait3A_735 : memref<128x16xf32, #tpu.memory_space<hbm>>) dst(%dma_wait3A_732 : memref<128x16xf32, #tpu.memory_space<vmem>>)
        } else {
        }
        %dma_start3A_704 = arith.constant 3 : i32
        %dma_start3A_705 = arith.constant 3 : i32
        %dma_start3A_706 = arith.constant 0 : i32
        %dma_start3A_707 = arith.constant 0 : i32
        %dma_start3A_708 = tpu.memref_slice %arg7[%dma_start3A_704, %dma_start3A_706, %dma_start3A_707] : memref<10x128x16xf32, #tpu.memory_space<vmem>> -> memref<1x128x16xf32, #tpu.memory_space<vmem>>
        %dma_start3A_709 = tpu.memref_squeeze %dma_start3A_708 : memref<1x128x16xf32, #tpu.memory_space<vmem>> -> memref<128x16xf32, #tpu.memory_space<vmem>>
        %dma_start3A_710 = arith.constant 0 : i32
        %dma_start3A_711 = tpu.memref_slice %arg5[%add3A_651, %dma_start3A_710] : memref<80x128xi32, #tpu.memory_space<vmem>> -> memref<1x128xi32, #tpu.memory_space<vmem>>
        %dma_start3A_712 = tpu.memref_squeeze %dma_start3A_711 : memref<1x128xi32, #tpu.memory_space<vmem>> -> memref<128xi32, #tpu.memory_space<vmem>>
        %dma_start3A_713 = arith.constant 0 : i32
        %dma_start3A_714 = arith.constant 0 : i32
        %dma_start3A_715 = tpu.memref_slice %arg3[%dma_start3A_713, %dma_start3A_714] : memref<10000x16xf32, #tpu.memory_space<hbm>> -> memref<10000x16xf32, #tpu.memory_space<hbm>>
        %dma_start3A_716 = tpu.memref_slice %arg10[%dma_start3A_705] : memref<10x!tpu.dma_semaphore, #tpu.memory_space<semaphore_mem>> -> memref<1x!tpu.dma_semaphore, #tpu.memory_space<semaphore_mem>>
        %dma_start3A_717 = tpu.memref_squeeze %dma_start3A_716 : memref<1x!tpu.dma_semaphore, #tpu.memory_space<semaphore_mem>> -> memref<!tpu.dma_semaphore, #tpu.memory_space<semaphore_mem>>
        tpu.enqueue_indirect_dma source(%dma_start3A_715 : memref<10000x16xf32, #tpu.memory_space<hbm>>) target(%dma_start3A_709 : memref<128x16xf32, #tpu.memory_space<vmem>>) offsets(%dma_start3A_712 : memref<128xi32, #tpu.memory_space<vmem>>) semaphore(%dma_start3A_717 : memref<!tpu.dma_semaphore, #tpu.memory_space<semaphore_mem>>)
      } else {
      }
      %mul3A_657 = arith.constant 10 : i32
      %mul3A_658 = arith.muli %scan3A_272, %mul3A_657 : i32
      %add3A_659 = arith.constant 9 : i32
      %add3A_660 = arith.addi %mul3A_658, %add3A_659 : i32
      %dma_wait3A_661 = arith.constant 9 : i32
      %dma_wait3A_662 = arith.constant 9 : i32
      %dma_wait3A_663 = arith.constant 0 : i32
      %dma_wait3A_664 = arith.constant 0 : i32
      %dma_wait3A_665 = tpu.memref_slice %arg7[%dma_wait3A_661, %dma_wait3A_663, %dma_wait3A_664] : memref<10x128x16xf32, #tpu.memory_space<vmem>> -> memref<1x128x16xf32, #tpu.memory_space<vmem>>
      %dma_wait3A_666 = tpu.memref_squeeze %dma_wait3A_665 : memref<1x128x16xf32, #tpu.memory_space<vmem>> -> memref<128x16xf32, #tpu.memory_space<vmem>>
      %dma_wait3A_667 = arith.constant 0 : i32
      %dma_wait3A_668 = arith.constant 0 : i32
      %dma_wait3A_669 = tpu.memref_slice %arg3[%dma_wait3A_667, %dma_wait3A_668] : memref<10000x16xf32, #tpu.memory_space<hbm>> -> memref<128x16xf32, #tpu.memory_space<hbm>>
      %dma_wait3A_670 = tpu.memref_slice %arg10[%dma_wait3A_662] : memref<10x!tpu.dma_semaphore, #tpu.memory_space<semaphore_mem>> -> memref<1x!tpu.dma_semaphore, #tpu.memory_space<semaphore_mem>>
      %dma_wait3A_671 = tpu.memref_squeeze %dma_wait3A_670 : memref<1x!tpu.dma_semaphore, #tpu.memory_space<semaphore_mem>> -> memref<!tpu.dma_semaphore, #tpu.memory_space<semaphore_mem>>
      %dma_wait3A_672 = arith.constant 0 : i32
      %dma_wait3A_673 = arith.constant 0 : i32
      %dma_wait3A_674 = tpu.memref_slice %arg7[%dma_wait3A_661, %dma_wait3A_672, %dma_wait3A_673] : memref<10x128x16xf32, #tpu.memory_space<vmem>> -> memref<1x128x16xf32, #tpu.memory_space<vmem>>
      %dma_wait3A_675 = tpu.memref_squeeze %dma_wait3A_674 : memref<1x128x16xf32, #tpu.memory_space<vmem>> -> memref<128x16xf32, #tpu.memory_space<vmem>>
      %dma_wait3A_676 = arith.constant 0 : i32
      %dma_wait3A_677 = arith.constant 0 : i32
      %dma_wait3A_678 = tpu.memref_slice %arg3[%dma_wait3A_676, %dma_wait3A_677] : memref<10000x16xf32, #tpu.memory_space<hbm>> -> memref<128x16xf32, #tpu.memory_space<hbm>>
      tpu.wait_dma2 semaphore(%dma_wait3A_671 : memref<!tpu.dma_semaphore, #tpu.memory_space<semaphore_mem>>) src(%dma_wait3A_678 : memref<128x16xf32, #tpu.memory_space<hbm>>) dst(%dma_wait3A_675 : memref<128x16xf32, #tpu.memory_space<vmem>>)
      %dma_start3A_679 = arith.constant 9 : i32
      %dma_start3A_680 = arith.constant 9 : i32
      %dma_start3A_681 = arith.constant 0 : i32
      %dma_start3A_682 = arith.constant 0 : i32
      %dma_start3A_683 = tpu.memref_slice %arg7[%dma_start3A_679, %dma_start3A_681, %dma_start3A_682] : memref<10x128x16xf32, #tpu.memory_space<vmem>> -> memref<1x128x16xf32, #tpu.memory_space<vmem>>
      %dma_start3A_684 = tpu.memref_squeeze %dma_start3A_683 : memref<1x128x16xf32, #tpu.memory_space<vmem>> -> memref<128x16xf32, #tpu.memory_space<vmem>>
      %dma_start3A_685 = arith.constant 0 : i32
      %dma_start3A_686 = tpu.memref_slice %arg6[%add3A_660, %dma_start3A_685] : memref<80x128xi32, #tpu.memory_space<vmem>> -> memref<1x128xi32, #tpu.memory_space<vmem>>
      %dma_start3A_687 = tpu.memref_squeeze %dma_start3A_686 : memref<1x128xi32, #tpu.memory_space<vmem>> -> memref<128xi32, #tpu.memory_space<vmem>>
      %dma_start3A_688 = arith.constant 0 : i32
      %dma_start3A_689 = arith.constant 0 : i32
      %dma_start3A_690 = tpu.memref_slice %arg8[%dma_start3A_688, %dma_start3A_689] : memref<10112x16xf32, #tpu.memory_space<vmem_shared>> -> memref<10112x16xf32, #tpu.memory_space<vmem_shared>>
      %dma_start3A_691 = tpu.memref_slice %arg11[%dma_start3A_680] : memref<10x!tpu.dma_semaphore, #tpu.memory_space<semaphore_mem>> -> memref<1x!tpu.dma_semaphore, #tpu.memory_space<semaphore_mem>>
      %dma_start3A_692 = tpu.memref_squeeze %dma_start3A_691 : memref<1x!tpu.dma_semaphore, #tpu.memory_space<semaphore_mem>> -> memref<!tpu.dma_semaphore, #tpu.memory_space<semaphore_mem>>
      tpu.enqueue_indirect_dma source(%dma_start3A_684 : memref<128x16xf32, #tpu.memory_space<vmem>>) target(%dma_start3A_690 : memref<10112x16xf32, #tpu.memory_space<vmem_shared>>) offsets(%dma_start3A_687 : memref<128xi32, #tpu.memory_space<vmem>>) semaphore(%dma_start3A_692 : memref<!tpu.dma_semaphore, #tpu.memory_space<semaphore_mem>>) {add = true}
      %add3A_693 = arith.constant 5 : i32
      %add3A_694 = arith.addi %add3A_660, %add3A_693 : i32
      %lt3A_695 = arith.constant 80 : i32
      %lt3A_696 = arith.cmpi slt, %add3A_694, %lt3A_695 : i32
      %convert_element_type3A_697 = arith.extui %lt3A_696 : i1 to i32
      %cond3A_698 = arith.constant 0 : i32
      %cond3A_699 = arith.cmpi ne, %convert_element_type3A_697, %cond3A_698 : i32
      scf.if %cond3A_699 {
        %ge3A = arith.constant 5 : i32
        %ge3A_700 = arith.cmpi sge, %add3A_660, %ge3A : i32
        %convert_element_type3A_701 = arith.extui %ge3A_700 : i1 to i32
        %cond3A_702 = arith.constant 0 : i32
        %cond3A_703 = arith.cmpi ne, %convert_element_type3A_701, %cond3A_702 : i32
        scf.if %cond3A_703 {
          %dma_wait3A_718 = arith.constant 4 : i32
          %dma_wait3A_719 = arith.constant 4 : i32
          %dma_wait3A_720 = arith.constant 0 : i32
          %dma_wait3A_721 = arith.constant 0 : i32
          %dma_wait3A_722 = tpu.memref_slice %arg7[%dma_wait3A_718, %dma_wait3A_720, %dma_wait3A_721] : memref<10x128x16xf32, #tpu.memory_space<vmem>> -> memref<1x128x16xf32, #tpu.memory_space<vmem>>
          %dma_wait3A_723 = tpu.memref_squeeze %dma_wait3A_722 : memref<1x128x16xf32, #tpu.memory_space<vmem>> -> memref<128x16xf32, #tpu.memory_space<vmem>>
          %dma_wait3A_724 = arith.constant 0 : i32
          %dma_wait3A_725 = arith.constant 0 : i32
          %dma_wait3A_726 = tpu.memref_slice %arg3[%dma_wait3A_724, %dma_wait3A_725] : memref<10000x16xf32, #tpu.memory_space<hbm>> -> memref<128x16xf32, #tpu.memory_space<hbm>>
          %dma_wait3A_727 = tpu.memref_slice %arg11[%dma_wait3A_719] : memref<10x!tpu.dma_semaphore, #tpu.memory_space<semaphore_mem>> -> memref<1x!tpu.dma_semaphore, #tpu.memory_space<semaphore_mem>>
          %dma_wait3A_728 = tpu.memref_squeeze %dma_wait3A_727 : memref<1x!tpu.dma_semaphore, #tpu.memory_space<semaphore_mem>> -> memref<!tpu.dma_semaphore, #tpu.memory_space<semaphore_mem>>
          %dma_wait3A_729 = arith.constant 0 : i32
          %dma_wait3A_730 = arith.constant 0 : i32
          %dma_wait3A_731 = tpu.memref_slice %arg7[%dma_wait3A_718, %dma_wait3A_729, %dma_wait3A_730] : memref<10x128x16xf32, #tpu.memory_space<vmem>> -> memref<1x128x16xf32, #tpu.memory_space<vmem>>
          %dma_wait3A_732 = tpu.memref_squeeze %dma_wait3A_731 : memref<1x128x16xf32, #tpu.memory_space<vmem>> -> memref<128x16xf32, #tpu.memory_space<vmem>>
          %dma_wait3A_733 = arith.constant 0 : i32
          %dma_wait3A_734 = arith.constant 0 : i32
          %dma_wait3A_735 = tpu.memref_slice %arg3[%dma_wait3A_733, %dma_wait3A_734] : memref<10000x16xf32, #tpu.memory_space<hbm>> -> memref<128x16xf32, #tpu.memory_space<hbm>>
          tpu.wait_dma2 semaphore(%dma_wait3A_728 : memref<!tpu.dma_semaphore, #tpu.memory_space<semaphore_mem>>) src(%dma_wait3A_735 : memref<128x16xf32, #tpu.memory_space<hbm>>) dst(%dma_wait3A_732 : memref<128x16xf32, #tpu.memory_space<vmem>>)
        } else {
        }
        %dma_start3A_704 = arith.constant 4 : i32
        %dma_start3A_705 = arith.constant 4 : i32
        %dma_start3A_706 = arith.constant 0 : i32
        %dma_start3A_707 = arith.constant 0 : i32
        %dma_start3A_708 = tpu.memref_slice %arg7[%dma_start3A_704, %dma_start3A_706, %dma_start3A_707] : memref<10x128x16xf32, #tpu.memory_space<vmem>> -> memref<1x128x16xf32, #tpu.memory_space<vmem>>
        %dma_start3A_709 = tpu.memref_squeeze %dma_start3A_708 : memref<1x128x16xf32, #tpu.memory_space<vmem>> -> memref<128x16xf32, #tpu.memory_space<vmem>>
        %dma_start3A_710 = arith.constant 0 : i32
        %dma_start3A_711 = tpu.memref_slice %arg5[%add3A_694, %dma_start3A_710] : memref<80x128xi32, #tpu.memory_space<vmem>> -> memref<1x128xi32, #tpu.memory_space<vmem>>
        %dma_start3A_712 = tpu.memref_squeeze %dma_start3A_711 : memref<1x128xi32, #tpu.memory_space<vmem>> -> memref<128xi32, #tpu.memory_space<vmem>>
        %dma_start3A_713 = arith.constant 0 : i32
        %dma_start3A_714 = arith.constant 0 : i32
        %dma_start3A_715 = tpu.memref_slice %arg3[%dma_start3A_713, %dma_start3A_714] : memref<10000x16xf32, #tpu.memory_space<hbm>> -> memref<10000x16xf32, #tpu.memory_space<hbm>>
        %dma_start3A_716 = tpu.memref_slice %arg10[%dma_start3A_705] : memref<10x!tpu.dma_semaphore, #tpu.memory_space<semaphore_mem>> -> memref<1x!tpu.dma_semaphore, #tpu.memory_space<semaphore_mem>>
        %dma_start3A_717 = tpu.memref_squeeze %dma_start3A_716 : memref<1x!tpu.dma_semaphore, #tpu.memory_space<semaphore_mem>> -> memref<!tpu.dma_semaphore, #tpu.memory_space<semaphore_mem>>
        tpu.enqueue_indirect_dma source(%dma_start3A_715 : memref<10000x16xf32, #tpu.memory_space<hbm>>) target(%dma_start3A_709 : memref<128x16xf32, #tpu.memory_space<vmem>>) offsets(%dma_start3A_712 : memref<128xi32, #tpu.memory_space<vmem>>) semaphore(%dma_start3A_717 : memref<!tpu.dma_semaphore, #tpu.memory_space<semaphore_mem>>)
      } else {
      }
    }
    %scan3A_91 = arith.constant 8 : i32
    %dma_wait3A = arith.constant 0 : i32
    %dma_wait3A_92 = arith.constant 0 : i32
    %dma_wait3A_93 = arith.constant 0 : i32
    %dma_wait3A_94 = arith.constant 0 : i32
    %dma_wait3A_95 = tpu.memref_slice %arg7[%dma_wait3A, %dma_wait3A_93, %dma_wait3A_94] : memref<10x128x16xf32, #tpu.memory_space<vmem>> -> memref<1x128x16xf32, #tpu.memory_space<vmem>>
    %dma_wait3A_96 = tpu.memref_squeeze %dma_wait3A_95 : memref<1x128x16xf32, #tpu.memory_space<vmem>> -> memref<128x16xf32, #tpu.memory_space<vmem>>
    %dma_wait3A_97 = arith.constant 0 : i32
    %dma_wait3A_98 = arith.constant 0 : i32
    %dma_wait3A_99 = tpu.memref_slice %arg3[%dma_wait3A_97, %dma_wait3A_98] : memref<10000x16xf32, #tpu.memory_space<hbm>> -> memref<128x16xf32, #tpu.memory_space<hbm>>
    %dma_wait3A_100 = tpu.memref_slice %arg11[%dma_wait3A_92] : memref<10x!tpu.dma_semaphore, #tpu.memory_space<semaphore_mem>> -> memref<1x!tpu.dma_semaphore, #tpu.memory_space<semaphore_mem>>
    %dma_wait3A_101 = tpu.memref_squeeze %dma_wait3A_100 : memref<1x!tpu.dma_semaphore, #tpu.memory_space<semaphore_mem>> -> memref<!tpu.dma_semaphore, #tpu.memory_space<semaphore_mem>>
    %dma_wait3A_102 = arith.constant 0 : i32
    %dma_wait3A_103 = arith.constant 0 : i32
    %dma_wait3A_104 = tpu.memref_slice %arg7[%dma_wait3A, %dma_wait3A_102, %dma_wait3A_103] : memref<10x128x16xf32, #tpu.memory_space<vmem>> -> memref<1x128x16xf32, #tpu.memory_space<vmem>>
    %dma_wait3A_105 = tpu.memref_squeeze %dma_wait3A_104 : memref<1x128x16xf32, #tpu.memory_space<vmem>> -> memref<128x16xf32, #tpu.memory_space<vmem>>
    %dma_wait3A_106 = arith.constant 0 : i32
    %dma_wait3A_107 = arith.constant 0 : i32
    %dma_wait3A_108 = tpu.memref_slice %arg3[%dma_wait3A_106, %dma_wait3A_107] : memref<10000x16xf32, #tpu.memory_space<hbm>> -> memref<128x16xf32, #tpu.memory_space<hbm>>
    tpu.wait_dma2 semaphore(%dma_wait3A_101 : memref<!tpu.dma_semaphore, #tpu.memory_space<semaphore_mem>>) src(%dma_wait3A_108 : memref<128x16xf32, #tpu.memory_space<hbm>>) dst(%dma_wait3A_105 : memref<128x16xf32, #tpu.memory_space<vmem>>)
    %dma_wait3A_109 = arith.constant 1 : i32
    %dma_wait3A_110 = arith.constant 1 : i32
    %dma_wait3A_111 = arith.constant 0 : i32
    %dma_wait3A_112 = arith.constant 0 : i32
    %dma_wait3A_113 = tpu.memref_slice %arg7[%dma_wait3A_109, %dma_wait3A_111, %dma_wait3A_112] : memref<10x128x16xf32, #tpu.memory_space<vmem>> -> memref<1x128x16xf32, #tpu.memory_space<vmem>>
    %dma_wait3A_114 = tpu.memref_squeeze %dma_wait3A_113 : memref<1x128x16xf32, #tpu.memory_space<vmem>> -> memref<128x16xf32, #tpu.memory_space<vmem>>
    %dma_wait3A_115 = arith.constant 0 : i32
    %dma_wait3A_116 = arith.constant 0 : i32
    %dma_wait3A_117 = tpu.memref_slice %arg3[%dma_wait3A_115, %dma_wait3A_116] : memref<10000x16xf32, #tpu.memory_space<hbm>> -> memref<128x16xf32, #tpu.memory_space<hbm>>
    %dma_wait3A_118 = tpu.memref_slice %arg11[%dma_wait3A_110] : memref<10x!tpu.dma_semaphore, #tpu.memory_space<semaphore_mem>> -> memref<1x!tpu.dma_semaphore, #tpu.memory_space<semaphore_mem>>
    %dma_wait3A_119 = tpu.memref_squeeze %dma_wait3A_118 : memref<1x!tpu.dma_semaphore, #tpu.memory_space<semaphore_mem>> -> memref<!tpu.dma_semaphore, #tpu.memory_space<semaphore_mem>>
    %dma_wait3A_120 = arith.constant 0 : i32
    %dma_wait3A_121 = arith.constant 0 : i32
    %dma_wait3A_122 = tpu.memref_slice %arg7[%dma_wait3A_109, %dma_wait3A_120, %dma_wait3A_121] : memref<10x128x16xf32, #tpu.memory_space<vmem>> -> memref<1x128x16xf32, #tpu.memory_space<vmem>>
    %dma_wait3A_123 = tpu.memref_squeeze %dma_wait3A_122 : memref<1x128x16xf32, #tpu.memory_space<vmem>> -> memref<128x16xf32, #tpu.memory_space<vmem>>
    %dma_wait3A_124 = arith.constant 0 : i32
    %dma_wait3A_125 = arith.constant 0 : i32
    %dma_wait3A_126 = tpu.memref_slice %arg3[%dma_wait3A_124, %dma_wait3A_125] : memref<10000x16xf32, #tpu.memory_space<hbm>> -> memref<128x16xf32, #tpu.memory_space<hbm>>
    tpu.wait_dma2 semaphore(%dma_wait3A_119 : memref<!tpu.dma_semaphore, #tpu.memory_space<semaphore_mem>>) src(%dma_wait3A_126 : memref<128x16xf32, #tpu.memory_space<hbm>>) dst(%dma_wait3A_123 : memref<128x16xf32, #tpu.memory_space<vmem>>)
    %dma_wait3A_127 = arith.constant 2 : i32
    %dma_wait3A_128 = arith.constant 2 : i32
    %dma_wait3A_129 = arith.constant 0 : i32
    %dma_wait3A_130 = arith.constant 0 : i32
    %dma_wait3A_131 = tpu.memref_slice %arg7[%dma_wait3A_127, %dma_wait3A_129, %dma_wait3A_130] : memref<10x128x16xf32, #tpu.memory_space<vmem>> -> memref<1x128x16xf32, #tpu.memory_space<vmem>>
    %dma_wait3A_132 = tpu.memref_squeeze %dma_wait3A_131 : memref<1x128x16xf32, #tpu.memory_space<vmem>> -> memref<128x16xf32, #tpu.memory_space<vmem>>
    %dma_wait3A_133 = arith.constant 0 : i32
    %dma_wait3A_134 = arith.constant 0 : i32
    %dma_wait3A_135 = tpu.memref_slice %arg3[%dma_wait3A_133, %dma_wait3A_134] : memref<10000x16xf32, #tpu.memory_space<hbm>> -> memref<128x16xf32, #tpu.memory_space<hbm>>
    %dma_wait3A_136 = tpu.memref_slice %arg11[%dma_wait3A_128] : memref<10x!tpu.dma_semaphore, #tpu.memory_space<semaphore_mem>> -> memref<1x!tpu.dma_semaphore, #tpu.memory_space<semaphore_mem>>
    %dma_wait3A_137 = tpu.memref_squeeze %dma_wait3A_136 : memref<1x!tpu.dma_semaphore, #tpu.memory_space<semaphore_mem>> -> memref<!tpu.dma_semaphore, #tpu.memory_space<semaphore_mem>>
    %dma_wait3A_138 = arith.constant 0 : i32
    %dma_wait3A_139 = arith.constant 0 : i32
    %dma_wait3A_140 = tpu.memref_slice %arg7[%dma_wait3A_127, %dma_wait3A_138, %dma_wait3A_139] : memref<10x128x16xf32, #tpu.memory_space<vmem>> -> memref<1x128x16xf32, #tpu.memory_space<vmem>>
    %dma_wait3A_141 = tpu.memref_squeeze %dma_wait3A_140 : memref<1x128x16xf32, #tpu.memory_space<vmem>> -> memref<128x16xf32, #tpu.memory_space<vmem>>
    %dma_wait3A_142 = arith.constant 0 : i32
    %dma_wait3A_143 = arith.constant 0 : i32
    %dma_wait3A_144 = tpu.memref_slice %arg3[%dma_wait3A_142, %dma_wait3A_143] : memref<10000x16xf32, #tpu.memory_space<hbm>> -> memref<128x16xf32, #tpu.memory_space<hbm>>
    tpu.wait_dma2 semaphore(%dma_wait3A_137 : memref<!tpu.dma_semaphore, #tpu.memory_space<semaphore_mem>>) src(%dma_wait3A_144 : memref<128x16xf32, #tpu.memory_space<hbm>>) dst(%dma_wait3A_141 : memref<128x16xf32, #tpu.memory_space<vmem>>)
    %dma_wait3A_145 = arith.constant 3 : i32
    %dma_wait3A_146 = arith.constant 3 : i32
    %dma_wait3A_147 = arith.constant 0 : i32
    %dma_wait3A_148 = arith.constant 0 : i32
    %dma_wait3A_149 = tpu.memref_slice %arg7[%dma_wait3A_145, %dma_wait3A_147, %dma_wait3A_148] : memref<10x128x16xf32, #tpu.memory_space<vmem>> -> memref<1x128x16xf32, #tpu.memory_space<vmem>>
    %dma_wait3A_150 = tpu.memref_squeeze %dma_wait3A_149 : memref<1x128x16xf32, #tpu.memory_space<vmem>> -> memref<128x16xf32, #tpu.memory_space<vmem>>
    %dma_wait3A_151 = arith.constant 0 : i32
    %dma_wait3A_152 = arith.constant 0 : i32
    %dma_wait3A_153 = tpu.memref_slice %arg3[%dma_wait3A_151, %dma_wait3A_152] : memref<10000x16xf32, #tpu.memory_space<hbm>> -> memref<128x16xf32, #tpu.memory_space<hbm>>
    %dma_wait3A_154 = tpu.memref_slice %arg11[%dma_wait3A_146] : memref<10x!tpu.dma_semaphore, #tpu.memory_space<semaphore_mem>> -> memref<1x!tpu.dma_semaphore, #tpu.memory_space<semaphore_mem>>
    %dma_wait3A_155 = tpu.memref_squeeze %dma_wait3A_154 : memref<1x!tpu.dma_semaphore, #tpu.memory_space<semaphore_mem>> -> memref<!tpu.dma_semaphore, #tpu.memory_space<semaphore_mem>>
    %dma_wait3A_156 = arith.constant 0 : i32
    %dma_wait3A_157 = arith.constant 0 : i32
    %dma_wait3A_158 = tpu.memref_slice %arg7[%dma_wait3A_145, %dma_wait3A_156, %dma_wait3A_157] : memref<10x128x16xf32, #tpu.memory_space<vmem>> -> memref<1x128x16xf32, #tpu.memory_space<vmem>>
    %dma_wait3A_159 = tpu.memref_squeeze %dma_wait3A_158 : memref<1x128x16xf32, #tpu.memory_space<vmem>> -> memref<128x16xf32, #tpu.memory_space<vmem>>
    %dma_wait3A_160 = arith.constant 0 : i32
    %dma_wait3A_161 = arith.constant 0 : i32
    %dma_wait3A_162 = tpu.memref_slice %arg3[%dma_wait3A_160, %dma_wait3A_161] : memref<10000x16xf32, #tpu.memory_space<hbm>> -> memref<128x16xf32, #tpu.memory_space<hbm>>
    tpu.wait_dma2 semaphore(%dma_wait3A_155 : memref<!tpu.dma_semaphore, #tpu.memory_space<semaphore_mem>>) src(%dma_wait3A_162 : memref<128x16xf32, #tpu.memory_space<hbm>>) dst(%dma_wait3A_159 : memref<128x16xf32, #tpu.memory_space<vmem>>)
    %dma_wait3A_163 = arith.constant 4 : i32
    %dma_wait3A_164 = arith.constant 4 : i32
    %dma_wait3A_165 = arith.constant 0 : i32
    %dma_wait3A_166 = arith.constant 0 : i32
    %dma_wait3A_167 = tpu.memref_slice %arg7[%dma_wait3A_163, %dma_wait3A_165, %dma_wait3A_166] : memref<10x128x16xf32, #tpu.memory_space<vmem>> -> memref<1x128x16xf32, #tpu.memory_space<vmem>>
    %dma_wait3A_168 = tpu.memref_squeeze %dma_wait3A_167 : memref<1x128x16xf32, #tpu.memory_space<vmem>> -> memref<128x16xf32, #tpu.memory_space<vmem>>
    %dma_wait3A_169 = arith.constant 0 : i32
    %dma_wait3A_170 = arith.constant 0 : i32
    %dma_wait3A_171 = tpu.memref_slice %arg3[%dma_wait3A_169, %dma_wait3A_170] : memref<10000x16xf32, #tpu.memory_space<hbm>> -> memref<128x16xf32, #tpu.memory_space<hbm>>
    %dma_wait3A_172 = tpu.memref_slice %arg11[%dma_wait3A_164] : memref<10x!tpu.dma_semaphore, #tpu.memory_space<semaphore_mem>> -> memref<1x!tpu.dma_semaphore, #tpu.memory_space<semaphore_mem>>
    %dma_wait3A_173 = tpu.memref_squeeze %dma_wait3A_172 : memref<1x!tpu.dma_semaphore, #tpu.memory_space<semaphore_mem>> -> memref<!tpu.dma_semaphore, #tpu.memory_space<semaphore_mem>>
    %dma_wait3A_174 = arith.constant 0 : i32
    %dma_wait3A_175 = arith.constant 0 : i32
    %dma_wait3A_176 = tpu.memref_slice %arg7[%dma_wait3A_163, %dma_wait3A_174, %dma_wait3A_175] : memref<10x128x16xf32, #tpu.memory_space<vmem>> -> memref<1x128x16xf32, #tpu.memory_space<vmem>>
    %dma_wait3A_177 = tpu.memref_squeeze %dma_wait3A_176 : memref<1x128x16xf32, #tpu.memory_space<vmem>> -> memref<128x16xf32, #tpu.memory_space<vmem>>
    %dma_wait3A_178 = arith.constant 0 : i32
    %dma_wait3A_179 = arith.constant 0 : i32
    %dma_wait3A_180 = tpu.memref_slice %arg3[%dma_wait3A_178, %dma_wait3A_179] : memref<10000x16xf32, #tpu.memory_space<hbm>> -> memref<128x16xf32, #tpu.memory_space<hbm>>
    tpu.wait_dma2 semaphore(%dma_wait3A_173 : memref<!tpu.dma_semaphore, #tpu.memory_space<semaphore_mem>>) src(%dma_wait3A_180 : memref<128x16xf32, #tpu.memory_space<hbm>>) dst(%dma_wait3A_177 : memref<128x16xf32, #tpu.memory_space<vmem>>)
    %dma_wait3A_181 = arith.constant 5 : i32
    %dma_wait3A_182 = arith.constant 5 : i32
    %dma_wait3A_183 = arith.constant 0 : i32
    %dma_wait3A_184 = arith.constant 0 : i32
    %dma_wait3A_185 = tpu.memref_slice %arg7[%dma_wait3A_181, %dma_wait3A_183, %dma_wait3A_184] : memref<10x128x16xf32, #tpu.memory_space<vmem>> -> memref<1x128x16xf32, #tpu.memory_space<vmem>>
    %dma_wait3A_186 = tpu.memref_squeeze %dma_wait3A_185 : memref<1x128x16xf32, #tpu.memory_space<vmem>> -> memref<128x16xf32, #tpu.memory_space<vmem>>
    %dma_wait3A_187 = arith.constant 0 : i32
    %dma_wait3A_188 = arith.constant 0 : i32
    %dma_wait3A_189 = tpu.memref_slice %arg3[%dma_wait3A_187, %dma_wait3A_188] : memref<10000x16xf32, #tpu.memory_space<hbm>> -> memref<128x16xf32, #tpu.memory_space<hbm>>
    %dma_wait3A_190 = tpu.memref_slice %arg11[%dma_wait3A_182] : memref<10x!tpu.dma_semaphore, #tpu.memory_space<semaphore_mem>> -> memref<1x!tpu.dma_semaphore, #tpu.memory_space<semaphore_mem>>
    %dma_wait3A_191 = tpu.memref_squeeze %dma_wait3A_190 : memref<1x!tpu.dma_semaphore, #tpu.memory_space<semaphore_mem>> -> memref<!tpu.dma_semaphore, #tpu.memory_space<semaphore_mem>>
    %dma_wait3A_192 = arith.constant 0 : i32
    %dma_wait3A_193 = arith.constant 0 : i32
    %dma_wait3A_194 = tpu.memref_slice %arg7[%dma_wait3A_181, %dma_wait3A_192, %dma_wait3A_193] : memref<10x128x16xf32, #tpu.memory_space<vmem>> -> memref<1x128x16xf32, #tpu.memory_space<vmem>>
    %dma_wait3A_195 = tpu.memref_squeeze %dma_wait3A_194 : memref<1x128x16xf32, #tpu.memory_space<vmem>> -> memref<128x16xf32, #tpu.memory_space<vmem>>
    %dma_wait3A_196 = arith.constant 0 : i32
    %dma_wait3A_197 = arith.constant 0 : i32
    %dma_wait3A_198 = tpu.memref_slice %arg3[%dma_wait3A_196, %dma_wait3A_197] : memref<10000x16xf32, #tpu.memory_space<hbm>> -> memref<128x16xf32, #tpu.memory_space<hbm>>
    tpu.wait_dma2 semaphore(%dma_wait3A_191 : memref<!tpu.dma_semaphore, #tpu.memory_space<semaphore_mem>>) src(%dma_wait3A_198 : memref<128x16xf32, #tpu.memory_space<hbm>>) dst(%dma_wait3A_195 : memref<128x16xf32, #tpu.memory_space<vmem>>)
    %dma_wait3A_199 = arith.constant 6 : i32
    %dma_wait3A_200 = arith.constant 6 : i32
    %dma_wait3A_201 = arith.constant 0 : i32
    %dma_wait3A_202 = arith.constant 0 : i32
    %dma_wait3A_203 = tpu.memref_slice %arg7[%dma_wait3A_199, %dma_wait3A_201, %dma_wait3A_202] : memref<10x128x16xf32, #tpu.memory_space<vmem>> -> memref<1x128x16xf32, #tpu.memory_space<vmem>>
    %dma_wait3A_204 = tpu.memref_squeeze %dma_wait3A_203 : memref<1x128x16xf32, #tpu.memory_space<vmem>> -> memref<128x16xf32, #tpu.memory_space<vmem>>
    %dma_wait3A_205 = arith.constant 0 : i32
    %dma_wait3A_206 = arith.constant 0 : i32
    %dma_wait3A_207 = tpu.memref_slice %arg3[%dma_wait3A_205, %dma_wait3A_206] : memref<10000x16xf32, #tpu.memory_space<hbm>> -> memref<128x16xf32, #tpu.memory_space<hbm>>
    %dma_wait3A_208 = tpu.memref_slice %arg11[%dma_wait3A_200] : memref<10x!tpu.dma_semaphore, #tpu.memory_space<semaphore_mem>> -> memref<1x!tpu.dma_semaphore, #tpu.memory_space<semaphore_mem>>
    %dma_wait3A_209 = tpu.memref_squeeze %dma_wait3A_208 : memref<1x!tpu.dma_semaphore, #tpu.memory_space<semaphore_mem>> -> memref<!tpu.dma_semaphore, #tpu.memory_space<semaphore_mem>>
    %dma_wait3A_210 = arith.constant 0 : i32
    %dma_wait3A_211 = arith.constant 0 : i32
    %dma_wait3A_212 = tpu.memref_slice %arg7[%dma_wait3A_199, %dma_wait3A_210, %dma_wait3A_211] : memref<10x128x16xf32, #tpu.memory_space<vmem>> -> memref<1x128x16xf32, #tpu.memory_space<vmem>>
    %dma_wait3A_213 = tpu.memref_squeeze %dma_wait3A_212 : memref<1x128x16xf32, #tpu.memory_space<vmem>> -> memref<128x16xf32, #tpu.memory_space<vmem>>
    %dma_wait3A_214 = arith.constant 0 : i32
    %dma_wait3A_215 = arith.constant 0 : i32
    %dma_wait3A_216 = tpu.memref_slice %arg3[%dma_wait3A_214, %dma_wait3A_215] : memref<10000x16xf32, #tpu.memory_space<hbm>> -> memref<128x16xf32, #tpu.memory_space<hbm>>
    tpu.wait_dma2 semaphore(%dma_wait3A_209 : memref<!tpu.dma_semaphore, #tpu.memory_space<semaphore_mem>>) src(%dma_wait3A_216 : memref<128x16xf32, #tpu.memory_space<hbm>>) dst(%dma_wait3A_213 : memref<128x16xf32, #tpu.memory_space<vmem>>)
    %dma_wait3A_217 = arith.constant 7 : i32
    %dma_wait3A_218 = arith.constant 7 : i32
    %dma_wait3A_219 = arith.constant 0 : i32
    %dma_wait3A_220 = arith.constant 0 : i32
    %dma_wait3A_221 = tpu.memref_slice %arg7[%dma_wait3A_217, %dma_wait3A_219, %dma_wait3A_220] : memref<10x128x16xf32, #tpu.memory_space<vmem>> -> memref<1x128x16xf32, #tpu.memory_space<vmem>>
    %dma_wait3A_222 = tpu.memref_squeeze %dma_wait3A_221 : memref<1x128x16xf32, #tpu.memory_space<vmem>> -> memref<128x16xf32, #tpu.memory_space<vmem>>
    %dma_wait3A_223 = arith.constant 0 : i32
    %dma_wait3A_224 = arith.constant 0 : i32
    %dma_wait3A_225 = tpu.memref_slice %arg3[%dma_wait3A_223, %dma_wait3A_224] : memref<10000x16xf32, #tpu.memory_space<hbm>> -> memref<128x16xf32, #tpu.memory_space<hbm>>
    %dma_wait3A_226 = tpu.memref_slice %arg11[%dma_wait3A_218] : memref<10x!tpu.dma_semaphore, #tpu.memory_space<semaphore_mem>> -> memref<1x!tpu.dma_semaphore, #tpu.memory_space<semaphore_mem>>
    %dma_wait3A_227 = tpu.memref_squeeze %dma_wait3A_226 : memref<1x!tpu.dma_semaphore, #tpu.memory_space<semaphore_mem>> -> memref<!tpu.dma_semaphore, #tpu.memory_space<semaphore_mem>>
    %dma_wait3A_228 = arith.constant 0 : i32
    %dma_wait3A_229 = arith.constant 0 : i32
    %dma_wait3A_230 = tpu.memref_slice %arg7[%dma_wait3A_217, %dma_wait3A_228, %dma_wait3A_229] : memref<10x128x16xf32, #tpu.memory_space<vmem>> -> memref<1x128x16xf32, #tpu.memory_space<vmem>>
    %dma_wait3A_231 = tpu.memref_squeeze %dma_wait3A_230 : memref<1x128x16xf32, #tpu.memory_space<vmem>> -> memref<128x16xf32, #tpu.memory_space<vmem>>
    %dma_wait3A_232 = arith.constant 0 : i32
    %dma_wait3A_233 = arith.constant 0 : i32
    %dma_wait3A_234 = tpu.memref_slice %arg3[%dma_wait3A_232, %dma_wait3A_233] : memref<10000x16xf32, #tpu.memory_space<hbm>> -> memref<128x16xf32, #tpu.memory_space<hbm>>
    tpu.wait_dma2 semaphore(%dma_wait3A_227 : memref<!tpu.dma_semaphore, #tpu.memory_space<semaphore_mem>>) src(%dma_wait3A_234 : memref<128x16xf32, #tpu.memory_space<hbm>>) dst(%dma_wait3A_231 : memref<128x16xf32, #tpu.memory_space<vmem>>)
    %dma_wait3A_235 = arith.constant 8 : i32
    %dma_wait3A_236 = arith.constant 8 : i32
    %dma_wait3A_237 = arith.constant 0 : i32
    %dma_wait3A_238 = arith.constant 0 : i32
    %dma_wait3A_239 = tpu.memref_slice %arg7[%dma_wait3A_235, %dma_wait3A_237, %dma_wait3A_238] : memref<10x128x16xf32, #tpu.memory_space<vmem>> -> memref<1x128x16xf32, #tpu.memory_space<vmem>>
    %dma_wait3A_240 = tpu.memref_squeeze %dma_wait3A_239 : memref<1x128x16xf32, #tpu.memory_space<vmem>> -> memref<128x16xf32, #tpu.memory_space<vmem>>
    %dma_wait3A_241 = arith.constant 0 : i32
    %dma_wait3A_242 = arith.constant 0 : i32
    %dma_wait3A_243 = tpu.memref_slice %arg3[%dma_wait3A_241, %dma_wait3A_242] : memref<10000x16xf32, #tpu.memory_space<hbm>> -> memref<128x16xf32, #tpu.memory_space<hbm>>
    %dma_wait3A_244 = tpu.memref_slice %arg11[%dma_wait3A_236] : memref<10x!tpu.dma_semaphore, #tpu.memory_space<semaphore_mem>> -> memref<1x!tpu.dma_semaphore, #tpu.memory_space<semaphore_mem>>
    %dma_wait3A_245 = tpu.memref_squeeze %dma_wait3A_244 : memref<1x!tpu.dma_semaphore, #tpu.memory_space<semaphore_mem>> -> memref<!tpu.dma_semaphore, #tpu.memory_space<semaphore_mem>>
    %dma_wait3A_246 = arith.constant 0 : i32
    %dma_wait3A_247 = arith.constant 0 : i32
    %dma_wait3A_248 = tpu.memref_slice %arg7[%dma_wait3A_235, %dma_wait3A_246, %dma_wait3A_247] : memref<10x128x16xf32, #tpu.memory_space<vmem>> -> memref<1x128x16xf32, #tpu.memory_space<vmem>>
    %dma_wait3A_249 = tpu.memref_squeeze %dma_wait3A_248 : memref<1x128x16xf32, #tpu.memory_space<vmem>> -> memref<128x16xf32, #tpu.memory_space<vmem>>
    %dma_wait3A_250 = arith.constant 0 : i32
    %dma_wait3A_251 = arith.constant 0 : i32
    %dma_wait3A_252 = tpu.memref_slice %arg3[%dma_wait3A_250, %dma_wait3A_251] : memref<10000x16xf32, #tpu.memory_space<hbm>> -> memref<128x16xf32, #tpu.memory_space<hbm>>
    tpu.wait_dma2 semaphore(%dma_wait3A_245 : memref<!tpu.dma_semaphore, #tpu.memory_space<semaphore_mem>>) src(%dma_wait3A_252 : memref<128x16xf32, #tpu.memory_space<hbm>>) dst(%dma_wait3A_249 : memref<128x16xf32, #tpu.memory_space<vmem>>)
    %dma_wait3A_253 = arith.constant 9 : i32
    %dma_wait3A_254 = arith.constant 9 : i32
    %dma_wait3A_255 = arith.constant 0 : i32
    %dma_wait3A_256 = arith.constant 0 : i32
    %dma_wait3A_257 = tpu.memref_slice %arg7[%dma_wait3A_253, %dma_wait3A_255, %dma_wait3A_256] : memref<10x128x16xf32, #tpu.memory_space<vmem>> -> memref<1x128x16xf32, #tpu.memory_space<vmem>>
    %dma_wait3A_258 = tpu.memref_squeeze %dma_wait3A_257 : memref<1x128x16xf32, #tpu.memory_space<vmem>> -> memref<128x16xf32, #tpu.memory_space<vmem>>
    %dma_wait3A_259 = arith.constant 0 : i32
    %dma_wait3A_260 = arith.constant 0 : i32
    %dma_wait3A_261 = tpu.memref_slice %arg3[%dma_wait3A_259, %dma_wait3A_260] : memref<10000x16xf32, #tpu.memory_space<hbm>> -> memref<128x16xf32, #tpu.memory_space<hbm>>
    %dma_wait3A_262 = tpu.memref_slice %arg11[%dma_wait3A_254] : memref<10x!tpu.dma_semaphore, #tpu.memory_space<semaphore_mem>> -> memref<1x!tpu.dma_semaphore, #tpu.memory_space<semaphore_mem>>
    %dma_wait3A_263 = tpu.memref_squeeze %dma_wait3A_262 : memref<1x!tpu.dma_semaphore, #tpu.memory_space<semaphore_mem>> -> memref<!tpu.dma_semaphore, #tpu.memory_space<semaphore_mem>>
    %dma_wait3A_264 = arith.constant 0 : i32
    %dma_wait3A_265 = arith.constant 0 : i32
    %dma_wait3A_266 = tpu.memref_slice %arg7[%dma_wait3A_253, %dma_wait3A_264, %dma_wait3A_265] : memref<10x128x16xf32, #tpu.memory_space<vmem>> -> memref<1x128x16xf32, #tpu.memory_space<vmem>>
    %dma_wait3A_267 = tpu.memref_squeeze %dma_wait3A_266 : memref<1x128x16xf32, #tpu.memory_space<vmem>> -> memref<128x16xf32, #tpu.memory_space<vmem>>
    %dma_wait3A_268 = arith.constant 0 : i32
    %dma_wait3A_269 = arith.constant 0 : i32
    %dma_wait3A_270 = tpu.memref_slice %arg3[%dma_wait3A_268, %dma_wait3A_269] : memref<10000x16xf32, #tpu.memory_space<hbm>> -> memref<128x16xf32, #tpu.memory_space<hbm>>
    tpu.wait_dma2 semaphore(%dma_wait3A_263 : memref<!tpu.dma_semaphore, #tpu.memory_space<semaphore_mem>>) src(%dma_wait3A_270 : memref<128x16xf32, #tpu.memory_space<hbm>>) dst(%dma_wait3A_267 : memref<128x16xf32, #tpu.memory_space<vmem>>)
    %barrier3A_271 = arith.constant 0 : index
    tpu.barrier barrier_id(%barrier3A_271)
    "tpu.region"() ({
      %run_scoped3A_272 = tpu.sem_alloc : memref<!tpu.dma_semaphore, #tpu.memory_space<semaphore_mem>>
      %dma_start3A_273 = arith.constant 0 : i32
      %dma_start3A_274 = tpu.memref_slice %arg8[%multiple_of3A_6, %dma_start3A_273] : memref<10112x16xf32, #tpu.memory_space<vmem_shared>> -> memref<632x16xf32, #tpu.memory_space<vmem_shared>>
      %dma_start3A_275 = arith.constant 0 : i32
      %dma_start3A_276 = tpu.memref_slice %arg8[%multiple_of3A_6, %dma_start3A_275] : memref<10112x16xf32, #tpu.memory_space<vmem_shared>> -> memref<632x16xf32, #tpu.memory_space<vmem_shared>>
      tpu.enqueue_dma source(%dma_start3A_276 : memref<632x16xf32, #tpu.memory_space<vmem_shared>>) target(%arg9 : memref<632x16xf32, #tpu.memory_space<vmem>>) target_semaphore(%run_scoped3A_272 : memref<!tpu.dma_semaphore, #tpu.memory_space<semaphore_mem>>)
      %dma_wait3A_277 = arith.constant 0 : i32
      %dma_wait3A_278 = tpu.memref_slice %arg8[%multiple_of3A_6, %dma_wait3A_277] : memref<10112x16xf32, #tpu.memory_space<vmem_shared>> -> memref<632x16xf32, #tpu.memory_space<vmem_shared>>
      %dma_wait3A_279 = arith.constant 0 : i32
      %dma_wait3A_280 = tpu.memref_slice %arg8[%multiple_of3A_6, %dma_wait3A_279] : memref<10112x16xf32, #tpu.memory_space<vmem_shared>> -> memref<632x16xf32, #tpu.memory_space<vmem_shared>>
      tpu.wait_dma2 semaphore(%run_scoped3A_272 : memref<!tpu.dma_semaphore, #tpu.memory_space<semaphore_mem>>) src(%dma_wait3A_280 : memref<632x16xf32, #tpu.memory_space<vmem_shared>>) dst(%arg9 : memref<632x16xf32, #tpu.memory_space<vmem>>)
      tpu.yield
    }) : () -> ()
    "tpu.region"() ({
      %run_scoped3A_272 = tpu.sem_alloc : memref<!tpu.dma_semaphore, #tpu.memory_space<semaphore_mem>>
      %dma_start3A_273 = arith.constant 0 : i32
      %dma_start3A_274 = tpu.memref_slice %arg4[%arg0, %multiple_of3A_6, %dma_start3A_273] : memref<2x10112x16xf32, #tpu.memory_space<hbm>> -> memref<1x632x16xf32, #tpu.memory_space<hbm>>
      %dma_start3A_275 = tpu.memref_squeeze %dma_start3A_274 : memref<1x632x16xf32, #tpu.memory_space<hbm>> -> memref<632x16xf32, #tpu.memory_space<hbm>>
      %dma_start3A_276 = arith.constant 0 : i32
      %dma_start3A_277 = tpu.memref_slice %arg4[%arg0, %multiple_of3A_6, %dma_start3A_276] : memref<2x10112x16xf32, #tpu.memory_space<hbm>> -> memref<1x632x16xf32, #tpu.memory_space<hbm>>
      %dma_start3A_278 = tpu.memref_squeeze %dma_start3A_277 : memref<1x632x16xf32, #tpu.memory_space<hbm>> -> memref<632x16xf32, #tpu.memory_space<hbm>>
      tpu.enqueue_dma source(%arg9 : memref<632x16xf32, #tpu.memory_space<vmem>>) target(%dma_start3A_278 : memref<632x16xf32, #tpu.memory_space<hbm>>) target_semaphore(%run_scoped3A_272 : memref<!tpu.dma_semaphore, #tpu.memory_space<semaphore_mem>>)
      %dma_wait3A_279 = arith.constant 0 : i32
      %dma_wait3A_280 = tpu.memref_slice %arg4[%arg0, %multiple_of3A_6, %dma_wait3A_279] : memref<2x10112x16xf32, #tpu.memory_space<hbm>> -> memref<1x632x16xf32, #tpu.memory_space<hbm>>
      %dma_wait3A_281 = tpu.memref_squeeze %dma_wait3A_280 : memref<1x632x16xf32, #tpu.memory_space<hbm>> -> memref<632x16xf32, #tpu.memory_space<hbm>>
      %dma_wait3A_282 = arith.constant 0 : i32
      %dma_wait3A_283 = tpu.memref_slice %arg4[%arg0, %multiple_of3A_6, %dma_wait3A_282] : memref<2x10112x16xf32, #tpu.memory_space<hbm>> -> memref<1x632x16xf32, #tpu.memory_space<hbm>>
      %dma_wait3A_284 = tpu.memref_squeeze %dma_wait3A_283 : memref<1x632x16xf32, #tpu.memory_space<hbm>> -> memref<632x16xf32, #tpu.memory_space<hbm>>
      tpu.wait_dma2 semaphore(%run_scoped3A_272 : memref<!tpu.dma_semaphore, #tpu.memory_space<semaphore_mem>>) src(%arg9 : memref<632x16xf32, #tpu.memory_space<vmem>>) dst(%dma_wait3A_284 : memref<632x16xf32, #tpu.memory_space<hbm>>)
      tpu.yield
    }) : () -> ()
    return
  }
}

#map = affine_map<(d0, d1) -> (0, 0, 0)>
#map1 = affine_map<(d0, d1) -> (0, 0)>
module attributes {stable_mosaic.version = 14 : i64} {
  func.func @scat_kernel(%arg0: i32, %arg1: i32, %arg2: memref<2x2560x128xi32, #tpu.memory_space<hbm>>, %arg3: memref<10000x32xf32, #tpu.memory_space<hbm>>, %arg4: memref<2x10112x32xf32, #tpu.memory_space<hbm>>, %arg5: memref<80x128xi32, #tpu.memory_space<vmem>>, %arg6: memref<80x128xi32, #tpu.memory_space<vmem>>, %arg7: memref<10x128x32xf32, #tpu.memory_space<vmem>>, %arg8: memref<10112x32xf32, #tpu.memory_space<vmem_shared>>, %arg9: memref<632x32xf32, #tpu.memory_space<vmem>>, %arg10: memref<10x!tpu.dma_semaphore, #tpu.memory_space<semaphore_mem>>, %arg11: memref<10x!tpu.dma_semaphore, #tpu.memory_space<semaphore_mem>>) attributes {dimension_semantics = [#tpu.dimension_semantics<core_parallel>, #tpu.dimension_semantics<subcore_parallel>], iteration_bounds = array<i64: 2, 16>, scalar_prefetch = 0 : i64, scratch_operands = 7 : i64, tpu.core_type = #tpu.core_type<sc_vector_subcore>, window_params = [{transform_indices = #map}, {transform_indices = #map1}, {transform_indices = #map}]} {
    %mul3A = arith.constant 16 : i32
    %mul3A_0 = arith.muli %arg0, %mul3A : i32
    %add3A = arith.addi %mul3A_0, %arg1 : i32
    %mul3A_1 = arith.constant 80 : i32
    %mul3A_2 = arith.muli %add3A, %mul3A_1 : i32
    %multiple_of3A = tpu.assume_multiple %mul3A_2, 8 : i32
    %run_scoped3A = arith.constant 0 : i32
    "tpu.region"() ({
      %run_scoped3A_272 = tpu.sem_alloc : memref<!tpu.dma_semaphore, #tpu.memory_space<semaphore_mem>>
      %dma_start3A_273 = arith.constant 0 : i32
      %dma_start3A_274 = tpu.memref_slice %arg2[%run_scoped3A, %multiple_of3A, %dma_start3A_273] : memref<2x2560x128xi32, #tpu.memory_space<hbm>> -> memref<1x80x128xi32, #tpu.memory_space<hbm>>
      %dma_start3A_275 = tpu.memref_squeeze %dma_start3A_274 : memref<1x80x128xi32, #tpu.memory_space<hbm>> -> memref<80x128xi32, #tpu.memory_space<hbm>>
      %dma_start3A_276 = arith.constant 0 : i32
      %dma_start3A_277 = tpu.memref_slice %arg2[%run_scoped3A, %multiple_of3A, %dma_start3A_276] : memref<2x2560x128xi32, #tpu.memory_space<hbm>> -> memref<1x80x128xi32, #tpu.memory_space<hbm>>
      %dma_start3A_278 = tpu.memref_squeeze %dma_start3A_277 : memref<1x80x128xi32, #tpu.memory_space<hbm>> -> memref<80x128xi32, #tpu.memory_space<hbm>>
      tpu.enqueue_dma source(%dma_start3A_278 : memref<80x128xi32, #tpu.memory_space<hbm>>) target(%arg5 : memref<80x128xi32, #tpu.memory_space<vmem>>) target_semaphore(%run_scoped3A_272 : memref<!tpu.dma_semaphore, #tpu.memory_space<semaphore_mem>>)
      %dma_wait3A_279 = arith.constant 0 : i32
      %dma_wait3A_280 = tpu.memref_slice %arg2[%run_scoped3A, %multiple_of3A, %dma_wait3A_279] : memref<2x2560x128xi32, #tpu.memory_space<hbm>> -> memref<1x80x128xi32, #tpu.memory_space<hbm>>
      %dma_wait3A_281 = tpu.memref_squeeze %dma_wait3A_280 : memref<1x80x128xi32, #tpu.memory_space<hbm>> -> memref<80x128xi32, #tpu.memory_space<hbm>>
      %dma_wait3A_282 = arith.constant 0 : i32
      %dma_wait3A_283 = tpu.memref_slice %arg2[%run_scoped3A, %multiple_of3A, %dma_wait3A_282] : memref<2x2560x128xi32, #tpu.memory_space<hbm>> -> memref<1x80x128xi32, #tpu.memory_space<hbm>>
      %dma_wait3A_284 = tpu.memref_squeeze %dma_wait3A_283 : memref<1x80x128xi32, #tpu.memory_space<hbm>> -> memref<80x128xi32, #tpu.memory_space<hbm>>
      tpu.wait_dma2 semaphore(%run_scoped3A_272 : memref<!tpu.dma_semaphore, #tpu.memory_space<semaphore_mem>>) src(%dma_wait3A_284 : memref<80x128xi32, #tpu.memory_space<hbm>>) dst(%arg5 : memref<80x128xi32, #tpu.memory_space<vmem>>)
      tpu.yield
    }) : () -> ()
    %run_scoped3A_3 = arith.constant 1 : i32
    "tpu.region"() ({
      %run_scoped3A_272 = tpu.sem_alloc : memref<!tpu.dma_semaphore, #tpu.memory_space<semaphore_mem>>
      %dma_start3A_273 = arith.constant 0 : i32
      %dma_start3A_274 = tpu.memref_slice %arg2[%run_scoped3A_3, %multiple_of3A, %dma_start3A_273] : memref<2x2560x128xi32, #tpu.memory_space<hbm>> -> memref<1x80x128xi32, #tpu.memory_space<hbm>>
      %dma_start3A_275 = tpu.memref_squeeze %dma_start3A_274 : memref<1x80x128xi32, #tpu.memory_space<hbm>> -> memref<80x128xi32, #tpu.memory_space<hbm>>
      %dma_start3A_276 = arith.constant 0 : i32
      %dma_start3A_277 = tpu.memref_slice %arg2[%run_scoped3A_3, %multiple_of3A, %dma_start3A_276] : memref<2x2560x128xi32, #tpu.memory_space<hbm>> -> memref<1x80x128xi32, #tpu.memory_space<hbm>>
      %dma_start3A_278 = tpu.memref_squeeze %dma_start3A_277 : memref<1x80x128xi32, #tpu.memory_space<hbm>> -> memref<80x128xi32, #tpu.memory_space<hbm>>
      tpu.enqueue_dma source(%dma_start3A_278 : memref<80x128xi32, #tpu.memory_space<hbm>>) target(%arg6 : memref<80x128xi32, #tpu.memory_space<vmem>>) target_semaphore(%run_scoped3A_272 : memref<!tpu.dma_semaphore, #tpu.memory_space<semaphore_mem>>)
      %dma_wait3A_279 = arith.constant 0 : i32
      %dma_wait3A_280 = tpu.memref_slice %arg2[%run_scoped3A_3, %multiple_of3A, %dma_wait3A_279] : memref<2x2560x128xi32, #tpu.memory_space<hbm>> -> memref<1x80x128xi32, #tpu.memory_space<hbm>>
      %dma_wait3A_281 = tpu.memref_squeeze %dma_wait3A_280 : memref<1x80x128xi32, #tpu.memory_space<hbm>> -> memref<80x128xi32, #tpu.memory_space<hbm>>
      %dma_wait3A_282 = arith.constant 0 : i32
      %dma_wait3A_283 = tpu.memref_slice %arg2[%run_scoped3A_3, %multiple_of3A, %dma_wait3A_282] : memref<2x2560x128xi32, #tpu.memory_space<hbm>> -> memref<1x80x128xi32, #tpu.memory_space<hbm>>
      %dma_wait3A_284 = tpu.memref_squeeze %dma_wait3A_283 : memref<1x80x128xi32, #tpu.memory_space<hbm>> -> memref<80x128xi32, #tpu.memory_space<hbm>>
      tpu.wait_dma2 semaphore(%run_scoped3A_272 : memref<!tpu.dma_semaphore, #tpu.memory_space<semaphore_mem>>) src(%dma_wait3A_284 : memref<80x128xi32, #tpu.memory_space<hbm>>) dst(%arg6 : memref<80x128xi32, #tpu.memory_space<vmem>>)
      tpu.yield
    }) : () -> ()
    %mul3A_4 = arith.constant 632 : i32
    %mul3A_5 = arith.muli %arg1, %mul3A_4 : i32
    %multiple_of3A_6 = tpu.assume_multiple %mul3A_5, 8 : i32
    %scan3A = arith.constant 0 : i32
    %scan3A_7 = arith.constant 0 : i32
    %scan3A_8 = arith.constant 632 : i32
    %scan3A_9 = arith.addi %scan3A_7, %scan3A_8 : i32
    %scan3A_10 = arith.constant 1 : i32
    scf.for %scan3A_272 = %scan3A_7 to %scan3A_9 step %scan3A_10  : i32 {
      %broadcast_in_dim3A = arith.constant 0.000000e+00 : f32
      %broadcast_in_dim3A_273 = vector.broadcast %broadcast_in_dim3A : f32 to vector<16xf32>
      %swap3A = arith.index_cast %scan3A_272 : i32 to index
      %swap3A_274 = arith.constant 0 : index
      %swap3A_275 = tpu.vector_load %arg9[%swap3A, %swap3A_274] {strides = array<i32>} : memref<632x32xf32, #tpu.memory_space<vmem>>, vector<1x16xf32>,
      %swap3A_276 = vector.shape_cast %swap3A_275 : vector<1x16xf32> to vector<16xf32>
      %swap3A_277 = vector.shape_cast %broadcast_in_dim3A_273 : vector<16xf32> to vector<1x16xf32>
      tpu.vector_store %arg9[%swap3A, %swap3A_274], %swap3A_277 {strides = array<i32>} : memref<632x32xf32, #tpu.memory_space<vmem>>, vector<1x16xf32>,
      %broadcast_in_dim3A_278 = arith.constant 0.000000e+00 : f32
      %broadcast_in_dim3A_279 = vector.broadcast %broadcast_in_dim3A_278 : f32 to vector<16xf32>
      %swap3A_280 = arith.index_cast %scan3A_272 : i32 to index
      %swap3A_281 = arith.constant 16 : index
      %swap3A_282 = tpu.vector_load %arg9[%swap3A_280, %swap3A_281] {strides = array<i32>} : memref<632x32xf32, #tpu.memory_space<vmem>>, vector<1x16xf32>,
      %swap3A_283 = vector.shape_cast %swap3A_282 : vector<1x16xf32> to vector<16xf32>
      %swap3A_284 = vector.shape_cast %broadcast_in_dim3A_279 : vector<16xf32> to vector<1x16xf32>
      tpu.vector_store %arg9[%swap3A_280, %swap3A_281], %swap3A_284 {strides = array<i32>} : memref<632x32xf32, #tpu.memory_space<vmem>>, vector<1x16xf32>,
    }
    %scan3A_11 = arith.constant 632 : i32
    "tpu.region"() ({
      %run_scoped3A_272 = tpu.sem_alloc : memref<!tpu.dma_semaphore, #tpu.memory_space<semaphore_mem>>
      %dma_start3A_273 = arith.constant 0 : i32
      %dma_start3A_274 = tpu.memref_slice %arg8[%multiple_of3A_6, %dma_start3A_273] : memref<10112x32xf32, #tpu.memory_space<vmem_shared>> -> memref<632x32xf32, #tpu.memory_space<vmem_shared>>
      %dma_start3A_275 = arith.constant 0 : i32
      %dma_start3A_276 = tpu.memref_slice %arg8[%multiple_of3A_6, %dma_start3A_275] : memref<10112x32xf32, #tpu.memory_space<vmem_shared>> -> memref<632x32xf32, #tpu.memory_space<vmem_shared>>
      tpu.enqueue_dma source(%arg9 : memref<632x32xf32, #tpu.memory_space<vmem>>) target(%dma_start3A_276 : memref<632x32xf32, #tpu.memory_space<vmem_shared>>) target_semaphore(%run_scoped3A_272 : memref<!tpu.dma_semaphore, #tpu.memory_space<semaphore_mem>>)
      %dma_wait3A_277 = arith.constant 0 : i32
      %dma_wait3A_278 = tpu.memref_slice %arg8[%multiple_of3A_6, %dma_wait3A_277] : memref<10112x32xf32, #tpu.memory_space<vmem_shared>> -> memref<632x32xf32, #tpu.memory_space<vmem_shared>>
      %dma_wait3A_279 = arith.constant 0 : i32
      %dma_wait3A_280 = tpu.memref_slice %arg8[%multiple_of3A_6, %dma_wait3A_279] : memref<10112x32xf32, #tpu.memory_space<vmem_shared>> -> memref<632x32xf32, #tpu.memory_space<vmem_shared>>
      tpu.wait_dma2 semaphore(%run_scoped3A_272 : memref<!tpu.dma_semaphore, #tpu.memory_space<semaphore_mem>>) src(%arg9 : memref<632x32xf32, #tpu.memory_space<vmem>>) dst(%dma_wait3A_280 : memref<632x32xf32, #tpu.memory_space<vmem_shared>>)
      tpu.yield
    }) : () -> ()
    %barrier3A = arith.constant 0 : index
    tpu.barrier barrier_id(%barrier3A)
    %dma_start3A = arith.constant 0 : i32
    %dma_start3A_12 = arith.constant 0 : i32
    %dma_start3A_13 = arith.constant 0 : i32
    %dma_start3A_14 = arith.constant 0 : i32
    %dma_start3A_15 = arith.constant 0 : i32
    %dma_start3A_16 = tpu.memref_slice %arg7[%dma_start3A_12, %dma_start3A_14, %dma_start3A_15] : memref<10x128x32xf32, #tpu.memory_space<vmem>> -> memref<1x128x32xf32, #tpu.memory_space<vmem>>
    %dma_start3A_17 = tpu.memref_squeeze %dma_start3A_16 : memref<1x128x32xf32, #tpu.memory_space<vmem>> -> memref<128x32xf32, #tpu.memory_space<vmem>>
    %dma_start3A_18 = arith.constant 0 : i32
    %dma_start3A_19 = tpu.memref_slice %arg5[%dma_start3A, %dma_start3A_18] : memref<80x128xi32, #tpu.memory_space<vmem>> -> memref<1x128xi32, #tpu.memory_space<vmem>>
    %dma_start3A_20 = tpu.memref_squeeze %dma_start3A_19 : memref<1x128xi32, #tpu.memory_space<vmem>> -> memref<128xi32, #tpu.memory_space<vmem>>
    %dma_start3A_21 = arith.constant 0 : i32
    %dma_start3A_22 = arith.constant 0 : i32
    %dma_start3A_23 = tpu.memref_slice %arg3[%dma_start3A_21, %dma_start3A_22] : memref<10000x32xf32, #tpu.memory_space<hbm>> -> memref<10000x32xf32, #tpu.memory_space<hbm>>
    %dma_start3A_24 = tpu.memref_slice %arg10[%dma_start3A_13] : memref<10x!tpu.dma_semaphore, #tpu.memory_space<semaphore_mem>> -> memref<1x!tpu.dma_semaphore, #tpu.memory_space<semaphore_mem>>
    %dma_start3A_25 = tpu.memref_squeeze %dma_start3A_24 : memref<1x!tpu.dma_semaphore, #tpu.memory_space<semaphore_mem>> -> memref<!tpu.dma_semaphore, #tpu.memory_space<semaphore_mem>>
    tpu.enqueue_indirect_dma source(%dma_start3A_23 : memref<10000x32xf32, #tpu.memory_space<hbm>>) target(%dma_start3A_17 : memref<128x32xf32, #tpu.memory_space<vmem>>) offsets(%dma_start3A_20 : memref<128xi32, #tpu.memory_space<vmem>>) semaphore(%dma_start3A_25 : memref<!tpu.dma_semaphore, #tpu.memory_space<semaphore_mem>>)
    %dma_start3A_26 = arith.constant 1 : i32
    %dma_start3A_27 = arith.constant 1 : i32
    %dma_start3A_28 = arith.constant 1 : i32
    %dma_start3A_29 = arith.constant 0 : i32
    %dma_start3A_30 = arith.constant 0 : i32
    %dma_start3A_31 = tpu.memref_slice %arg7[%dma_start3A_27, %dma_start3A_29, %dma_start3A_30] : memref<10x128x32xf32, #tpu.memory_space<vmem>> -> memref<1x128x32xf32, #tpu.memory_space<vmem>>
    %dma_start3A_32 = tpu.memref_squeeze %dma_start3A_31 : memref<1x128x32xf32, #tpu.memory_space<vmem>> -> memref<128x32xf32, #tpu.memory_space<vmem>>
    %dma_start3A_33 = arith.constant 0 : i32
    %dma_start3A_34 = tpu.memref_slice %arg5[%dma_start3A_26, %dma_start3A_33] : memref<80x128xi32, #tpu.memory_space<vmem>> -> memref<1x128xi32, #tpu.memory_space<vmem>>
    %dma_start3A_35 = tpu.memref_squeeze %dma_start3A_34 : memref<1x128xi32, #tpu.memory_space<vmem>> -> memref<128xi32, #tpu.memory_space<vmem>>
    %dma_start3A_36 = arith.constant 0 : i32
    %dma_start3A_37 = arith.constant 0 : i32
    %dma_start3A_38 = tpu.memref_slice %arg3[%dma_start3A_36, %dma_start3A_37] : memref<10000x32xf32, #tpu.memory_space<hbm>> -> memref<10000x32xf32, #tpu.memory_space<hbm>>
    %dma_start3A_39 = tpu.memref_slice %arg10[%dma_start3A_28] : memref<10x!tpu.dma_semaphore, #tpu.memory_space<semaphore_mem>> -> memref<1x!tpu.dma_semaphore, #tpu.memory_space<semaphore_mem>>
    %dma_start3A_40 = tpu.memref_squeeze %dma_start3A_39 : memref<1x!tpu.dma_semaphore, #tpu.memory_space<semaphore_mem>> -> memref<!tpu.dma_semaphore, #tpu.memory_space<semaphore_mem>>
    tpu.enqueue_indirect_dma source(%dma_start3A_38 : memref<10000x32xf32, #tpu.memory_space<hbm>>) target(%dma_start3A_32 : memref<128x32xf32, #tpu.memory_space<vmem>>) offsets(%dma_start3A_35 : memref<128xi32, #tpu.memory_space<vmem>>) semaphore(%dma_start3A_40 : memref<!tpu.dma_semaphore, #tpu.memory_space<semaphore_mem>>)
    %dma_start3A_41 = arith.constant 2 : i32
    %dma_start3A_42 = arith.constant 2 : i32
    %dma_start3A_43 = arith.constant 2 : i32
    %dma_start3A_44 = arith.constant 0 : i32
    %dma_start3A_45 = arith.constant 0 : i32
    %dma_start3A_46 = tpu.memref_slice %arg7[%dma_start3A_42, %dma_start3A_44, %dma_start3A_45] : memref<10x128x32xf32, #tpu.memory_space<vmem>> -> memref<1x128x32xf32, #tpu.memory_space<vmem>>
    %dma_start3A_47 = tpu.memref_squeeze %dma_start3A_46 : memref<1x128x32xf32, #tpu.memory_space<vmem>> -> memref<128x32xf32, #tpu.memory_space<vmem>>
    %dma_start3A_48 = arith.constant 0 : i32
    %dma_start3A_49 = tpu.memref_slice %arg5[%dma_start3A_41, %dma_start3A_48] : memref<80x128xi32, #tpu.memory_space<vmem>> -> memref<1x128xi32, #tpu.memory_space<vmem>>
    %dma_start3A_50 = tpu.memref_squeeze %dma_start3A_49 : memref<1x128xi32, #tpu.memory_space<vmem>> -> memref<128xi32, #tpu.memory_space<vmem>>
    %dma_start3A_51 = arith.constant 0 : i32
    %dma_start3A_52 = arith.constant 0 : i32
    %dma_start3A_53 = tpu.memref_slice %arg3[%dma_start3A_51, %dma_start3A_52] : memref<10000x32xf32, #tpu.memory_space<hbm>> -> memref<10000x32xf32, #tpu.memory_space<hbm>>
    %dma_start3A_54 = tpu.memref_slice %arg10[%dma_start3A_43] : memref<10x!tpu.dma_semaphore, #tpu.memory_space<semaphore_mem>> -> memref<1x!tpu.dma_semaphore, #tpu.memory_space<semaphore_mem>>
    %dma_start3A_55 = tpu.memref_squeeze %dma_start3A_54 : memref<1x!tpu.dma_semaphore, #tpu.memory_space<semaphore_mem>> -> memref<!tpu.dma_semaphore, #tpu.memory_space<semaphore_mem>>
    tpu.enqueue_indirect_dma source(%dma_start3A_53 : memref<10000x32xf32, #tpu.memory_space<hbm>>) target(%dma_start3A_47 : memref<128x32xf32, #tpu.memory_space<vmem>>) offsets(%dma_start3A_50 : memref<128xi32, #tpu.memory_space<vmem>>) semaphore(%dma_start3A_55 : memref<!tpu.dma_semaphore, #tpu.memory_space<semaphore_mem>>)
    %dma_start3A_56 = arith.constant 3 : i32
    %dma_start3A_57 = arith.constant 3 : i32
    %dma_start3A_58 = arith.constant 3 : i32
    %dma_start3A_59 = arith.constant 0 : i32
    %dma_start3A_60 = arith.constant 0 : i32
    %dma_start3A_61 = tpu.memref_slice %arg7[%dma_start3A_57, %dma_start3A_59, %dma_start3A_60] : memref<10x128x32xf32, #tpu.memory_space<vmem>> -> memref<1x128x32xf32, #tpu.memory_space<vmem>>
    %dma_start3A_62 = tpu.memref_squeeze %dma_start3A_61 : memref<1x128x32xf32, #tpu.memory_space<vmem>> -> memref<128x32xf32, #tpu.memory_space<vmem>>
    %dma_start3A_63 = arith.constant 0 : i32
    %dma_start3A_64 = tpu.memref_slice %arg5[%dma_start3A_56, %dma_start3A_63] : memref<80x128xi32, #tpu.memory_space<vmem>> -> memref<1x128xi32, #tpu.memory_space<vmem>>
    %dma_start3A_65 = tpu.memref_squeeze %dma_start3A_64 : memref<1x128xi32, #tpu.memory_space<vmem>> -> memref<128xi32, #tpu.memory_space<vmem>>
    %dma_start3A_66 = arith.constant 0 : i32
    %dma_start3A_67 = arith.constant 0 : i32
    %dma_start3A_68 = tpu.memref_slice %arg3[%dma_start3A_66, %dma_start3A_67] : memref<10000x32xf32, #tpu.memory_space<hbm>> -> memref<10000x32xf32, #tpu.memory_space<hbm>>
    %dma_start3A_69 = tpu.memref_slice %arg10[%dma_start3A_58] : memref<10x!tpu.dma_semaphore, #tpu.memory_space<semaphore_mem>> -> memref<1x!tpu.dma_semaphore, #tpu.memory_space<semaphore_mem>>
    %dma_start3A_70 = tpu.memref_squeeze %dma_start3A_69 : memref<1x!tpu.dma_semaphore, #tpu.memory_space<semaphore_mem>> -> memref<!tpu.dma_semaphore, #tpu.memory_space<semaphore_mem>>
    tpu.enqueue_indirect_dma source(%dma_start3A_68 : memref<10000x32xf32, #tpu.memory_space<hbm>>) target(%dma_start3A_62 : memref<128x32xf32, #tpu.memory_space<vmem>>) offsets(%dma_start3A_65 : memref<128xi32, #tpu.memory_space<vmem>>) semaphore(%dma_start3A_70 : memref<!tpu.dma_semaphore, #tpu.memory_space<semaphore_mem>>)
    %dma_start3A_71 = arith.constant 4 : i32
    %dma_start3A_72 = arith.constant 4 : i32
    %dma_start3A_73 = arith.constant 4 : i32
    %dma_start3A_74 = arith.constant 0 : i32
    %dma_start3A_75 = arith.constant 0 : i32
    %dma_start3A_76 = tpu.memref_slice %arg7[%dma_start3A_72, %dma_start3A_74, %dma_start3A_75] : memref<10x128x32xf32, #tpu.memory_space<vmem>> -> memref<1x128x32xf32, #tpu.memory_space<vmem>>
    %dma_start3A_77 = tpu.memref_squeeze %dma_start3A_76 : memref<1x128x32xf32, #tpu.memory_space<vmem>> -> memref<128x32xf32, #tpu.memory_space<vmem>>
    %dma_start3A_78 = arith.constant 0 : i32
    %dma_start3A_79 = tpu.memref_slice %arg5[%dma_start3A_71, %dma_start3A_78] : memref<80x128xi32, #tpu.memory_space<vmem>> -> memref<1x128xi32, #tpu.memory_space<vmem>>
    %dma_start3A_80 = tpu.memref_squeeze %dma_start3A_79 : memref<1x128xi32, #tpu.memory_space<vmem>> -> memref<128xi32, #tpu.memory_space<vmem>>
    %dma_start3A_81 = arith.constant 0 : i32
    %dma_start3A_82 = arith.constant 0 : i32
    %dma_start3A_83 = tpu.memref_slice %arg3[%dma_start3A_81, %dma_start3A_82] : memref<10000x32xf32, #tpu.memory_space<hbm>> -> memref<10000x32xf32, #tpu.memory_space<hbm>>
    %dma_start3A_84 = tpu.memref_slice %arg10[%dma_start3A_73] : memref<10x!tpu.dma_semaphore, #tpu.memory_space<semaphore_mem>> -> memref<1x!tpu.dma_semaphore, #tpu.memory_space<semaphore_mem>>
    %dma_start3A_85 = tpu.memref_squeeze %dma_start3A_84 : memref<1x!tpu.dma_semaphore, #tpu.memory_space<semaphore_mem>> -> memref<!tpu.dma_semaphore, #tpu.memory_space<semaphore_mem>>
    tpu.enqueue_indirect_dma source(%dma_start3A_83 : memref<10000x32xf32, #tpu.memory_space<hbm>>) target(%dma_start3A_77 : memref<128x32xf32, #tpu.memory_space<vmem>>) offsets(%dma_start3A_80 : memref<128xi32, #tpu.memory_space<vmem>>) semaphore(%dma_start3A_85 : memref<!tpu.dma_semaphore, #tpu.memory_space<semaphore_mem>>)
    %scan3A_86 = arith.constant 0 : i32
    %scan3A_87 = arith.constant 0 : i32
    %scan3A_88 = arith.constant 8 : i32
    %scan3A_89 = arith.addi %scan3A_87, %scan3A_88 : i32
    %scan3A_90 = arith.constant 1 : i32
    scf.for %scan3A_272 = %scan3A_87 to %scan3A_89 step %scan3A_90  : i32 {
      %mul3A_273 = arith.constant 10 : i32
      %mul3A_274 = arith.muli %scan3A_272, %mul3A_273 : i32
      %add3A_275 = arith.constant 0 : i32
      %add3A_276 = arith.addi %mul3A_274, %add3A_275 : i32
      %dma_wait3A_277 = arith.constant 0 : i32
      %dma_wait3A_278 = arith.constant 0 : i32
      %dma_wait3A_279 = arith.constant 0 : i32
      %dma_wait3A_280 = arith.constant 0 : i32
      %dma_wait3A_281 = tpu.memref_slice %arg7[%dma_wait3A_277, %dma_wait3A_279, %dma_wait3A_280] : memref<10x128x32xf32, #tpu.memory_space<vmem>> -> memref<1x128x32xf32, #tpu.memory_space<vmem>>
      %dma_wait3A_282 = tpu.memref_squeeze %dma_wait3A_281 : memref<1x128x32xf32, #tpu.memory_space<vmem>> -> memref<128x32xf32, #tpu.memory_space<vmem>>
      %dma_wait3A_283 = arith.constant 0 : i32
      %dma_wait3A_284 = arith.constant 0 : i32
      %dma_wait3A_285 = tpu.memref_slice %arg3[%dma_wait3A_283, %dma_wait3A_284] : memref<10000x32xf32, #tpu.memory_space<hbm>> -> memref<128x32xf32, #tpu.memory_space<hbm>>
      %dma_wait3A_286 = tpu.memref_slice %arg10[%dma_wait3A_278] : memref<10x!tpu.dma_semaphore, #tpu.memory_space<semaphore_mem>> -> memref<1x!tpu.dma_semaphore, #tpu.memory_space<semaphore_mem>>
      %dma_wait3A_287 = tpu.memref_squeeze %dma_wait3A_286 : memref<1x!tpu.dma_semaphore, #tpu.memory_space<semaphore_mem>> -> memref<!tpu.dma_semaphore, #tpu.memory_space<semaphore_mem>>
      %dma_wait3A_288 = arith.constant 0 : i32
      %dma_wait3A_289 = arith.constant 0 : i32
      %dma_wait3A_290 = tpu.memref_slice %arg7[%dma_wait3A_277, %dma_wait3A_288, %dma_wait3A_289] : memref<10x128x32xf32, #tpu.memory_space<vmem>> -> memref<1x128x32xf32, #tpu.memory_space<vmem>>
      %dma_wait3A_291 = tpu.memref_squeeze %dma_wait3A_290 : memref<1x128x32xf32, #tpu.memory_space<vmem>> -> memref<128x32xf32, #tpu.memory_space<vmem>>
      %dma_wait3A_292 = arith.constant 0 : i32
      %dma_wait3A_293 = arith.constant 0 : i32
      %dma_wait3A_294 = tpu.memref_slice %arg3[%dma_wait3A_292, %dma_wait3A_293] : memref<10000x32xf32, #tpu.memory_space<hbm>> -> memref<128x32xf32, #tpu.memory_space<hbm>>
      tpu.wait_dma2 semaphore(%dma_wait3A_287 : memref<!tpu.dma_semaphore, #tpu.memory_space<semaphore_mem>>) src(%dma_wait3A_294 : memref<128x32xf32, #tpu.memory_space<hbm>>) dst(%dma_wait3A_291 : memref<128x32xf32, #tpu.memory_space<vmem>>)
      %dma_start3A_295 = arith.constant 0 : i32
      %dma_start3A_296 = arith.constant 0 : i32
      %dma_start3A_297 = arith.constant 0 : i32
      %dma_start3A_298 = arith.constant 0 : i32
      %dma_start3A_299 = tpu.memref_slice %arg7[%dma_start3A_295, %dma_start3A_297, %dma_start3A_298] : memref<10x128x32xf32, #tpu.memory_space<vmem>> -> memref<1x128x32xf32, #tpu.memory_space<vmem>>
      %dma_start3A_300 = tpu.memref_squeeze %dma_start3A_299 : memref<1x128x32xf32, #tpu.memory_space<vmem>> -> memref<128x32xf32, #tpu.memory_space<vmem>>
      %dma_start3A_301 = arith.constant 0 : i32
      %dma_start3A_302 = tpu.memref_slice %arg6[%add3A_276, %dma_start3A_301] : memref<80x128xi32, #tpu.memory_space<vmem>> -> memref<1x128xi32, #tpu.memory_space<vmem>>
      %dma_start3A_303 = tpu.memref_squeeze %dma_start3A_302 : memref<1x128xi32, #tpu.memory_space<vmem>> -> memref<128xi32, #tpu.memory_space<vmem>>
      %dma_start3A_304 = arith.constant 0 : i32
      %dma_start3A_305 = arith.constant 0 : i32
      %dma_start3A_306 = tpu.memref_slice %arg8[%dma_start3A_304, %dma_start3A_305] : memref<10112x32xf32, #tpu.memory_space<vmem_shared>> -> memref<10112x32xf32, #tpu.memory_space<vmem_shared>>
      %dma_start3A_307 = tpu.memref_slice %arg11[%dma_start3A_296] : memref<10x!tpu.dma_semaphore, #tpu.memory_space<semaphore_mem>> -> memref<1x!tpu.dma_semaphore, #tpu.memory_space<semaphore_mem>>
      %dma_start3A_308 = tpu.memref_squeeze %dma_start3A_307 : memref<1x!tpu.dma_semaphore, #tpu.memory_space<semaphore_mem>> -> memref<!tpu.dma_semaphore, #tpu.memory_space<semaphore_mem>>
      tpu.enqueue_indirect_dma source(%dma_start3A_300 : memref<128x32xf32, #tpu.memory_space<vmem>>) target(%dma_start3A_306 : memref<10112x32xf32, #tpu.memory_space<vmem_shared>>) offsets(%dma_start3A_303 : memref<128xi32, #tpu.memory_space<vmem>>) semaphore(%dma_start3A_308 : memref<!tpu.dma_semaphore, #tpu.memory_space<semaphore_mem>>) {add = true}
      %add3A_309 = arith.constant 5 : i32
      %add3A_310 = arith.addi %add3A_276, %add3A_309 : i32
      %lt3A = arith.constant 80 : i32
      %lt3A_311 = arith.cmpi slt, %add3A_310, %lt3A : i32
      %convert_element_type3A = arith.extui %lt3A_311 : i1 to i32
      %cond3A = arith.constant 0 : i32
      %cond3A_312 = arith.cmpi ne, %convert_element_type3A, %cond3A : i32
      scf.if %cond3A_312 {
        %ge3A = arith.constant 5 : i32
        %ge3A_700 = arith.cmpi sge, %add3A_276, %ge3A : i32
        %convert_element_type3A_701 = arith.extui %ge3A_700 : i1 to i32
        %cond3A_702 = arith.constant 0 : i32
        %cond3A_703 = arith.cmpi ne, %convert_element_type3A_701, %cond3A_702 : i32
        scf.if %cond3A_703 {
          %dma_wait3A_718 = arith.constant 5 : i32
          %dma_wait3A_719 = arith.constant 5 : i32
          %dma_wait3A_720 = arith.constant 0 : i32
          %dma_wait3A_721 = arith.constant 0 : i32
          %dma_wait3A_722 = tpu.memref_slice %arg7[%dma_wait3A_718, %dma_wait3A_720, %dma_wait3A_721] : memref<10x128x32xf32, #tpu.memory_space<vmem>> -> memref<1x128x32xf32, #tpu.memory_space<vmem>>
          %dma_wait3A_723 = tpu.memref_squeeze %dma_wait3A_722 : memref<1x128x32xf32, #tpu.memory_space<vmem>> -> memref<128x32xf32, #tpu.memory_space<vmem>>
          %dma_wait3A_724 = arith.constant 0 : i32
          %dma_wait3A_725 = arith.constant 0 : i32
          %dma_wait3A_726 = tpu.memref_slice %arg3[%dma_wait3A_724, %dma_wait3A_725] : memref<10000x32xf32, #tpu.memory_space<hbm>> -> memref<128x32xf32, #tpu.memory_space<hbm>>
          %dma_wait3A_727 = tpu.memref_slice %arg11[%dma_wait3A_719] : memref<10x!tpu.dma_semaphore, #tpu.memory_space<semaphore_mem>> -> memref<1x!tpu.dma_semaphore, #tpu.memory_space<semaphore_mem>>
          %dma_wait3A_728 = tpu.memref_squeeze %dma_wait3A_727 : memref<1x!tpu.dma_semaphore, #tpu.memory_space<semaphore_mem>> -> memref<!tpu.dma_semaphore, #tpu.memory_space<semaphore_mem>>
          %dma_wait3A_729 = arith.constant 0 : i32
          %dma_wait3A_730 = arith.constant 0 : i32
          %dma_wait3A_731 = tpu.memref_slice %arg7[%dma_wait3A_718, %dma_wait3A_729, %dma_wait3A_730] : memref<10x128x32xf32, #tpu.memory_space<vmem>> -> memref<1x128x32xf32, #tpu.memory_space<vmem>>
          %dma_wait3A_732 = tpu.memref_squeeze %dma_wait3A_731 : memref<1x128x32xf32, #tpu.memory_space<vmem>> -> memref<128x32xf32, #tpu.memory_space<vmem>>
          %dma_wait3A_733 = arith.constant 0 : i32
          %dma_wait3A_734 = arith.constant 0 : i32
          %dma_wait3A_735 = tpu.memref_slice %arg3[%dma_wait3A_733, %dma_wait3A_734] : memref<10000x32xf32, #tpu.memory_space<hbm>> -> memref<128x32xf32, #tpu.memory_space<hbm>>
          tpu.wait_dma2 semaphore(%dma_wait3A_728 : memref<!tpu.dma_semaphore, #tpu.memory_space<semaphore_mem>>) src(%dma_wait3A_735 : memref<128x32xf32, #tpu.memory_space<hbm>>) dst(%dma_wait3A_732 : memref<128x32xf32, #tpu.memory_space<vmem>>)
        } else {
        }
        %dma_start3A_704 = arith.constant 5 : i32
        %dma_start3A_705 = arith.constant 5 : i32
        %dma_start3A_706 = arith.constant 0 : i32
        %dma_start3A_707 = arith.constant 0 : i32
        %dma_start3A_708 = tpu.memref_slice %arg7[%dma_start3A_704, %dma_start3A_706, %dma_start3A_707] : memref<10x128x32xf32, #tpu.memory_space<vmem>> -> memref<1x128x32xf32, #tpu.memory_space<vmem>>
        %dma_start3A_709 = tpu.memref_squeeze %dma_start3A_708 : memref<1x128x32xf32, #tpu.memory_space<vmem>> -> memref<128x32xf32, #tpu.memory_space<vmem>>
        %dma_start3A_710 = arith.constant 0 : i32
        %dma_start3A_711 = tpu.memref_slice %arg5[%add3A_310, %dma_start3A_710] : memref<80x128xi32, #tpu.memory_space<vmem>> -> memref<1x128xi32, #tpu.memory_space<vmem>>
        %dma_start3A_712 = tpu.memref_squeeze %dma_start3A_711 : memref<1x128xi32, #tpu.memory_space<vmem>> -> memref<128xi32, #tpu.memory_space<vmem>>
        %dma_start3A_713 = arith.constant 0 : i32
        %dma_start3A_714 = arith.constant 0 : i32
        %dma_start3A_715 = tpu.memref_slice %arg3[%dma_start3A_713, %dma_start3A_714] : memref<10000x32xf32, #tpu.memory_space<hbm>> -> memref<10000x32xf32, #tpu.memory_space<hbm>>
        %dma_start3A_716 = tpu.memref_slice %arg10[%dma_start3A_705] : memref<10x!tpu.dma_semaphore, #tpu.memory_space<semaphore_mem>> -> memref<1x!tpu.dma_semaphore, #tpu.memory_space<semaphore_mem>>
        %dma_start3A_717 = tpu.memref_squeeze %dma_start3A_716 : memref<1x!tpu.dma_semaphore, #tpu.memory_space<semaphore_mem>> -> memref<!tpu.dma_semaphore, #tpu.memory_space<semaphore_mem>>
        tpu.enqueue_indirect_dma source(%dma_start3A_715 : memref<10000x32xf32, #tpu.memory_space<hbm>>) target(%dma_start3A_709 : memref<128x32xf32, #tpu.memory_space<vmem>>) offsets(%dma_start3A_712 : memref<128xi32, #tpu.memory_space<vmem>>) semaphore(%dma_start3A_717 : memref<!tpu.dma_semaphore, #tpu.memory_space<semaphore_mem>>)
      } else {
      }
      %mul3A_313 = arith.constant 10 : i32
      %mul3A_314 = arith.muli %scan3A_272, %mul3A_313 : i32
      %add3A_315 = arith.constant 1 : i32
      %add3A_316 = arith.addi %mul3A_314, %add3A_315 : i32
      %dma_wait3A_317 = arith.constant 1 : i32
      %dma_wait3A_318 = arith.constant 1 : i32
      %dma_wait3A_319 = arith.constant 0 : i32
      %dma_wait3A_320 = arith.constant 0 : i32
      %dma_wait3A_321 = tpu.memref_slice %arg7[%dma_wait3A_317, %dma_wait3A_319, %dma_wait3A_320] : memref<10x128x32xf32, #tpu.memory_space<vmem>> -> memref<1x128x32xf32, #tpu.memory_space<vmem>>
      %dma_wait3A_322 = tpu.memref_squeeze %dma_wait3A_321 : memref<1x128x32xf32, #tpu.memory_space<vmem>> -> memref<128x32xf32, #tpu.memory_space<vmem>>
      %dma_wait3A_323 = arith.constant 0 : i32
      %dma_wait3A_324 = arith.constant 0 : i32
      %dma_wait3A_325 = tpu.memref_slice %arg3[%dma_wait3A_323, %dma_wait3A_324] : memref<10000x32xf32, #tpu.memory_space<hbm>> -> memref<128x32xf32, #tpu.memory_space<hbm>>
      %dma_wait3A_326 = tpu.memref_slice %arg10[%dma_wait3A_318] : memref<10x!tpu.dma_semaphore, #tpu.memory_space<semaphore_mem>> -> memref<1x!tpu.dma_semaphore, #tpu.memory_space<semaphore_mem>>
      %dma_wait3A_327 = tpu.memref_squeeze %dma_wait3A_326 : memref<1x!tpu.dma_semaphore, #tpu.memory_space<semaphore_mem>> -> memref<!tpu.dma_semaphore, #tpu.memory_space<semaphore_mem>>
      %dma_wait3A_328 = arith.constant 0 : i32
      %dma_wait3A_329 = arith.constant 0 : i32
      %dma_wait3A_330 = tpu.memref_slice %arg7[%dma_wait3A_317, %dma_wait3A_328, %dma_wait3A_329] : memref<10x128x32xf32, #tpu.memory_space<vmem>> -> memref<1x128x32xf32, #tpu.memory_space<vmem>>
      %dma_wait3A_331 = tpu.memref_squeeze %dma_wait3A_330 : memref<1x128x32xf32, #tpu.memory_space<vmem>> -> memref<128x32xf32, #tpu.memory_space<vmem>>
      %dma_wait3A_332 = arith.constant 0 : i32
      %dma_wait3A_333 = arith.constant 0 : i32
      %dma_wait3A_334 = tpu.memref_slice %arg3[%dma_wait3A_332, %dma_wait3A_333] : memref<10000x32xf32, #tpu.memory_space<hbm>> -> memref<128x32xf32, #tpu.memory_space<hbm>>
      tpu.wait_dma2 semaphore(%dma_wait3A_327 : memref<!tpu.dma_semaphore, #tpu.memory_space<semaphore_mem>>) src(%dma_wait3A_334 : memref<128x32xf32, #tpu.memory_space<hbm>>) dst(%dma_wait3A_331 : memref<128x32xf32, #tpu.memory_space<vmem>>)
      %dma_start3A_335 = arith.constant 1 : i32
      %dma_start3A_336 = arith.constant 1 : i32
      %dma_start3A_337 = arith.constant 0 : i32
      %dma_start3A_338 = arith.constant 0 : i32
      %dma_start3A_339 = tpu.memref_slice %arg7[%dma_start3A_335, %dma_start3A_337, %dma_start3A_338] : memref<10x128x32xf32, #tpu.memory_space<vmem>> -> memref<1x128x32xf32, #tpu.memory_space<vmem>>
      %dma_start3A_340 = tpu.memref_squeeze %dma_start3A_339 : memref<1x128x32xf32, #tpu.memory_space<vmem>> -> memref<128x32xf32, #tpu.memory_space<vmem>>
      %dma_start3A_341 = arith.constant 0 : i32
      %dma_start3A_342 = tpu.memref_slice %arg6[%add3A_316, %dma_start3A_341] : memref<80x128xi32, #tpu.memory_space<vmem>> -> memref<1x128xi32, #tpu.memory_space<vmem>>
      %dma_start3A_343 = tpu.memref_squeeze %dma_start3A_342 : memref<1x128xi32, #tpu.memory_space<vmem>> -> memref<128xi32, #tpu.memory_space<vmem>>
      %dma_start3A_344 = arith.constant 0 : i32
      %dma_start3A_345 = arith.constant 0 : i32
      %dma_start3A_346 = tpu.memref_slice %arg8[%dma_start3A_344, %dma_start3A_345] : memref<10112x32xf32, #tpu.memory_space<vmem_shared>> -> memref<10112x32xf32, #tpu.memory_space<vmem_shared>>
      %dma_start3A_347 = tpu.memref_slice %arg11[%dma_start3A_336] : memref<10x!tpu.dma_semaphore, #tpu.memory_space<semaphore_mem>> -> memref<1x!tpu.dma_semaphore, #tpu.memory_space<semaphore_mem>>
      %dma_start3A_348 = tpu.memref_squeeze %dma_start3A_347 : memref<1x!tpu.dma_semaphore, #tpu.memory_space<semaphore_mem>> -> memref<!tpu.dma_semaphore, #tpu.memory_space<semaphore_mem>>
      tpu.enqueue_indirect_dma source(%dma_start3A_340 : memref<128x32xf32, #tpu.memory_space<vmem>>) target(%dma_start3A_346 : memref<10112x32xf32, #tpu.memory_space<vmem_shared>>) offsets(%dma_start3A_343 : memref<128xi32, #tpu.memory_space<vmem>>) semaphore(%dma_start3A_348 : memref<!tpu.dma_semaphore, #tpu.memory_space<semaphore_mem>>) {add = true}
      %add3A_349 = arith.constant 5 : i32
      %add3A_350 = arith.addi %add3A_316, %add3A_349 : i32
      %lt3A_351 = arith.constant 80 : i32
      %lt3A_352 = arith.cmpi slt, %add3A_350, %lt3A_351 : i32
      %convert_element_type3A_353 = arith.extui %lt3A_352 : i1 to i32
      %cond3A_354 = arith.constant 0 : i32
      %cond3A_355 = arith.cmpi ne, %convert_element_type3A_353, %cond3A_354 : i32
      scf.if %cond3A_355 {
        %ge3A = arith.constant 5 : i32
        %ge3A_700 = arith.cmpi sge, %add3A_316, %ge3A : i32
        %convert_element_type3A_701 = arith.extui %ge3A_700 : i1 to i32
        %cond3A_702 = arith.constant 0 : i32
        %cond3A_703 = arith.cmpi ne, %convert_element_type3A_701, %cond3A_702 : i32
        scf.if %cond3A_703 {
          %dma_wait3A_718 = arith.constant 6 : i32
          %dma_wait3A_719 = arith.constant 6 : i32
          %dma_wait3A_720 = arith.constant 0 : i32
          %dma_wait3A_721 = arith.constant 0 : i32
          %dma_wait3A_722 = tpu.memref_slice %arg7[%dma_wait3A_718, %dma_wait3A_720, %dma_wait3A_721] : memref<10x128x32xf32, #tpu.memory_space<vmem>> -> memref<1x128x32xf32, #tpu.memory_space<vmem>>
          %dma_wait3A_723 = tpu.memref_squeeze %dma_wait3A_722 : memref<1x128x32xf32, #tpu.memory_space<vmem>> -> memref<128x32xf32, #tpu.memory_space<vmem>>
          %dma_wait3A_724 = arith.constant 0 : i32
          %dma_wait3A_725 = arith.constant 0 : i32
          %dma_wait3A_726 = tpu.memref_slice %arg3[%dma_wait3A_724, %dma_wait3A_725] : memref<10000x32xf32, #tpu.memory_space<hbm>> -> memref<128x32xf32, #tpu.memory_space<hbm>>
          %dma_wait3A_727 = tpu.memref_slice %arg11[%dma_wait3A_719] : memref<10x!tpu.dma_semaphore, #tpu.memory_space<semaphore_mem>> -> memref<1x!tpu.dma_semaphore, #tpu.memory_space<semaphore_mem>>
          %dma_wait3A_728 = tpu.memref_squeeze %dma_wait3A_727 : memref<1x!tpu.dma_semaphore, #tpu.memory_space<semaphore_mem>> -> memref<!tpu.dma_semaphore, #tpu.memory_space<semaphore_mem>>
          %dma_wait3A_729 = arith.constant 0 : i32
          %dma_wait3A_730 = arith.constant 0 : i32
          %dma_wait3A_731 = tpu.memref_slice %arg7[%dma_wait3A_718, %dma_wait3A_729, %dma_wait3A_730] : memref<10x128x32xf32, #tpu.memory_space<vmem>> -> memref<1x128x32xf32, #tpu.memory_space<vmem>>
          %dma_wait3A_732 = tpu.memref_squeeze %dma_wait3A_731 : memref<1x128x32xf32, #tpu.memory_space<vmem>> -> memref<128x32xf32, #tpu.memory_space<vmem>>
          %dma_wait3A_733 = arith.constant 0 : i32
          %dma_wait3A_734 = arith.constant 0 : i32
          %dma_wait3A_735 = tpu.memref_slice %arg3[%dma_wait3A_733, %dma_wait3A_734] : memref<10000x32xf32, #tpu.memory_space<hbm>> -> memref<128x32xf32, #tpu.memory_space<hbm>>
          tpu.wait_dma2 semaphore(%dma_wait3A_728 : memref<!tpu.dma_semaphore, #tpu.memory_space<semaphore_mem>>) src(%dma_wait3A_735 : memref<128x32xf32, #tpu.memory_space<hbm>>) dst(%dma_wait3A_732 : memref<128x32xf32, #tpu.memory_space<vmem>>)
        } else {
        }
        %dma_start3A_704 = arith.constant 6 : i32
        %dma_start3A_705 = arith.constant 6 : i32
        %dma_start3A_706 = arith.constant 0 : i32
        %dma_start3A_707 = arith.constant 0 : i32
        %dma_start3A_708 = tpu.memref_slice %arg7[%dma_start3A_704, %dma_start3A_706, %dma_start3A_707] : memref<10x128x32xf32, #tpu.memory_space<vmem>> -> memref<1x128x32xf32, #tpu.memory_space<vmem>>
        %dma_start3A_709 = tpu.memref_squeeze %dma_start3A_708 : memref<1x128x32xf32, #tpu.memory_space<vmem>> -> memref<128x32xf32, #tpu.memory_space<vmem>>
        %dma_start3A_710 = arith.constant 0 : i32
        %dma_start3A_711 = tpu.memref_slice %arg5[%add3A_350, %dma_start3A_710] : memref<80x128xi32, #tpu.memory_space<vmem>> -> memref<1x128xi32, #tpu.memory_space<vmem>>
        %dma_start3A_712 = tpu.memref_squeeze %dma_start3A_711 : memref<1x128xi32, #tpu.memory_space<vmem>> -> memref<128xi32, #tpu.memory_space<vmem>>
        %dma_start3A_713 = arith.constant 0 : i32
        %dma_start3A_714 = arith.constant 0 : i32
        %dma_start3A_715 = tpu.memref_slice %arg3[%dma_start3A_713, %dma_start3A_714] : memref<10000x32xf32, #tpu.memory_space<hbm>> -> memref<10000x32xf32, #tpu.memory_space<hbm>>
        %dma_start3A_716 = tpu.memref_slice %arg10[%dma_start3A_705] : memref<10x!tpu.dma_semaphore, #tpu.memory_space<semaphore_mem>> -> memref<1x!tpu.dma_semaphore, #tpu.memory_space<semaphore_mem>>
        %dma_start3A_717 = tpu.memref_squeeze %dma_start3A_716 : memref<1x!tpu.dma_semaphore, #tpu.memory_space<semaphore_mem>> -> memref<!tpu.dma_semaphore, #tpu.memory_space<semaphore_mem>>
        tpu.enqueue_indirect_dma source(%dma_start3A_715 : memref<10000x32xf32, #tpu.memory_space<hbm>>) target(%dma_start3A_709 : memref<128x32xf32, #tpu.memory_space<vmem>>) offsets(%dma_start3A_712 : memref<128xi32, #tpu.memory_space<vmem>>) semaphore(%dma_start3A_717 : memref<!tpu.dma_semaphore, #tpu.memory_space<semaphore_mem>>)
      } else {
      }
      %mul3A_356 = arith.constant 10 : i32
      %mul3A_357 = arith.muli %scan3A_272, %mul3A_356 : i32
      %add3A_358 = arith.constant 2 : i32
      %add3A_359 = arith.addi %mul3A_357, %add3A_358 : i32
      %dma_wait3A_360 = arith.constant 2 : i32
      %dma_wait3A_361 = arith.constant 2 : i32
      %dma_wait3A_362 = arith.constant 0 : i32
      %dma_wait3A_363 = arith.constant 0 : i32
      %dma_wait3A_364 = tpu.memref_slice %arg7[%dma_wait3A_360, %dma_wait3A_362, %dma_wait3A_363] : memref<10x128x32xf32, #tpu.memory_space<vmem>> -> memref<1x128x32xf32, #tpu.memory_space<vmem>>
      %dma_wait3A_365 = tpu.memref_squeeze %dma_wait3A_364 : memref<1x128x32xf32, #tpu.memory_space<vmem>> -> memref<128x32xf32, #tpu.memory_space<vmem>>
      %dma_wait3A_366 = arith.constant 0 : i32
      %dma_wait3A_367 = arith.constant 0 : i32
      %dma_wait3A_368 = tpu.memref_slice %arg3[%dma_wait3A_366, %dma_wait3A_367] : memref<10000x32xf32, #tpu.memory_space<hbm>> -> memref<128x32xf32, #tpu.memory_space<hbm>>
      %dma_wait3A_369 = tpu.memref_slice %arg10[%dma_wait3A_361] : memref<10x!tpu.dma_semaphore, #tpu.memory_space<semaphore_mem>> -> memref<1x!tpu.dma_semaphore, #tpu.memory_space<semaphore_mem>>
      %dma_wait3A_370 = tpu.memref_squeeze %dma_wait3A_369 : memref<1x!tpu.dma_semaphore, #tpu.memory_space<semaphore_mem>> -> memref<!tpu.dma_semaphore, #tpu.memory_space<semaphore_mem>>
      %dma_wait3A_371 = arith.constant 0 : i32
      %dma_wait3A_372 = arith.constant 0 : i32
      %dma_wait3A_373 = tpu.memref_slice %arg7[%dma_wait3A_360, %dma_wait3A_371, %dma_wait3A_372] : memref<10x128x32xf32, #tpu.memory_space<vmem>> -> memref<1x128x32xf32, #tpu.memory_space<vmem>>
      %dma_wait3A_374 = tpu.memref_squeeze %dma_wait3A_373 : memref<1x128x32xf32, #tpu.memory_space<vmem>> -> memref<128x32xf32, #tpu.memory_space<vmem>>
      %dma_wait3A_375 = arith.constant 0 : i32
      %dma_wait3A_376 = arith.constant 0 : i32
      %dma_wait3A_377 = tpu.memref_slice %arg3[%dma_wait3A_375, %dma_wait3A_376] : memref<10000x32xf32, #tpu.memory_space<hbm>> -> memref<128x32xf32, #tpu.memory_space<hbm>>
      tpu.wait_dma2 semaphore(%dma_wait3A_370 : memref<!tpu.dma_semaphore, #tpu.memory_space<semaphore_mem>>) src(%dma_wait3A_377 : memref<128x32xf32, #tpu.memory_space<hbm>>) dst(%dma_wait3A_374 : memref<128x32xf32, #tpu.memory_space<vmem>>)
      %dma_start3A_378 = arith.constant 2 : i32
      %dma_start3A_379 = arith.constant 2 : i32
      %dma_start3A_380 = arith.constant 0 : i32
      %dma_start3A_381 = arith.constant 0 : i32
      %dma_start3A_382 = tpu.memref_slice %arg7[%dma_start3A_378, %dma_start3A_380, %dma_start3A_381] : memref<10x128x32xf32, #tpu.memory_space<vmem>> -> memref<1x128x32xf32, #tpu.memory_space<vmem>>
      %dma_start3A_383 = tpu.memref_squeeze %dma_start3A_382 : memref<1x128x32xf32, #tpu.memory_space<vmem>> -> memref<128x32xf32, #tpu.memory_space<vmem>>
      %dma_start3A_384 = arith.constant 0 : i32
      %dma_start3A_385 = tpu.memref_slice %arg6[%add3A_359, %dma_start3A_384] : memref<80x128xi32, #tpu.memory_space<vmem>> -> memref<1x128xi32, #tpu.memory_space<vmem>>
      %dma_start3A_386 = tpu.memref_squeeze %dma_start3A_385 : memref<1x128xi32, #tpu.memory_space<vmem>> -> memref<128xi32, #tpu.memory_space<vmem>>
      %dma_start3A_387 = arith.constant 0 : i32
      %dma_start3A_388 = arith.constant 0 : i32
      %dma_start3A_389 = tpu.memref_slice %arg8[%dma_start3A_387, %dma_start3A_388] : memref<10112x32xf32, #tpu.memory_space<vmem_shared>> -> memref<10112x32xf32, #tpu.memory_space<vmem_shared>>
      %dma_start3A_390 = tpu.memref_slice %arg11[%dma_start3A_379] : memref<10x!tpu.dma_semaphore, #tpu.memory_space<semaphore_mem>> -> memref<1x!tpu.dma_semaphore, #tpu.memory_space<semaphore_mem>>
      %dma_start3A_391 = tpu.memref_squeeze %dma_start3A_390 : memref<1x!tpu.dma_semaphore, #tpu.memory_space<semaphore_mem>> -> memref<!tpu.dma_semaphore, #tpu.memory_space<semaphore_mem>>
      tpu.enqueue_indirect_dma source(%dma_start3A_383 : memref<128x32xf32, #tpu.memory_space<vmem>>) target(%dma_start3A_389 : memref<10112x32xf32, #tpu.memory_space<vmem_shared>>) offsets(%dma_start3A_386 : memref<128xi32, #tpu.memory_space<vmem>>) semaphore(%dma_start3A_391 : memref<!tpu.dma_semaphore, #tpu.memory_space<semaphore_mem>>) {add = true}
      %add3A_392 = arith.constant 5 : i32
      %add3A_393 = arith.addi %add3A_359, %add3A_392 : i32
      %lt3A_394 = arith.constant 80 : i32
      %lt3A_395 = arith.cmpi slt, %add3A_393, %lt3A_394 : i32
      %convert_element_type3A_396 = arith.extui %lt3A_395 : i1 to i32
      %cond3A_397 = arith.constant 0 : i32
      %cond3A_398 = arith.cmpi ne, %convert_element_type3A_396, %cond3A_397 : i32
      scf.if %cond3A_398 {
        %ge3A = arith.constant 5 : i32
        %ge3A_700 = arith.cmpi sge, %add3A_359, %ge3A : i32
        %convert_element_type3A_701 = arith.extui %ge3A_700 : i1 to i32
        %cond3A_702 = arith.constant 0 : i32
        %cond3A_703 = arith.cmpi ne, %convert_element_type3A_701, %cond3A_702 : i32
        scf.if %cond3A_703 {
          %dma_wait3A_718 = arith.constant 7 : i32
          %dma_wait3A_719 = arith.constant 7 : i32
          %dma_wait3A_720 = arith.constant 0 : i32
          %dma_wait3A_721 = arith.constant 0 : i32
          %dma_wait3A_722 = tpu.memref_slice %arg7[%dma_wait3A_718, %dma_wait3A_720, %dma_wait3A_721] : memref<10x128x32xf32, #tpu.memory_space<vmem>> -> memref<1x128x32xf32, #tpu.memory_space<vmem>>
          %dma_wait3A_723 = tpu.memref_squeeze %dma_wait3A_722 : memref<1x128x32xf32, #tpu.memory_space<vmem>> -> memref<128x32xf32, #tpu.memory_space<vmem>>
          %dma_wait3A_724 = arith.constant 0 : i32
          %dma_wait3A_725 = arith.constant 0 : i32
          %dma_wait3A_726 = tpu.memref_slice %arg3[%dma_wait3A_724, %dma_wait3A_725] : memref<10000x32xf32, #tpu.memory_space<hbm>> -> memref<128x32xf32, #tpu.memory_space<hbm>>
          %dma_wait3A_727 = tpu.memref_slice %arg11[%dma_wait3A_719] : memref<10x!tpu.dma_semaphore, #tpu.memory_space<semaphore_mem>> -> memref<1x!tpu.dma_semaphore, #tpu.memory_space<semaphore_mem>>
          %dma_wait3A_728 = tpu.memref_squeeze %dma_wait3A_727 : memref<1x!tpu.dma_semaphore, #tpu.memory_space<semaphore_mem>> -> memref<!tpu.dma_semaphore, #tpu.memory_space<semaphore_mem>>
          %dma_wait3A_729 = arith.constant 0 : i32
          %dma_wait3A_730 = arith.constant 0 : i32
          %dma_wait3A_731 = tpu.memref_slice %arg7[%dma_wait3A_718, %dma_wait3A_729, %dma_wait3A_730] : memref<10x128x32xf32, #tpu.memory_space<vmem>> -> memref<1x128x32xf32, #tpu.memory_space<vmem>>
          %dma_wait3A_732 = tpu.memref_squeeze %dma_wait3A_731 : memref<1x128x32xf32, #tpu.memory_space<vmem>> -> memref<128x32xf32, #tpu.memory_space<vmem>>
          %dma_wait3A_733 = arith.constant 0 : i32
          %dma_wait3A_734 = arith.constant 0 : i32
          %dma_wait3A_735 = tpu.memref_slice %arg3[%dma_wait3A_733, %dma_wait3A_734] : memref<10000x32xf32, #tpu.memory_space<hbm>> -> memref<128x32xf32, #tpu.memory_space<hbm>>
          tpu.wait_dma2 semaphore(%dma_wait3A_728 : memref<!tpu.dma_semaphore, #tpu.memory_space<semaphore_mem>>) src(%dma_wait3A_735 : memref<128x32xf32, #tpu.memory_space<hbm>>) dst(%dma_wait3A_732 : memref<128x32xf32, #tpu.memory_space<vmem>>)
        } else {
        }
        %dma_start3A_704 = arith.constant 7 : i32
        %dma_start3A_705 = arith.constant 7 : i32
        %dma_start3A_706 = arith.constant 0 : i32
        %dma_start3A_707 = arith.constant 0 : i32
        %dma_start3A_708 = tpu.memref_slice %arg7[%dma_start3A_704, %dma_start3A_706, %dma_start3A_707] : memref<10x128x32xf32, #tpu.memory_space<vmem>> -> memref<1x128x32xf32, #tpu.memory_space<vmem>>
        %dma_start3A_709 = tpu.memref_squeeze %dma_start3A_708 : memref<1x128x32xf32, #tpu.memory_space<vmem>> -> memref<128x32xf32, #tpu.memory_space<vmem>>
        %dma_start3A_710 = arith.constant 0 : i32
        %dma_start3A_711 = tpu.memref_slice %arg5[%add3A_393, %dma_start3A_710] : memref<80x128xi32, #tpu.memory_space<vmem>> -> memref<1x128xi32, #tpu.memory_space<vmem>>
        %dma_start3A_712 = tpu.memref_squeeze %dma_start3A_711 : memref<1x128xi32, #tpu.memory_space<vmem>> -> memref<128xi32, #tpu.memory_space<vmem>>
        %dma_start3A_713 = arith.constant 0 : i32
        %dma_start3A_714 = arith.constant 0 : i32
        %dma_start3A_715 = tpu.memref_slice %arg3[%dma_start3A_713, %dma_start3A_714] : memref<10000x32xf32, #tpu.memory_space<hbm>> -> memref<10000x32xf32, #tpu.memory_space<hbm>>
        %dma_start3A_716 = tpu.memref_slice %arg10[%dma_start3A_705] : memref<10x!tpu.dma_semaphore, #tpu.memory_space<semaphore_mem>> -> memref<1x!tpu.dma_semaphore, #tpu.memory_space<semaphore_mem>>
        %dma_start3A_717 = tpu.memref_squeeze %dma_start3A_716 : memref<1x!tpu.dma_semaphore, #tpu.memory_space<semaphore_mem>> -> memref<!tpu.dma_semaphore, #tpu.memory_space<semaphore_mem>>
        tpu.enqueue_indirect_dma source(%dma_start3A_715 : memref<10000x32xf32, #tpu.memory_space<hbm>>) target(%dma_start3A_709 : memref<128x32xf32, #tpu.memory_space<vmem>>) offsets(%dma_start3A_712 : memref<128xi32, #tpu.memory_space<vmem>>) semaphore(%dma_start3A_717 : memref<!tpu.dma_semaphore, #tpu.memory_space<semaphore_mem>>)
      } else {
      }
      %mul3A_399 = arith.constant 10 : i32
      %mul3A_400 = arith.muli %scan3A_272, %mul3A_399 : i32
      %add3A_401 = arith.constant 3 : i32
      %add3A_402 = arith.addi %mul3A_400, %add3A_401 : i32
      %dma_wait3A_403 = arith.constant 3 : i32
      %dma_wait3A_404 = arith.constant 3 : i32
      %dma_wait3A_405 = arith.constant 0 : i32
      %dma_wait3A_406 = arith.constant 0 : i32
      %dma_wait3A_407 = tpu.memref_slice %arg7[%dma_wait3A_403, %dma_wait3A_405, %dma_wait3A_406] : memref<10x128x32xf32, #tpu.memory_space<vmem>> -> memref<1x128x32xf32, #tpu.memory_space<vmem>>
      %dma_wait3A_408 = tpu.memref_squeeze %dma_wait3A_407 : memref<1x128x32xf32, #tpu.memory_space<vmem>> -> memref<128x32xf32, #tpu.memory_space<vmem>>
      %dma_wait3A_409 = arith.constant 0 : i32
      %dma_wait3A_410 = arith.constant 0 : i32
      %dma_wait3A_411 = tpu.memref_slice %arg3[%dma_wait3A_409, %dma_wait3A_410] : memref<10000x32xf32, #tpu.memory_space<hbm>> -> memref<128x32xf32, #tpu.memory_space<hbm>>
      %dma_wait3A_412 = tpu.memref_slice %arg10[%dma_wait3A_404] : memref<10x!tpu.dma_semaphore, #tpu.memory_space<semaphore_mem>> -> memref<1x!tpu.dma_semaphore, #tpu.memory_space<semaphore_mem>>
      %dma_wait3A_413 = tpu.memref_squeeze %dma_wait3A_412 : memref<1x!tpu.dma_semaphore, #tpu.memory_space<semaphore_mem>> -> memref<!tpu.dma_semaphore, #tpu.memory_space<semaphore_mem>>
      %dma_wait3A_414 = arith.constant 0 : i32
      %dma_wait3A_415 = arith.constant 0 : i32
      %dma_wait3A_416 = tpu.memref_slice %arg7[%dma_wait3A_403, %dma_wait3A_414, %dma_wait3A_415] : memref<10x128x32xf32, #tpu.memory_space<vmem>> -> memref<1x128x32xf32, #tpu.memory_space<vmem>>
      %dma_wait3A_417 = tpu.memref_squeeze %dma_wait3A_416 : memref<1x128x32xf32, #tpu.memory_space<vmem>> -> memref<128x32xf32, #tpu.memory_space<vmem>>
      %dma_wait3A_418 = arith.constant 0 : i32
      %dma_wait3A_419 = arith.constant 0 : i32
      %dma_wait3A_420 = tpu.memref_slice %arg3[%dma_wait3A_418, %dma_wait3A_419] : memref<10000x32xf32, #tpu.memory_space<hbm>> -> memref<128x32xf32, #tpu.memory_space<hbm>>
      tpu.wait_dma2 semaphore(%dma_wait3A_413 : memref<!tpu.dma_semaphore, #tpu.memory_space<semaphore_mem>>) src(%dma_wait3A_420 : memref<128x32xf32, #tpu.memory_space<hbm>>) dst(%dma_wait3A_417 : memref<128x32xf32, #tpu.memory_space<vmem>>)
      %dma_start3A_421 = arith.constant 3 : i32
      %dma_start3A_422 = arith.constant 3 : i32
      %dma_start3A_423 = arith.constant 0 : i32
      %dma_start3A_424 = arith.constant 0 : i32
      %dma_start3A_425 = tpu.memref_slice %arg7[%dma_start3A_421, %dma_start3A_423, %dma_start3A_424] : memref<10x128x32xf32, #tpu.memory_space<vmem>> -> memref<1x128x32xf32, #tpu.memory_space<vmem>>
      %dma_start3A_426 = tpu.memref_squeeze %dma_start3A_425 : memref<1x128x32xf32, #tpu.memory_space<vmem>> -> memref<128x32xf32, #tpu.memory_space<vmem>>
      %dma_start3A_427 = arith.constant 0 : i32
      %dma_start3A_428 = tpu.memref_slice %arg6[%add3A_402, %dma_start3A_427] : memref<80x128xi32, #tpu.memory_space<vmem>> -> memref<1x128xi32, #tpu.memory_space<vmem>>
      %dma_start3A_429 = tpu.memref_squeeze %dma_start3A_428 : memref<1x128xi32, #tpu.memory_space<vmem>> -> memref<128xi32, #tpu.memory_space<vmem>>
      %dma_start3A_430 = arith.constant 0 : i32
      %dma_start3A_431 = arith.constant 0 : i32
      %dma_start3A_432 = tpu.memref_slice %arg8[%dma_start3A_430, %dma_start3A_431] : memref<10112x32xf32, #tpu.memory_space<vmem_shared>> -> memref<10112x32xf32, #tpu.memory_space<vmem_shared>>
      %dma_start3A_433 = tpu.memref_slice %arg11[%dma_start3A_422] : memref<10x!tpu.dma_semaphore, #tpu.memory_space<semaphore_mem>> -> memref<1x!tpu.dma_semaphore, #tpu.memory_space<semaphore_mem>>
      %dma_start3A_434 = tpu.memref_squeeze %dma_start3A_433 : memref<1x!tpu.dma_semaphore, #tpu.memory_space<semaphore_mem>> -> memref<!tpu.dma_semaphore, #tpu.memory_space<semaphore_mem>>
      tpu.enqueue_indirect_dma source(%dma_start3A_426 : memref<128x32xf32, #tpu.memory_space<vmem>>) target(%dma_start3A_432 : memref<10112x32xf32, #tpu.memory_space<vmem_shared>>) offsets(%dma_start3A_429 : memref<128xi32, #tpu.memory_space<vmem>>) semaphore(%dma_start3A_434 : memref<!tpu.dma_semaphore, #tpu.memory_space<semaphore_mem>>) {add = true}
      %add3A_435 = arith.constant 5 : i32
      %add3A_436 = arith.addi %add3A_402, %add3A_435 : i32
      %lt3A_437 = arith.constant 80 : i32
      %lt3A_438 = arith.cmpi slt, %add3A_436, %lt3A_437 : i32
      %convert_element_type3A_439 = arith.extui %lt3A_438 : i1 to i32
      %cond3A_440 = arith.constant 0 : i32
      %cond3A_441 = arith.cmpi ne, %convert_element_type3A_439, %cond3A_440 : i32
      scf.if %cond3A_441 {
        %ge3A = arith.constant 5 : i32
        %ge3A_700 = arith.cmpi sge, %add3A_402, %ge3A : i32
        %convert_element_type3A_701 = arith.extui %ge3A_700 : i1 to i32
        %cond3A_702 = arith.constant 0 : i32
        %cond3A_703 = arith.cmpi ne, %convert_element_type3A_701, %cond3A_702 : i32
        scf.if %cond3A_703 {
          %dma_wait3A_718 = arith.constant 8 : i32
          %dma_wait3A_719 = arith.constant 8 : i32
          %dma_wait3A_720 = arith.constant 0 : i32
          %dma_wait3A_721 = arith.constant 0 : i32
          %dma_wait3A_722 = tpu.memref_slice %arg7[%dma_wait3A_718, %dma_wait3A_720, %dma_wait3A_721] : memref<10x128x32xf32, #tpu.memory_space<vmem>> -> memref<1x128x32xf32, #tpu.memory_space<vmem>>
          %dma_wait3A_723 = tpu.memref_squeeze %dma_wait3A_722 : memref<1x128x32xf32, #tpu.memory_space<vmem>> -> memref<128x32xf32, #tpu.memory_space<vmem>>
          %dma_wait3A_724 = arith.constant 0 : i32
          %dma_wait3A_725 = arith.constant 0 : i32
          %dma_wait3A_726 = tpu.memref_slice %arg3[%dma_wait3A_724, %dma_wait3A_725] : memref<10000x32xf32, #tpu.memory_space<hbm>> -> memref<128x32xf32, #tpu.memory_space<hbm>>
          %dma_wait3A_727 = tpu.memref_slice %arg11[%dma_wait3A_719] : memref<10x!tpu.dma_semaphore, #tpu.memory_space<semaphore_mem>> -> memref<1x!tpu.dma_semaphore, #tpu.memory_space<semaphore_mem>>
          %dma_wait3A_728 = tpu.memref_squeeze %dma_wait3A_727 : memref<1x!tpu.dma_semaphore, #tpu.memory_space<semaphore_mem>> -> memref<!tpu.dma_semaphore, #tpu.memory_space<semaphore_mem>>
          %dma_wait3A_729 = arith.constant 0 : i32
          %dma_wait3A_730 = arith.constant 0 : i32
          %dma_wait3A_731 = tpu.memref_slice %arg7[%dma_wait3A_718, %dma_wait3A_729, %dma_wait3A_730] : memref<10x128x32xf32, #tpu.memory_space<vmem>> -> memref<1x128x32xf32, #tpu.memory_space<vmem>>
          %dma_wait3A_732 = tpu.memref_squeeze %dma_wait3A_731 : memref<1x128x32xf32, #tpu.memory_space<vmem>> -> memref<128x32xf32, #tpu.memory_space<vmem>>
          %dma_wait3A_733 = arith.constant 0 : i32
          %dma_wait3A_734 = arith.constant 0 : i32
          %dma_wait3A_735 = tpu.memref_slice %arg3[%dma_wait3A_733, %dma_wait3A_734] : memref<10000x32xf32, #tpu.memory_space<hbm>> -> memref<128x32xf32, #tpu.memory_space<hbm>>
          tpu.wait_dma2 semaphore(%dma_wait3A_728 : memref<!tpu.dma_semaphore, #tpu.memory_space<semaphore_mem>>) src(%dma_wait3A_735 : memref<128x32xf32, #tpu.memory_space<hbm>>) dst(%dma_wait3A_732 : memref<128x32xf32, #tpu.memory_space<vmem>>)
        } else {
        }
        %dma_start3A_704 = arith.constant 8 : i32
        %dma_start3A_705 = arith.constant 8 : i32
        %dma_start3A_706 = arith.constant 0 : i32
        %dma_start3A_707 = arith.constant 0 : i32
        %dma_start3A_708 = tpu.memref_slice %arg7[%dma_start3A_704, %dma_start3A_706, %dma_start3A_707] : memref<10x128x32xf32, #tpu.memory_space<vmem>> -> memref<1x128x32xf32, #tpu.memory_space<vmem>>
        %dma_start3A_709 = tpu.memref_squeeze %dma_start3A_708 : memref<1x128x32xf32, #tpu.memory_space<vmem>> -> memref<128x32xf32, #tpu.memory_space<vmem>>
        %dma_start3A_710 = arith.constant 0 : i32
        %dma_start3A_711 = tpu.memref_slice %arg5[%add3A_436, %dma_start3A_710] : memref<80x128xi32, #tpu.memory_space<vmem>> -> memref<1x128xi32, #tpu.memory_space<vmem>>
        %dma_start3A_712 = tpu.memref_squeeze %dma_start3A_711 : memref<1x128xi32, #tpu.memory_space<vmem>> -> memref<128xi32, #tpu.memory_space<vmem>>
        %dma_start3A_713 = arith.constant 0 : i32
        %dma_start3A_714 = arith.constant 0 : i32
        %dma_start3A_715 = tpu.memref_slice %arg3[%dma_start3A_713, %dma_start3A_714] : memref<10000x32xf32, #tpu.memory_space<hbm>> -> memref<10000x32xf32, #tpu.memory_space<hbm>>
        %dma_start3A_716 = tpu.memref_slice %arg10[%dma_start3A_705] : memref<10x!tpu.dma_semaphore, #tpu.memory_space<semaphore_mem>> -> memref<1x!tpu.dma_semaphore, #tpu.memory_space<semaphore_mem>>
        %dma_start3A_717 = tpu.memref_squeeze %dma_start3A_716 : memref<1x!tpu.dma_semaphore, #tpu.memory_space<semaphore_mem>> -> memref<!tpu.dma_semaphore, #tpu.memory_space<semaphore_mem>>
        tpu.enqueue_indirect_dma source(%dma_start3A_715 : memref<10000x32xf32, #tpu.memory_space<hbm>>) target(%dma_start3A_709 : memref<128x32xf32, #tpu.memory_space<vmem>>) offsets(%dma_start3A_712 : memref<128xi32, #tpu.memory_space<vmem>>) semaphore(%dma_start3A_717 : memref<!tpu.dma_semaphore, #tpu.memory_space<semaphore_mem>>)
      } else {
      }
      %mul3A_442 = arith.constant 10 : i32
      %mul3A_443 = arith.muli %scan3A_272, %mul3A_442 : i32
      %add3A_444 = arith.constant 4 : i32
      %add3A_445 = arith.addi %mul3A_443, %add3A_444 : i32
      %dma_wait3A_446 = arith.constant 4 : i32
      %dma_wait3A_447 = arith.constant 4 : i32
      %dma_wait3A_448 = arith.constant 0 : i32
      %dma_wait3A_449 = arith.constant 0 : i32
      %dma_wait3A_450 = tpu.memref_slice %arg7[%dma_wait3A_446, %dma_wait3A_448, %dma_wait3A_449] : memref<10x128x32xf32, #tpu.memory_space<vmem>> -> memref<1x128x32xf32, #tpu.memory_space<vmem>>
      %dma_wait3A_451 = tpu.memref_squeeze %dma_wait3A_450 : memref<1x128x32xf32, #tpu.memory_space<vmem>> -> memref<128x32xf32, #tpu.memory_space<vmem>>
      %dma_wait3A_452 = arith.constant 0 : i32
      %dma_wait3A_453 = arith.constant 0 : i32
      %dma_wait3A_454 = tpu.memref_slice %arg3[%dma_wait3A_452, %dma_wait3A_453] : memref<10000x32xf32, #tpu.memory_space<hbm>> -> memref<128x32xf32, #tpu.memory_space<hbm>>
      %dma_wait3A_455 = tpu.memref_slice %arg10[%dma_wait3A_447] : memref<10x!tpu.dma_semaphore, #tpu.memory_space<semaphore_mem>> -> memref<1x!tpu.dma_semaphore, #tpu.memory_space<semaphore_mem>>
      %dma_wait3A_456 = tpu.memref_squeeze %dma_wait3A_455 : memref<1x!tpu.dma_semaphore, #tpu.memory_space<semaphore_mem>> -> memref<!tpu.dma_semaphore, #tpu.memory_space<semaphore_mem>>
      %dma_wait3A_457 = arith.constant 0 : i32
      %dma_wait3A_458 = arith.constant 0 : i32
      %dma_wait3A_459 = tpu.memref_slice %arg7[%dma_wait3A_446, %dma_wait3A_457, %dma_wait3A_458] : memref<10x128x32xf32, #tpu.memory_space<vmem>> -> memref<1x128x32xf32, #tpu.memory_space<vmem>>
      %dma_wait3A_460 = tpu.memref_squeeze %dma_wait3A_459 : memref<1x128x32xf32, #tpu.memory_space<vmem>> -> memref<128x32xf32, #tpu.memory_space<vmem>>
      %dma_wait3A_461 = arith.constant 0 : i32
      %dma_wait3A_462 = arith.constant 0 : i32
      %dma_wait3A_463 = tpu.memref_slice %arg3[%dma_wait3A_461, %dma_wait3A_462] : memref<10000x32xf32, #tpu.memory_space<hbm>> -> memref<128x32xf32, #tpu.memory_space<hbm>>
      tpu.wait_dma2 semaphore(%dma_wait3A_456 : memref<!tpu.dma_semaphore, #tpu.memory_space<semaphore_mem>>) src(%dma_wait3A_463 : memref<128x32xf32, #tpu.memory_space<hbm>>) dst(%dma_wait3A_460 : memref<128x32xf32, #tpu.memory_space<vmem>>)
      %dma_start3A_464 = arith.constant 4 : i32
      %dma_start3A_465 = arith.constant 4 : i32
      %dma_start3A_466 = arith.constant 0 : i32
      %dma_start3A_467 = arith.constant 0 : i32
      %dma_start3A_468 = tpu.memref_slice %arg7[%dma_start3A_464, %dma_start3A_466, %dma_start3A_467] : memref<10x128x32xf32, #tpu.memory_space<vmem>> -> memref<1x128x32xf32, #tpu.memory_space<vmem>>
      %dma_start3A_469 = tpu.memref_squeeze %dma_start3A_468 : memref<1x128x32xf32, #tpu.memory_space<vmem>> -> memref<128x32xf32, #tpu.memory_space<vmem>>
      %dma_start3A_470 = arith.constant 0 : i32
      %dma_start3A_471 = tpu.memref_slice %arg6[%add3A_445, %dma_start3A_470] : memref<80x128xi32, #tpu.memory_space<vmem>> -> memref<1x128xi32, #tpu.memory_space<vmem>>
      %dma_start3A_472 = tpu.memref_squeeze %dma_start3A_471 : memref<1x128xi32, #tpu.memory_space<vmem>> -> memref<128xi32, #tpu.memory_space<vmem>>
      %dma_start3A_473 = arith.constant 0 : i32
      %dma_start3A_474 = arith.constant 0 : i32
      %dma_start3A_475 = tpu.memref_slice %arg8[%dma_start3A_473, %dma_start3A_474] : memref<10112x32xf32, #tpu.memory_space<vmem_shared>> -> memref<10112x32xf32, #tpu.memory_space<vmem_shared>>
      %dma_start3A_476 = tpu.memref_slice %arg11[%dma_start3A_465] : memref<10x!tpu.dma_semaphore, #tpu.memory_space<semaphore_mem>> -> memref<1x!tpu.dma_semaphore, #tpu.memory_space<semaphore_mem>>
      %dma_start3A_477 = tpu.memref_squeeze %dma_start3A_476 : memref<1x!tpu.dma_semaphore, #tpu.memory_space<semaphore_mem>> -> memref<!tpu.dma_semaphore, #tpu.memory_space<semaphore_mem>>
      tpu.enqueue_indirect_dma source(%dma_start3A_469 : memref<128x32xf32, #tpu.memory_space<vmem>>) target(%dma_start3A_475 : memref<10112x32xf32, #tpu.memory_space<vmem_shared>>) offsets(%dma_start3A_472 : memref<128xi32, #tpu.memory_space<vmem>>) semaphore(%dma_start3A_477 : memref<!tpu.dma_semaphore, #tpu.memory_space<semaphore_mem>>) {add = true}
      %add3A_478 = arith.constant 5 : i32
      %add3A_479 = arith.addi %add3A_445, %add3A_478 : i32
      %lt3A_480 = arith.constant 80 : i32
      %lt3A_481 = arith.cmpi slt, %add3A_479, %lt3A_480 : i32
      %convert_element_type3A_482 = arith.extui %lt3A_481 : i1 to i32
      %cond3A_483 = arith.constant 0 : i32
      %cond3A_484 = arith.cmpi ne, %convert_element_type3A_482, %cond3A_483 : i32
      scf.if %cond3A_484 {
        %ge3A = arith.constant 5 : i32
        %ge3A_700 = arith.cmpi sge, %add3A_445, %ge3A : i32
        %convert_element_type3A_701 = arith.extui %ge3A_700 : i1 to i32
        %cond3A_702 = arith.constant 0 : i32
        %cond3A_703 = arith.cmpi ne, %convert_element_type3A_701, %cond3A_702 : i32
        scf.if %cond3A_703 {
          %dma_wait3A_718 = arith.constant 9 : i32
          %dma_wait3A_719 = arith.constant 9 : i32
          %dma_wait3A_720 = arith.constant 0 : i32
          %dma_wait3A_721 = arith.constant 0 : i32
          %dma_wait3A_722 = tpu.memref_slice %arg7[%dma_wait3A_718, %dma_wait3A_720, %dma_wait3A_721] : memref<10x128x32xf32, #tpu.memory_space<vmem>> -> memref<1x128x32xf32, #tpu.memory_space<vmem>>
          %dma_wait3A_723 = tpu.memref_squeeze %dma_wait3A_722 : memref<1x128x32xf32, #tpu.memory_space<vmem>> -> memref<128x32xf32, #tpu.memory_space<vmem>>
          %dma_wait3A_724 = arith.constant 0 : i32
          %dma_wait3A_725 = arith.constant 0 : i32
          %dma_wait3A_726 = tpu.memref_slice %arg3[%dma_wait3A_724, %dma_wait3A_725] : memref<10000x32xf32, #tpu.memory_space<hbm>> -> memref<128x32xf32, #tpu.memory_space<hbm>>
          %dma_wait3A_727 = tpu.memref_slice %arg11[%dma_wait3A_719] : memref<10x!tpu.dma_semaphore, #tpu.memory_space<semaphore_mem>> -> memref<1x!tpu.dma_semaphore, #tpu.memory_space<semaphore_mem>>
          %dma_wait3A_728 = tpu.memref_squeeze %dma_wait3A_727 : memref<1x!tpu.dma_semaphore, #tpu.memory_space<semaphore_mem>> -> memref<!tpu.dma_semaphore, #tpu.memory_space<semaphore_mem>>
          %dma_wait3A_729 = arith.constant 0 : i32
          %dma_wait3A_730 = arith.constant 0 : i32
          %dma_wait3A_731 = tpu.memref_slice %arg7[%dma_wait3A_718, %dma_wait3A_729, %dma_wait3A_730] : memref<10x128x32xf32, #tpu.memory_space<vmem>> -> memref<1x128x32xf32, #tpu.memory_space<vmem>>
          %dma_wait3A_732 = tpu.memref_squeeze %dma_wait3A_731 : memref<1x128x32xf32, #tpu.memory_space<vmem>> -> memref<128x32xf32, #tpu.memory_space<vmem>>
          %dma_wait3A_733 = arith.constant 0 : i32
          %dma_wait3A_734 = arith.constant 0 : i32
          %dma_wait3A_735 = tpu.memref_slice %arg3[%dma_wait3A_733, %dma_wait3A_734] : memref<10000x32xf32, #tpu.memory_space<hbm>> -> memref<128x32xf32, #tpu.memory_space<hbm>>
          tpu.wait_dma2 semaphore(%dma_wait3A_728 : memref<!tpu.dma_semaphore, #tpu.memory_space<semaphore_mem>>) src(%dma_wait3A_735 : memref<128x32xf32, #tpu.memory_space<hbm>>) dst(%dma_wait3A_732 : memref<128x32xf32, #tpu.memory_space<vmem>>)
        } else {
        }
        %dma_start3A_704 = arith.constant 9 : i32
        %dma_start3A_705 = arith.constant 9 : i32
        %dma_start3A_706 = arith.constant 0 : i32
        %dma_start3A_707 = arith.constant 0 : i32
        %dma_start3A_708 = tpu.memref_slice %arg7[%dma_start3A_704, %dma_start3A_706, %dma_start3A_707] : memref<10x128x32xf32, #tpu.memory_space<vmem>> -> memref<1x128x32xf32, #tpu.memory_space<vmem>>
        %dma_start3A_709 = tpu.memref_squeeze %dma_start3A_708 : memref<1x128x32xf32, #tpu.memory_space<vmem>> -> memref<128x32xf32, #tpu.memory_space<vmem>>
        %dma_start3A_710 = arith.constant 0 : i32
        %dma_start3A_711 = tpu.memref_slice %arg5[%add3A_479, %dma_start3A_710] : memref<80x128xi32, #tpu.memory_space<vmem>> -> memref<1x128xi32, #tpu.memory_space<vmem>>
        %dma_start3A_712 = tpu.memref_squeeze %dma_start3A_711 : memref<1x128xi32, #tpu.memory_space<vmem>> -> memref<128xi32, #tpu.memory_space<vmem>>
        %dma_start3A_713 = arith.constant 0 : i32
        %dma_start3A_714 = arith.constant 0 : i32
        %dma_start3A_715 = tpu.memref_slice %arg3[%dma_start3A_713, %dma_start3A_714] : memref<10000x32xf32, #tpu.memory_space<hbm>> -> memref<10000x32xf32, #tpu.memory_space<hbm>>
        %dma_start3A_716 = tpu.memref_slice %arg10[%dma_start3A_705] : memref<10x!tpu.dma_semaphore, #tpu.memory_space<semaphore_mem>> -> memref<1x!tpu.dma_semaphore, #tpu.memory_space<semaphore_mem>>
        %dma_start3A_717 = tpu.memref_squeeze %dma_start3A_716 : memref<1x!tpu.dma_semaphore, #tpu.memory_space<semaphore_mem>> -> memref<!tpu.dma_semaphore, #tpu.memory_space<semaphore_mem>>
        tpu.enqueue_indirect_dma source(%dma_start3A_715 : memref<10000x32xf32, #tpu.memory_space<hbm>>) target(%dma_start3A_709 : memref<128x32xf32, #tpu.memory_space<vmem>>) offsets(%dma_start3A_712 : memref<128xi32, #tpu.memory_space<vmem>>) semaphore(%dma_start3A_717 : memref<!tpu.dma_semaphore, #tpu.memory_space<semaphore_mem>>)
      } else {
      }
      %mul3A_485 = arith.constant 10 : i32
      %mul3A_486 = arith.muli %scan3A_272, %mul3A_485 : i32
      %add3A_487 = arith.constant 5 : i32
      %add3A_488 = arith.addi %mul3A_486, %add3A_487 : i32
      %dma_wait3A_489 = arith.constant 5 : i32
      %dma_wait3A_490 = arith.constant 5 : i32
      %dma_wait3A_491 = arith.constant 0 : i32
      %dma_wait3A_492 = arith.constant 0 : i32
      %dma_wait3A_493 = tpu.memref_slice %arg7[%dma_wait3A_489, %dma_wait3A_491, %dma_wait3A_492] : memref<10x128x32xf32, #tpu.memory_space<vmem>> -> memref<1x128x32xf32, #tpu.memory_space<vmem>>
      %dma_wait3A_494 = tpu.memref_squeeze %dma_wait3A_493 : memref<1x128x32xf32, #tpu.memory_space<vmem>> -> memref<128x32xf32, #tpu.memory_space<vmem>>
      %dma_wait3A_495 = arith.constant 0 : i32
      %dma_wait3A_496 = arith.constant 0 : i32
      %dma_wait3A_497 = tpu.memref_slice %arg3[%dma_wait3A_495, %dma_wait3A_496] : memref<10000x32xf32, #tpu.memory_space<hbm>> -> memref<128x32xf32, #tpu.memory_space<hbm>>
      %dma_wait3A_498 = tpu.memref_slice %arg10[%dma_wait3A_490] : memref<10x!tpu.dma_semaphore, #tpu.memory_space<semaphore_mem>> -> memref<1x!tpu.dma_semaphore, #tpu.memory_space<semaphore_mem>>
      %dma_wait3A_499 = tpu.memref_squeeze %dma_wait3A_498 : memref<1x!tpu.dma_semaphore, #tpu.memory_space<semaphore_mem>> -> memref<!tpu.dma_semaphore, #tpu.memory_space<semaphore_mem>>
      %dma_wait3A_500 = arith.constant 0 : i32
      %dma_wait3A_501 = arith.constant 0 : i32
      %dma_wait3A_502 = tpu.memref_slice %arg7[%dma_wait3A_489, %dma_wait3A_500, %dma_wait3A_501] : memref<10x128x32xf32, #tpu.memory_space<vmem>> -> memref<1x128x32xf32, #tpu.memory_space<vmem>>
      %dma_wait3A_503 = tpu.memref_squeeze %dma_wait3A_502 : memref<1x128x32xf32, #tpu.memory_space<vmem>> -> memref<128x32xf32, #tpu.memory_space<vmem>>
      %dma_wait3A_504 = arith.constant 0 : i32
      %dma_wait3A_505 = arith.constant 0 : i32
      %dma_wait3A_506 = tpu.memref_slice %arg3[%dma_wait3A_504, %dma_wait3A_505] : memref<10000x32xf32, #tpu.memory_space<hbm>> -> memref<128x32xf32, #tpu.memory_space<hbm>>
      tpu.wait_dma2 semaphore(%dma_wait3A_499 : memref<!tpu.dma_semaphore, #tpu.memory_space<semaphore_mem>>) src(%dma_wait3A_506 : memref<128x32xf32, #tpu.memory_space<hbm>>) dst(%dma_wait3A_503 : memref<128x32xf32, #tpu.memory_space<vmem>>)
      %dma_start3A_507 = arith.constant 5 : i32
      %dma_start3A_508 = arith.constant 5 : i32
      %dma_start3A_509 = arith.constant 0 : i32
      %dma_start3A_510 = arith.constant 0 : i32
      %dma_start3A_511 = tpu.memref_slice %arg7[%dma_start3A_507, %dma_start3A_509, %dma_start3A_510] : memref<10x128x32xf32, #tpu.memory_space<vmem>> -> memref<1x128x32xf32, #tpu.memory_space<vmem>>
      %dma_start3A_512 = tpu.memref_squeeze %dma_start3A_511 : memref<1x128x32xf32, #tpu.memory_space<vmem>> -> memref<128x32xf32, #tpu.memory_space<vmem>>
      %dma_start3A_513 = arith.constant 0 : i32
      %dma_start3A_514 = tpu.memref_slice %arg6[%add3A_488, %dma_start3A_513] : memref<80x128xi32, #tpu.memory_space<vmem>> -> memref<1x128xi32, #tpu.memory_space<vmem>>
      %dma_start3A_515 = tpu.memref_squeeze %dma_start3A_514 : memref<1x128xi32, #tpu.memory_space<vmem>> -> memref<128xi32, #tpu.memory_space<vmem>>
      %dma_start3A_516 = arith.constant 0 : i32
      %dma_start3A_517 = arith.constant 0 : i32
      %dma_start3A_518 = tpu.memref_slice %arg8[%dma_start3A_516, %dma_start3A_517] : memref<10112x32xf32, #tpu.memory_space<vmem_shared>> -> memref<10112x32xf32, #tpu.memory_space<vmem_shared>>
      %dma_start3A_519 = tpu.memref_slice %arg11[%dma_start3A_508] : memref<10x!tpu.dma_semaphore, #tpu.memory_space<semaphore_mem>> -> memref<1x!tpu.dma_semaphore, #tpu.memory_space<semaphore_mem>>
      %dma_start3A_520 = tpu.memref_squeeze %dma_start3A_519 : memref<1x!tpu.dma_semaphore, #tpu.memory_space<semaphore_mem>> -> memref<!tpu.dma_semaphore, #tpu.memory_space<semaphore_mem>>
      tpu.enqueue_indirect_dma source(%dma_start3A_512 : memref<128x32xf32, #tpu.memory_space<vmem>>) target(%dma_start3A_518 : memref<10112x32xf32, #tpu.memory_space<vmem_shared>>) offsets(%dma_start3A_515 : memref<128xi32, #tpu.memory_space<vmem>>) semaphore(%dma_start3A_520 : memref<!tpu.dma_semaphore, #tpu.memory_space<semaphore_mem>>) {add = true}
      %add3A_521 = arith.constant 5 : i32
      %add3A_522 = arith.addi %add3A_488, %add3A_521 : i32
      %lt3A_523 = arith.constant 80 : i32
      %lt3A_524 = arith.cmpi slt, %add3A_522, %lt3A_523 : i32
      %convert_element_type3A_525 = arith.extui %lt3A_524 : i1 to i32
      %cond3A_526 = arith.constant 0 : i32
      %cond3A_527 = arith.cmpi ne, %convert_element_type3A_525, %cond3A_526 : i32
      scf.if %cond3A_527 {
        %ge3A = arith.constant 5 : i32
        %ge3A_700 = arith.cmpi sge, %add3A_488, %ge3A : i32
        %convert_element_type3A_701 = arith.extui %ge3A_700 : i1 to i32
        %cond3A_702 = arith.constant 0 : i32
        %cond3A_703 = arith.cmpi ne, %convert_element_type3A_701, %cond3A_702 : i32
        scf.if %cond3A_703 {
          %dma_wait3A_718 = arith.constant 0 : i32
          %dma_wait3A_719 = arith.constant 0 : i32
          %dma_wait3A_720 = arith.constant 0 : i32
          %dma_wait3A_721 = arith.constant 0 : i32
          %dma_wait3A_722 = tpu.memref_slice %arg7[%dma_wait3A_718, %dma_wait3A_720, %dma_wait3A_721] : memref<10x128x32xf32, #tpu.memory_space<vmem>> -> memref<1x128x32xf32, #tpu.memory_space<vmem>>
          %dma_wait3A_723 = tpu.memref_squeeze %dma_wait3A_722 : memref<1x128x32xf32, #tpu.memory_space<vmem>> -> memref<128x32xf32, #tpu.memory_space<vmem>>
          %dma_wait3A_724 = arith.constant 0 : i32
          %dma_wait3A_725 = arith.constant 0 : i32
          %dma_wait3A_726 = tpu.memref_slice %arg3[%dma_wait3A_724, %dma_wait3A_725] : memref<10000x32xf32, #tpu.memory_space<hbm>> -> memref<128x32xf32, #tpu.memory_space<hbm>>
          %dma_wait3A_727 = tpu.memref_slice %arg11[%dma_wait3A_719] : memref<10x!tpu.dma_semaphore, #tpu.memory_space<semaphore_mem>> -> memref<1x!tpu.dma_semaphore, #tpu.memory_space<semaphore_mem>>
          %dma_wait3A_728 = tpu.memref_squeeze %dma_wait3A_727 : memref<1x!tpu.dma_semaphore, #tpu.memory_space<semaphore_mem>> -> memref<!tpu.dma_semaphore, #tpu.memory_space<semaphore_mem>>
          %dma_wait3A_729 = arith.constant 0 : i32
          %dma_wait3A_730 = arith.constant 0 : i32
          %dma_wait3A_731 = tpu.memref_slice %arg7[%dma_wait3A_718, %dma_wait3A_729, %dma_wait3A_730] : memref<10x128x32xf32, #tpu.memory_space<vmem>> -> memref<1x128x32xf32, #tpu.memory_space<vmem>>
          %dma_wait3A_732 = tpu.memref_squeeze %dma_wait3A_731 : memref<1x128x32xf32, #tpu.memory_space<vmem>> -> memref<128x32xf32, #tpu.memory_space<vmem>>
          %dma_wait3A_733 = arith.constant 0 : i32
          %dma_wait3A_734 = arith.constant 0 : i32
          %dma_wait3A_735 = tpu.memref_slice %arg3[%dma_wait3A_733, %dma_wait3A_734] : memref<10000x32xf32, #tpu.memory_space<hbm>> -> memref<128x32xf32, #tpu.memory_space<hbm>>
          tpu.wait_dma2 semaphore(%dma_wait3A_728 : memref<!tpu.dma_semaphore, #tpu.memory_space<semaphore_mem>>) src(%dma_wait3A_735 : memref<128x32xf32, #tpu.memory_space<hbm>>) dst(%dma_wait3A_732 : memref<128x32xf32, #tpu.memory_space<vmem>>)
        } else {
        }
        %dma_start3A_704 = arith.constant 0 : i32
        %dma_start3A_705 = arith.constant 0 : i32
        %dma_start3A_706 = arith.constant 0 : i32
        %dma_start3A_707 = arith.constant 0 : i32
        %dma_start3A_708 = tpu.memref_slice %arg7[%dma_start3A_704, %dma_start3A_706, %dma_start3A_707] : memref<10x128x32xf32, #tpu.memory_space<vmem>> -> memref<1x128x32xf32, #tpu.memory_space<vmem>>
        %dma_start3A_709 = tpu.memref_squeeze %dma_start3A_708 : memref<1x128x32xf32, #tpu.memory_space<vmem>> -> memref<128x32xf32, #tpu.memory_space<vmem>>
        %dma_start3A_710 = arith.constant 0 : i32
        %dma_start3A_711 = tpu.memref_slice %arg5[%add3A_522, %dma_start3A_710] : memref<80x128xi32, #tpu.memory_space<vmem>> -> memref<1x128xi32, #tpu.memory_space<vmem>>
        %dma_start3A_712 = tpu.memref_squeeze %dma_start3A_711 : memref<1x128xi32, #tpu.memory_space<vmem>> -> memref<128xi32, #tpu.memory_space<vmem>>
        %dma_start3A_713 = arith.constant 0 : i32
        %dma_start3A_714 = arith.constant 0 : i32
        %dma_start3A_715 = tpu.memref_slice %arg3[%dma_start3A_713, %dma_start3A_714] : memref<10000x32xf32, #tpu.memory_space<hbm>> -> memref<10000x32xf32, #tpu.memory_space<hbm>>
        %dma_start3A_716 = tpu.memref_slice %arg10[%dma_start3A_705] : memref<10x!tpu.dma_semaphore, #tpu.memory_space<semaphore_mem>> -> memref<1x!tpu.dma_semaphore, #tpu.memory_space<semaphore_mem>>
        %dma_start3A_717 = tpu.memref_squeeze %dma_start3A_716 : memref<1x!tpu.dma_semaphore, #tpu.memory_space<semaphore_mem>> -> memref<!tpu.dma_semaphore, #tpu.memory_space<semaphore_mem>>
        tpu.enqueue_indirect_dma source(%dma_start3A_715 : memref<10000x32xf32, #tpu.memory_space<hbm>>) target(%dma_start3A_709 : memref<128x32xf32, #tpu.memory_space<vmem>>) offsets(%dma_start3A_712 : memref<128xi32, #tpu.memory_space<vmem>>) semaphore(%dma_start3A_717 : memref<!tpu.dma_semaphore, #tpu.memory_space<semaphore_mem>>)
      } else {
      }
      %mul3A_528 = arith.constant 10 : i32
      %mul3A_529 = arith.muli %scan3A_272, %mul3A_528 : i32
      %add3A_530 = arith.constant 6 : i32
      %add3A_531 = arith.addi %mul3A_529, %add3A_530 : i32
      %dma_wait3A_532 = arith.constant 6 : i32
      %dma_wait3A_533 = arith.constant 6 : i32
      %dma_wait3A_534 = arith.constant 0 : i32
      %dma_wait3A_535 = arith.constant 0 : i32
      %dma_wait3A_536 = tpu.memref_slice %arg7[%dma_wait3A_532, %dma_wait3A_534, %dma_wait3A_535] : memref<10x128x32xf32, #tpu.memory_space<vmem>> -> memref<1x128x32xf32, #tpu.memory_space<vmem>>
      %dma_wait3A_537 = tpu.memref_squeeze %dma_wait3A_536 : memref<1x128x32xf32, #tpu.memory_space<vmem>> -> memref<128x32xf32, #tpu.memory_space<vmem>>
      %dma_wait3A_538 = arith.constant 0 : i32
      %dma_wait3A_539 = arith.constant 0 : i32
      %dma_wait3A_540 = tpu.memref_slice %arg3[%dma_wait3A_538, %dma_wait3A_539] : memref<10000x32xf32, #tpu.memory_space<hbm>> -> memref<128x32xf32, #tpu.memory_space<hbm>>
      %dma_wait3A_541 = tpu.memref_slice %arg10[%dma_wait3A_533] : memref<10x!tpu.dma_semaphore, #tpu.memory_space<semaphore_mem>> -> memref<1x!tpu.dma_semaphore, #tpu.memory_space<semaphore_mem>>
      %dma_wait3A_542 = tpu.memref_squeeze %dma_wait3A_541 : memref<1x!tpu.dma_semaphore, #tpu.memory_space<semaphore_mem>> -> memref<!tpu.dma_semaphore, #tpu.memory_space<semaphore_mem>>
      %dma_wait3A_543 = arith.constant 0 : i32
      %dma_wait3A_544 = arith.constant 0 : i32
      %dma_wait3A_545 = tpu.memref_slice %arg7[%dma_wait3A_532, %dma_wait3A_543, %dma_wait3A_544] : memref<10x128x32xf32, #tpu.memory_space<vmem>> -> memref<1x128x32xf32, #tpu.memory_space<vmem>>
      %dma_wait3A_546 = tpu.memref_squeeze %dma_wait3A_545 : memref<1x128x32xf32, #tpu.memory_space<vmem>> -> memref<128x32xf32, #tpu.memory_space<vmem>>
      %dma_wait3A_547 = arith.constant 0 : i32
      %dma_wait3A_548 = arith.constant 0 : i32
      %dma_wait3A_549 = tpu.memref_slice %arg3[%dma_wait3A_547, %dma_wait3A_548] : memref<10000x32xf32, #tpu.memory_space<hbm>> -> memref<128x32xf32, #tpu.memory_space<hbm>>
      tpu.wait_dma2 semaphore(%dma_wait3A_542 : memref<!tpu.dma_semaphore, #tpu.memory_space<semaphore_mem>>) src(%dma_wait3A_549 : memref<128x32xf32, #tpu.memory_space<hbm>>) dst(%dma_wait3A_546 : memref<128x32xf32, #tpu.memory_space<vmem>>)
      %dma_start3A_550 = arith.constant 6 : i32
      %dma_start3A_551 = arith.constant 6 : i32
      %dma_start3A_552 = arith.constant 0 : i32
      %dma_start3A_553 = arith.constant 0 : i32
      %dma_start3A_554 = tpu.memref_slice %arg7[%dma_start3A_550, %dma_start3A_552, %dma_start3A_553] : memref<10x128x32xf32, #tpu.memory_space<vmem>> -> memref<1x128x32xf32, #tpu.memory_space<vmem>>
      %dma_start3A_555 = tpu.memref_squeeze %dma_start3A_554 : memref<1x128x32xf32, #tpu.memory_space<vmem>> -> memref<128x32xf32, #tpu.memory_space<vmem>>
      %dma_start3A_556 = arith.constant 0 : i32
      %dma_start3A_557 = tpu.memref_slice %arg6[%add3A_531, %dma_start3A_556] : memref<80x128xi32, #tpu.memory_space<vmem>> -> memref<1x128xi32, #tpu.memory_space<vmem>>
      %dma_start3A_558 = tpu.memref_squeeze %dma_start3A_557 : memref<1x128xi32, #tpu.memory_space<vmem>> -> memref<128xi32, #tpu.memory_space<vmem>>
      %dma_start3A_559 = arith.constant 0 : i32
      %dma_start3A_560 = arith.constant 0 : i32
      %dma_start3A_561 = tpu.memref_slice %arg8[%dma_start3A_559, %dma_start3A_560] : memref<10112x32xf32, #tpu.memory_space<vmem_shared>> -> memref<10112x32xf32, #tpu.memory_space<vmem_shared>>
      %dma_start3A_562 = tpu.memref_slice %arg11[%dma_start3A_551] : memref<10x!tpu.dma_semaphore, #tpu.memory_space<semaphore_mem>> -> memref<1x!tpu.dma_semaphore, #tpu.memory_space<semaphore_mem>>
      %dma_start3A_563 = tpu.memref_squeeze %dma_start3A_562 : memref<1x!tpu.dma_semaphore, #tpu.memory_space<semaphore_mem>> -> memref<!tpu.dma_semaphore, #tpu.memory_space<semaphore_mem>>
      tpu.enqueue_indirect_dma source(%dma_start3A_555 : memref<128x32xf32, #tpu.memory_space<vmem>>) target(%dma_start3A_561 : memref<10112x32xf32, #tpu.memory_space<vmem_shared>>) offsets(%dma_start3A_558 : memref<128xi32, #tpu.memory_space<vmem>>) semaphore(%dma_start3A_563 : memref<!tpu.dma_semaphore, #tpu.memory_space<semaphore_mem>>) {add = true}
      %add3A_564 = arith.constant 5 : i32
      %add3A_565 = arith.addi %add3A_531, %add3A_564 : i32
      %lt3A_566 = arith.constant 80 : i32
      %lt3A_567 = arith.cmpi slt, %add3A_565, %lt3A_566 : i32
      %convert_element_type3A_568 = arith.extui %lt3A_567 : i1 to i32
      %cond3A_569 = arith.constant 0 : i32
      %cond3A_570 = arith.cmpi ne, %convert_element_type3A_568, %cond3A_569 : i32
      scf.if %cond3A_570 {
        %ge3A = arith.constant 5 : i32
        %ge3A_700 = arith.cmpi sge, %add3A_531, %ge3A : i32
        %convert_element_type3A_701 = arith.extui %ge3A_700 : i1 to i32
        %cond3A_702 = arith.constant 0 : i32
        %cond3A_703 = arith.cmpi ne, %convert_element_type3A_701, %cond3A_702 : i32
        scf.if %cond3A_703 {
          %dma_wait3A_718 = arith.constant 1 : i32
          %dma_wait3A_719 = arith.constant 1 : i32
          %dma_wait3A_720 = arith.constant 0 : i32
          %dma_wait3A_721 = arith.constant 0 : i32
          %dma_wait3A_722 = tpu.memref_slice %arg7[%dma_wait3A_718, %dma_wait3A_720, %dma_wait3A_721] : memref<10x128x32xf32, #tpu.memory_space<vmem>> -> memref<1x128x32xf32, #tpu.memory_space<vmem>>
          %dma_wait3A_723 = tpu.memref_squeeze %dma_wait3A_722 : memref<1x128x32xf32, #tpu.memory_space<vmem>> -> memref<128x32xf32, #tpu.memory_space<vmem>>
          %dma_wait3A_724 = arith.constant 0 : i32
          %dma_wait3A_725 = arith.constant 0 : i32
          %dma_wait3A_726 = tpu.memref_slice %arg3[%dma_wait3A_724, %dma_wait3A_725] : memref<10000x32xf32, #tpu.memory_space<hbm>> -> memref<128x32xf32, #tpu.memory_space<hbm>>
          %dma_wait3A_727 = tpu.memref_slice %arg11[%dma_wait3A_719] : memref<10x!tpu.dma_semaphore, #tpu.memory_space<semaphore_mem>> -> memref<1x!tpu.dma_semaphore, #tpu.memory_space<semaphore_mem>>
          %dma_wait3A_728 = tpu.memref_squeeze %dma_wait3A_727 : memref<1x!tpu.dma_semaphore, #tpu.memory_space<semaphore_mem>> -> memref<!tpu.dma_semaphore, #tpu.memory_space<semaphore_mem>>
          %dma_wait3A_729 = arith.constant 0 : i32
          %dma_wait3A_730 = arith.constant 0 : i32
          %dma_wait3A_731 = tpu.memref_slice %arg7[%dma_wait3A_718, %dma_wait3A_729, %dma_wait3A_730] : memref<10x128x32xf32, #tpu.memory_space<vmem>> -> memref<1x128x32xf32, #tpu.memory_space<vmem>>
          %dma_wait3A_732 = tpu.memref_squeeze %dma_wait3A_731 : memref<1x128x32xf32, #tpu.memory_space<vmem>> -> memref<128x32xf32, #tpu.memory_space<vmem>>
          %dma_wait3A_733 = arith.constant 0 : i32
          %dma_wait3A_734 = arith.constant 0 : i32
          %dma_wait3A_735 = tpu.memref_slice %arg3[%dma_wait3A_733, %dma_wait3A_734] : memref<10000x32xf32, #tpu.memory_space<hbm>> -> memref<128x32xf32, #tpu.memory_space<hbm>>
          tpu.wait_dma2 semaphore(%dma_wait3A_728 : memref<!tpu.dma_semaphore, #tpu.memory_space<semaphore_mem>>) src(%dma_wait3A_735 : memref<128x32xf32, #tpu.memory_space<hbm>>) dst(%dma_wait3A_732 : memref<128x32xf32, #tpu.memory_space<vmem>>)
        } else {
        }
        %dma_start3A_704 = arith.constant 1 : i32
        %dma_start3A_705 = arith.constant 1 : i32
        %dma_start3A_706 = arith.constant 0 : i32
        %dma_start3A_707 = arith.constant 0 : i32
        %dma_start3A_708 = tpu.memref_slice %arg7[%dma_start3A_704, %dma_start3A_706, %dma_start3A_707] : memref<10x128x32xf32, #tpu.memory_space<vmem>> -> memref<1x128x32xf32, #tpu.memory_space<vmem>>
        %dma_start3A_709 = tpu.memref_squeeze %dma_start3A_708 : memref<1x128x32xf32, #tpu.memory_space<vmem>> -> memref<128x32xf32, #tpu.memory_space<vmem>>
        %dma_start3A_710 = arith.constant 0 : i32
        %dma_start3A_711 = tpu.memref_slice %arg5[%add3A_565, %dma_start3A_710] : memref<80x128xi32, #tpu.memory_space<vmem>> -> memref<1x128xi32, #tpu.memory_space<vmem>>
        %dma_start3A_712 = tpu.memref_squeeze %dma_start3A_711 : memref<1x128xi32, #tpu.memory_space<vmem>> -> memref<128xi32, #tpu.memory_space<vmem>>
        %dma_start3A_713 = arith.constant 0 : i32
        %dma_start3A_714 = arith.constant 0 : i32
        %dma_start3A_715 = tpu.memref_slice %arg3[%dma_start3A_713, %dma_start3A_714] : memref<10000x32xf32, #tpu.memory_space<hbm>> -> memref<10000x32xf32, #tpu.memory_space<hbm>>
        %dma_start3A_716 = tpu.memref_slice %arg10[%dma_start3A_705] : memref<10x!tpu.dma_semaphore, #tpu.memory_space<semaphore_mem>> -> memref<1x!tpu.dma_semaphore, #tpu.memory_space<semaphore_mem>>
        %dma_start3A_717 = tpu.memref_squeeze %dma_start3A_716 : memref<1x!tpu.dma_semaphore, #tpu.memory_space<semaphore_mem>> -> memref<!tpu.dma_semaphore, #tpu.memory_space<semaphore_mem>>
        tpu.enqueue_indirect_dma source(%dma_start3A_715 : memref<10000x32xf32, #tpu.memory_space<hbm>>) target(%dma_start3A_709 : memref<128x32xf32, #tpu.memory_space<vmem>>) offsets(%dma_start3A_712 : memref<128xi32, #tpu.memory_space<vmem>>) semaphore(%dma_start3A_717 : memref<!tpu.dma_semaphore, #tpu.memory_space<semaphore_mem>>)
      } else {
      }
      %mul3A_571 = arith.constant 10 : i32
      %mul3A_572 = arith.muli %scan3A_272, %mul3A_571 : i32
      %add3A_573 = arith.constant 7 : i32
      %add3A_574 = arith.addi %mul3A_572, %add3A_573 : i32
      %dma_wait3A_575 = arith.constant 7 : i32
      %dma_wait3A_576 = arith.constant 7 : i32
      %dma_wait3A_577 = arith.constant 0 : i32
      %dma_wait3A_578 = arith.constant 0 : i32
      %dma_wait3A_579 = tpu.memref_slice %arg7[%dma_wait3A_575, %dma_wait3A_577, %dma_wait3A_578] : memref<10x128x32xf32, #tpu.memory_space<vmem>> -> memref<1x128x32xf32, #tpu.memory_space<vmem>>
      %dma_wait3A_580 = tpu.memref_squeeze %dma_wait3A_579 : memref<1x128x32xf32, #tpu.memory_space<vmem>> -> memref<128x32xf32, #tpu.memory_space<vmem>>
      %dma_wait3A_581 = arith.constant 0 : i32
      %dma_wait3A_582 = arith.constant 0 : i32
      %dma_wait3A_583 = tpu.memref_slice %arg3[%dma_wait3A_581, %dma_wait3A_582] : memref<10000x32xf32, #tpu.memory_space<hbm>> -> memref<128x32xf32, #tpu.memory_space<hbm>>
      %dma_wait3A_584 = tpu.memref_slice %arg10[%dma_wait3A_576] : memref<10x!tpu.dma_semaphore, #tpu.memory_space<semaphore_mem>> -> memref<1x!tpu.dma_semaphore, #tpu.memory_space<semaphore_mem>>
      %dma_wait3A_585 = tpu.memref_squeeze %dma_wait3A_584 : memref<1x!tpu.dma_semaphore, #tpu.memory_space<semaphore_mem>> -> memref<!tpu.dma_semaphore, #tpu.memory_space<semaphore_mem>>
      %dma_wait3A_586 = arith.constant 0 : i32
      %dma_wait3A_587 = arith.constant 0 : i32
      %dma_wait3A_588 = tpu.memref_slice %arg7[%dma_wait3A_575, %dma_wait3A_586, %dma_wait3A_587] : memref<10x128x32xf32, #tpu.memory_space<vmem>> -> memref<1x128x32xf32, #tpu.memory_space<vmem>>
      %dma_wait3A_589 = tpu.memref_squeeze %dma_wait3A_588 : memref<1x128x32xf32, #tpu.memory_space<vmem>> -> memref<128x32xf32, #tpu.memory_space<vmem>>
      %dma_wait3A_590 = arith.constant 0 : i32
      %dma_wait3A_591 = arith.constant 0 : i32
      %dma_wait3A_592 = tpu.memref_slice %arg3[%dma_wait3A_590, %dma_wait3A_591] : memref<10000x32xf32, #tpu.memory_space<hbm>> -> memref<128x32xf32, #tpu.memory_space<hbm>>
      tpu.wait_dma2 semaphore(%dma_wait3A_585 : memref<!tpu.dma_semaphore, #tpu.memory_space<semaphore_mem>>) src(%dma_wait3A_592 : memref<128x32xf32, #tpu.memory_space<hbm>>) dst(%dma_wait3A_589 : memref<128x32xf32, #tpu.memory_space<vmem>>)
      %dma_start3A_593 = arith.constant 7 : i32
      %dma_start3A_594 = arith.constant 7 : i32
      %dma_start3A_595 = arith.constant 0 : i32
      %dma_start3A_596 = arith.constant 0 : i32
      %dma_start3A_597 = tpu.memref_slice %arg7[%dma_start3A_593, %dma_start3A_595, %dma_start3A_596] : memref<10x128x32xf32, #tpu.memory_space<vmem>> -> memref<1x128x32xf32, #tpu.memory_space<vmem>>
      %dma_start3A_598 = tpu.memref_squeeze %dma_start3A_597 : memref<1x128x32xf32, #tpu.memory_space<vmem>> -> memref<128x32xf32, #tpu.memory_space<vmem>>
      %dma_start3A_599 = arith.constant 0 : i32
      %dma_start3A_600 = tpu.memref_slice %arg6[%add3A_574, %dma_start3A_599] : memref<80x128xi32, #tpu.memory_space<vmem>> -> memref<1x128xi32, #tpu.memory_space<vmem>>
      %dma_start3A_601 = tpu.memref_squeeze %dma_start3A_600 : memref<1x128xi32, #tpu.memory_space<vmem>> -> memref<128xi32, #tpu.memory_space<vmem>>
      %dma_start3A_602 = arith.constant 0 : i32
      %dma_start3A_603 = arith.constant 0 : i32
      %dma_start3A_604 = tpu.memref_slice %arg8[%dma_start3A_602, %dma_start3A_603] : memref<10112x32xf32, #tpu.memory_space<vmem_shared>> -> memref<10112x32xf32, #tpu.memory_space<vmem_shared>>
      %dma_start3A_605 = tpu.memref_slice %arg11[%dma_start3A_594] : memref<10x!tpu.dma_semaphore, #tpu.memory_space<semaphore_mem>> -> memref<1x!tpu.dma_semaphore, #tpu.memory_space<semaphore_mem>>
      %dma_start3A_606 = tpu.memref_squeeze %dma_start3A_605 : memref<1x!tpu.dma_semaphore, #tpu.memory_space<semaphore_mem>> -> memref<!tpu.dma_semaphore, #tpu.memory_space<semaphore_mem>>
      tpu.enqueue_indirect_dma source(%dma_start3A_598 : memref<128x32xf32, #tpu.memory_space<vmem>>) target(%dma_start3A_604 : memref<10112x32xf32, #tpu.memory_space<vmem_shared>>) offsets(%dma_start3A_601 : memref<128xi32, #tpu.memory_space<vmem>>) semaphore(%dma_start3A_606 : memref<!tpu.dma_semaphore, #tpu.memory_space<semaphore_mem>>) {add = true}
      %add3A_607 = arith.constant 5 : i32
      %add3A_608 = arith.addi %add3A_574, %add3A_607 : i32
      %lt3A_609 = arith.constant 80 : i32
      %lt3A_610 = arith.cmpi slt, %add3A_608, %lt3A_609 : i32
      %convert_element_type3A_611 = arith.extui %lt3A_610 : i1 to i32
      %cond3A_612 = arith.constant 0 : i32
      %cond3A_613 = arith.cmpi ne, %convert_element_type3A_611, %cond3A_612 : i32
      scf.if %cond3A_613 {
        %ge3A = arith.constant 5 : i32
        %ge3A_700 = arith.cmpi sge, %add3A_574, %ge3A : i32
        %convert_element_type3A_701 = arith.extui %ge3A_700 : i1 to i32
        %cond3A_702 = arith.constant 0 : i32
        %cond3A_703 = arith.cmpi ne, %convert_element_type3A_701, %cond3A_702 : i32
        scf.if %cond3A_703 {
          %dma_wait3A_718 = arith.constant 2 : i32
          %dma_wait3A_719 = arith.constant 2 : i32
          %dma_wait3A_720 = arith.constant 0 : i32
          %dma_wait3A_721 = arith.constant 0 : i32
          %dma_wait3A_722 = tpu.memref_slice %arg7[%dma_wait3A_718, %dma_wait3A_720, %dma_wait3A_721] : memref<10x128x32xf32, #tpu.memory_space<vmem>> -> memref<1x128x32xf32, #tpu.memory_space<vmem>>
          %dma_wait3A_723 = tpu.memref_squeeze %dma_wait3A_722 : memref<1x128x32xf32, #tpu.memory_space<vmem>> -> memref<128x32xf32, #tpu.memory_space<vmem>>
          %dma_wait3A_724 = arith.constant 0 : i32
          %dma_wait3A_725 = arith.constant 0 : i32
          %dma_wait3A_726 = tpu.memref_slice %arg3[%dma_wait3A_724, %dma_wait3A_725] : memref<10000x32xf32, #tpu.memory_space<hbm>> -> memref<128x32xf32, #tpu.memory_space<hbm>>
          %dma_wait3A_727 = tpu.memref_slice %arg11[%dma_wait3A_719] : memref<10x!tpu.dma_semaphore, #tpu.memory_space<semaphore_mem>> -> memref<1x!tpu.dma_semaphore, #tpu.memory_space<semaphore_mem>>
          %dma_wait3A_728 = tpu.memref_squeeze %dma_wait3A_727 : memref<1x!tpu.dma_semaphore, #tpu.memory_space<semaphore_mem>> -> memref<!tpu.dma_semaphore, #tpu.memory_space<semaphore_mem>>
          %dma_wait3A_729 = arith.constant 0 : i32
          %dma_wait3A_730 = arith.constant 0 : i32
          %dma_wait3A_731 = tpu.memref_slice %arg7[%dma_wait3A_718, %dma_wait3A_729, %dma_wait3A_730] : memref<10x128x32xf32, #tpu.memory_space<vmem>> -> memref<1x128x32xf32, #tpu.memory_space<vmem>>
          %dma_wait3A_732 = tpu.memref_squeeze %dma_wait3A_731 : memref<1x128x32xf32, #tpu.memory_space<vmem>> -> memref<128x32xf32, #tpu.memory_space<vmem>>
          %dma_wait3A_733 = arith.constant 0 : i32
          %dma_wait3A_734 = arith.constant 0 : i32
          %dma_wait3A_735 = tpu.memref_slice %arg3[%dma_wait3A_733, %dma_wait3A_734] : memref<10000x32xf32, #tpu.memory_space<hbm>> -> memref<128x32xf32, #tpu.memory_space<hbm>>
          tpu.wait_dma2 semaphore(%dma_wait3A_728 : memref<!tpu.dma_semaphore, #tpu.memory_space<semaphore_mem>>) src(%dma_wait3A_735 : memref<128x32xf32, #tpu.memory_space<hbm>>) dst(%dma_wait3A_732 : memref<128x32xf32, #tpu.memory_space<vmem>>)
        } else {
        }
        %dma_start3A_704 = arith.constant 2 : i32
        %dma_start3A_705 = arith.constant 2 : i32
        %dma_start3A_706 = arith.constant 0 : i32
        %dma_start3A_707 = arith.constant 0 : i32
        %dma_start3A_708 = tpu.memref_slice %arg7[%dma_start3A_704, %dma_start3A_706, %dma_start3A_707] : memref<10x128x32xf32, #tpu.memory_space<vmem>> -> memref<1x128x32xf32, #tpu.memory_space<vmem>>
        %dma_start3A_709 = tpu.memref_squeeze %dma_start3A_708 : memref<1x128x32xf32, #tpu.memory_space<vmem>> -> memref<128x32xf32, #tpu.memory_space<vmem>>
        %dma_start3A_710 = arith.constant 0 : i32
        %dma_start3A_711 = tpu.memref_slice %arg5[%add3A_608, %dma_start3A_710] : memref<80x128xi32, #tpu.memory_space<vmem>> -> memref<1x128xi32, #tpu.memory_space<vmem>>
        %dma_start3A_712 = tpu.memref_squeeze %dma_start3A_711 : memref<1x128xi32, #tpu.memory_space<vmem>> -> memref<128xi32, #tpu.memory_space<vmem>>
        %dma_start3A_713 = arith.constant 0 : i32
        %dma_start3A_714 = arith.constant 0 : i32
        %dma_start3A_715 = tpu.memref_slice %arg3[%dma_start3A_713, %dma_start3A_714] : memref<10000x32xf32, #tpu.memory_space<hbm>> -> memref<10000x32xf32, #tpu.memory_space<hbm>>
        %dma_start3A_716 = tpu.memref_slice %arg10[%dma_start3A_705] : memref<10x!tpu.dma_semaphore, #tpu.memory_space<semaphore_mem>> -> memref<1x!tpu.dma_semaphore, #tpu.memory_space<semaphore_mem>>
        %dma_start3A_717 = tpu.memref_squeeze %dma_start3A_716 : memref<1x!tpu.dma_semaphore, #tpu.memory_space<semaphore_mem>> -> memref<!tpu.dma_semaphore, #tpu.memory_space<semaphore_mem>>
        tpu.enqueue_indirect_dma source(%dma_start3A_715 : memref<10000x32xf32, #tpu.memory_space<hbm>>) target(%dma_start3A_709 : memref<128x32xf32, #tpu.memory_space<vmem>>) offsets(%dma_start3A_712 : memref<128xi32, #tpu.memory_space<vmem>>) semaphore(%dma_start3A_717 : memref<!tpu.dma_semaphore, #tpu.memory_space<semaphore_mem>>)
      } else {
      }
      %mul3A_614 = arith.constant 10 : i32
      %mul3A_615 = arith.muli %scan3A_272, %mul3A_614 : i32
      %add3A_616 = arith.constant 8 : i32
      %add3A_617 = arith.addi %mul3A_615, %add3A_616 : i32
      %dma_wait3A_618 = arith.constant 8 : i32
      %dma_wait3A_619 = arith.constant 8 : i32
      %dma_wait3A_620 = arith.constant 0 : i32
      %dma_wait3A_621 = arith.constant 0 : i32
      %dma_wait3A_622 = tpu.memref_slice %arg7[%dma_wait3A_618, %dma_wait3A_620, %dma_wait3A_621] : memref<10x128x32xf32, #tpu.memory_space<vmem>> -> memref<1x128x32xf32, #tpu.memory_space<vmem>>
      %dma_wait3A_623 = tpu.memref_squeeze %dma_wait3A_622 : memref<1x128x32xf32, #tpu.memory_space<vmem>> -> memref<128x32xf32, #tpu.memory_space<vmem>>
      %dma_wait3A_624 = arith.constant 0 : i32
      %dma_wait3A_625 = arith.constant 0 : i32
      %dma_wait3A_626 = tpu.memref_slice %arg3[%dma_wait3A_624, %dma_wait3A_625] : memref<10000x32xf32, #tpu.memory_space<hbm>> -> memref<128x32xf32, #tpu.memory_space<hbm>>
      %dma_wait3A_627 = tpu.memref_slice %arg10[%dma_wait3A_619] : memref<10x!tpu.dma_semaphore, #tpu.memory_space<semaphore_mem>> -> memref<1x!tpu.dma_semaphore, #tpu.memory_space<semaphore_mem>>
      %dma_wait3A_628 = tpu.memref_squeeze %dma_wait3A_627 : memref<1x!tpu.dma_semaphore, #tpu.memory_space<semaphore_mem>> -> memref<!tpu.dma_semaphore, #tpu.memory_space<semaphore_mem>>
      %dma_wait3A_629 = arith.constant 0 : i32
      %dma_wait3A_630 = arith.constant 0 : i32
      %dma_wait3A_631 = tpu.memref_slice %arg7[%dma_wait3A_618, %dma_wait3A_629, %dma_wait3A_630] : memref<10x128x32xf32, #tpu.memory_space<vmem>> -> memref<1x128x32xf32, #tpu.memory_space<vmem>>
      %dma_wait3A_632 = tpu.memref_squeeze %dma_wait3A_631 : memref<1x128x32xf32, #tpu.memory_space<vmem>> -> memref<128x32xf32, #tpu.memory_space<vmem>>
      %dma_wait3A_633 = arith.constant 0 : i32
      %dma_wait3A_634 = arith.constant 0 : i32
      %dma_wait3A_635 = tpu.memref_slice %arg3[%dma_wait3A_633, %dma_wait3A_634] : memref<10000x32xf32, #tpu.memory_space<hbm>> -> memref<128x32xf32, #tpu.memory_space<hbm>>
      tpu.wait_dma2 semaphore(%dma_wait3A_628 : memref<!tpu.dma_semaphore, #tpu.memory_space<semaphore_mem>>) src(%dma_wait3A_635 : memref<128x32xf32, #tpu.memory_space<hbm>>) dst(%dma_wait3A_632 : memref<128x32xf32, #tpu.memory_space<vmem>>)
      %dma_start3A_636 = arith.constant 8 : i32
      %dma_start3A_637 = arith.constant 8 : i32
      %dma_start3A_638 = arith.constant 0 : i32
      %dma_start3A_639 = arith.constant 0 : i32
      %dma_start3A_640 = tpu.memref_slice %arg7[%dma_start3A_636, %dma_start3A_638, %dma_start3A_639] : memref<10x128x32xf32, #tpu.memory_space<vmem>> -> memref<1x128x32xf32, #tpu.memory_space<vmem>>
      %dma_start3A_641 = tpu.memref_squeeze %dma_start3A_640 : memref<1x128x32xf32, #tpu.memory_space<vmem>> -> memref<128x32xf32, #tpu.memory_space<vmem>>
      %dma_start3A_642 = arith.constant 0 : i32
      %dma_start3A_643 = tpu.memref_slice %arg6[%add3A_617, %dma_start3A_642] : memref<80x128xi32, #tpu.memory_space<vmem>> -> memref<1x128xi32, #tpu.memory_space<vmem>>
      %dma_start3A_644 = tpu.memref_squeeze %dma_start3A_643 : memref<1x128xi32, #tpu.memory_space<vmem>> -> memref<128xi32, #tpu.memory_space<vmem>>
      %dma_start3A_645 = arith.constant 0 : i32
      %dma_start3A_646 = arith.constant 0 : i32
      %dma_start3A_647 = tpu.memref_slice %arg8[%dma_start3A_645, %dma_start3A_646] : memref<10112x32xf32, #tpu.memory_space<vmem_shared>> -> memref<10112x32xf32, #tpu.memory_space<vmem_shared>>
      %dma_start3A_648 = tpu.memref_slice %arg11[%dma_start3A_637] : memref<10x!tpu.dma_semaphore, #tpu.memory_space<semaphore_mem>> -> memref<1x!tpu.dma_semaphore, #tpu.memory_space<semaphore_mem>>
      %dma_start3A_649 = tpu.memref_squeeze %dma_start3A_648 : memref<1x!tpu.dma_semaphore, #tpu.memory_space<semaphore_mem>> -> memref<!tpu.dma_semaphore, #tpu.memory_space<semaphore_mem>>
      tpu.enqueue_indirect_dma source(%dma_start3A_641 : memref<128x32xf32, #tpu.memory_space<vmem>>) target(%dma_start3A_647 : memref<10112x32xf32, #tpu.memory_space<vmem_shared>>) offsets(%dma_start3A_644 : memref<128xi32, #tpu.memory_space<vmem>>) semaphore(%dma_start3A_649 : memref<!tpu.dma_semaphore, #tpu.memory_space<semaphore_mem>>) {add = true}
      %add3A_650 = arith.constant 5 : i32
      %add3A_651 = arith.addi %add3A_617, %add3A_650 : i32
      %lt3A_652 = arith.constant 80 : i32
      %lt3A_653 = arith.cmpi slt, %add3A_651, %lt3A_652 : i32
      %convert_element_type3A_654 = arith.extui %lt3A_653 : i1 to i32
      %cond3A_655 = arith.constant 0 : i32
      %cond3A_656 = arith.cmpi ne, %convert_element_type3A_654, %cond3A_655 : i32
      scf.if %cond3A_656 {
        %ge3A = arith.constant 5 : i32
        %ge3A_700 = arith.cmpi sge, %add3A_617, %ge3A : i32
        %convert_element_type3A_701 = arith.extui %ge3A_700 : i1 to i32
        %cond3A_702 = arith.constant 0 : i32
        %cond3A_703 = arith.cmpi ne, %convert_element_type3A_701, %cond3A_702 : i32
        scf.if %cond3A_703 {
          %dma_wait3A_718 = arith.constant 3 : i32
          %dma_wait3A_719 = arith.constant 3 : i32
          %dma_wait3A_720 = arith.constant 0 : i32
          %dma_wait3A_721 = arith.constant 0 : i32
          %dma_wait3A_722 = tpu.memref_slice %arg7[%dma_wait3A_718, %dma_wait3A_720, %dma_wait3A_721] : memref<10x128x32xf32, #tpu.memory_space<vmem>> -> memref<1x128x32xf32, #tpu.memory_space<vmem>>
          %dma_wait3A_723 = tpu.memref_squeeze %dma_wait3A_722 : memref<1x128x32xf32, #tpu.memory_space<vmem>> -> memref<128x32xf32, #tpu.memory_space<vmem>>
          %dma_wait3A_724 = arith.constant 0 : i32
          %dma_wait3A_725 = arith.constant 0 : i32
          %dma_wait3A_726 = tpu.memref_slice %arg3[%dma_wait3A_724, %dma_wait3A_725] : memref<10000x32xf32, #tpu.memory_space<hbm>> -> memref<128x32xf32, #tpu.memory_space<hbm>>
          %dma_wait3A_727 = tpu.memref_slice %arg11[%dma_wait3A_719] : memref<10x!tpu.dma_semaphore, #tpu.memory_space<semaphore_mem>> -> memref<1x!tpu.dma_semaphore, #tpu.memory_space<semaphore_mem>>
          %dma_wait3A_728 = tpu.memref_squeeze %dma_wait3A_727 : memref<1x!tpu.dma_semaphore, #tpu.memory_space<semaphore_mem>> -> memref<!tpu.dma_semaphore, #tpu.memory_space<semaphore_mem>>
          %dma_wait3A_729 = arith.constant 0 : i32
          %dma_wait3A_730 = arith.constant 0 : i32
          %dma_wait3A_731 = tpu.memref_slice %arg7[%dma_wait3A_718, %dma_wait3A_729, %dma_wait3A_730] : memref<10x128x32xf32, #tpu.memory_space<vmem>> -> memref<1x128x32xf32, #tpu.memory_space<vmem>>
          %dma_wait3A_732 = tpu.memref_squeeze %dma_wait3A_731 : memref<1x128x32xf32, #tpu.memory_space<vmem>> -> memref<128x32xf32, #tpu.memory_space<vmem>>
          %dma_wait3A_733 = arith.constant 0 : i32
          %dma_wait3A_734 = arith.constant 0 : i32
          %dma_wait3A_735 = tpu.memref_slice %arg3[%dma_wait3A_733, %dma_wait3A_734] : memref<10000x32xf32, #tpu.memory_space<hbm>> -> memref<128x32xf32, #tpu.memory_space<hbm>>
          tpu.wait_dma2 semaphore(%dma_wait3A_728 : memref<!tpu.dma_semaphore, #tpu.memory_space<semaphore_mem>>) src(%dma_wait3A_735 : memref<128x32xf32, #tpu.memory_space<hbm>>) dst(%dma_wait3A_732 : memref<128x32xf32, #tpu.memory_space<vmem>>)
        } else {
        }
        %dma_start3A_704 = arith.constant 3 : i32
        %dma_start3A_705 = arith.constant 3 : i32
        %dma_start3A_706 = arith.constant 0 : i32
        %dma_start3A_707 = arith.constant 0 : i32
        %dma_start3A_708 = tpu.memref_slice %arg7[%dma_start3A_704, %dma_start3A_706, %dma_start3A_707] : memref<10x128x32xf32, #tpu.memory_space<vmem>> -> memref<1x128x32xf32, #tpu.memory_space<vmem>>
        %dma_start3A_709 = tpu.memref_squeeze %dma_start3A_708 : memref<1x128x32xf32, #tpu.memory_space<vmem>> -> memref<128x32xf32, #tpu.memory_space<vmem>>
        %dma_start3A_710 = arith.constant 0 : i32
        %dma_start3A_711 = tpu.memref_slice %arg5[%add3A_651, %dma_start3A_710] : memref<80x128xi32, #tpu.memory_space<vmem>> -> memref<1x128xi32, #tpu.memory_space<vmem>>
        %dma_start3A_712 = tpu.memref_squeeze %dma_start3A_711 : memref<1x128xi32, #tpu.memory_space<vmem>> -> memref<128xi32, #tpu.memory_space<vmem>>
        %dma_start3A_713 = arith.constant 0 : i32
        %dma_start3A_714 = arith.constant 0 : i32
        %dma_start3A_715 = tpu.memref_slice %arg3[%dma_start3A_713, %dma_start3A_714] : memref<10000x32xf32, #tpu.memory_space<hbm>> -> memref<10000x32xf32, #tpu.memory_space<hbm>>
        %dma_start3A_716 = tpu.memref_slice %arg10[%dma_start3A_705] : memref<10x!tpu.dma_semaphore, #tpu.memory_space<semaphore_mem>> -> memref<1x!tpu.dma_semaphore, #tpu.memory_space<semaphore_mem>>
        %dma_start3A_717 = tpu.memref_squeeze %dma_start3A_716 : memref<1x!tpu.dma_semaphore, #tpu.memory_space<semaphore_mem>> -> memref<!tpu.dma_semaphore, #tpu.memory_space<semaphore_mem>>
        tpu.enqueue_indirect_dma source(%dma_start3A_715 : memref<10000x32xf32, #tpu.memory_space<hbm>>) target(%dma_start3A_709 : memref<128x32xf32, #tpu.memory_space<vmem>>) offsets(%dma_start3A_712 : memref<128xi32, #tpu.memory_space<vmem>>) semaphore(%dma_start3A_717 : memref<!tpu.dma_semaphore, #tpu.memory_space<semaphore_mem>>)
      } else {
      }
      %mul3A_657 = arith.constant 10 : i32
      %mul3A_658 = arith.muli %scan3A_272, %mul3A_657 : i32
      %add3A_659 = arith.constant 9 : i32
      %add3A_660 = arith.addi %mul3A_658, %add3A_659 : i32
      %dma_wait3A_661 = arith.constant 9 : i32
      %dma_wait3A_662 = arith.constant 9 : i32
      %dma_wait3A_663 = arith.constant 0 : i32
      %dma_wait3A_664 = arith.constant 0 : i32
      %dma_wait3A_665 = tpu.memref_slice %arg7[%dma_wait3A_661, %dma_wait3A_663, %dma_wait3A_664] : memref<10x128x32xf32, #tpu.memory_space<vmem>> -> memref<1x128x32xf32, #tpu.memory_space<vmem>>
      %dma_wait3A_666 = tpu.memref_squeeze %dma_wait3A_665 : memref<1x128x32xf32, #tpu.memory_space<vmem>> -> memref<128x32xf32, #tpu.memory_space<vmem>>
      %dma_wait3A_667 = arith.constant 0 : i32
      %dma_wait3A_668 = arith.constant 0 : i32
      %dma_wait3A_669 = tpu.memref_slice %arg3[%dma_wait3A_667, %dma_wait3A_668] : memref<10000x32xf32, #tpu.memory_space<hbm>> -> memref<128x32xf32, #tpu.memory_space<hbm>>
      %dma_wait3A_670 = tpu.memref_slice %arg10[%dma_wait3A_662] : memref<10x!tpu.dma_semaphore, #tpu.memory_space<semaphore_mem>> -> memref<1x!tpu.dma_semaphore, #tpu.memory_space<semaphore_mem>>
      %dma_wait3A_671 = tpu.memref_squeeze %dma_wait3A_670 : memref<1x!tpu.dma_semaphore, #tpu.memory_space<semaphore_mem>> -> memref<!tpu.dma_semaphore, #tpu.memory_space<semaphore_mem>>
      %dma_wait3A_672 = arith.constant 0 : i32
      %dma_wait3A_673 = arith.constant 0 : i32
      %dma_wait3A_674 = tpu.memref_slice %arg7[%dma_wait3A_661, %dma_wait3A_672, %dma_wait3A_673] : memref<10x128x32xf32, #tpu.memory_space<vmem>> -> memref<1x128x32xf32, #tpu.memory_space<vmem>>
      %dma_wait3A_675 = tpu.memref_squeeze %dma_wait3A_674 : memref<1x128x32xf32, #tpu.memory_space<vmem>> -> memref<128x32xf32, #tpu.memory_space<vmem>>
      %dma_wait3A_676 = arith.constant 0 : i32
      %dma_wait3A_677 = arith.constant 0 : i32
      %dma_wait3A_678 = tpu.memref_slice %arg3[%dma_wait3A_676, %dma_wait3A_677] : memref<10000x32xf32, #tpu.memory_space<hbm>> -> memref<128x32xf32, #tpu.memory_space<hbm>>
      tpu.wait_dma2 semaphore(%dma_wait3A_671 : memref<!tpu.dma_semaphore, #tpu.memory_space<semaphore_mem>>) src(%dma_wait3A_678 : memref<128x32xf32, #tpu.memory_space<hbm>>) dst(%dma_wait3A_675 : memref<128x32xf32, #tpu.memory_space<vmem>>)
      %dma_start3A_679 = arith.constant 9 : i32
      %dma_start3A_680 = arith.constant 9 : i32
      %dma_start3A_681 = arith.constant 0 : i32
      %dma_start3A_682 = arith.constant 0 : i32
      %dma_start3A_683 = tpu.memref_slice %arg7[%dma_start3A_679, %dma_start3A_681, %dma_start3A_682] : memref<10x128x32xf32, #tpu.memory_space<vmem>> -> memref<1x128x32xf32, #tpu.memory_space<vmem>>
      %dma_start3A_684 = tpu.memref_squeeze %dma_start3A_683 : memref<1x128x32xf32, #tpu.memory_space<vmem>> -> memref<128x32xf32, #tpu.memory_space<vmem>>
      %dma_start3A_685 = arith.constant 0 : i32
      %dma_start3A_686 = tpu.memref_slice %arg6[%add3A_660, %dma_start3A_685] : memref<80x128xi32, #tpu.memory_space<vmem>> -> memref<1x128xi32, #tpu.memory_space<vmem>>
      %dma_start3A_687 = tpu.memref_squeeze %dma_start3A_686 : memref<1x128xi32, #tpu.memory_space<vmem>> -> memref<128xi32, #tpu.memory_space<vmem>>
      %dma_start3A_688 = arith.constant 0 : i32
      %dma_start3A_689 = arith.constant 0 : i32
      %dma_start3A_690 = tpu.memref_slice %arg8[%dma_start3A_688, %dma_start3A_689] : memref<10112x32xf32, #tpu.memory_space<vmem_shared>> -> memref<10112x32xf32, #tpu.memory_space<vmem_shared>>
      %dma_start3A_691 = tpu.memref_slice %arg11[%dma_start3A_680] : memref<10x!tpu.dma_semaphore, #tpu.memory_space<semaphore_mem>> -> memref<1x!tpu.dma_semaphore, #tpu.memory_space<semaphore_mem>>
      %dma_start3A_692 = tpu.memref_squeeze %dma_start3A_691 : memref<1x!tpu.dma_semaphore, #tpu.memory_space<semaphore_mem>> -> memref<!tpu.dma_semaphore, #tpu.memory_space<semaphore_mem>>
      tpu.enqueue_indirect_dma source(%dma_start3A_684 : memref<128x32xf32, #tpu.memory_space<vmem>>) target(%dma_start3A_690 : memref<10112x32xf32, #tpu.memory_space<vmem_shared>>) offsets(%dma_start3A_687 : memref<128xi32, #tpu.memory_space<vmem>>) semaphore(%dma_start3A_692 : memref<!tpu.dma_semaphore, #tpu.memory_space<semaphore_mem>>) {add = true}
      %add3A_693 = arith.constant 5 : i32
      %add3A_694 = arith.addi %add3A_660, %add3A_693 : i32
      %lt3A_695 = arith.constant 80 : i32
      %lt3A_696 = arith.cmpi slt, %add3A_694, %lt3A_695 : i32
      %convert_element_type3A_697 = arith.extui %lt3A_696 : i1 to i32
      %cond3A_698 = arith.constant 0 : i32
      %cond3A_699 = arith.cmpi ne, %convert_element_type3A_697, %cond3A_698 : i32
      scf.if %cond3A_699 {
        %ge3A = arith.constant 5 : i32
        %ge3A_700 = arith.cmpi sge, %add3A_660, %ge3A : i32
        %convert_element_type3A_701 = arith.extui %ge3A_700 : i1 to i32
        %cond3A_702 = arith.constant 0 : i32
        %cond3A_703 = arith.cmpi ne, %convert_element_type3A_701, %cond3A_702 : i32
        scf.if %cond3A_703 {
          %dma_wait3A_718 = arith.constant 4 : i32
          %dma_wait3A_719 = arith.constant 4 : i32
          %dma_wait3A_720 = arith.constant 0 : i32
          %dma_wait3A_721 = arith.constant 0 : i32
          %dma_wait3A_722 = tpu.memref_slice %arg7[%dma_wait3A_718, %dma_wait3A_720, %dma_wait3A_721] : memref<10x128x32xf32, #tpu.memory_space<vmem>> -> memref<1x128x32xf32, #tpu.memory_space<vmem>>
          %dma_wait3A_723 = tpu.memref_squeeze %dma_wait3A_722 : memref<1x128x32xf32, #tpu.memory_space<vmem>> -> memref<128x32xf32, #tpu.memory_space<vmem>>
          %dma_wait3A_724 = arith.constant 0 : i32
          %dma_wait3A_725 = arith.constant 0 : i32
          %dma_wait3A_726 = tpu.memref_slice %arg3[%dma_wait3A_724, %dma_wait3A_725] : memref<10000x32xf32, #tpu.memory_space<hbm>> -> memref<128x32xf32, #tpu.memory_space<hbm>>
          %dma_wait3A_727 = tpu.memref_slice %arg11[%dma_wait3A_719] : memref<10x!tpu.dma_semaphore, #tpu.memory_space<semaphore_mem>> -> memref<1x!tpu.dma_semaphore, #tpu.memory_space<semaphore_mem>>
          %dma_wait3A_728 = tpu.memref_squeeze %dma_wait3A_727 : memref<1x!tpu.dma_semaphore, #tpu.memory_space<semaphore_mem>> -> memref<!tpu.dma_semaphore, #tpu.memory_space<semaphore_mem>>
          %dma_wait3A_729 = arith.constant 0 : i32
          %dma_wait3A_730 = arith.constant 0 : i32
          %dma_wait3A_731 = tpu.memref_slice %arg7[%dma_wait3A_718, %dma_wait3A_729, %dma_wait3A_730] : memref<10x128x32xf32, #tpu.memory_space<vmem>> -> memref<1x128x32xf32, #tpu.memory_space<vmem>>
          %dma_wait3A_732 = tpu.memref_squeeze %dma_wait3A_731 : memref<1x128x32xf32, #tpu.memory_space<vmem>> -> memref<128x32xf32, #tpu.memory_space<vmem>>
          %dma_wait3A_733 = arith.constant 0 : i32
          %dma_wait3A_734 = arith.constant 0 : i32
          %dma_wait3A_735 = tpu.memref_slice %arg3[%dma_wait3A_733, %dma_wait3A_734] : memref<10000x32xf32, #tpu.memory_space<hbm>> -> memref<128x32xf32, #tpu.memory_space<hbm>>
          tpu.wait_dma2 semaphore(%dma_wait3A_728 : memref<!tpu.dma_semaphore, #tpu.memory_space<semaphore_mem>>) src(%dma_wait3A_735 : memref<128x32xf32, #tpu.memory_space<hbm>>) dst(%dma_wait3A_732 : memref<128x32xf32, #tpu.memory_space<vmem>>)
        } else {
        }
        %dma_start3A_704 = arith.constant 4 : i32
        %dma_start3A_705 = arith.constant 4 : i32
        %dma_start3A_706 = arith.constant 0 : i32
        %dma_start3A_707 = arith.constant 0 : i32
        %dma_start3A_708 = tpu.memref_slice %arg7[%dma_start3A_704, %dma_start3A_706, %dma_start3A_707] : memref<10x128x32xf32, #tpu.memory_space<vmem>> -> memref<1x128x32xf32, #tpu.memory_space<vmem>>
        %dma_start3A_709 = tpu.memref_squeeze %dma_start3A_708 : memref<1x128x32xf32, #tpu.memory_space<vmem>> -> memref<128x32xf32, #tpu.memory_space<vmem>>
        %dma_start3A_710 = arith.constant 0 : i32
        %dma_start3A_711 = tpu.memref_slice %arg5[%add3A_694, %dma_start3A_710] : memref<80x128xi32, #tpu.memory_space<vmem>> -> memref<1x128xi32, #tpu.memory_space<vmem>>
        %dma_start3A_712 = tpu.memref_squeeze %dma_start3A_711 : memref<1x128xi32, #tpu.memory_space<vmem>> -> memref<128xi32, #tpu.memory_space<vmem>>
        %dma_start3A_713 = arith.constant 0 : i32
        %dma_start3A_714 = arith.constant 0 : i32
        %dma_start3A_715 = tpu.memref_slice %arg3[%dma_start3A_713, %dma_start3A_714] : memref<10000x32xf32, #tpu.memory_space<hbm>> -> memref<10000x32xf32, #tpu.memory_space<hbm>>
        %dma_start3A_716 = tpu.memref_slice %arg10[%dma_start3A_705] : memref<10x!tpu.dma_semaphore, #tpu.memory_space<semaphore_mem>> -> memref<1x!tpu.dma_semaphore, #tpu.memory_space<semaphore_mem>>
        %dma_start3A_717 = tpu.memref_squeeze %dma_start3A_716 : memref<1x!tpu.dma_semaphore, #tpu.memory_space<semaphore_mem>> -> memref<!tpu.dma_semaphore, #tpu.memory_space<semaphore_mem>>
        tpu.enqueue_indirect_dma source(%dma_start3A_715 : memref<10000x32xf32, #tpu.memory_space<hbm>>) target(%dma_start3A_709 : memref<128x32xf32, #tpu.memory_space<vmem>>) offsets(%dma_start3A_712 : memref<128xi32, #tpu.memory_space<vmem>>) semaphore(%dma_start3A_717 : memref<!tpu.dma_semaphore, #tpu.memory_space<semaphore_mem>>)
      } else {
      }
    }
    %scan3A_91 = arith.constant 8 : i32
    %dma_wait3A = arith.constant 0 : i32
    %dma_wait3A_92 = arith.constant 0 : i32
    %dma_wait3A_93 = arith.constant 0 : i32
    %dma_wait3A_94 = arith.constant 0 : i32
    %dma_wait3A_95 = tpu.memref_slice %arg7[%dma_wait3A, %dma_wait3A_93, %dma_wait3A_94] : memref<10x128x32xf32, #tpu.memory_space<vmem>> -> memref<1x128x32xf32, #tpu.memory_space<vmem>>
    %dma_wait3A_96 = tpu.memref_squeeze %dma_wait3A_95 : memref<1x128x32xf32, #tpu.memory_space<vmem>> -> memref<128x32xf32, #tpu.memory_space<vmem>>
    %dma_wait3A_97 = arith.constant 0 : i32
    %dma_wait3A_98 = arith.constant 0 : i32
    %dma_wait3A_99 = tpu.memref_slice %arg3[%dma_wait3A_97, %dma_wait3A_98] : memref<10000x32xf32, #tpu.memory_space<hbm>> -> memref<128x32xf32, #tpu.memory_space<hbm>>
    %dma_wait3A_100 = tpu.memref_slice %arg11[%dma_wait3A_92] : memref<10x!tpu.dma_semaphore, #tpu.memory_space<semaphore_mem>> -> memref<1x!tpu.dma_semaphore, #tpu.memory_space<semaphore_mem>>
    %dma_wait3A_101 = tpu.memref_squeeze %dma_wait3A_100 : memref<1x!tpu.dma_semaphore, #tpu.memory_space<semaphore_mem>> -> memref<!tpu.dma_semaphore, #tpu.memory_space<semaphore_mem>>
    %dma_wait3A_102 = arith.constant 0 : i32
    %dma_wait3A_103 = arith.constant 0 : i32
    %dma_wait3A_104 = tpu.memref_slice %arg7[%dma_wait3A, %dma_wait3A_102, %dma_wait3A_103] : memref<10x128x32xf32, #tpu.memory_space<vmem>> -> memref<1x128x32xf32, #tpu.memory_space<vmem>>
    %dma_wait3A_105 = tpu.memref_squeeze %dma_wait3A_104 : memref<1x128x32xf32, #tpu.memory_space<vmem>> -> memref<128x32xf32, #tpu.memory_space<vmem>>
    %dma_wait3A_106 = arith.constant 0 : i32
    %dma_wait3A_107 = arith.constant 0 : i32
    %dma_wait3A_108 = tpu.memref_slice %arg3[%dma_wait3A_106, %dma_wait3A_107] : memref<10000x32xf32, #tpu.memory_space<hbm>> -> memref<128x32xf32, #tpu.memory_space<hbm>>
    tpu.wait_dma2 semaphore(%dma_wait3A_101 : memref<!tpu.dma_semaphore, #tpu.memory_space<semaphore_mem>>) src(%dma_wait3A_108 : memref<128x32xf32, #tpu.memory_space<hbm>>) dst(%dma_wait3A_105 : memref<128x32xf32, #tpu.memory_space<vmem>>)
    %dma_wait3A_109 = arith.constant 1 : i32
    %dma_wait3A_110 = arith.constant 1 : i32
    %dma_wait3A_111 = arith.constant 0 : i32
    %dma_wait3A_112 = arith.constant 0 : i32
    %dma_wait3A_113 = tpu.memref_slice %arg7[%dma_wait3A_109, %dma_wait3A_111, %dma_wait3A_112] : memref<10x128x32xf32, #tpu.memory_space<vmem>> -> memref<1x128x32xf32, #tpu.memory_space<vmem>>
    %dma_wait3A_114 = tpu.memref_squeeze %dma_wait3A_113 : memref<1x128x32xf32, #tpu.memory_space<vmem>> -> memref<128x32xf32, #tpu.memory_space<vmem>>
    %dma_wait3A_115 = arith.constant 0 : i32
    %dma_wait3A_116 = arith.constant 0 : i32
    %dma_wait3A_117 = tpu.memref_slice %arg3[%dma_wait3A_115, %dma_wait3A_116] : memref<10000x32xf32, #tpu.memory_space<hbm>> -> memref<128x32xf32, #tpu.memory_space<hbm>>
    %dma_wait3A_118 = tpu.memref_slice %arg11[%dma_wait3A_110] : memref<10x!tpu.dma_semaphore, #tpu.memory_space<semaphore_mem>> -> memref<1x!tpu.dma_semaphore, #tpu.memory_space<semaphore_mem>>
    %dma_wait3A_119 = tpu.memref_squeeze %dma_wait3A_118 : memref<1x!tpu.dma_semaphore, #tpu.memory_space<semaphore_mem>> -> memref<!tpu.dma_semaphore, #tpu.memory_space<semaphore_mem>>
    %dma_wait3A_120 = arith.constant 0 : i32
    %dma_wait3A_121 = arith.constant 0 : i32
    %dma_wait3A_122 = tpu.memref_slice %arg7[%dma_wait3A_109, %dma_wait3A_120, %dma_wait3A_121] : memref<10x128x32xf32, #tpu.memory_space<vmem>> -> memref<1x128x32xf32, #tpu.memory_space<vmem>>
    %dma_wait3A_123 = tpu.memref_squeeze %dma_wait3A_122 : memref<1x128x32xf32, #tpu.memory_space<vmem>> -> memref<128x32xf32, #tpu.memory_space<vmem>>
    %dma_wait3A_124 = arith.constant 0 : i32
    %dma_wait3A_125 = arith.constant 0 : i32
    %dma_wait3A_126 = tpu.memref_slice %arg3[%dma_wait3A_124, %dma_wait3A_125] : memref<10000x32xf32, #tpu.memory_space<hbm>> -> memref<128x32xf32, #tpu.memory_space<hbm>>
    tpu.wait_dma2 semaphore(%dma_wait3A_119 : memref<!tpu.dma_semaphore, #tpu.memory_space<semaphore_mem>>) src(%dma_wait3A_126 : memref<128x32xf32, #tpu.memory_space<hbm>>) dst(%dma_wait3A_123 : memref<128x32xf32, #tpu.memory_space<vmem>>)
    %dma_wait3A_127 = arith.constant 2 : i32
    %dma_wait3A_128 = arith.constant 2 : i32
    %dma_wait3A_129 = arith.constant 0 : i32
    %dma_wait3A_130 = arith.constant 0 : i32
    %dma_wait3A_131 = tpu.memref_slice %arg7[%dma_wait3A_127, %dma_wait3A_129, %dma_wait3A_130] : memref<10x128x32xf32, #tpu.memory_space<vmem>> -> memref<1x128x32xf32, #tpu.memory_space<vmem>>
    %dma_wait3A_132 = tpu.memref_squeeze %dma_wait3A_131 : memref<1x128x32xf32, #tpu.memory_space<vmem>> -> memref<128x32xf32, #tpu.memory_space<vmem>>
    %dma_wait3A_133 = arith.constant 0 : i32
    %dma_wait3A_134 = arith.constant 0 : i32
    %dma_wait3A_135 = tpu.memref_slice %arg3[%dma_wait3A_133, %dma_wait3A_134] : memref<10000x32xf32, #tpu.memory_space<hbm>> -> memref<128x32xf32, #tpu.memory_space<hbm>>
    %dma_wait3A_136 = tpu.memref_slice %arg11[%dma_wait3A_128] : memref<10x!tpu.dma_semaphore, #tpu.memory_space<semaphore_mem>> -> memref<1x!tpu.dma_semaphore, #tpu.memory_space<semaphore_mem>>
    %dma_wait3A_137 = tpu.memref_squeeze %dma_wait3A_136 : memref<1x!tpu.dma_semaphore, #tpu.memory_space<semaphore_mem>> -> memref<!tpu.dma_semaphore, #tpu.memory_space<semaphore_mem>>
    %dma_wait3A_138 = arith.constant 0 : i32
    %dma_wait3A_139 = arith.constant 0 : i32
    %dma_wait3A_140 = tpu.memref_slice %arg7[%dma_wait3A_127, %dma_wait3A_138, %dma_wait3A_139] : memref<10x128x32xf32, #tpu.memory_space<vmem>> -> memref<1x128x32xf32, #tpu.memory_space<vmem>>
    %dma_wait3A_141 = tpu.memref_squeeze %dma_wait3A_140 : memref<1x128x32xf32, #tpu.memory_space<vmem>> -> memref<128x32xf32, #tpu.memory_space<vmem>>
    %dma_wait3A_142 = arith.constant 0 : i32
    %dma_wait3A_143 = arith.constant 0 : i32
    %dma_wait3A_144 = tpu.memref_slice %arg3[%dma_wait3A_142, %dma_wait3A_143] : memref<10000x32xf32, #tpu.memory_space<hbm>> -> memref<128x32xf32, #tpu.memory_space<hbm>>
    tpu.wait_dma2 semaphore(%dma_wait3A_137 : memref<!tpu.dma_semaphore, #tpu.memory_space<semaphore_mem>>) src(%dma_wait3A_144 : memref<128x32xf32, #tpu.memory_space<hbm>>) dst(%dma_wait3A_141 : memref<128x32xf32, #tpu.memory_space<vmem>>)
    %dma_wait3A_145 = arith.constant 3 : i32
    %dma_wait3A_146 = arith.constant 3 : i32
    %dma_wait3A_147 = arith.constant 0 : i32
    %dma_wait3A_148 = arith.constant 0 : i32
    %dma_wait3A_149 = tpu.memref_slice %arg7[%dma_wait3A_145, %dma_wait3A_147, %dma_wait3A_148] : memref<10x128x32xf32, #tpu.memory_space<vmem>> -> memref<1x128x32xf32, #tpu.memory_space<vmem>>
    %dma_wait3A_150 = tpu.memref_squeeze %dma_wait3A_149 : memref<1x128x32xf32, #tpu.memory_space<vmem>> -> memref<128x32xf32, #tpu.memory_space<vmem>>
    %dma_wait3A_151 = arith.constant 0 : i32
    %dma_wait3A_152 = arith.constant 0 : i32
    %dma_wait3A_153 = tpu.memref_slice %arg3[%dma_wait3A_151, %dma_wait3A_152] : memref<10000x32xf32, #tpu.memory_space<hbm>> -> memref<128x32xf32, #tpu.memory_space<hbm>>
    %dma_wait3A_154 = tpu.memref_slice %arg11[%dma_wait3A_146] : memref<10x!tpu.dma_semaphore, #tpu.memory_space<semaphore_mem>> -> memref<1x!tpu.dma_semaphore, #tpu.memory_space<semaphore_mem>>
    %dma_wait3A_155 = tpu.memref_squeeze %dma_wait3A_154 : memref<1x!tpu.dma_semaphore, #tpu.memory_space<semaphore_mem>> -> memref<!tpu.dma_semaphore, #tpu.memory_space<semaphore_mem>>
    %dma_wait3A_156 = arith.constant 0 : i32
    %dma_wait3A_157 = arith.constant 0 : i32
    %dma_wait3A_158 = tpu.memref_slice %arg7[%dma_wait3A_145, %dma_wait3A_156, %dma_wait3A_157] : memref<10x128x32xf32, #tpu.memory_space<vmem>> -> memref<1x128x32xf32, #tpu.memory_space<vmem>>
    %dma_wait3A_159 = tpu.memref_squeeze %dma_wait3A_158 : memref<1x128x32xf32, #tpu.memory_space<vmem>> -> memref<128x32xf32, #tpu.memory_space<vmem>>
    %dma_wait3A_160 = arith.constant 0 : i32
    %dma_wait3A_161 = arith.constant 0 : i32
    %dma_wait3A_162 = tpu.memref_slice %arg3[%dma_wait3A_160, %dma_wait3A_161] : memref<10000x32xf32, #tpu.memory_space<hbm>> -> memref<128x32xf32, #tpu.memory_space<hbm>>
    tpu.wait_dma2 semaphore(%dma_wait3A_155 : memref<!tpu.dma_semaphore, #tpu.memory_space<semaphore_mem>>) src(%dma_wait3A_162 : memref<128x32xf32, #tpu.memory_space<hbm>>) dst(%dma_wait3A_159 : memref<128x32xf32, #tpu.memory_space<vmem>>)
    %dma_wait3A_163 = arith.constant 4 : i32
    %dma_wait3A_164 = arith.constant 4 : i32
    %dma_wait3A_165 = arith.constant 0 : i32
    %dma_wait3A_166 = arith.constant 0 : i32
    %dma_wait3A_167 = tpu.memref_slice %arg7[%dma_wait3A_163, %dma_wait3A_165, %dma_wait3A_166] : memref<10x128x32xf32, #tpu.memory_space<vmem>> -> memref<1x128x32xf32, #tpu.memory_space<vmem>>
    %dma_wait3A_168 = tpu.memref_squeeze %dma_wait3A_167 : memref<1x128x32xf32, #tpu.memory_space<vmem>> -> memref<128x32xf32, #tpu.memory_space<vmem>>
    %dma_wait3A_169 = arith.constant 0 : i32
    %dma_wait3A_170 = arith.constant 0 : i32
    %dma_wait3A_171 = tpu.memref_slice %arg3[%dma_wait3A_169, %dma_wait3A_170] : memref<10000x32xf32, #tpu.memory_space<hbm>> -> memref<128x32xf32, #tpu.memory_space<hbm>>
    %dma_wait3A_172 = tpu.memref_slice %arg11[%dma_wait3A_164] : memref<10x!tpu.dma_semaphore, #tpu.memory_space<semaphore_mem>> -> memref<1x!tpu.dma_semaphore, #tpu.memory_space<semaphore_mem>>
    %dma_wait3A_173 = tpu.memref_squeeze %dma_wait3A_172 : memref<1x!tpu.dma_semaphore, #tpu.memory_space<semaphore_mem>> -> memref<!tpu.dma_semaphore, #tpu.memory_space<semaphore_mem>>
    %dma_wait3A_174 = arith.constant 0 : i32
    %dma_wait3A_175 = arith.constant 0 : i32
    %dma_wait3A_176 = tpu.memref_slice %arg7[%dma_wait3A_163, %dma_wait3A_174, %dma_wait3A_175] : memref<10x128x32xf32, #tpu.memory_space<vmem>> -> memref<1x128x32xf32, #tpu.memory_space<vmem>>
    %dma_wait3A_177 = tpu.memref_squeeze %dma_wait3A_176 : memref<1x128x32xf32, #tpu.memory_space<vmem>> -> memref<128x32xf32, #tpu.memory_space<vmem>>
    %dma_wait3A_178 = arith.constant 0 : i32
    %dma_wait3A_179 = arith.constant 0 : i32
    %dma_wait3A_180 = tpu.memref_slice %arg3[%dma_wait3A_178, %dma_wait3A_179] : memref<10000x32xf32, #tpu.memory_space<hbm>> -> memref<128x32xf32, #tpu.memory_space<hbm>>
    tpu.wait_dma2 semaphore(%dma_wait3A_173 : memref<!tpu.dma_semaphore, #tpu.memory_space<semaphore_mem>>) src(%dma_wait3A_180 : memref<128x32xf32, #tpu.memory_space<hbm>>) dst(%dma_wait3A_177 : memref<128x32xf32, #tpu.memory_space<vmem>>)
    %dma_wait3A_181 = arith.constant 5 : i32
    %dma_wait3A_182 = arith.constant 5 : i32
    %dma_wait3A_183 = arith.constant 0 : i32
    %dma_wait3A_184 = arith.constant 0 : i32
    %dma_wait3A_185 = tpu.memref_slice %arg7[%dma_wait3A_181, %dma_wait3A_183, %dma_wait3A_184] : memref<10x128x32xf32, #tpu.memory_space<vmem>> -> memref<1x128x32xf32, #tpu.memory_space<vmem>>
    %dma_wait3A_186 = tpu.memref_squeeze %dma_wait3A_185 : memref<1x128x32xf32, #tpu.memory_space<vmem>> -> memref<128x32xf32, #tpu.memory_space<vmem>>
    %dma_wait3A_187 = arith.constant 0 : i32
    %dma_wait3A_188 = arith.constant 0 : i32
    %dma_wait3A_189 = tpu.memref_slice %arg3[%dma_wait3A_187, %dma_wait3A_188] : memref<10000x32xf32, #tpu.memory_space<hbm>> -> memref<128x32xf32, #tpu.memory_space<hbm>>
    %dma_wait3A_190 = tpu.memref_slice %arg11[%dma_wait3A_182] : memref<10x!tpu.dma_semaphore, #tpu.memory_space<semaphore_mem>> -> memref<1x!tpu.dma_semaphore, #tpu.memory_space<semaphore_mem>>
    %dma_wait3A_191 = tpu.memref_squeeze %dma_wait3A_190 : memref<1x!tpu.dma_semaphore, #tpu.memory_space<semaphore_mem>> -> memref<!tpu.dma_semaphore, #tpu.memory_space<semaphore_mem>>
    %dma_wait3A_192 = arith.constant 0 : i32
    %dma_wait3A_193 = arith.constant 0 : i32
    %dma_wait3A_194 = tpu.memref_slice %arg7[%dma_wait3A_181, %dma_wait3A_192, %dma_wait3A_193] : memref<10x128x32xf32, #tpu.memory_space<vmem>> -> memref<1x128x32xf32, #tpu.memory_space<vmem>>
    %dma_wait3A_195 = tpu.memref_squeeze %dma_wait3A_194 : memref<1x128x32xf32, #tpu.memory_space<vmem>> -> memref<128x32xf32, #tpu.memory_space<vmem>>
    %dma_wait3A_196 = arith.constant 0 : i32
    %dma_wait3A_197 = arith.constant 0 : i32
    %dma_wait3A_198 = tpu.memref_slice %arg3[%dma_wait3A_196, %dma_wait3A_197] : memref<10000x32xf32, #tpu.memory_space<hbm>> -> memref<128x32xf32, #tpu.memory_space<hbm>>
    tpu.wait_dma2 semaphore(%dma_wait3A_191 : memref<!tpu.dma_semaphore, #tpu.memory_space<semaphore_mem>>) src(%dma_wait3A_198 : memref<128x32xf32, #tpu.memory_space<hbm>>) dst(%dma_wait3A_195 : memref<128x32xf32, #tpu.memory_space<vmem>>)
    %dma_wait3A_199 = arith.constant 6 : i32
    %dma_wait3A_200 = arith.constant 6 : i32
    %dma_wait3A_201 = arith.constant 0 : i32
    %dma_wait3A_202 = arith.constant 0 : i32
    %dma_wait3A_203 = tpu.memref_slice %arg7[%dma_wait3A_199, %dma_wait3A_201, %dma_wait3A_202] : memref<10x128x32xf32, #tpu.memory_space<vmem>> -> memref<1x128x32xf32, #tpu.memory_space<vmem>>
    %dma_wait3A_204 = tpu.memref_squeeze %dma_wait3A_203 : memref<1x128x32xf32, #tpu.memory_space<vmem>> -> memref<128x32xf32, #tpu.memory_space<vmem>>
    %dma_wait3A_205 = arith.constant 0 : i32
    %dma_wait3A_206 = arith.constant 0 : i32
    %dma_wait3A_207 = tpu.memref_slice %arg3[%dma_wait3A_205, %dma_wait3A_206] : memref<10000x32xf32, #tpu.memory_space<hbm>> -> memref<128x32xf32, #tpu.memory_space<hbm>>
    %dma_wait3A_208 = tpu.memref_slice %arg11[%dma_wait3A_200] : memref<10x!tpu.dma_semaphore, #tpu.memory_space<semaphore_mem>> -> memref<1x!tpu.dma_semaphore, #tpu.memory_space<semaphore_mem>>
    %dma_wait3A_209 = tpu.memref_squeeze %dma_wait3A_208 : memref<1x!tpu.dma_semaphore, #tpu.memory_space<semaphore_mem>> -> memref<!tpu.dma_semaphore, #tpu.memory_space<semaphore_mem>>
    %dma_wait3A_210 = arith.constant 0 : i32
    %dma_wait3A_211 = arith.constant 0 : i32
    %dma_wait3A_212 = tpu.memref_slice %arg7[%dma_wait3A_199, %dma_wait3A_210, %dma_wait3A_211] : memref<10x128x32xf32, #tpu.memory_space<vmem>> -> memref<1x128x32xf32, #tpu.memory_space<vmem>>
    %dma_wait3A_213 = tpu.memref_squeeze %dma_wait3A_212 : memref<1x128x32xf32, #tpu.memory_space<vmem>> -> memref<128x32xf32, #tpu.memory_space<vmem>>
    %dma_wait3A_214 = arith.constant 0 : i32
    %dma_wait3A_215 = arith.constant 0 : i32
    %dma_wait3A_216 = tpu.memref_slice %arg3[%dma_wait3A_214, %dma_wait3A_215] : memref<10000x32xf32, #tpu.memory_space<hbm>> -> memref<128x32xf32, #tpu.memory_space<hbm>>
    tpu.wait_dma2 semaphore(%dma_wait3A_209 : memref<!tpu.dma_semaphore, #tpu.memory_space<semaphore_mem>>) src(%dma_wait3A_216 : memref<128x32xf32, #tpu.memory_space<hbm>>) dst(%dma_wait3A_213 : memref<128x32xf32, #tpu.memory_space<vmem>>)
    %dma_wait3A_217 = arith.constant 7 : i32
    %dma_wait3A_218 = arith.constant 7 : i32
    %dma_wait3A_219 = arith.constant 0 : i32
    %dma_wait3A_220 = arith.constant 0 : i32
    %dma_wait3A_221 = tpu.memref_slice %arg7[%dma_wait3A_217, %dma_wait3A_219, %dma_wait3A_220] : memref<10x128x32xf32, #tpu.memory_space<vmem>> -> memref<1x128x32xf32, #tpu.memory_space<vmem>>
    %dma_wait3A_222 = tpu.memref_squeeze %dma_wait3A_221 : memref<1x128x32xf32, #tpu.memory_space<vmem>> -> memref<128x32xf32, #tpu.memory_space<vmem>>
    %dma_wait3A_223 = arith.constant 0 : i32
    %dma_wait3A_224 = arith.constant 0 : i32
    %dma_wait3A_225 = tpu.memref_slice %arg3[%dma_wait3A_223, %dma_wait3A_224] : memref<10000x32xf32, #tpu.memory_space<hbm>> -> memref<128x32xf32, #tpu.memory_space<hbm>>
    %dma_wait3A_226 = tpu.memref_slice %arg11[%dma_wait3A_218] : memref<10x!tpu.dma_semaphore, #tpu.memory_space<semaphore_mem>> -> memref<1x!tpu.dma_semaphore, #tpu.memory_space<semaphore_mem>>
    %dma_wait3A_227 = tpu.memref_squeeze %dma_wait3A_226 : memref<1x!tpu.dma_semaphore, #tpu.memory_space<semaphore_mem>> -> memref<!tpu.dma_semaphore, #tpu.memory_space<semaphore_mem>>
    %dma_wait3A_228 = arith.constant 0 : i32
    %dma_wait3A_229 = arith.constant 0 : i32
    %dma_wait3A_230 = tpu.memref_slice %arg7[%dma_wait3A_217, %dma_wait3A_228, %dma_wait3A_229] : memref<10x128x32xf32, #tpu.memory_space<vmem>> -> memref<1x128x32xf32, #tpu.memory_space<vmem>>
    %dma_wait3A_231 = tpu.memref_squeeze %dma_wait3A_230 : memref<1x128x32xf32, #tpu.memory_space<vmem>> -> memref<128x32xf32, #tpu.memory_space<vmem>>
    %dma_wait3A_232 = arith.constant 0 : i32
    %dma_wait3A_233 = arith.constant 0 : i32
    %dma_wait3A_234 = tpu.memref_slice %arg3[%dma_wait3A_232, %dma_wait3A_233] : memref<10000x32xf32, #tpu.memory_space<hbm>> -> memref<128x32xf32, #tpu.memory_space<hbm>>
    tpu.wait_dma2 semaphore(%dma_wait3A_227 : memref<!tpu.dma_semaphore, #tpu.memory_space<semaphore_mem>>) src(%dma_wait3A_234 : memref<128x32xf32, #tpu.memory_space<hbm>>) dst(%dma_wait3A_231 : memref<128x32xf32, #tpu.memory_space<vmem>>)
    %dma_wait3A_235 = arith.constant 8 : i32
    %dma_wait3A_236 = arith.constant 8 : i32
    %dma_wait3A_237 = arith.constant 0 : i32
    %dma_wait3A_238 = arith.constant 0 : i32
    %dma_wait3A_239 = tpu.memref_slice %arg7[%dma_wait3A_235, %dma_wait3A_237, %dma_wait3A_238] : memref<10x128x32xf32, #tpu.memory_space<vmem>> -> memref<1x128x32xf32, #tpu.memory_space<vmem>>
    %dma_wait3A_240 = tpu.memref_squeeze %dma_wait3A_239 : memref<1x128x32xf32, #tpu.memory_space<vmem>> -> memref<128x32xf32, #tpu.memory_space<vmem>>
    %dma_wait3A_241 = arith.constant 0 : i32
    %dma_wait3A_242 = arith.constant 0 : i32
    %dma_wait3A_243 = tpu.memref_slice %arg3[%dma_wait3A_241, %dma_wait3A_242] : memref<10000x32xf32, #tpu.memory_space<hbm>> -> memref<128x32xf32, #tpu.memory_space<hbm>>
    %dma_wait3A_244 = tpu.memref_slice %arg11[%dma_wait3A_236] : memref<10x!tpu.dma_semaphore, #tpu.memory_space<semaphore_mem>> -> memref<1x!tpu.dma_semaphore, #tpu.memory_space<semaphore_mem>>
    %dma_wait3A_245 = tpu.memref_squeeze %dma_wait3A_244 : memref<1x!tpu.dma_semaphore, #tpu.memory_space<semaphore_mem>> -> memref<!tpu.dma_semaphore, #tpu.memory_space<semaphore_mem>>
    %dma_wait3A_246 = arith.constant 0 : i32
    %dma_wait3A_247 = arith.constant 0 : i32
    %dma_wait3A_248 = tpu.memref_slice %arg7[%dma_wait3A_235, %dma_wait3A_246, %dma_wait3A_247] : memref<10x128x32xf32, #tpu.memory_space<vmem>> -> memref<1x128x32xf32, #tpu.memory_space<vmem>>
    %dma_wait3A_249 = tpu.memref_squeeze %dma_wait3A_248 : memref<1x128x32xf32, #tpu.memory_space<vmem>> -> memref<128x32xf32, #tpu.memory_space<vmem>>
    %dma_wait3A_250 = arith.constant 0 : i32
    %dma_wait3A_251 = arith.constant 0 : i32
    %dma_wait3A_252 = tpu.memref_slice %arg3[%dma_wait3A_250, %dma_wait3A_251] : memref<10000x32xf32, #tpu.memory_space<hbm>> -> memref<128x32xf32, #tpu.memory_space<hbm>>
    tpu.wait_dma2 semaphore(%dma_wait3A_245 : memref<!tpu.dma_semaphore, #tpu.memory_space<semaphore_mem>>) src(%dma_wait3A_252 : memref<128x32xf32, #tpu.memory_space<hbm>>) dst(%dma_wait3A_249 : memref<128x32xf32, #tpu.memory_space<vmem>>)
    %dma_wait3A_253 = arith.constant 9 : i32
    %dma_wait3A_254 = arith.constant 9 : i32
    %dma_wait3A_255 = arith.constant 0 : i32
    %dma_wait3A_256 = arith.constant 0 : i32
    %dma_wait3A_257 = tpu.memref_slice %arg7[%dma_wait3A_253, %dma_wait3A_255, %dma_wait3A_256] : memref<10x128x32xf32, #tpu.memory_space<vmem>> -> memref<1x128x32xf32, #tpu.memory_space<vmem>>
    %dma_wait3A_258 = tpu.memref_squeeze %dma_wait3A_257 : memref<1x128x32xf32, #tpu.memory_space<vmem>> -> memref<128x32xf32, #tpu.memory_space<vmem>>
    %dma_wait3A_259 = arith.constant 0 : i32
    %dma_wait3A_260 = arith.constant 0 : i32
    %dma_wait3A_261 = tpu.memref_slice %arg3[%dma_wait3A_259, %dma_wait3A_260] : memref<10000x32xf32, #tpu.memory_space<hbm>> -> memref<128x32xf32, #tpu.memory_space<hbm>>
    %dma_wait3A_262 = tpu.memref_slice %arg11[%dma_wait3A_254] : memref<10x!tpu.dma_semaphore, #tpu.memory_space<semaphore_mem>> -> memref<1x!tpu.dma_semaphore, #tpu.memory_space<semaphore_mem>>
    %dma_wait3A_263 = tpu.memref_squeeze %dma_wait3A_262 : memref<1x!tpu.dma_semaphore, #tpu.memory_space<semaphore_mem>> -> memref<!tpu.dma_semaphore, #tpu.memory_space<semaphore_mem>>
    %dma_wait3A_264 = arith.constant 0 : i32
    %dma_wait3A_265 = arith.constant 0 : i32
    %dma_wait3A_266 = tpu.memref_slice %arg7[%dma_wait3A_253, %dma_wait3A_264, %dma_wait3A_265] : memref<10x128x32xf32, #tpu.memory_space<vmem>> -> memref<1x128x32xf32, #tpu.memory_space<vmem>>
    %dma_wait3A_267 = tpu.memref_squeeze %dma_wait3A_266 : memref<1x128x32xf32, #tpu.memory_space<vmem>> -> memref<128x32xf32, #tpu.memory_space<vmem>>
    %dma_wait3A_268 = arith.constant 0 : i32
    %dma_wait3A_269 = arith.constant 0 : i32
    %dma_wait3A_270 = tpu.memref_slice %arg3[%dma_wait3A_268, %dma_wait3A_269] : memref<10000x32xf32, #tpu.memory_space<hbm>> -> memref<128x32xf32, #tpu.memory_space<hbm>>
    tpu.wait_dma2 semaphore(%dma_wait3A_263 : memref<!tpu.dma_semaphore, #tpu.memory_space<semaphore_mem>>) src(%dma_wait3A_270 : memref<128x32xf32, #tpu.memory_space<hbm>>) dst(%dma_wait3A_267 : memref<128x32xf32, #tpu.memory_space<vmem>>)
    %barrier3A_271 = arith.constant 0 : index
    tpu.barrier barrier_id(%barrier3A_271)
    "tpu.region"() ({
      %run_scoped3A_272 = tpu.sem_alloc : memref<!tpu.dma_semaphore, #tpu.memory_space<semaphore_mem>>
      %dma_start3A_273 = arith.constant 0 : i32
      %dma_start3A_274 = tpu.memref_slice %arg8[%multiple_of3A_6, %dma_start3A_273] : memref<10112x32xf32, #tpu.memory_space<vmem_shared>> -> memref<632x32xf32, #tpu.memory_space<vmem_shared>>
      %dma_start3A_275 = arith.constant 0 : i32
      %dma_start3A_276 = tpu.memref_slice %arg8[%multiple_of3A_6, %dma_start3A_275] : memref<10112x32xf32, #tpu.memory_space<vmem_shared>> -> memref<632x32xf32, #tpu.memory_space<vmem_shared>>
      tpu.enqueue_dma source(%dma_start3A_276 : memref<632x32xf32, #tpu.memory_space<vmem_shared>>) target(%arg9 : memref<632x32xf32, #tpu.memory_space<vmem>>) target_semaphore(%run_scoped3A_272 : memref<!tpu.dma_semaphore, #tpu.memory_space<semaphore_mem>>)
      %dma_wait3A_277 = arith.constant 0 : i32
      %dma_wait3A_278 = tpu.memref_slice %arg8[%multiple_of3A_6, %dma_wait3A_277] : memref<10112x32xf32, #tpu.memory_space<vmem_shared>> -> memref<632x32xf32, #tpu.memory_space<vmem_shared>>
      %dma_wait3A_279 = arith.constant 0 : i32
      %dma_wait3A_280 = tpu.memref_slice %arg8[%multiple_of3A_6, %dma_wait3A_279] : memref<10112x32xf32, #tpu.memory_space<vmem_shared>> -> memref<632x32xf32, #tpu.memory_space<vmem_shared>>
      tpu.wait_dma2 semaphore(%run_scoped3A_272 : memref<!tpu.dma_semaphore, #tpu.memory_space<semaphore_mem>>) src(%dma_wait3A_280 : memref<632x32xf32, #tpu.memory_space<vmem_shared>>) dst(%arg9 : memref<632x32xf32, #tpu.memory_space<vmem>>)
      tpu.yield
    }) : () -> ()
    "tpu.region"() ({
      %run_scoped3A_272 = tpu.sem_alloc : memref<!tpu.dma_semaphore, #tpu.memory_space<semaphore_mem>>
      %dma_start3A_273 = arith.constant 0 : i32
      %dma_start3A_274 = tpu.memref_slice %arg4[%arg0, %multiple_of3A_6, %dma_start3A_273] : memref<2x10112x32xf32, #tpu.memory_space<hbm>> -> memref<1x632x32xf32, #tpu.memory_space<hbm>>
      %dma_start3A_275 = tpu.memref_squeeze %dma_start3A_274 : memref<1x632x32xf32, #tpu.memory_space<hbm>> -> memref<632x32xf32, #tpu.memory_space<hbm>>
      %dma_start3A_276 = arith.constant 0 : i32
      %dma_start3A_277 = tpu.memref_slice %arg4[%arg0, %multiple_of3A_6, %dma_start3A_276] : memref<2x10112x32xf32, #tpu.memory_space<hbm>> -> memref<1x632x32xf32, #tpu.memory_space<hbm>>
      %dma_start3A_278 = tpu.memref_squeeze %dma_start3A_277 : memref<1x632x32xf32, #tpu.memory_space<hbm>> -> memref<632x32xf32, #tpu.memory_space<hbm>>
      tpu.enqueue_dma source(%arg9 : memref<632x32xf32, #tpu.memory_space<vmem>>) target(%dma_start3A_278 : memref<632x32xf32, #tpu.memory_space<hbm>>) target_semaphore(%run_scoped3A_272 : memref<!tpu.dma_semaphore, #tpu.memory_space<semaphore_mem>>)
      %dma_wait3A_279 = arith.constant 0 : i32
      %dma_wait3A_280 = tpu.memref_slice %arg4[%arg0, %multiple_of3A_6, %dma_wait3A_279] : memref<2x10112x32xf32, #tpu.memory_space<hbm>> -> memref<1x632x32xf32, #tpu.memory_space<hbm>>
      %dma_wait3A_281 = tpu.memref_squeeze %dma_wait3A_280 : memref<1x632x32xf32, #tpu.memory_space<hbm>> -> memref<632x32xf32, #tpu.memory_space<hbm>>
      %dma_wait3A_282 = arith.constant 0 : i32
      %dma_wait3A_283 = tpu.memref_slice %arg4[%arg0, %multiple_of3A_6, %dma_wait3A_282] : memref<2x10112x32xf32, #tpu.memory_space<hbm>> -> memref<1x632x32xf32, #tpu.memory_space<hbm>>
      %dma_wait3A_284 = tpu.memref_squeeze %dma_wait3A_283 : memref<1x632x32xf32, #tpu.memory_space<hbm>> -> memref<632x32xf32, #tpu.memory_space<hbm>>
      tpu.wait_dma2 semaphore(%run_scoped3A_272 : memref<!tpu.dma_semaphore, #tpu.memory_space<semaphore_mem>>) src(%arg9 : memref<632x32xf32, #tpu.memory_space<vmem>>) dst(%dma_wait3A_284 : memref<632x32xf32, #tpu.memory_space<hbm>>)
      tpu.yield
    }) : () -> ()
    return
  }
}

module attributes {stable_mosaic.version = 14 : i64} {
  func.func @body(%arg0: memref<10000x128xf32, #tpu.memory_space<vmem>>, %arg1: memref<128x32xf32, #tpu.memory_space<vmem>>, %arg2: memref<20224xf32, #tpu.memory_space<vmem>>, %arg3: memref<10000x32xf32, #tpu.memory_space<vmem>>, %arg4: memref<10000xf32, #tpu.memory_space<vmem>>) attributes {dimension_semantics = [], scalar_prefetch = 0 : i64, scratch_operands = 0 : i64, tpu.core_type = #tpu.core_type<tc>} {
    %get3A = arith.constant 0 : index
    %get3A_0 = vector.load %arg2[%get3A] : memref<20224xf32, #tpu.memory_space<vmem>>, vector<20224xf32>
    %slice3A = vector.extract_strided_slice %get3A_0 {offsets = [0], sizes = [10000], strides = [1]} : vector<20224xf32> to vector<10000xf32>
    %slice3A_1 = vector.extract_strided_slice %get3A_0 {offsets = [10112], sizes = [10000], strides = [1]} : vector<20224xf32> to vector<10000xf32>
    %add3A = arith.addf %slice3A, %slice3A_1 : vector<10000xf32>
    %add3A_2 = arith.constant 1.000000e+00 : f32
    %add3A_3 = vector.broadcast %add3A_2 : f32 to vector<10000xf32>
    %add3A_4 = arith.addf %add3A, %add3A_3 : vector<10000xf32>
    %rsqrt3A = math.rsqrt %add3A_4 : vector<10000xf32>
    %swap3A = arith.constant 0 : index
    %swap3A_5 = vector.load %arg4[%swap3A] : memref<10000xf32, #tpu.memory_space<vmem>>, vector<10000xf32>
    tpu.vector_store %arg4[%swap3A], %rsqrt3A {strides = array<i32>} : memref<10000xf32, #tpu.memory_space<vmem>>, vector<10000xf32>,
    %get3A_6 = arith.constant 0 : index
    %get3A_7 = arith.constant 0 : index
    %get3A_8 = vector.load %arg0[%get3A_6, %get3A_7] : memref<10000x128xf32, #tpu.memory_space<vmem>>, vector<10000x128xf32>
    %get3A_9 = arith.constant 0 : index
    %get3A_10 = arith.constant 0 : index
    %get3A_11 = vector.load %arg1[%get3A_9, %get3A_10] : memref<128x32xf32, #tpu.memory_space<vmem>>, vector<128x32xf32>
    %dot_general3A = arith.constant dense<0.000000e+00> : vector<10000x32xf32>
    %dot_general3A_12 = tpu.matmul %get3A_8, %get3A_11, %dot_general3A {dimension_numbers = #tpu.dot_dimension_numbers<[1], [0], [0], [1], [0, 0, 1, 1], [], []>, transpose_lhs_hint = false} : vector<10000x128xf32>, vector<128x32xf32>, vector<10000x32xf32> -> vector<10000x32xf32>
    %reshape3A = vector.shape_cast %rsqrt3A : vector<10000xf32> to vector<10000x1xf32>
    %mul3A = vector.broadcast %reshape3A : vector<10000x1xf32> to vector<10000x32xf32>
    %mul3A_13 = arith.mulf %dot_general3A_12, %mul3A : vector<10000x32xf32>
    %swap3A_14 = arith.constant 0 : index
    %swap3A_15 = arith.constant 0 : index
    %swap3A_16 = vector.load %arg3[%swap3A_14, %swap3A_15] : memref<10000x32xf32, #tpu.memory_space<vmem>>, vector<10000x32xf32>
    tpu.vector_store %arg3[%swap3A_14, %swap3A_15], %mul3A_13 {strides = array<i32>} : memref<10000x32xf32, #tpu.memory_space<vmem>>, vector<10000x32xf32>,
    return
  }
}

module attributes {stable_mosaic.version = 14 : i64} {
  func.func @body(%arg0: memref<2x10112x32xf32, #tpu.memory_space<vmem>>, %arg1: memref<10000x32xf32, #tpu.memory_space<vmem>>, %arg2: memref<10000xf32, #tpu.memory_space<vmem>>, %arg3: memref<1x32xf32, #tpu.memory_space<vmem>>, %arg4: memref<32x16xf32, #tpu.memory_space<vmem>>, %arg5: memref<10000x16xf32, #tpu.memory_space<vmem>>) attributes {dimension_semantics = [], scalar_prefetch = 0 : i64, scratch_operands = 0 : i64, tpu.core_type = #tpu.core_type<tc>} {
    %get3A = arith.constant 0 : index
    %get3A_0 = arith.constant 0 : index
    %get3A_1 = arith.constant 0 : index
    %get3A_2 = vector.load %arg0[%get3A, %get3A_0, %get3A_1] : memref<2x10112x32xf32, #tpu.memory_space<vmem>>, vector<1x10000x32xf32>
    %get3A_3 = vector.shape_cast %get3A_2 : vector<1x10000x32xf32> to vector<10000x32xf32>
    %get3A_4 = arith.constant 1 : index
    %get3A_5 = arith.constant 0 : index
    %get3A_6 = arith.constant 0 : index
    %get3A_7 = vector.load %arg0[%get3A_4, %get3A_5, %get3A_6] : memref<2x10112x32xf32, #tpu.memory_space<vmem>>, vector<1x10000x32xf32>
    %get3A_8 = vector.shape_cast %get3A_7 : vector<1x10000x32xf32> to vector<10000x32xf32>
    %add3A = arith.addf %get3A_3, %get3A_8 : vector<10000x32xf32>
    %get3A_9 = arith.constant 0 : index
    %get3A_10 = arith.constant 0 : index
    %get3A_11 = vector.load %arg1[%get3A_9, %get3A_10] : memref<10000x32xf32, #tpu.memory_space<vmem>>, vector<10000x32xf32>
    %add3A_12 = arith.addf %add3A, %get3A_11 : vector<10000x32xf32>
    %get3A_13 = arith.constant 0 : index
    %get3A_14 = vector.load %arg2[%get3A_13] : memref<10000xf32, #tpu.memory_space<vmem>>, vector<10000xf32>
    %reshape3A = vector.shape_cast %get3A_14 : vector<10000xf32> to vector<10000x1xf32>
    %mul3A = vector.broadcast %reshape3A : vector<10000x1xf32> to vector<10000x32xf32>
    %mul3A_15 = arith.mulf %mul3A, %add3A_12 : vector<10000x32xf32>
    %get3A_16 = arith.constant 0 : index
    %get3A_17 = arith.constant 0 : index
    %get3A_18 = vector.load %arg3[%get3A_16, %get3A_17] : memref<1x32xf32, #tpu.memory_space<vmem>>, vector<1x32xf32>
    %add3A_19 = vector.broadcast %get3A_18 : vector<1x32xf32> to vector<10000x32xf32>
    %add3A_20 = arith.addf %mul3A_15, %add3A_19 : vector<10000x32xf32>
    %max3A = arith.constant 0.000000e+00 : f32
    %max3A_21 = vector.broadcast %max3A : f32 to vector<10000x32xf32>
    %max3A_22 = arith.maximumf %add3A_20, %max3A_21 : vector<10000x32xf32>
    %get3A_23 = arith.constant 0 : index
    %get3A_24 = arith.constant 0 : index
    %get3A_25 = vector.load %arg4[%get3A_23, %get3A_24] : memref<32x16xf32, #tpu.memory_space<vmem>>, vector<32x16xf32>
    %dot_general3A = arith.constant dense<0.000000e+00> : vector<10000x16xf32>
    %dot_general3A_26 = tpu.matmul %max3A_22, %get3A_25, %dot_general3A {dimension_numbers = #tpu.dot_dimension_numbers<[1], [0], [0], [1], [0, 0, 1, 1], [], []>, transpose_lhs_hint = false} : vector<10000x32xf32>, vector<32x16xf32>, vector<10000x16xf32> -> vector<10000x16xf32>
    %mul3A_27 = vector.broadcast %reshape3A : vector<10000x1xf32> to vector<10000x16xf32>
    %mul3A_28 = arith.mulf %dot_general3A_26, %mul3A_27 : vector<10000x16xf32>
    %swap3A = arith.constant 0 : index
    %swap3A_29 = arith.constant 0 : index
    %swap3A_30 = vector.load %arg5[%swap3A, %swap3A_29] : memref<10000x16xf32, #tpu.memory_space<vmem>>, vector<10000x16xf32>
    tpu.vector_store %arg5[%swap3A, %swap3A_29], %mul3A_28 {strides = array<i32>} : memref<10000x16xf32, #tpu.memory_space<vmem>>, vector<10000x16xf32>,
    return
  }
}

module attributes {stable_mosaic.version = 14 : i64} {
  func.func @body(%arg0: memref<2x10112x16xf32, #tpu.memory_space<vmem>>, %arg1: memref<10000x16xf32, #tpu.memory_space<vmem>>, %arg2: memref<10000xf32, #tpu.memory_space<vmem>>, %arg3: memref<1x16xf32, #tpu.memory_space<vmem>>, %arg4: memref<10000xi32, #tpu.memory_space<vmem>>, %arg5: memref<16x10xf32, #tpu.memory_space<vmem>>, %arg6: memref<1x10xf32, #tpu.memory_space<vmem>>, %arg7: memref<64x10xf32, #tpu.memory_space<vmem>>) attributes {dimension_semantics = [], scalar_prefetch = 0 : i64, scratch_operands = 0 : i64, tpu.core_type = #tpu.core_type<tc>} {
    %get3A = arith.constant 0 : index
    %get3A_0 = arith.constant 0 : index
    %get3A_1 = arith.constant 0 : index
    %get3A_2 = vector.load %arg0[%get3A, %get3A_0, %get3A_1] : memref<2x10112x16xf32, #tpu.memory_space<vmem>>, vector<1x10000x16xf32>
    %get3A_3 = vector.shape_cast %get3A_2 : vector<1x10000x16xf32> to vector<10000x16xf32>
    %get3A_4 = arith.constant 1 : index
    %get3A_5 = arith.constant 0 : index
    %get3A_6 = arith.constant 0 : index
    %get3A_7 = vector.load %arg0[%get3A_4, %get3A_5, %get3A_6] : memref<2x10112x16xf32, #tpu.memory_space<vmem>>, vector<1x10000x16xf32>
    %get3A_8 = vector.shape_cast %get3A_7 : vector<1x10000x16xf32> to vector<10000x16xf32>
    %add3A = arith.addf %get3A_3, %get3A_8 : vector<10000x16xf32>
    %get3A_9 = arith.constant 0 : index
    %get3A_10 = arith.constant 0 : index
    %get3A_11 = vector.load %arg1[%get3A_9, %get3A_10] : memref<10000x16xf32, #tpu.memory_space<vmem>>, vector<10000x16xf32>
    %add3A_12 = arith.addf %add3A, %get3A_11 : vector<10000x16xf32>
    %get3A_13 = arith.constant 0 : index
    %get3A_14 = vector.load %arg2[%get3A_13] : memref<10000xf32, #tpu.memory_space<vmem>>, vector<10000xf32>
    %reshape3A = vector.shape_cast %get3A_14 : vector<10000xf32> to vector<10000x1xf32>
    %mul3A = vector.broadcast %reshape3A : vector<10000x1xf32> to vector<10000x16xf32>
    %mul3A_15 = arith.mulf %mul3A, %add3A_12 : vector<10000x16xf32>
    %get3A_16 = arith.constant 0 : index
    %get3A_17 = arith.constant 0 : index
    %get3A_18 = vector.load %arg3[%get3A_16, %get3A_17] : memref<1x16xf32, #tpu.memory_space<vmem>>, vector<1x16xf32>
    %add3A_19 = vector.broadcast %get3A_18 : vector<1x16xf32> to vector<10000x16xf32>
    %add3A_20 = arith.addf %mul3A_15, %add3A_19 : vector<10000x16xf32>
    %max3A = arith.constant 0.000000e+00 : f32
    %max3A_21 = vector.broadcast %max3A : f32 to vector<10000x16xf32>
    %max3A_22 = arith.maximumf %add3A_20, %max3A_21 : vector<10000x16xf32>
    %iota3A = tpu.iota {dimensions = array<i32: 0>} : vector<64x10000xi32>
    %get3A_23 = arith.constant 0 : index
    %get3A_24 = vector.load %arg4[%get3A_23] : memref<10000xi32, #tpu.memory_space<vmem>>, vector<10000xi32>
    %reshape3A_25 = vector.shape_cast %get3A_24 : vector<10000xi32> to vector<1x10000xi32>
    %eq3A = vector.broadcast %reshape3A_25 : vector<1x10000xi32> to vector<64x10000xi32>
    %eq3A_26 = arith.cmpi eq, %iota3A, %eq3A : vector<64x10000xi32>
    %convert_element_type3A = arith.extui %eq3A_26 : vector<64x10000xi1> to vector<64x10000xi32>
    %convert_element_type3A_27 = arith.sitofp %convert_element_type3A : vector<64x10000xi32> to vector<64x10000xf32>
    %dot_general3A = arith.constant dense<0.000000e+00> : vector<64x16xf32>
    %dot_general3A_28 = tpu.matmul %convert_element_type3A_27, %max3A_22, %dot_general3A {dimension_numbers = #tpu.dot_dimension_numbers<[1], [0], [0], [1], [0, 0, 1, 1], [], []>, transpose_lhs_hint = false} : vector<64x10000xf32>, vector<10000x16xf32>, vector<64x16xf32> -> vector<64x16xf32>
    %reduce_sum3A = arith.constant dense<0.000000e+00> : vector<64xf32>
    %reduce_sum3A_29 = vector.multi_reduction <add>, %convert_element_type3A_27, %reduce_sum3A [1] : vector<64x10000xf32> to vector<64xf32>
    %broadcast_in_dim3A = vector.shape_cast %reduce_sum3A_29 : vector<64xf32> to vector<64x1xf32>
    %max3A_30 = arith.constant 1.000000e+00 : f32
    %max3A_31 = vector.broadcast %max3A_30 : f32 to vector<64x1xf32>
    %max3A_32 = arith.maximumf %broadcast_in_dim3A, %max3A_31 : vector<64x1xf32>
    %div3A = vector.broadcast %max3A_32 : vector<64x1xf32> to vector<64x16xf32>
    %div3A_33 = arith.divf %dot_general3A_28, %div3A : vector<64x16xf32>
    %get3A_34 = arith.constant 0 : index
    %get3A_35 = arith.constant 0 : index
    %get3A_36 = vector.load %arg5[%get3A_34, %get3A_35] : memref<16x10xf32, #tpu.memory_space<vmem>>, vector<16x10xf32>
    %dot_general3A_37 = arith.constant dense<0.000000e+00> : vector<64x10xf32>
    %dot_general3A_38 = tpu.matmul %div3A_33, %get3A_36, %dot_general3A_37 {dimension_numbers = #tpu.dot_dimension_numbers<[1], [0], [0], [1], [0, 0, 1, 1], [], []>, transpose_lhs_hint = false} : vector<64x16xf32>, vector<16x10xf32>, vector<64x10xf32> -> vector<64x10xf32>
    %get3A_39 = arith.constant 0 : index
    %get3A_40 = arith.constant 0 : index
    %get3A_41 = vector.load %arg6[%get3A_39, %get3A_40] : memref<1x10xf32, #tpu.memory_space<vmem>>, vector<1x10xf32>
    %add3A_42 = vector.broadcast %get3A_41 : vector<1x10xf32> to vector<64x10xf32>
    %add3A_43 = arith.addf %dot_general3A_38, %add3A_42 : vector<64x10xf32>
    %reduce_max3A = arith.constant dense<0xFF800000> : vector<64xf32>
    %reduce_max3A_44 = vector.multi_reduction <maximumf>, %add3A_43, %reduce_max3A [1] : vector<64x10xf32> to vector<64xf32>
    %broadcast_in_dim3A_45 = vector.shape_cast %reduce_max3A_44 : vector<64xf32> to vector<64x1xf32>
    %sub3A = vector.broadcast %broadcast_in_dim3A_45 : vector<64x1xf32> to vector<64x10xf32>
    %sub3A_46 = arith.subf %add3A_43, %sub3A : vector<64x10xf32>
    %exp3A = math.exp %sub3A_46 : vector<64x10xf32>
    %reduce_sum3A_47 = arith.constant dense<0.000000e+00> : vector<64xf32>
    %reduce_sum3A_48 = vector.multi_reduction <add>, %exp3A, %reduce_sum3A_47 [1] : vector<64x10xf32> to vector<64xf32>
    %broadcast_in_dim3A_49 = vector.shape_cast %reduce_sum3A_48 : vector<64xf32> to vector<64x1xf32>
    %div3A_50 = vector.broadcast %broadcast_in_dim3A_49 : vector<64x1xf32> to vector<64x10xf32>
    %div3A_51 = arith.divf %exp3A, %div3A_50 : vector<64x10xf32>
    %swap3A = arith.constant 0 : index
    %swap3A_52 = arith.constant 0 : index
    %swap3A_53 = vector.load %arg7[%swap3A, %swap3A_52] : memref<64x10xf32, #tpu.memory_space<vmem>>, vector<64x10xf32>
    tpu.vector_store %arg7[%swap3A, %swap3A_52], %div3A_51 {strides = array<i32>} : memref<64x10xf32, #tpu.memory_space<vmem>>, vector<64x10xf32>,
    return
  }
}

</mosaic_0001>

<sc_bundles>
// kernel: kernel.11.cloned.1.call-start
scs
__scs_entry_jumppad:
0x0: {  	(pc) =	sbr.rel $0x88, $3  }
0x1: {  	(tag) =	ssettag $0x0;
	lr =	simm.s32 $0x1  }
0x2: {  	[smem:$0x3F98] =	sst lr;
	_ =	strace $0xD0000000  }
0x3: {  	_ = 	snop  }
0x4: {  	_ = 	snop  }
0x5: {  	_ = 	snop  }
0x6: {  	_ = 	snop  }
0x7: {  	_ = 	snop  }
__scs_overlays_trampoline_lowered:
0x8: {  	[smem:$0x3FA7] =	sst s0  }
0x9: {  	[smem:$0x3FA8] =	sst s1  }
0xa: {  	[smem:$0x3FA9] =	sst s2  }
0xb: {  	[smem:$0x3FAA] =	sst s3  }
0xc: {  	[smem:$0x3FAB] =	sst s4  }
0xd: {  	[smem:$0x3FAC] =	sst s5  }
0xe: {  	[smem:$0x3FAD] =	sst s6  }
0xf: {  	[smem:$0x3FAE] =	sst s7  }
0x10: {  	[smem:$0x3FAF] =	sst s8  }
0x11: {  	[smem:$0x3FB0] =	sst s9;
	s0 =	simm.s32 @!p0 $0x0  }
0x12: {  	s1 =	sld [smem:$0x3F96];
	s0 =	simm.s32 @p0 $0x1  }
0x13: {  	[smem:$0x3FB1] =	sst s0;
	s0 =	simm.s32 @!p1 $0x0  }
0x14: {  	s2 =	sld [smem:$0x3F95];
	s0 =	simm.s32 @p1 $0x1  }
0x15: {  	[smem:$0x3FB2] =	sst s0;
	s0 =	simm.s32 @!p2 $0x0  }
0x16: {  	s3 =	sld [smem:$0x3FDB];
	s0 =	simm.s32 @p2 $0x1  }
0x17: {  	s4 =	simm.s32 $0x1BF5;
	[smem:$0x3FB4] =	sst s0  }
0x18: {  	s0 =	sld [smem:$0x3F97];
	_ =	swait.ge [sflag:s4], $0x0  }
0x19: {  	s7 =	sld [smem:$0x3F98]  }
0x1a: {  	s8 =	sadd.s32 $0xFFFFE003, lr  }
0x1b: {  	s9 =	sadd.s32 $0xFFFFFEF7, lr;
	s5 =	simm.s32 $0xFFFFFFFF;
	p2 =	slt.u32 s8, $0xFFFFF086  }
0x1c: {  	p1 =	slt.u32 s9, $0xF7A;
	s5 =	simm.s32 @!p2 $0x0  }
0x1d: {  	s5 =	simm.s32 @p1 $0x1;
	p0 =	seq.s32 s7, s2  }
0x1e: {  	s7 =	smul.u32 @!p0 $0xF7A, s2;
	p2 =	seq.s32 @!p0 s5, $0x0  }
0x1f: {  	s9 =	smul.u32 $0xF7A, s1;
	s8 =	simm.s32 @!p0 $0x1BF5;
	p2 =	por !p2, p0  }
0x20: {  	[sflag:s8] =	ssyncset.s32 @!p0 $0xFFFFF086;
	s6 =	sadd.s32 @!p0 s3, s7;
	s7 =	simm.s32 @!p0 $0x108  }
0x21: {  	s3 =	sadd.s32 s3, s9;
	s6 =	sadd.s32 @!p0 $0x88, s6;
	s7 =	simm.s32 @p2 $0x1082  }
0x22: {  	[simem:s7], [sflag:s8] =	dma.local @!p0 [hbm:s6], $0xF7A  }
0x23: {  	s9 =	sor.u32 $0xD0000000, s2;
	s6 =	simm.s32 $0x108;
	_ =	swait.ge @!p0 [sflag:s8], $0x0  }
0x24: {  	s3 =	sadd.s32 $0x88, s3;
	s6 =	simm.s32 @!p1 $0x1082;
	[sflag:s4] =	ssyncset.s32 $0xFFFFF086  }
0x25: {  	[simem:s6], [sflag:s4] =	dma.local [hbm:s3], $0xF7A  }
0x26: {  	[smem:$0x3F98] =	sst s1;
	(tag) =	ssettag s2;
	_ =	strace s9  }
0x27: {  	s1 =	sld [smem:$0x3FA8]  }
0x28: {  	s2 =	sld [smem:$0x3FA9]  }
0x29: {  	s4 =	sld [smem:$0x3FAB]  }
0x2a: {  	p0 =	seq.s32 s5, $0x0;
	s5 =	sld [smem:$0x3FAC]  }
0x2b: {  	s6 =	sld [smem:$0x3FAD]  }
0x2c: {  	s7 =	sld [smem:$0x3FAE]  }
0x2d: {  	s3 =	simm.s32 $0x108;
	s8 =	sld [smem:$0x3FAF]  }
0x2e: {  	s3 =	simm.s32 @!p0 $0x1082;
	s9 =	sld [smem:$0x3FB0]  }
0x2f: {  	lr =	sadd.s32 s0, s3;
	s0 =	sld [smem:$0x3FA7]  }
0x30: {  	s3 =	sld [smem:$0x3FAA]  }
0x31: {  	[smem:$0x3FB3] =	sst s10  }
0x32: {  	s10 =	sld [smem:$0x3FB1];
	_ =	sdelay $0x3  }
0x33: {  	p0 =	seq.s32 s10, $0x1;
	s10 =	sld [smem:$0x3FB3];
	_ =	sdelay $0x3  }
0x34: {  	[smem:$0x3FB3] =	sst s10  }
0x35: {  	s10 =	sld [smem:$0x3FB2];
	_ =	sdelay $0x3  }
0x36: {  	p1 =	seq.s32 s10, $0x1;
	s10 =	sld [smem:$0x3FB3];
	_ =	sdelay $0x3  }
0x37: {  	[smem:$0x3FB3] =	sst s10  }
0x38: {  	s10 =	sld [smem:$0x3FB4]  }
0x39: {  	_ = 	snop;
	(pc) =	sbr.ind lr, $3  }
0x3a: {  	_ = 	snop  }
0x3b: {  	_ = 	snop  }
0x3c: {  	p2 =	seq.s32 s10, $0x1;
	s10 =	sld [smem:$0x3FB3]  }
0x3d: {  	_ =	shalt  }
0x3e: {  	_ =	shalt  }
0x3f: {  	_ =	shalt  }
0x40: {  	_ =	shalt  }
0x41: {  	_ =	shalt  }
0x42: {  	_ =	shalt  }
0x43: {  	_ =	shalt  }
0x44: {  	_ =	shalt  }
0x45: {  	_ =	shalt  }
0x46: {  	_ =	shalt  }
0x47: {  	_ =	shalt  }
0x48: {  	_ =	shalt  }
0x49: {  	_ =	shalt  }
0x4a: {  	_ =	shalt  }
0x4b: {  	_ =	shalt  }
0x4c: {  	_ =	shalt  }
0x4d: {  	_ =	shalt  }
0x4e: {  	_ =	shalt  }
0x4f: {  	_ =	shalt  }
0x50: {  	_ =	shalt  }
0x51: {  	_ =	shalt  }
0x52: {  	_ =	shalt  }
0x53: {  	_ =	shalt  }
0x54: {  	_ =	shalt  }
0x55: {  	_ =	shalt  }
0x56: {  	_ =	shalt  }
0x57: {  	_ =	shalt  }
0x58: {  	_ =	shalt  }
0x59: {  	_ =	shalt  }
0x5a: {  	_ =	shalt  }
0x5b: {  	_ =	shalt  }
0x5c: {  	_ =	shalt  }
0x5d: {  	_ =	shalt  }
0x5e: {  	_ =	shalt  }
0x5f: {  	_ =	shalt  }
0x60: {  	_ =	shalt  }
0x61: {  	_ =	shalt  }
0x62: {  	_ =	shalt  }
0x63: {  	_ =	shalt  }
0x64: {  	_ =	shalt  }
0x65: {  	_ =	shalt  }
0x66: {  	_ =	shalt  }
0x67: {  	_ =	shalt  }
0x68: {  	_ =	shalt  }
0x69: {  	_ =	shalt  }
0x6a: {  	_ =	shalt  }
0x6b: {  	_ =	shalt  }
0x6c: {  	_ =	shalt  }
0x6d: {  	_ =	shalt  }
0x6e: {  	_ =	shalt  }
0x6f: {  	_ =	shalt  }
0x70: {  	_ =	shalt  }
0x71: {  	_ =	shalt  }
0x72: {  	_ =	shalt  }
0x73: {  	_ =	shalt  }
0x74: {  	_ =	shalt  }
0x75: {  	_ =	shalt  }
0x76: {  	_ =	shalt  }
0x77: {  	_ =	shalt  }
0x78: {  	_ =	shalt  }
0x79: {  	_ =	shalt  }
0x7a: {  	_ =	shalt  }
0x7b: {  	_ =	shalt  }
0x7c: {  	_ =	shalt  }
0x7d: {  	_ =	shalt  }
0x7e: {  	_ =	shalt  }
0x7f: {  	_ =	shalt  }
0x80: {  	_ =	shalt  }
0x81: {  	_ =	shalt  }
0x82: {  	_ =	shalt  }
0x83: {  	_ =	shalt  }
0x84: {  	_ =	shalt  }
0x85: {  	_ =	shalt  }
0x86: {  	_ =	shalt  }
0x87: {  	_ =	shalt  }
.Lfunc_end0:
.L_simem_size_0:
called_computation.1_lowered:
.L_overlay_start_0:
0x88: {  	s2 =	sld [smem:$0x3FD9]  }
0x89: {  	s3 =	sld [smem:$0x3FFE];
	_ =	sdelay $0x1  }
0x8a: {  	s1 =	srdreg.scid  }
0x8b: {  	s0 =	sand.u32 $0x1, s1  }
0x8c: {  	s16 =	sshll.u32 s0, $0xA;
	s2 =	sadd.s32 s3, s2  }
0x8d: {  	s2 =	sadd.s32 s2, s16  }
0x8e: {  	[smem:$0x3FBF] =	sst s2  }
0x8f: {  	_ = 	snop  }
0x90: {  	(tm) =	ssettm $0x1  }
0x91: {  	s17 =	sld [smem:$0x3FFB];
	_ =	sdelay $0x3  }
0x92: {  	_ =	strace s17  }
0x93: {  	s2 =	sld [smem:$0x3FFC];
	_ =	sdelay $0x3  }
0x94: {  	_ =	strace s2  }
0x95: {  	s2 =	sld [smem:$0x3FFD];
	_ =	sdelay $0x3  }
0x96: {  	_ =	strace s2  }
0x97: {  	_ =	strace $0x8FFFFFFF  }
0x98: {  	s18 =	sld [smem:$0x3FDB];
	_ =	sdelay $0x1  }
0x99: {  	s19 =	simm.s32 $_scs_section_size  }
0x9a: {  	s4 =	simm.s32 $_size__tile_overlayer_lowered;
	s5 =	simm.s32 $_tile_overlayer_lowered  }
0x9b: {  	s22 =	simm.s32 $0x1BFF;
	s21 =	sshll.u32 s5, $0x1;
	s2 =	sadd.s32 s19, s18  }
0x9c: {  	s6 =	simm.s32 $0x0;
	s20 =	sshll.u32 s4, $0x1;
	s4 =	sadd.s32 s21, s2  }
0x9d: {  	[timem:s6], [sflag:s22] =	dma.local [hbm:s4], s20  }
0x9e: {  	_ =	swait.ge [sflag:s22], s20  }
0x9f: {  	s3 =	ssub.s32 $0x0, s20;
	[sflag:s22] =	ssyncset.done $0x0  }
0xa0: {  	[sflag:s22] =	ssyncadd.s32 s3;
	_ =	sdelay $0x1  }
0xa1: {  	s23 =	simm.s32 $0x1B8B  }
0xa2: {  	_ =	swait.ge [sflag:s23], $0x1  }
0xa3: {  	[sflag:s23] =	ssyncset.done $0x0  }
0xa4: {  	s25 =	simm.s32 $0x1B8E;
	s24 =	sld [smem:$0x3FFE];
	[sflag:s23] =	ssyncadd.s32 $0xFFFFFFFF  }
0xa5: {  	s26 =	simm.s32 $execute0_lowered;
	[smem:$0x3FD2] =	sst s25  }
0xa6: {  	s4 =	sshll.u32 s26, $0x1;
	_ =	strace $0x80000049;
	[dreg:$0x1] =	wrdreg $0xFFFFFFFF  }
0xa7: {  	s28 =	simm.s32 $_size_execute0_lowered;
	s2 =	sadd.s32 s2, s4;
	[dreg:$0x0] =	wrdreg $0x0  }
0xa8: {  	s4 =	sshll.u32 s28, $0x1;
	[dreg:$0x2] =	wrdreg s2  }
0xa9: {  	[dreg:$0x3] =	wrdreg s4  }
0xaa: {  	[dreg:$0x4] =	wrdreg $0xC0  }
0xab: {  	_ =	task [dreg:s6], $0x5FFFF  }
0xac: {  	[dreg:$0x1] =	wrdreg $0xFFFFFFFF  }
0xad: {  	[dreg:$0x0] =	wrdreg $0x60  }
0xae: {  	[dreg:$0x2] =	wrdreg s24  }
0xaf: {  	[dreg:$0x3] =	wrdreg $0xF0000  }
0xb0: {  	[dreg:$0x4] =	wrdreg $0x9  }
0xb1: {  	_ =	task.clear_ibuf [dreg:s6], $0x5FFFF;
	_ =	strace $0x90000049  }
0xb2: {  	s29 =	simm.s32 $0x9;
	_ =	strace $0x8000004B  }
0xb3: {  	_ =	swait.ge [sflag:s29], $0x1  }
0xb4: {  	[sflag:s29] =	ssyncadd.s32 $0xFFFFFFFF  }
0xb5: {  	_ =	strace $0x9000004B  }
0xb6: {  	_ =	sfence  }
0xb7: {  	s30 =	sld [smem:$0x0];
	_ =	sdelay $0x2  }
0xb8: {  	s31 =	sshll.u32 s1, $0xD;
	s1 =	sshrl.u32 s1, $0x2  }
0xb9: {  	s3 =	sand.u32 $0x4000, s31;
	s1 =	sadd.s32 s1, s30  }
0xba: {  	s0 =	sor.u32 s3, s0;
	s1 =	sshll.u32 s1, $0x11  }
0xbb: {  	s0 =	sor.u32 s1, s0  }
0xbc: {  	s0 =	sadd.s32 $0x8F2B, s0  }
0xbd: {  	[sflag:s0] =	ssyncadd.remote.s32 $0x1  }
0xbe: {  	_ =	sfence.sel $0xFFFF  }
0xbf: {  	[dreg:$0x0] =	wrdreg $0xFFFFFFFF;
	(pc) =	sbr.abs _section_cstart, $3  }
0xc0: {  	[dreg:$0x1] =	wrdreg $0xFFFFFFFF  }
0xc1: {  	_ =	task.clear_ibuf [dreg:s6], $0x2FFFF;
	_ =	strace $0x9FFFFFFF  }
0xc2: {  	(tm) =	ssettm $0x7FFFFFFF  }
0xc3: {  	_ =	shalt  }
tec
execute0_lowered:
.L_overlay_start_1:
0x0: {  	(tag) =	ssettag $0x1  }
0x1: {  	s0 =	srdreg.scid;
	s3 =	rddreg [dreg:$0x0]  }
0x2: {  	s4 =	stileid.u32;
	s2 =	rddreg [dreg:$0x1];
	s7 =	simm.s32 $0x0  }
0x3: {  	s12 =	simm.s32 $0x15;
	s18 =	simm.s32 $0x13F00;
	s13 =	simm.s32 $0x80  }
0x4: {  	s14 =	simm.s32 $0x5000;
	s15 =	simm.s32 $0x6000;
	s17 =	simm.s32 $0x7000  }
0x5: {  	s19 =	simm.s32 $0x8000;
	s21 =	simm.s32 $0x9000;
	s22 =	simm.s32 $0x1  }
0x6: {  	s28 =	simm.s32 $0xC000;
	s29 =	simm.s32 $0x4;
	s30 =	simm.s32 $0xD000  }
0x7: {  	s31 =	simm.s32 $0x5;
	s11 =	simm.s32 $0x8;
	s16 =	simm.s32 $0xA  }
0x8: {  	s8 =	simm.s32 $0xF;
	s0 =	sand.u32 $0x1, s0;
	s5 =	smul.u32 $0x4F00, s4  }
0x9: {  	[smem:$0x7FF] =	sst s7;
	s1 =	sshll.u32 s0, $0x4;
	s23 =	smul.u32 $0x4F000, s0  }
0xa: {  	_ =	strace $0x8000004A;
	s0 =	ssub.s32 $0x2, s0;
	s1 =	sor.u32 s4, s1  }
0xb: {  	s24 =	sshrl.u32 s0, $0x1;
	s10 =	sadd.s32 s5, s2;
	s1 =	smul.u32 $0x2800, s1  }
0xc: {  	s4 =	sadd.s32 s5, s23;
	s0 =	ssub.s32 s0, s24;
	s23 =	simm.s32 $0xA000  }
0xd: {  	[dreg:$0x5] =	wrdreg s10;
	s6 =	sshrl.u32 s4, $0x3;
	s1 =	sshrl.u32 s1, $0x3  }
0xe: {  	s4 =	sadd.s32 $0x16800, s3;
	s0 =	smax.u32 s0, $0x1;
	s1 =	sadd.s32 s1, s3  }
.Ltmp0:
0xf: {  	[dreg:$0x7] =	wrdreg s0;
	s25 =	sadd.s32 $0x2800, s1;
	(pc) =	sbr.rel .LBB2_1-.Ltmp0, $4  }
0x10: {  	s3 =	sadd.s32 s6, s3;
	s1 =	sadd.s32 $0xC800, s1;
	[dreg:$0x3] =	wrdreg s25  }
0x11: {  	s24 =	simm.s32 $0x2;
	s26 =	sadd.s32 $0x20600, s3;
	[dreg:$0x4] =	wrdreg s1  }
0x12: {  	s5 =	simm.s32 $0x0;
	s0 =	simm.s32 $0x6;
	[dreg:$0x6] =	wrdreg s26  }
0x13: {  	v0 =	vimm.f32 $0.0e+00;
	s25 =	simm.s32 $0xB000;
	s26 =	simm.s32 $0x3;
	s1 =	simm.s32 $0xE000  }
.LBB2_6:
0x14: {  	s3 =	simm.s32 $0xB  }
0x15: {  	_ =	swait.ge [sflag:s3], $0x1000  }
0x16: {  	[sflag:s3] =	ssyncset.done $0x0  }
0x17: {  	s7 =	simm.s32 $0xC;
	[sflag:s3] =	ssyncadd.s32 $0xFFFFF000  }
0x18: {  	_ =	swait.ge [sflag:s7], $0x1000  }
0x19: {  	[sflag:s7] =	ssyncset.done $0x0  }
0x1a: {  	s9 =	simm.s32 $0xD;
	[sflag:s7] =	ssyncadd.s32 $0xFFFFF000  }
0x1b: {  	_ =	swait.ge [sflag:s9], $0x1000  }
0x1c: {  	[sflag:s9] =	ssyncset.done $0x0  }
0x1d: {  	s10 =	simm.s32 $0xE;
	[sflag:s9] =	ssyncadd.s32 $0xFFFFF000  }
0x1e: {  	_ =	swait.ge [sflag:s10], $0x1000  }
0x1f: {  	[sflag:s10] =	ssyncset.done $0x0  }
0x20: {  	[sflag:s10] =	ssyncadd.s32 $0xFFFFF000  }
0x21: {  	_ =	swait.ge [sflag:s8], $0x1000  }
0x22: {  	[sflag:s8] =	ssyncset.done $0x0  }
0x23: {  	s12 =	simm.s32 $0x10;
	[sflag:s8] =	ssyncadd.s32 $0xFFFFF000  }
0x24: {  	_ =	swait.ge [sflag:s12], $0x1000  }
0x25: {  	[sflag:s12] =	ssyncset.done $0x0  }
0x26: {  	s18 =	simm.s32 $0x11;
	[sflag:s12] =	ssyncadd.s32 $0xFFFFF000  }
0x27: {  	_ =	swait.ge [sflag:s18], $0x1000  }
0x28: {  	[sflag:s18] =	ssyncset.done $0x0  }
0x29: {  	s20 =	simm.s32 $0x12;
	[sflag:s18] =	ssyncadd.s32 $0xFFFFF000  }
0x2a: {  	_ =	swait.ge [sflag:s20], $0x1000  }
0x2b: {  	[sflag:s20] =	ssyncset.done $0x0  }
0x2c: {  	s6 =	simm.s32 $0x13;
	[sflag:s20] =	ssyncadd.s32 $0xFFFFF000  }
0x2d: {  	_ =	swait.ge [sflag:s6], $0x1000  }
0x2e: {  	[sflag:s6] =	ssyncset.done $0x0  }
0x2f: {  	s7 =	simm.s32 $0x14;
	[sflag:s6] =	ssyncadd.s32 $0xFFFFF000  }
0x30: {  	_ =	swait.ge [sflag:s7], $0x1000  }
0x31: {  	[sflag:s7] =	ssyncset.done $0x0  }
0x32: {  	[sflag:s7] =	ssyncadd.s32 $0xFFFFF000  }
0x33: {  	[bflag:$0x0] =	sbarrier.arrive $0xFFFF  }
0x34: {  	s12 =	simm.s32 $0x15;
	s18 =	simm.s32 $0x13F00;
	s10 =	rddreg [dreg:$0x5]  }
0x35: {  	[tilespmem:s18], [sflag:$0x15] =	stream.linear.gather [spmem:s10], $0x4F00, $0x38;
	[tilespmem:$0x18E00] =	vst v63  }
0x36: {  	_ =	swait.ge [sflag:s12], $0x4F00  }
0x37: {  	[sflag:s12] =	ssyncset.done $0x0  }
0x38: {  	s7 =	simm.s32 $0x0;
	s9 =	rddreg [dreg:$0x6];
	[sflag:s12] =	ssyncadd.s32 $0xFFFFB100  }
0x39: {  	[hbm4b:s9+s7] =	stream.linear.scatter [tilespmem:s18], [sflag:$0x15], $0x4F00, $0x38;
	[tilespmem:$0x18E00] =	vst v63  }
0x3a: {  	_ =	swait.ge [sflag:s12], $0x4F00  }
0x3b: {  	s5 =	sadd.s32 $0x1, s5;
	s20 =	rddreg [dreg:$0x7]  }
0x3c: {  	p0 =	sne.s32 s5, s20  }
.Ltmp1:
0x3d: {  	_ = 	snop;
	(pc) =	sbr.rel @!p0 .LBB2_7-.Ltmp1, $3  }
0x3e: {  	_ =	sdelay $0x1  }
0x3f: {  	[sflag:s12] =	ssyncset.done $0x0  }
0x40: {  	[sflag:s12] =	ssyncadd.s32 $0xFFFFB100  }
.LBB2_1:
0x41: {  	s3 =	rddreg [dreg:$0x3]  }
0x42: {  	[tilespmem:s7], [sflag:$0x15] =	stream.linear.gather [hbm4b:s3+s7], $0x2800, $0x38;
	[tilespmem:$0x18E00] =	vst v63  }
0x43: {  	_ =	swait.ge [sflag:s12], $0x2800  }
0x44: {  	[sflag:s12] =	ssyncset.done $0x0  }
0x45: {  	s6 =	simm.s32 $0x2800;
	s20 =	rddreg [dreg:$0x4];
	[sflag:s12] =	ssyncadd.s32 $0xFFFFD800  }
0x46: {  	[tilespmem:s6], [sflag:$0x15] =	stream.linear.gather [hbm4b:s20+s7], $0x2800, $0x38;
	[tilespmem:$0x18E00] =	vst v63  }
0x47: {  	_ =	swait.ge [sflag:s12], $0x2800  }
0x48: {  	[sflag:s12] =	ssyncset.done $0x0  }
0x49: {  	s9 =	simm.s32 $0x0;
	s6 =	simm.s32 $0x80;
	[sflag:s12] =	ssyncadd.s32 $0xFFFFD800  }
.LBB2_2:
0x4a: {  	p0 =	sne.s32 s6, $0x13B80;
	[tilespmem:s9+$0x13F00] =	vst v0;
	s3 =	smov.u32 s6;
	s6 =	sadd.s32 $0x80, s6  }
.Ltmp2:
0x4b: {  	[tilespmem:s9+$0x13F10] =	vst v0;
	(pc) =	sbr.rel @p0 .LBB2_2-.Ltmp2, $2  }
0x4c: {  	_ =	sdelay $0x2  }
0x4d: {  	s9 =	sshra.s32 s3, $0x2  }
0x4e: {  	[tilespmem:s9+$0x13F00] =	vst v0  }
0x4f: {  	[tilespmem:s9+$0x13F10] =	vst v0  }
0x50: {  	[spmem:s10] =	stream.linear.scatter [tilespmem:s18], [sflag:$0x15], $0x4F00, $0x38;
	[tilespmem:$0x18E00] =	vst v63  }
0x51: {  	_ =	swait.ge [sflag:s12], $0x4F00  }
0x52: {  	[sflag:s12] =	ssyncset.done $0x0  }
0x53: {  	[sflag:s12] =	ssyncadd.s32 $0xFFFFB100  }
0x54: {  	s6 =	simm.s32 $0x0;
	[bflag:$0x0] =	sbarrier.arrive $0xFFFF  }
0x55: {  	[tilespmem:s14], [sflag:$0x1] =	stream.indirect.gather [hbm4b:s4+s13], $0x20, s6, s13, $0xb8;
	[tilespmem:$0x18E00] =	vst v63  }
0x56: {  	_ = 	snop  }
0x57: {  	[tilespmem:s15], [sflag:$0x2] =	stream.indirect.gather [hbm4b:s4+s13], $0x20, s13, s13, $0xb8;
	[tilespmem:$0x18E00] =	vst v63  }
0x58: {  	s3 =	simm.s32 $0x100  }
0x59: {  	[tilespmem:s17], [sflag:$0x3] =	stream.indirect.gather [hbm4b:s4+s13], $0x20, s3, s13, $0xb8;
	[tilespmem:$0x18E00] =	vst v63  }
0x5a: {  	s18 =	simm.s32 $0x180  }
0x5b: {  	[tilespmem:s19], [sflag:$0x4] =	stream.indirect.gather [hbm4b:s4+s13], $0x20, s18, s13, $0xb8;
	[tilespmem:$0x18E00] =	vst v63  }
0x5c: {  	s20 =	simm.s32 $0x200  }
0x5d: {  	[tilespmem:s21], [sflag:$0x5] =	stream.indirect.gather [hbm4b:s4+s13], $0x20, s20, s13, $0xb8;
	[tilespmem:$0x18E00] =	vst v63  }
.LBB2_4:
0x5e: {  	_ =	swait.ge [sflag:s22], $0x1000  }
0x5f: {  	s9 =	sshra.s32 s6, $0x2;
	[sflag:s22] =	ssyncset.done $0x0  }
0x60: {  	p0 =	seq.s32 s6, $0x0;
	s3 =	sadd.s32 $0x2800, s9;
	[sflag:s22] =	ssyncadd.s32 $0xFFFFF000  }
0x61: {  	[spmem:s2] =	stream.indirect.scatter.add.f32 [tilespmem:s14], [sflag:$0xB], $0x20, s3, s13, $0xb8;
	[tilespmem:$0x18E00] =	vst v63  }
0x62: {  	s3 =	simm.s32 @!p0 $0x10  }
0x63: {  	_ =	swait.ge @!p0 [sflag:s3], $0x1000  }
0x64: {  	[sflag:s3] =	ssyncset.done @!p0 $0x0  }
0x65: {  	s20 =	sadd.s32 $0x280, s9;
	[sflag:s3] =	ssyncadd.s32 @!p0 $0xFFFFF000  }
0x66: {  	[tilespmem:s23], [sflag:$0x6] =	stream.indirect.gather [hbm4b:s4+s13], $0x20, s20, s13, $0xb8;
	[tilespmem:$0x18E00] =	vst v63  }
0x67: {  	_ =	swait.ge [sflag:s24], $0x1000  }
0x68: {  	[sflag:s24] =	ssyncset.done $0x0  }
0x69: {  	s7 =	sadd.s32 $0x2880, s9;
	s3 =	simm.s32 @!p0 $0x11;
	[sflag:s24] =	ssyncadd.s32 $0xFFFFF000  }
0x6a: {  	[spmem:s2] =	stream.indirect.scatter.add.f32 [tilespmem:s15], [sflag:$0xC], $0x20, s7, s13, $0xb8;
	[tilespmem:$0x18E00] =	vst v63  }
0x6b: {  	_ =	swait.ge @!p0 [sflag:s3], $0x1000  }
0x6c: {  	[sflag:s3] =	ssyncset.done @!p0 $0x0  }
0x6d: {  	s10 =	sadd.s32 $0x300, s9;
	[sflag:s3] =	ssyncadd.s32 @!p0 $0xFFFFF000  }
0x6e: {  	[tilespmem:s25], [sflag:$0x7] =	stream.indirect.gather [hbm4b:s4+s13], $0x20, s10, s13, $0xb8;
	[tilespmem:$0x18E00] =	vst v63  }
0x6f: {  	_ =	swait.ge [sflag:s26], $0x1000  }
0x70: {  	[sflag:s26] =	ssyncset.done $0x0  }
0x71: {  	s12 =	sadd.s32 $0x2900, s9;
	s3 =	simm.s32 @!p0 $0x12;
	[sflag:s26] =	ssyncadd.s32 $0xFFFFF000  }
0x72: {  	[spmem:s2] =	stream.indirect.scatter.add.f32 [tilespmem:s17], [sflag:$0xD], $0x20, s12, s13, $0xb8;
	[tilespmem:$0x18E00] =	vst v63  }
0x73: {  	_ =	swait.ge @!p0 [sflag:s3], $0x1000  }
0x74: {  	[sflag:s3] =	ssyncset.done @!p0 $0x0  }
0x75: {  	s18 =	sadd.s32 $0x380, s9;
	[sflag:s3] =	ssyncadd.s32 @!p0 $0xFFFFF000  }
0x76: {  	[tilespmem:s28], [sflag:$0x8] =	stream.indirect.gather [hbm4b:s4+s13], $0x20, s18, s13, $0xb8;
	[tilespmem:$0x18E00] =	vst v63  }
0x77: {  	_ =	swait.ge [sflag:s29], $0x1000  }
0x78: {  	[sflag:s29] =	ssyncset.done $0x0  }
0x79: {  	s20 =	sadd.s32 $0x2980, s9;
	s3 =	simm.s32 @!p0 $0x13;
	[sflag:s29] =	ssyncadd.s32 $0xFFFFF000  }
0x7a: {  	[spmem:s2] =	stream.indirect.scatter.add.f32 [tilespmem:s19], [sflag:$0xE], $0x20, s20, s13, $0xb8;
	[tilespmem:$0x18E00] =	vst v63  }
0x7b: {  	_ =	swait.ge @!p0 [sflag:s3], $0x1000  }
0x7c: {  	[sflag:s3] =	ssyncset.done @!p0 $0x0  }
0x7d: {  	s7 =	sadd.s32 $0x400, s9;
	[sflag:s3] =	ssyncadd.s32 @!p0 $0xFFFFF000  }
0x7e: {  	[tilespmem:s30], [sflag:$0x9] =	stream.indirect.gather [hbm4b:s4+s13], $0x20, s7, s13, $0xb8;
	[tilespmem:$0x18E00] =	vst v63  }
0x7f: {  	_ =	swait.ge [sflag:s31], $0x1000  }
0x80: {  	[sflag:s31] =	ssyncset.done $0x0  }
0x81: {  	s10 =	sadd.s32 $0x2A00, s9;
	s3 =	simm.s32 @!p0 $0x14;
	[sflag:s31] =	ssyncadd.s32 $0xFFFFF000  }
0x82: {  	[spmem:s2] =	stream.indirect.scatter.add.f32 [tilespmem:s21], [sflag:$0xF], $0x20, s10, s13, $0xb8;
	[tilespmem:$0x18E00] =	vst v63  }
0x83: {  	_ =	swait.ge @!p0 [sflag:s3], $0x1000  }
0x84: {  	[sflag:s3] =	ssyncset.done @!p0 $0x0  }
0x85: {  	s12 =	sadd.s32 $0x480, s9;
	[sflag:s3] =	ssyncadd.s32 @!p0 $0xFFFFF000  }
0x86: {  	[tilespmem:s1], [sflag:$0xA] =	stream.indirect.gather [hbm4b:s4+s13], $0x20, s12, s13, $0xb8;
	[tilespmem:$0x18E00] =	vst v63  }
0x87: {  	_ =	swait.ge [sflag:s0], $0x1000  }
0x88: {  	p0 =	seq.s32 s6, $0x8C00;
	[sflag:s0] =	ssyncset.done $0x0  }
0x89: {  	s18 =	sadd.s32 $0x2A80, s9;
	s3 =	simm.s32 @p0 $0x7;
	[sflag:s0] =	ssyncadd.s32 $0xFFFFF000  }
0x8a: {  	[spmem:s2] =	stream.indirect.scatter.add.f32 [tilespmem:s23], [sflag:$0x10], $0x20, s18, s13, $0xb8;
	[tilespmem:$0x18E00] =	vst v63  }
0x8b: {  	_ =	swait.ge @p0 [sflag:s3], $0x1000  }
0x8c: {  	[sflag:s3] =	ssyncset.done @p0 $0x0  }
0x8d: {  	[sflag:s3] =	ssyncadd.s32 @p0 $0xFFFFF000;
	s3 =	sshra.s32 @p0 s6, $0x2  }
0x8e: {  	s20 =	simm.s32 @p0 $0xB000;
	s18 =	simm.s32 @p0 $0x80;
	s12 =	sadd.s32 @p0 $0x2B00, s3  }
0x8f: {  	[spmem:s2] =	stream.indirect.scatter.add.f32 @p0 [tilespmem:s20], [sflag:$0x11], $0x20, s12, s18, $0xb8;
	[tilespmem:$0x18E00] =	vst v63  }
0x90: {  	s12 =	simm.s32 @!p0 $0xB  }
0x91: {  	_ =	swait.ge @!p0 [sflag:s12], $0x1000  }
0x92: {  	[sflag:s12] =	ssyncset.done @!p0 $0x0  }
0x93: {  	[sflag:s12] =	ssyncadd.s32 @!p0 $0xFFFFF000;
	s12 =	sshra.s32 @!p0 s6, $0x2  }
0x94: {  	s7 =	simm.s32 @!p0 $0x80;
	s10 =	simm.s32 @!p0 $0x5000;
	s20 =	sadd.s32 @!p0 $0x500, s12  }
0x95: {  	[tilespmem:s10], [sflag:$0x1] =	stream.indirect.gather @!p0 [hbm4b:s4+s7], $0x20, s20, s7, $0xb8;
	[tilespmem:$0x18E00] =	vst v63  }
0x96: {  	s10 =	simm.s32 @!p0 $0x7  }
0x97: {  	_ =	swait.ge @!p0 [sflag:s10], $0x1000  }
0x98: {  	[sflag:s10] =	ssyncset.done @!p0 $0x0  }
0x99: {  	s20 =	simm.s32 @!p0 $0xB000;
	[sflag:s10] =	ssyncadd.s32 @!p0 $0xFFFFF000;
	s10 =	sadd.s32 @!p0 $0x2B00, s12  }
0x9a: {  	[spmem:s2] =	stream.indirect.scatter.add.f32 @!p0 [tilespmem:s20], [sflag:$0x11], $0x20, s10, s7, $0xb8;
	[tilespmem:$0x18E00] =	vst v63  }
0x9b: {  	s10 =	simm.s32 @!p0 $0xC  }
0x9c: {  	_ =	swait.ge @!p0 [sflag:s10], $0x1000  }
0x9d: {  	[sflag:s10] =	ssyncset.done @!p0 $0x0  }
0x9e: {  	s20 =	simm.s32 @!p0 $0x6000;
	[sflag:s10] =	ssyncadd.s32 @!p0 $0xFFFFF000;
	s10 =	sadd.s32 @!p0 $0x580, s12  }
0x9f: {  	[tilespmem:s20], [sflag:$0x2] =	stream.indirect.gather @!p0 [hbm4b:s4+s7], $0x20, s10, s7, $0xb8;
	[tilespmem:$0x18E00] =	vst v63  }
0xa0: {  	_ =	swait.ge [sflag:s11], $0x1000  }
0xa1: {  	[sflag:s11] =	ssyncset.done $0x0  }
0xa2: {  	s20 =	sadd.s32 $0x2B80, s9;
	s10 =	simm.s32 @p0 $0x9;
	[sflag:s11] =	ssyncadd.s32 $0xFFFFF000  }
0xa3: {  	[spmem:s2] =	stream.indirect.scatter.add.f32 [tilespmem:s28], [sflag:$0x12], $0x20, s20, s13, $0xb8;
	[tilespmem:$0x18E00] =	vst v63  }
0xa4: {  	_ =	swait.ge @p0 [sflag:s10], $0x1000  }
0xa5: {  	[sflag:s10] =	ssyncset.done @p0 $0x0  }
0xa6: {  	s3 =	sadd.s32 @p0 $0x2C00, s3;
	[sflag:s10] =	ssyncadd.s32 @p0 $0xFFFFF000;
	s10 =	simm.s32 @p0 $0xD000  }
0xa7: {  	[spmem:s2] =	stream.indirect.scatter.add.f32 @p0 [tilespmem:s10], [sflag:$0x13], $0x20, s3, s18, $0xb8;
	[tilespmem:$0x18E00] =	vst v63  }
0xa8: {  	s3 =	simm.s32 @!p0 $0xD  }
0xa9: {  	_ =	swait.ge @!p0 [sflag:s3], $0x1000  }
0xaa: {  	[sflag:s3] =	ssyncset.done @!p0 $0x0  }
0xab: {  	s10 =	simm.s32 @!p0 $0x7000;
	[sflag:s3] =	ssyncadd.s32 @!p0 $0xFFFFF000;
	s3 =	sadd.s32 @!p0 $0x600, s12  }
0xac: {  	[tilespmem:s10], [sflag:$0x3] =	stream.indirect.gather @!p0 [hbm4b:s4+s7], $0x20, s3, s7, $0xb8;
	[tilespmem:$0x18E00] =	vst v63  }
0xad: {  	s3 =	simm.s32 @!p0 $0x9  }
0xae: {  	_ =	swait.ge @!p0 [sflag:s3], $0x1000  }
0xaf: {  	[sflag:s3] =	ssyncset.done @!p0 $0x0  }
0xb0: {  	s10 =	simm.s32 @!p0 $0xD000;
	[sflag:s3] =	ssyncadd.s32 @!p0 $0xFFFFF000;
	s3 =	sadd.s32 @!p0 $0x2C00, s12  }
0xb1: {  	[spmem:s2] =	stream.indirect.scatter.add.f32 @!p0 [tilespmem:s10], [sflag:$0x13], $0x20, s3, s7, $0xb8;
	[tilespmem:$0x18E00] =	vst v63  }
0xb2: {  	s3 =	simm.s32 @!p0 $0xE  }
0xb3: {  	_ =	swait.ge @!p0 [sflag:s3], $0x1000  }
0xb4: {  	[sflag:s3] =	ssyncset.done @!p0 $0x0  }
0xb5: {  	s10 =	simm.s32 @!p0 $0x8000;
	[sflag:s3] =	ssyncadd.s32 @!p0 $0xFFFFF000;
	s3 =	sadd.s32 @!p0 $0x680, s12  }
0xb6: {  	[tilespmem:s10], [sflag:$0x4] =	stream.indirect.gather @!p0 [hbm4b:s4+s7], $0x20, s3, s7, $0xb8;
	[tilespmem:$0x18E00] =	vst v63  }
.Ltmp3:
0xb7: {  	_ = 	snop;
	(pc) =	sbr.rel @p0 .LBB2_6-.Ltmp3, $4  }
0xb8: {  	_ =	swait.ge [sflag:s16], $0x1000  }
0xb9: {  	[sflag:s16] =	ssyncset.done $0x0  }
0xba: {  	s20 =	sadd.s32 $0x2C80, s9;
	[sflag:s16] =	ssyncadd.s32 $0xFFFFF000  }
0xbb: {  	[spmem:s2] =	stream.indirect.scatter.add.f32 [tilespmem:s1], [sflag:$0x14], $0x20, s20, s13, $0xb8;
	[tilespmem:$0x18E00] =	vst v63  }
.Ltmp4:
0xbc: {  	(pc) =	sbr.rel .LBB2_4-.Ltmp4, $4  }
0xbd: {  	_ =	swait.ge [sflag:s8], $0x1000  }
0xbe: {  	[sflag:s8] =	ssyncset.done $0x0  }
0xbf: {  	s3 =	sadd.s32 $0x700, s9;
	s6 =	sadd.s32 $0x1400, s6;
	[sflag:s8] =	ssyncadd.s32 $0xFFFFF000  }
0xc0: {  	[tilespmem:s21], [sflag:$0x5] =	stream.indirect.gather [hbm4b:s4+s13], $0x20, s3, s13, $0xb8;
	[tilespmem:$0x18E00] =	vst v63  }
.LBB2_7:
0xc1: {  	_ =	sfence.sel $0x180000  }
0xc2: {  	[bflag:$0x0] =	sbarrier.arrive $0xFFFF  }
0xc3: {  	_ =	strace $0x9000004A  }
0xc4: {  	s0 =	stileid.u32;
	[bflag:$0x2] =	sbarrier.arrive $0xFFFF  }
0xc5: {  	p0 =	sne.s32 s0, $0x0;
	s0 =	rddreg [dreg:$0x2]  }
0xc6: {  	s0 =	sadd.s32 @!p0 $0x100000, s0  }
0xc7: {  	[sflag:s0] =	ssyncadd.tile.s32 @!p0 $0x1;
	_ =	shalt  }
.Lfunc_end2:
_tile_overlayer_lowered:
.L_overlay_start_2:
0xc8: {  	(tag) =	ssettag $0x2  }
0xc9: {  	s0 =	rddreg [dreg:$0x0];
	s2 =	stileid.u32  }
0xca: {  	s1 =	rddreg [dreg:$0x1];
	p0 =	sne.s32 s2, $0x0  }
0xcb: {  	s3 =	rddreg [dreg:$0x2];
	[bflag:$0x3] =	sbarrier.arrive $0xFFFF;
	s2 =	simm.s32 @!p0 $0x1C15  }
0xcc: {  	[timem:s3], [sflag:s2] =	dma.local @!p0 [hbm:s0], s1  }
0xcd: {  	s0 =	simm.s32 @!p0 $0x15  }
0xce: {  	_ =	swait.ge @!p0 [sflag:s0], s1  }
0xcf: {  	s1 =	ssub.s32 @!p0 $0x0, s1;
	[sflag:s0] =	ssyncset.done @!p0 $0x0  }
0xd0: {  	[sflag:s0] =	ssyncadd.s32 @!p0 s1  }
0xd1: {  	[bflag:$0x3] =	sbarrier.arrive $0xFFFF  }
0xd2: {  	_ =	shalt  }

// kernel: kernel.14.cloned.1.call-start
scs
__scs_entry_jumppad:
0x0: {  	(pc) =	sbr.rel $0x88, $3  }
0x1: {  	(tag) =	ssettag $0x0;
	lr =	simm.s32 $0x1  }
0x2: {  	[smem:$0x3F98] =	sst lr;
	_ =	strace $0xD0000000  }
0x3: {  	_ = 	snop  }
0x4: {  	_ = 	snop  }
0x5: {  	_ = 	snop  }
0x6: {  	_ = 	snop  }
0x7: {  	_ = 	snop  }
__scs_overlays_trampoline_lowered:
0x8: {  	[smem:$0x3FA7] =	sst s0  }
0x9: {  	[smem:$0x3FA8] =	sst s1  }
0xa: {  	[smem:$0x3FA9] =	sst s2  }
0xb: {  	[smem:$0x3FAA] =	sst s3  }
0xc: {  	[smem:$0x3FAB] =	sst s4  }
0xd: {  	[smem:$0x3FAC] =	sst s5  }
0xe: {  	[smem:$0x3FAD] =	sst s6  }
0xf: {  	[smem:$0x3FAE] =	sst s7  }
0x10: {  	[smem:$0x3FAF] =	sst s8  }
0x11: {  	[smem:$0x3FB0] =	sst s9;
	s0 =	simm.s32 @!p0 $0x0  }
0x12: {  	s1 =	sld [smem:$0x3F96];
	s0 =	simm.s32 @p0 $0x1  }
0x13: {  	[smem:$0x3FB1] =	sst s0;
	s0 =	simm.s32 @!p1 $0x0  }
0x14: {  	s2 =	sld [smem:$0x3F95];
	s0 =	simm.s32 @p1 $0x1  }
0x15: {  	[smem:$0x3FB2] =	sst s0;
	s0 =	simm.s32 @!p2 $0x0  }
0x16: {  	s3 =	sld [smem:$0x3FDB];
	s0 =	simm.s32 @p2 $0x1  }
0x17: {  	s4 =	simm.s32 $0x1BF5;
	[smem:$0x3FB4] =	sst s0  }
0x18: {  	s0 =	sld [smem:$0x3F97];
	_ =	swait.ge [sflag:s4], $0x0  }
0x19: {  	s7 =	sld [smem:$0x3F98]  }
0x1a: {  	s8 =	sadd.s32 $0xFFFFE003, lr  }
0x1b: {  	s9 =	sadd.s32 $0xFFFFFEF7, lr;
	s5 =	simm.s32 $0xFFFFFFFF;
	p2 =	slt.u32 s8, $0xFFFFF086  }
0x1c: {  	p1 =	slt.u32 s9, $0xF7A;
	s5 =	simm.s32 @!p2 $0x0  }
0x1d: {  	s5 =	simm.s32 @p1 $0x1;
	p0 =	seq.s32 s7, s2  }
0x1e: {  	s7 =	smul.u32 @!p0 $0xF7A, s2;
	p2 =	seq.s32 @!p0 s5, $0x0  }
0x1f: {  	s9 =	smul.u32 $0xF7A, s1;
	s8 =	simm.s32 @!p0 $0x1BF5;
	p2 =	por !p2, p0  }
0x20: {  	[sflag:s8] =	ssyncset.s32 @!p0 $0xFFFFF086;
	s6 =	sadd.s32 @!p0 s3, s7;
	s7 =	simm.s32 @!p0 $0x108  }
0x21: {  	s3 =	sadd.s32 s3, s9;
	s6 =	sadd.s32 @!p0 $0x88, s6;
	s7 =	simm.s32 @p2 $0x1082  }
0x22: {  	[simem:s7], [sflag:s8] =	dma.local @!p0 [hbm:s6], $0xF7A  }
0x23: {  	s9 =	sor.u32 $0xD0000000, s2;
	s6 =	simm.s32 $0x108;
	_ =	swait.ge @!p0 [sflag:s8], $0x0  }
0x24: {  	s3 =	sadd.s32 $0x88, s3;
	s6 =	simm.s32 @!p1 $0x1082;
	[sflag:s4] =	ssyncset.s32 $0xFFFFF086  }
0x25: {  	[simem:s6], [sflag:s4] =	dma.local [hbm:s3], $0xF7A  }
0x26: {  	[smem:$0x3F98] =	sst s1;
	(tag) =	ssettag s2;
	_ =	strace s9  }
0x27: {  	s1 =	sld [smem:$0x3FA8]  }
0x28: {  	s2 =	sld [smem:$0x3FA9]  }
0x29: {  	s4 =	sld [smem:$0x3FAB]  }
0x2a: {  	p0 =	seq.s32 s5, $0x0;
	s5 =	sld [smem:$0x3FAC]  }
0x2b: {  	s6 =	sld [smem:$0x3FAD]  }
0x2c: {  	s7 =	sld [smem:$0x3FAE]  }
0x2d: {  	s3 =	simm.s32 $0x108;
	s8 =	sld [smem:$0x3FAF]  }
0x2e: {  	s3 =	simm.s32 @!p0 $0x1082;
	s9 =	sld [smem:$0x3FB0]  }
0x2f: {  	lr =	sadd.s32 s0, s3;
	s0 =	sld [smem:$0x3FA7]  }
0x30: {  	s3 =	sld [smem:$0x3FAA]  }
0x31: {  	[smem:$0x3FB3] =	sst s10  }
0x32: {  	s10 =	sld [smem:$0x3FB1];
	_ =	sdelay $0x3  }
0x33: {  	p0 =	seq.s32 s10, $0x1;
	s10 =	sld [smem:$0x3FB3];
	_ =	sdelay $0x3  }
0x34: {  	[smem:$0x3FB3] =	sst s10  }
0x35: {  	s10 =	sld [smem:$0x3FB2];
	_ =	sdelay $0x3  }
0x36: {  	p1 =	seq.s32 s10, $0x1;
	s10 =	sld [smem:$0x3FB3];
	_ =	sdelay $0x3  }
0x37: {  	[smem:$0x3FB3] =	sst s10  }
0x38: {  	s10 =	sld [smem:$0x3FB4]  }
0x39: {  	_ = 	snop;
	(pc) =	sbr.ind lr, $3  }
0x3a: {  	_ = 	snop  }
0x3b: {  	_ = 	snop  }
0x3c: {  	p2 =	seq.s32 s10, $0x1;
	s10 =	sld [smem:$0x3FB3]  }
0x3d: {  	_ =	shalt  }
0x3e: {  	_ =	shalt  }
0x3f: {  	_ =	shalt  }
0x40: {  	_ =	shalt  }
0x41: {  	_ =	shalt  }
0x42: {  	_ =	shalt  }
0x43: {  	_ =	shalt  }
0x44: {  	_ =	shalt  }
0x45: {  	_ =	shalt  }
0x46: {  	_ =	shalt  }
0x47: {  	_ =	shalt  }
0x48: {  	_ =	shalt  }
0x49: {  	_ =	shalt  }
0x4a: {  	_ =	shalt  }
0x4b: {  	_ =	shalt  }
0x4c: {  	_ =	shalt  }
0x4d: {  	_ =	shalt  }
0x4e: {  	_ =	shalt  }
0x4f: {  	_ =	shalt  }
0x50: {  	_ =	shalt  }
0x51: {  	_ =	shalt  }
0x52: {  	_ =	shalt  }
0x53: {  	_ =	shalt  }
0x54: {  	_ =	shalt  }
0x55: {  	_ =	shalt  }
0x56: {  	_ =	shalt  }
0x57: {  	_ =	shalt  }
0x58: {  	_ =	shalt  }
0x59: {  	_ =	shalt  }
0x5a: {  	_ =	shalt  }
0x5b: {  	_ =	shalt  }
0x5c: {  	_ =	shalt  }
0x5d: {  	_ =	shalt  }
0x5e: {  	_ =	shalt  }
0x5f: {  	_ =	shalt  }
0x60: {  	_ =	shalt  }
0x61: {  	_ =	shalt  }
0x62: {  	_ =	shalt  }
0x63: {  	_ =	shalt  }
0x64: {  	_ =	shalt  }
0x65: {  	_ =	shalt  }
0x66: {  	_ =	shalt  }
0x67: {  	_ =	shalt  }
0x68: {  	_ =	shalt  }
0x69: {  	_ =	shalt  }
0x6a: {  	_ =	shalt  }
0x6b: {  	_ =	shalt  }
0x6c: {  	_ =	shalt  }
0x6d: {  	_ =	shalt  }
0x6e: {  	_ =	shalt  }
0x6f: {  	_ =	shalt  }
0x70: {  	_ =	shalt  }
0x71: {  	_ =	shalt  }
0x72: {  	_ =	shalt  }
0x73: {  	_ =	shalt  }
0x74: {  	_ =	shalt  }
0x75: {  	_ =	shalt  }
0x76: {  	_ =	shalt  }
0x77: {  	_ =	shalt  }
0x78: {  	_ =	shalt  }
0x79: {  	_ =	shalt  }
0x7a: {  	_ =	shalt  }
0x7b: {  	_ =	shalt  }
0x7c: {  	_ =	shalt  }
0x7d: {  	_ =	shalt  }
0x7e: {  	_ =	shalt  }
0x7f: {  	_ =	shalt  }
0x80: {  	_ =	shalt  }
0x81: {  	_ =	shalt  }
0x82: {  	_ =	shalt  }
0x83: {  	_ =	shalt  }
0x84: {  	_ =	shalt  }
0x85: {  	_ =	shalt  }
0x86: {  	_ =	shalt  }
0x87: {  	_ =	shalt  }
.Lfunc_end0:
.L_simem_size_0:
called_computation.2_lowered:
.L_overlay_start_0:
0x88: {  	s2 =	sld [smem:$0x3FD9]  }
0x89: {  	s3 =	sld [smem:$0x3FFE];
	_ =	sdelay $0x1  }
0x8a: {  	s1 =	srdreg.scid  }
0x8b: {  	s0 =	sand.u32 $0x1, s1  }
0x8c: {  	s16 =	sshll.u32 s0, $0xA;
	s2 =	sadd.s32 s3, s2  }
0x8d: {  	s2 =	sadd.s32 s2, s16  }
0x8e: {  	[smem:$0x3FBF] =	sst s2  }
0x8f: {  	_ = 	snop  }
0x90: {  	(tm) =	ssettm $0x1  }
0x91: {  	s17 =	sld [smem:$0x3FFB];
	_ =	sdelay $0x3  }
0x92: {  	_ =	strace s17  }
0x93: {  	s2 =	sld [smem:$0x3FFC];
	_ =	sdelay $0x3  }
0x94: {  	_ =	strace s2  }
0x95: {  	s2 =	sld [smem:$0x3FFD];
	_ =	sdelay $0x3  }
0x96: {  	_ =	strace s2  }
0x97: {  	_ =	strace $0x8FFFFFFF  }
0x98: {  	s18 =	sld [smem:$0x3FDB];
	_ =	sdelay $0x1  }
0x99: {  	s19 =	simm.s32 $_scs_section_size  }
0x9a: {  	s4 =	simm.s32 $_size__tile_overlayer_lowered;
	s5 =	simm.s32 $_tile_overlayer_lowered  }
0x9b: {  	s22 =	simm.s32 $0x1BFF;
	s21 =	sshll.u32 s5, $0x1;
	s2 =	sadd.s32 s19, s18  }
0x9c: {  	s6 =	simm.s32 $0x0;
	s20 =	sshll.u32 s4, $0x1;
	s4 =	sadd.s32 s21, s2  }
0x9d: {  	[timem:s6], [sflag:s22] =	dma.local [hbm:s4], s20  }
0x9e: {  	_ =	swait.ge [sflag:s22], s20  }
0x9f: {  	s3 =	ssub.s32 $0x0, s20;
	[sflag:s22] =	ssyncset.done $0x0  }
0xa0: {  	[sflag:s22] =	ssyncadd.s32 s3;
	_ =	sdelay $0x1  }
0xa1: {  	s23 =	simm.s32 $0x1B8B  }
0xa2: {  	_ =	swait.ge [sflag:s23], $0x1  }
0xa3: {  	[sflag:s23] =	ssyncset.done $0x0  }
0xa4: {  	s25 =	simm.s32 $0x1B8E;
	s24 =	sld [smem:$0x3FFE];
	[sflag:s23] =	ssyncadd.s32 $0xFFFFFFFF  }
0xa5: {  	s26 =	simm.s32 $execute0_lowered;
	[smem:$0x3FD2] =	sst s25  }
0xa6: {  	s4 =	sshll.u32 s26, $0x1;
	_ =	strace $0x8000004C;
	[dreg:$0x1] =	wrdreg $0xFFFFFFFF  }
0xa7: {  	s28 =	simm.s32 $_size_execute0_lowered;
	s2 =	sadd.s32 s2, s4;
	[dreg:$0x0] =	wrdreg $0x0  }
0xa8: {  	s4 =	sshll.u32 s28, $0x1;
	[dreg:$0x2] =	wrdreg s2  }
0xa9: {  	[dreg:$0x3] =	wrdreg s4  }
0xaa: {  	[dreg:$0x4] =	wrdreg $0xC0  }
0xab: {  	_ =	task [dreg:s6], $0x5FFFF  }
0xac: {  	[dreg:$0x1] =	wrdreg $0xFFFFFFFF  }
0xad: {  	[dreg:$0x0] =	wrdreg $0x60  }
0xae: {  	[dreg:$0x2] =	wrdreg s24  }
0xaf: {  	[dreg:$0x3] =	wrdreg $0xA0000  }
0xb0: {  	[dreg:$0x4] =	wrdreg $0x9  }
0xb1: {  	_ =	task.clear_ibuf [dreg:s6], $0x5FFFF;
	_ =	strace $0x9000004C  }
0xb2: {  	s29 =	simm.s32 $0x9;
	_ =	strace $0x8000004E  }
0xb3: {  	_ =	swait.ge [sflag:s29], $0x1  }
0xb4: {  	[sflag:s29] =	ssyncadd.s32 $0xFFFFFFFF  }
0xb5: {  	_ =	strace $0x9000004E  }
0xb6: {  	_ =	sfence  }
0xb7: {  	s30 =	sld [smem:$0x0];
	_ =	sdelay $0x2  }
0xb8: {  	s31 =	sshll.u32 s1, $0xD;
	s1 =	sshrl.u32 s1, $0x2  }
0xb9: {  	s3 =	sand.u32 $0x4000, s31;
	s1 =	sadd.s32 s1, s30  }
0xba: {  	s0 =	sor.u32 s3, s0;
	s1 =	sshll.u32 s1, $0x11  }
0xbb: {  	s0 =	sor.u32 s1, s0  }
0xbc: {  	s0 =	sadd.s32 $0x8F2B, s0  }
0xbd: {  	[sflag:s0] =	ssyncadd.remote.s32 $0x1  }
0xbe: {  	_ =	sfence.sel $0xFFFF  }
0xbf: {  	[dreg:$0x0] =	wrdreg $0xFFFFFFFF;
	(pc) =	sbr.abs _section_cstart, $3  }
0xc0: {  	[dreg:$0x1] =	wrdreg $0xFFFFFFFF  }
0xc1: {  	_ =	task.clear_ibuf [dreg:s6], $0x2FFFF;
	_ =	strace $0x9FFFFFFF  }
0xc2: {  	(tm) =	ssettm $0x7FFFFFFF  }
0xc3: {  	_ =	shalt  }
tec
execute0_lowered:
.L_overlay_start_1:
0x0: {  	(tag) =	ssettag $0x1  }
0x1: {  	s0 =	srdreg.scid;
	s3 =	rddreg [dreg:$0x0]  }
0x2: {  	s4 =	stileid.u32;
	s2 =	rddreg [dreg:$0x1];
	s7 =	simm.s32 $0x0  }
0x3: {  	s12 =	simm.s32 $0x15;
	s18 =	simm.s32 $0xC780;
	s13 =	simm.s32 $0x80  }
0x4: {  	s14 =	simm.s32 $0x5000;
	s15 =	simm.s32 $0x5800;
	s17 =	simm.s32 $0x6000  }
0x5: {  	s19 =	simm.s32 $0x6800;
	s21 =	simm.s32 $0x7000;
	s22 =	simm.s32 $0x1  }
0x6: {  	s28 =	simm.s32 $0x8800;
	s29 =	simm.s32 $0x4;
	s30 =	simm.s32 $0x9000  }
0x7: {  	s31 =	simm.s32 $0x5;
	s11 =	simm.s32 $0x8;
	s16 =	simm.s32 $0xA  }
0x8: {  	s8 =	simm.s32 $0xF;
	s0 =	sand.u32 $0x1, s0;
	s5 =	smul.u32 $0x2780, s4  }
0x9: {  	[smem:$0x7FF] =	sst s7;
	s1 =	sshll.u32 s0, $0x4;
	s23 =	smul.u32 $0x27800, s0  }
0xa: {  	_ =	strace $0x8000004D;
	s0 =	ssub.s32 $0x2, s0;
	s1 =	sor.u32 s4, s1  }
0xb: {  	s24 =	sshrl.u32 s0, $0x1;
	s10 =	sadd.s32 s5, s2;
	s1 =	smul.u32 $0x2800, s1  }
0xc: {  	s4 =	sadd.s32 s5, s23;
	s0 =	ssub.s32 s0, s24;
	s23 =	simm.s32 $0x7800  }
0xd: {  	[dreg:$0x5] =	wrdreg s10;
	s6 =	sshrl.u32 s4, $0x3;
	s1 =	sshrl.u32 s1, $0x3  }
0xe: {  	s4 =	sadd.s32 $0x16800, s3;
	s0 =	smax.u32 s0, $0x1;
	s1 =	sadd.s32 s1, s3  }
.Ltmp0:
0xf: {  	[dreg:$0x7] =	wrdreg s0;
	s25 =	sadd.s32 $0x2800, s1;
	(pc) =	sbr.rel .LBB2_1-.Ltmp0, $4  }
0x10: {  	s3 =	sadd.s32 s6, s3;
	s1 =	sadd.s32 $0xC800, s1;
	[dreg:$0x3] =	wrdreg s25  }
0x11: {  	s24 =	simm.s32 $0x2;
	s26 =	sadd.s32 $0x1B800, s3;
	[dreg:$0x4] =	wrdreg s1  }
0x12: {  	s5 =	simm.s32 $0x0;
	s0 =	simm.s32 $0x6;
	[dreg:$0x6] =	wrdreg s26  }
0x13: {  	v0 =	vimm.f32 $0.0e+00;
	s25 =	simm.s32 $0x8000;
	s26 =	simm.s32 $0x3;
	s1 =	simm.s32 $0x9800  }
.LBB2_6:
0x14: {  	s3 =	simm.s32 $0xB  }
0x15: {  	_ =	swait.ge [sflag:s3], $0x800  }
0x16: {  	[sflag:s3] =	ssyncset.done $0x0  }
0x17: {  	s7 =	simm.s32 $0xC;
	[sflag:s3] =	ssyncadd.s32 $0xFFFFF800  }
0x18: {  	_ =	swait.ge [sflag:s7], $0x800  }
0x19: {  	[sflag:s7] =	ssyncset.done $0x0  }
0x1a: {  	s9 =	simm.s32 $0xD;
	[sflag:s7] =	ssyncadd.s32 $0xFFFFF800  }
0x1b: {  	_ =	swait.ge [sflag:s9], $0x800  }
0x1c: {  	[sflag:s9] =	ssyncset.done $0x0  }
0x1d: {  	s10 =	simm.s32 $0xE;
	[sflag:s9] =	ssyncadd.s32 $0xFFFFF800  }
0x1e: {  	_ =	swait.ge [sflag:s10], $0x800  }
0x1f: {  	[sflag:s10] =	ssyncset.done $0x0  }
0x20: {  	[sflag:s10] =	ssyncadd.s32 $0xFFFFF800  }
0x21: {  	_ =	swait.ge [sflag:s8], $0x800  }
0x22: {  	[sflag:s8] =	ssyncset.done $0x0  }
0x23: {  	s12 =	simm.s32 $0x10;
	[sflag:s8] =	ssyncadd.s32 $0xFFFFF800  }
0x24: {  	_ =	swait.ge [sflag:s12], $0x800  }
0x25: {  	[sflag:s12] =	ssyncset.done $0x0  }
0x26: {  	s18 =	simm.s32 $0x11;
	[sflag:s12] =	ssyncadd.s32 $0xFFFFF800  }
0x27: {  	_ =	swait.ge [sflag:s18], $0x800  }
0x28: {  	[sflag:s18] =	ssyncset.done $0x0  }
0x29: {  	s20 =	simm.s32 $0x12;
	[sflag:s18] =	ssyncadd.s32 $0xFFFFF800  }
0x2a: {  	_ =	swait.ge [sflag:s20], $0x800  }
0x2b: {  	[sflag:s20] =	ssyncset.done $0x0  }
0x2c: {  	s6 =	simm.s32 $0x13;
	[sflag:s20] =	ssyncadd.s32 $0xFFFFF800  }
0x2d: {  	_ =	swait.ge [sflag:s6], $0x800  }
0x2e: {  	[sflag:s6] =	ssyncset.done $0x0  }
0x2f: {  	s7 =	simm.s32 $0x14;
	[sflag:s6] =	ssyncadd.s32 $0xFFFFF800  }
0x30: {  	_ =	swait.ge [sflag:s7], $0x800  }
0x31: {  	[sflag:s7] =	ssyncset.done $0x0  }
0x32: {  	[sflag:s7] =	ssyncadd.s32 $0xFFFFF800  }
0x33: {  	[bflag:$0x0] =	sbarrier.arrive $0xFFFF  }
0x34: {  	s12 =	simm.s32 $0x15;
	s18 =	simm.s32 $0xC780;
	s10 =	rddreg [dreg:$0x5]  }
0x35: {  	[tilespmem:s18], [sflag:$0x15] =	stream.linear.gather [spmem:s10], $0x2780, $0x38;
	[tilespmem:$0xEF00] =	vst v63  }
0x36: {  	_ =	swait.ge [sflag:s12], $0x2780  }
0x37: {  	[sflag:s12] =	ssyncset.done $0x0  }
0x38: {  	s7 =	simm.s32 $0x0;
	s9 =	rddreg [dreg:$0x6];
	[sflag:s12] =	ssyncadd.s32 $0xFFFFD880  }
0x39: {  	[hbm4b:s9+s7] =	stream.linear.scatter [tilespmem:s18], [sflag:$0x15], $0x2780, $0x38;
	[tilespmem:$0xEF00] =	vst v63  }
0x3a: {  	_ =	swait.ge [sflag:s12], $0x2780  }
0x3b: {  	s5 =	sadd.s32 $0x1, s5;
	s20 =	rddreg [dreg:$0x7]  }
0x3c: {  	p0 =	sne.s32 s5, s20  }
.Ltmp1:
0x3d: {  	_ = 	snop;
	(pc) =	sbr.rel @!p0 .LBB2_7-.Ltmp1, $3  }
0x3e: {  	_ =	sdelay $0x1  }
0x3f: {  	[sflag:s12] =	ssyncset.done $0x0  }
0x40: {  	[sflag:s12] =	ssyncadd.s32 $0xFFFFD880  }
.LBB2_1:
0x41: {  	s3 =	rddreg [dreg:$0x3]  }
0x42: {  	[tilespmem:s7], [sflag:$0x15] =	stream.linear.gather [hbm4b:s3+s7], $0x2800, $0x38;
	[tilespmem:$0xEF00] =	vst v63  }
0x43: {  	_ =	swait.ge [sflag:s12], $0x2800  }
0x44: {  	[sflag:s12] =	ssyncset.done $0x0  }
0x45: {  	s6 =	simm.s32 $0x2800;
	s20 =	rddreg [dreg:$0x4];
	[sflag:s12] =	ssyncadd.s32 $0xFFFFD800  }
0x46: {  	[tilespmem:s6], [sflag:$0x15] =	stream.linear.gather [hbm4b:s20+s7], $0x2800, $0x38;
	[tilespmem:$0xEF00] =	vst v63  }
0x47: {  	_ =	swait.ge [sflag:s12], $0x2800  }
0x48: {  	[sflag:s12] =	ssyncset.done $0x0  }
0x49: {  	s9 =	simm.s32 $0x0;
	s6 =	simm.s32 $0x40;
	[sflag:s12] =	ssyncadd.s32 $0xFFFFD800  }
.LBB2_2:
0x4a: {  	p0 =	sne.s32 s6, $0x9DC0;
	[tilespmem:s9+$0xC780] =	vst v0;
	s9 =	smov.u32 s6;
	s6 =	sadd.s32 $0x40, s6  }
.Ltmp2:
0x4b: {  	(pc) =	sbr.rel @p0 .LBB2_2-.Ltmp2, $2  }
0x4c: {  	_ =	sdelay $0x2  }
0x4d: {  	s9 =	sshra.s32 s9, $0x2  }
0x4e: {  	[tilespmem:s9+$0xC780] =	vst v0  }
0x4f: {  	[spmem:s10] =	stream.linear.scatter [tilespmem:s18], [sflag:$0x15], $0x2780, $0x38;
	[tilespmem:$0xEF00] =	vst v63  }
0x50: {  	_ =	swait.ge [sflag:s12], $0x2780  }
0x51: {  	[sflag:s12] =	ssyncset.done $0x0  }
0x52: {  	[sflag:s12] =	ssyncadd.s32 $0xFFFFD880  }
0x53: {  	s6 =	simm.s32 $0x0;
	[bflag:$0x0] =	sbarrier.arrive $0xFFFF  }
0x54: {  	[tilespmem:s14], [sflag:$0x1] =	stream.indirect.gather [hbm4b:s4+s13], $0x10, s6, s13, $0xb8;
	[tilespmem:$0xEF00] =	vst v63  }
0x55: {  	_ = 	snop  }
0x56: {  	[tilespmem:s15], [sflag:$0x2] =	stream.indirect.gather [hbm4b:s4+s13], $0x10, s13, s13, $0xb8;
	[tilespmem:$0xEF00] =	vst v63  }
0x57: {  	s3 =	simm.s32 $0x100  }
0x58: {  	[tilespmem:s17], [sflag:$0x3] =	stream.indirect.gather [hbm4b:s4+s13], $0x10, s3, s13, $0xb8;
	[tilespmem:$0xEF00] =	vst v63  }
0x59: {  	s18 =	simm.s32 $0x180  }
0x5a: {  	[tilespmem:s19], [sflag:$0x4] =	stream.indirect.gather [hbm4b:s4+s13], $0x10, s18, s13, $0xb8;
	[tilespmem:$0xEF00] =	vst v63  }
0x5b: {  	s20 =	simm.s32 $0x200  }
0x5c: {  	[tilespmem:s21], [sflag:$0x5] =	stream.indirect.gather [hbm4b:s4+s13], $0x10, s20, s13, $0xb8;
	[tilespmem:$0xEF00] =	vst v63  }
.LBB2_4:
0x5d: {  	_ =	swait.ge [sflag:s22], $0x800  }
0x5e: {  	s9 =	sshra.s32 s6, $0x2;
	[sflag:s22] =	ssyncset.done $0x0  }
0x5f: {  	p0 =	seq.s32 s6, $0x0;
	s3 =	sadd.s32 $0x2800, s9;
	[sflag:s22] =	ssyncadd.s32 $0xFFFFF800  }
0x60: {  	[spmem:s2] =	stream.indirect.scatter.add.f32 [tilespmem:s14], [sflag:$0xB], $0x10, s3, s13, $0xb8;
	[tilespmem:$0xEF00] =	vst v63  }
0x61: {  	s3 =	simm.s32 @!p0 $0x10  }
0x62: {  	_ =	swait.ge @!p0 [sflag:s3], $0x800  }
0x63: {  	[sflag:s3] =	ssyncset.done @!p0 $0x0  }
0x64: {  	s20 =	sadd.s32 $0x280, s9;
	[sflag:s3] =	ssyncadd.s32 @!p0 $0xFFFFF800  }
0x65: {  	[tilespmem:s23], [sflag:$0x6] =	stream.indirect.gather [hbm4b:s4+s13], $0x10, s20, s13, $0xb8;
	[tilespmem:$0xEF00] =	vst v63  }
0x66: {  	_ =	swait.ge [sflag:s24], $0x800  }
0x67: {  	[sflag:s24] =	ssyncset.done $0x0  }
0x68: {  	s7 =	sadd.s32 $0x2880, s9;
	s3 =	simm.s32 @!p0 $0x11;
	[sflag:s24] =	ssyncadd.s32 $0xFFFFF800  }
0x69: {  	[spmem:s2] =	stream.indirect.scatter.add.f32 [tilespmem:s15], [sflag:$0xC], $0x10, s7, s13, $0xb8;
	[tilespmem:$0xEF00] =	vst v63  }
0x6a: {  	_ =	swait.ge @!p0 [sflag:s3], $0x800  }
0x6b: {  	[sflag:s3] =	ssyncset.done @!p0 $0x0  }
0x6c: {  	s10 =	sadd.s32 $0x300, s9;
	[sflag:s3] =	ssyncadd.s32 @!p0 $0xFFFFF800  }
0x6d: {  	[tilespmem:s25], [sflag:$0x7] =	stream.indirect.gather [hbm4b:s4+s13], $0x10, s10, s13, $0xb8;
	[tilespmem:$0xEF00] =	vst v63  }
0x6e: {  	_ =	swait.ge [sflag:s26], $0x800  }
0x6f: {  	[sflag:s26] =	ssyncset.done $0x0  }
0x70: {  	s12 =	sadd.s32 $0x2900, s9;
	s3 =	simm.s32 @!p0 $0x12;
	[sflag:s26] =	ssyncadd.s32 $0xFFFFF800  }
0x71: {  	[spmem:s2] =	stream.indirect.scatter.add.f32 [tilespmem:s17], [sflag:$0xD], $0x10, s12, s13, $0xb8;
	[tilespmem:$0xEF00] =	vst v63  }
0x72: {  	_ =	swait.ge @!p0 [sflag:s3], $0x800  }
0x73: {  	[sflag:s3] =	ssyncset.done @!p0 $0x0  }
0x74: {  	s18 =	sadd.s32 $0x380, s9;
	[sflag:s3] =	ssyncadd.s32 @!p0 $0xFFFFF800  }
0x75: {  	[tilespmem:s28], [sflag:$0x8] =	stream.indirect.gather [hbm4b:s4+s13], $0x10, s18, s13, $0xb8;
	[tilespmem:$0xEF00] =	vst v63  }
0x76: {  	_ =	swait.ge [sflag:s29], $0x800  }
0x77: {  	[sflag:s29] =	ssyncset.done $0x0  }
0x78: {  	s20 =	sadd.s32 $0x2980, s9;
	s3 =	simm.s32 @!p0 $0x13;
	[sflag:s29] =	ssyncadd.s32 $0xFFFFF800  }
0x79: {  	[spmem:s2] =	stream.indirect.scatter.add.f32 [tilespmem:s19], [sflag:$0xE], $0x10, s20, s13, $0xb8;
	[tilespmem:$0xEF00] =	vst v63  }
0x7a: {  	_ =	swait.ge @!p0 [sflag:s3], $0x800  }
0x7b: {  	[sflag:s3] =	ssyncset.done @!p0 $0x0  }
0x7c: {  	s7 =	sadd.s32 $0x400, s9;
	[sflag:s3] =	ssyncadd.s32 @!p0 $0xFFFFF800  }
0x7d: {  	[tilespmem:s30], [sflag:$0x9] =	stream.indirect.gather [hbm4b:s4+s13], $0x10, s7, s13, $0xb8;
	[tilespmem:$0xEF00] =	vst v63  }
0x7e: {  	_ =	swait.ge [sflag:s31], $0x800  }
0x7f: {  	[sflag:s31] =	ssyncset.done $0x0  }
0x80: {  	s10 =	sadd.s32 $0x2A00, s9;
	s3 =	simm.s32 @!p0 $0x14;
	[sflag:s31] =	ssyncadd.s32 $0xFFFFF800  }
0x81: {  	[spmem:s2] =	stream.indirect.scatter.add.f32 [tilespmem:s21], [sflag:$0xF], $0x10, s10, s13, $0xb8;
	[tilespmem:$0xEF00] =	vst v63  }
0x82: {  	_ =	swait.ge @!p0 [sflag:s3], $0x800  }
0x83: {  	[sflag:s3] =	ssyncset.done @!p0 $0x0  }
0x84: {  	s12 =	sadd.s32 $0x480, s9;
	[sflag:s3] =	ssyncadd.s32 @!p0 $0xFFFFF800  }
0x85: {  	[tilespmem:s1], [sflag:$0xA] =	stream.indirect.gather [hbm4b:s4+s13], $0x10, s12, s13, $0xb8;
	[tilespmem:$0xEF00] =	vst v63  }
0x86: {  	_ =	swait.ge [sflag:s0], $0x800  }
0x87: {  	p0 =	seq.s32 s6, $0x8C00;
	[sflag:s0] =	ssyncset.done $0x0  }
0x88: {  	s18 =	sadd.s32 $0x2A80, s9;
	s3 =	simm.s32 @p0 $0x7;
	[sflag:s0] =	ssyncadd.s32 $0xFFFFF800  }
0x89: {  	[spmem:s2] =	stream.indirect.scatter.add.f32 [tilespmem:s23], [sflag:$0x10], $0x10, s18, s13, $0xb8;
	[tilespmem:$0xEF00] =	vst v63  }
0x8a: {  	_ =	swait.ge @p0 [sflag:s3], $0x800  }
0x8b: {  	[sflag:s3] =	ssyncset.done @p0 $0x0  }
0x8c: {  	[sflag:s3] =	ssyncadd.s32 @p0 $0xFFFFF800;
	s3 =	sshra.s32 @p0 s6, $0x2  }
0x8d: {  	s20 =	simm.s32 @p0 $0x8000;
	s18 =	simm.s32 @p0 $0x80;
	s12 =	sadd.s32 @p0 $0x2B00, s3  }
0x8e: {  	[spmem:s2] =	stream.indirect.scatter.add.f32 @p0 [tilespmem:s20], [sflag:$0x11], $0x10, s12, s18, $0xb8;
	[tilespmem:$0xEF00] =	vst v63  }
0x8f: {  	s12 =	simm.s32 @!p0 $0xB  }
0x90: {  	_ =	swait.ge @!p0 [sflag:s12], $0x800  }
0x91: {  	[sflag:s12] =	ssyncset.done @!p0 $0x0  }
0x92: {  	[sflag:s12] =	ssyncadd.s32 @!p0 $0xFFFFF800;
	s12 =	sshra.s32 @!p0 s6, $0x2  }
0x93: {  	s7 =	simm.s32 @!p0 $0x80;
	s10 =	simm.s32 @!p0 $0x5000;
	s20 =	sadd.s32 @!p0 $0x500, s12  }
0x94: {  	[tilespmem:s10], [sflag:$0x1] =	stream.indirect.gather @!p0 [hbm4b:s4+s7], $0x10, s20, s7, $0xb8;
	[tilespmem:$0xEF00] =	vst v63  }
0x95: {  	s10 =	simm.s32 @!p0 $0x7  }
0x96: {  	_ =	swait.ge @!p0 [sflag:s10], $0x800  }
0x97: {  	[sflag:s10] =	ssyncset.done @!p0 $0x0  }
0x98: {  	s20 =	simm.s32 @!p0 $0x8000;
	[sflag:s10] =	ssyncadd.s32 @!p0 $0xFFFFF800;
	s10 =	sadd.s32 @!p0 $0x2B00, s12  }
0x99: {  	[spmem:s2] =	stream.indirect.scatter.add.f32 @!p0 [tilespmem:s20], [sflag:$0x11], $0x10, s10, s7, $0xb8;
	[tilespmem:$0xEF00] =	vst v63  }
0x9a: {  	s10 =	simm.s32 @!p0 $0xC  }
0x9b: {  	_ =	swait.ge @!p0 [sflag:s10], $0x800  }
0x9c: {  	[sflag:s10] =	ssyncset.done @!p0 $0x0  }
0x9d: {  	s20 =	simm.s32 @!p0 $0x5800;
	[sflag:s10] =	ssyncadd.s32 @!p0 $0xFFFFF800;
	s10 =	sadd.s32 @!p0 $0x580, s12  }
0x9e: {  	[tilespmem:s20], [sflag:$0x2] =	stream.indirect.gather @!p0 [hbm4b:s4+s7], $0x10, s10, s7, $0xb8;
	[tilespmem:$0xEF00] =	vst v63  }
0x9f: {  	_ =	swait.ge [sflag:s11], $0x800  }
0xa0: {  	[sflag:s11] =	ssyncset.done $0x0  }
0xa1: {  	s20 =	sadd.s32 $0x2B80, s9;
	s10 =	simm.s32 @p0 $0x9;
	[sflag:s11] =	ssyncadd.s32 $0xFFFFF800  }
0xa2: {  	[spmem:s2] =	stream.indirect.scatter.add.f32 [tilespmem:s28], [sflag:$0x12], $0x10, s20, s13, $0xb8;
	[tilespmem:$0xEF00] =	vst v63  }
0xa3: {  	_ =	swait.ge @p0 [sflag:s10], $0x800  }
0xa4: {  	[sflag:s10] =	ssyncset.done @p0 $0x0  }
0xa5: {  	s3 =	sadd.s32 @p0 $0x2C00, s3;
	[sflag:s10] =	ssyncadd.s32 @p0 $0xFFFFF800;
	s10 =	simm.s32 @p0 $0x9000  }
0xa6: {  	[spmem:s2] =	stream.indirect.scatter.add.f32 @p0 [tilespmem:s10], [sflag:$0x13], $0x10, s3, s18, $0xb8;
	[tilespmem:$0xEF00] =	vst v63  }
0xa7: {  	s3 =	simm.s32 @!p0 $0xD  }
0xa8: {  	_ =	swait.ge @!p0 [sflag:s3], $0x800  }
0xa9: {  	[sflag:s3] =	ssyncset.done @!p0 $0x0  }
0xaa: {  	s10 =	simm.s32 @!p0 $0x6000;
	[sflag:s3] =	ssyncadd.s32 @!p0 $0xFFFFF800;
	s3 =	sadd.s32 @!p0 $0x600, s12  }
0xab: {  	[tilespmem:s10], [sflag:$0x3] =	stream.indirect.gather @!p0 [hbm4b:s4+s7], $0x10, s3, s7, $0xb8;
	[tilespmem:$0xEF00] =	vst v63  }
0xac: {  	s3 =	simm.s32 @!p0 $0x9  }
0xad: {  	_ =	swait.ge @!p0 [sflag:s3], $0x800  }
0xae: {  	[sflag:s3] =	ssyncset.done @!p0 $0x0  }
0xaf: {  	s10 =	simm.s32 @!p0 $0x9000;
	[sflag:s3] =	ssyncadd.s32 @!p0 $0xFFFFF800;
	s3 =	sadd.s32 @!p0 $0x2C00, s12  }
0xb0: {  	[spmem:s2] =	stream.indirect.scatter.add.f32 @!p0 [tilespmem:s10], [sflag:$0x13], $0x10, s3, s7, $0xb8;
	[tilespmem:$0xEF00] =	vst v63  }
0xb1: {  	s3 =	simm.s32 @!p0 $0xE  }
0xb2: {  	_ =	swait.ge @!p0 [sflag:s3], $0x800  }
0xb3: {  	[sflag:s3] =	ssyncset.done @!p0 $0x0  }
0xb4: {  	s10 =	simm.s32 @!p0 $0x6800;
	[sflag:s3] =	ssyncadd.s32 @!p0 $0xFFFFF800;
	s3 =	sadd.s32 @!p0 $0x680, s12  }
0xb5: {  	[tilespmem:s10], [sflag:$0x4] =	stream.indirect.gather @!p0 [hbm4b:s4+s7], $0x10, s3, s7, $0xb8;
	[tilespmem:$0xEF00] =	vst v63  }
.Ltmp3:
0xb6: {  	_ = 	snop;
	(pc) =	sbr.rel @p0 .LBB2_6-.Ltmp3, $4  }
0xb7: {  	_ =	swait.ge [sflag:s16], $0x800  }
0xb8: {  	[sflag:s16] =	ssyncset.done $0x0  }
0xb9: {  	s20 =	sadd.s32 $0x2C80, s9;
	[sflag:s16] =	ssyncadd.s32 $0xFFFFF800  }
0xba: {  	[spmem:s2] =	stream.indirect.scatter.add.f32 [tilespmem:s1], [sflag:$0x14], $0x10, s20, s13, $0xb8;
	[tilespmem:$0xEF00] =	vst v63  }
.Ltmp4:
0xbb: {  	(pc) =	sbr.rel .LBB2_4-.Ltmp4, $4  }
0xbc: {  	_ =	swait.ge [sflag:s8], $0x800  }
0xbd: {  	[sflag:s8] =	ssyncset.done $0x0  }
0xbe: {  	s3 =	sadd.s32 $0x700, s9;
	s6 =	sadd.s32 $0x1400, s6;
	[sflag:s8] =	ssyncadd.s32 $0xFFFFF800  }
0xbf: {  	[tilespmem:s21], [sflag:$0x5] =	stream.indirect.gather [hbm4b:s4+s13], $0x10, s3, s13, $0xb8;
	[tilespmem:$0xEF00] =	vst v63  }
.LBB2_7:
0xc0: {  	_ =	sfence.sel $0x180000  }
0xc1: {  	[bflag:$0x0] =	sbarrier.arrive $0xFFFF  }
0xc2: {  	_ =	strace $0x9000004D  }
0xc3: {  	s0 =	stileid.u32;
	[bflag:$0x2] =	sbarrier.arrive $0xFFFF  }
0xc4: {  	p0 =	sne.s32 s0, $0x0;
	s0 =	rddreg [dreg:$0x2]  }
0xc5: {  	s0 =	sadd.s32 @!p0 $0x100000, s0  }
0xc6: {  	[sflag:s0] =	ssyncadd.tile.s32 @!p0 $0x1;
	_ =	shalt  }
.Lfunc_end2:
_tile_overlayer_lowered:
.L_overlay_start_2:
0xc7: {  	(tag) =	ssettag $0x2  }
0xc8: {  	s0 =	rddreg [dreg:$0x0];
	s2 =	stileid.u32  }
0xc9: {  	s1 =	rddreg [dreg:$0x1];
	p0 =	sne.s32 s2, $0x0  }
0xca: {  	s3 =	rddreg [dreg:$0x2];
	[bflag:$0x3] =	sbarrier.arrive $0xFFFF;
	s2 =	simm.s32 @!p0 $0x1C15  }
0xcb: {  	[timem:s3], [sflag:s2] =	dma.local @!p0 [hbm:s0], s1  }
0xcc: {  	s0 =	simm.s32 @!p0 $0x15  }
0xcd: {  	_ =	swait.ge @!p0 [sflag:s0], s1  }
0xce: {  	s1 =	ssub.s32 @!p0 $0x0, s1;
	[sflag:s0] =	ssyncset.done @!p0 $0x0  }
0xcf: {  	[sflag:s0] =	ssyncadd.s32 @!p0 s1  }
0xd0: {  	[bflag:$0x3] =	sbarrier.arrive $0xFFFF  }
0xd1: {  	_ =	shalt  }

// kernel: kernel.8.cloned.1.call-start
scs
__scs_entry_jumppad:
0x0: {  	(pc) =	sbr.rel $0x88, $3  }
0x1: {  	(tag) =	ssettag $0x0;
	lr =	simm.s32 $0x1  }
0x2: {  	[smem:$0x3F98] =	sst lr;
	_ =	strace $0xD0000000  }
0x3: {  	_ = 	snop  }
0x4: {  	_ = 	snop  }
0x5: {  	_ = 	snop  }
0x6: {  	_ = 	snop  }
0x7: {  	_ = 	snop  }
__scs_overlays_trampoline_lowered:
0x8: {  	[smem:$0x3FA7] =	sst s0  }
0x9: {  	[smem:$0x3FA8] =	sst s1  }
0xa: {  	[smem:$0x3FA9] =	sst s2  }
0xb: {  	[smem:$0x3FAA] =	sst s3  }
0xc: {  	[smem:$0x3FAB] =	sst s4  }
0xd: {  	[smem:$0x3FAC] =	sst s5  }
0xe: {  	[smem:$0x3FAD] =	sst s6  }
0xf: {  	[smem:$0x3FAE] =	sst s7  }
0x10: {  	[smem:$0x3FAF] =	sst s8  }
0x11: {  	[smem:$0x3FB0] =	sst s9;
	s0 =	simm.s32 @!p0 $0x0  }
0x12: {  	s1 =	sld [smem:$0x3F96];
	s0 =	simm.s32 @p0 $0x1  }
0x13: {  	[smem:$0x3FB1] =	sst s0;
	s0 =	simm.s32 @!p1 $0x0  }
0x14: {  	s2 =	sld [smem:$0x3F95];
	s0 =	simm.s32 @p1 $0x1  }
0x15: {  	[smem:$0x3FB2] =	sst s0;
	s0 =	simm.s32 @!p2 $0x0  }
0x16: {  	s3 =	sld [smem:$0x3FDB];
	s0 =	simm.s32 @p2 $0x1  }
0x17: {  	s4 =	simm.s32 $0x1BF5;
	[smem:$0x3FB4] =	sst s0  }
0x18: {  	s0 =	sld [smem:$0x3F97];
	_ =	swait.ge [sflag:s4], $0x0  }
0x19: {  	s7 =	sld [smem:$0x3F98]  }
0x1a: {  	s8 =	sadd.s32 $0xFFFFE003, lr  }
0x1b: {  	s9 =	sadd.s32 $0xFFFFFEF7, lr;
	s5 =	simm.s32 $0xFFFFFFFF;
	p2 =	slt.u32 s8, $0xFFFFF086  }
0x1c: {  	p1 =	slt.u32 s9, $0xF7A;
	s5 =	simm.s32 @!p2 $0x0  }
0x1d: {  	s5 =	simm.s32 @p1 $0x1;
	p0 =	seq.s32 s7, s2  }
0x1e: {  	s7 =	smul.u32 @!p0 $0xF7A, s2;
	p2 =	seq.s32 @!p0 s5, $0x0  }
0x1f: {  	s9 =	smul.u32 $0xF7A, s1;
	s8 =	simm.s32 @!p0 $0x1BF5;
	p2 =	por !p2, p0  }
0x20: {  	[sflag:s8] =	ssyncset.s32 @!p0 $0xFFFFF086;
	s6 =	sadd.s32 @!p0 s3, s7;
	s7 =	simm.s32 @!p0 $0x108  }
0x21: {  	s3 =	sadd.s32 s3, s9;
	s6 =	sadd.s32 @!p0 $0x88, s6;
	s7 =	simm.s32 @p2 $0x1082  }
0x22: {  	[simem:s7], [sflag:s8] =	dma.local @!p0 [hbm:s6], $0xF7A  }
0x23: {  	s9 =	sor.u32 $0xD0000000, s2;
	s6 =	simm.s32 $0x108;
	_ =	swait.ge @!p0 [sflag:s8], $0x0  }
0x24: {  	s3 =	sadd.s32 $0x88, s3;
	s6 =	simm.s32 @!p1 $0x1082;
	[sflag:s4] =	ssyncset.s32 $0xFFFFF086  }
0x25: {  	[simem:s6], [sflag:s4] =	dma.local [hbm:s3], $0xF7A  }
0x26: {  	[smem:$0x3F98] =	sst s1;
	(tag) =	ssettag s2;
	_ =	strace s9  }
0x27: {  	s1 =	sld [smem:$0x3FA8]  }
0x28: {  	s2 =	sld [smem:$0x3FA9]  }
0x29: {  	s4 =	sld [smem:$0x3FAB]  }
0x2a: {  	p0 =	seq.s32 s5, $0x0;
	s5 =	sld [smem:$0x3FAC]  }
0x2b: {  	s6 =	sld [smem:$0x3FAD]  }
0x2c: {  	s7 =	sld [smem:$0x3FAE]  }
0x2d: {  	s3 =	simm.s32 $0x108;
	s8 =	sld [smem:$0x3FAF]  }
0x2e: {  	s3 =	simm.s32 @!p0 $0x1082;
	s9 =	sld [smem:$0x3FB0]  }
0x2f: {  	lr =	sadd.s32 s0, s3;
	s0 =	sld [smem:$0x3FA7]  }
0x30: {  	s3 =	sld [smem:$0x3FAA]  }
0x31: {  	[smem:$0x3FB3] =	sst s10  }
0x32: {  	s10 =	sld [smem:$0x3FB1];
	_ =	sdelay $0x3  }
0x33: {  	p0 =	seq.s32 s10, $0x1;
	s10 =	sld [smem:$0x3FB3];
	_ =	sdelay $0x3  }
0x34: {  	[smem:$0x3FB3] =	sst s10  }
0x35: {  	s10 =	sld [smem:$0x3FB2];
	_ =	sdelay $0x3  }
0x36: {  	p1 =	seq.s32 s10, $0x1;
	s10 =	sld [smem:$0x3FB3];
	_ =	sdelay $0x3  }
0x37: {  	[smem:$0x3FB3] =	sst s10  }
0x38: {  	s10 =	sld [smem:$0x3FB4]  }
0x39: {  	_ = 	snop;
	(pc) =	sbr.ind lr, $3  }
0x3a: {  	_ = 	snop  }
0x3b: {  	_ = 	snop  }
0x3c: {  	p2 =	seq.s32 s10, $0x1;
	s10 =	sld [smem:$0x3FB3]  }
0x3d: {  	_ =	shalt  }
0x3e: {  	_ =	shalt  }
0x3f: {  	_ =	shalt  }
0x40: {  	_ =	shalt  }
0x41: {  	_ =	shalt  }
0x42: {  	_ =	shalt  }
0x43: {  	_ =	shalt  }
0x44: {  	_ =	shalt  }
0x45: {  	_ =	shalt  }
0x46: {  	_ =	shalt  }
0x47: {  	_ =	shalt  }
0x48: {  	_ =	shalt  }
0x49: {  	_ =	shalt  }
0x4a: {  	_ =	shalt  }
0x4b: {  	_ =	shalt  }
0x4c: {  	_ =	shalt  }
0x4d: {  	_ =	shalt  }
0x4e: {  	_ =	shalt  }
0x4f: {  	_ =	shalt  }
0x50: {  	_ =	shalt  }
0x51: {  	_ =	shalt  }
0x52: {  	_ =	shalt  }
0x53: {  	_ =	shalt  }
0x54: {  	_ =	shalt  }
0x55: {  	_ =	shalt  }
0x56: {  	_ =	shalt  }
0x57: {  	_ =	shalt  }
0x58: {  	_ =	shalt  }
0x59: {  	_ =	shalt  }
0x5a: {  	_ =	shalt  }
0x5b: {  	_ =	shalt  }
0x5c: {  	_ =	shalt  }
0x5d: {  	_ =	shalt  }
0x5e: {  	_ =	shalt  }
0x5f: {  	_ =	shalt  }
0x60: {  	_ =	shalt  }
0x61: {  	_ =	shalt  }
0x62: {  	_ =	shalt  }
0x63: {  	_ =	shalt  }
0x64: {  	_ =	shalt  }
0x65: {  	_ =	shalt  }
0x66: {  	_ =	shalt  }
0x67: {  	_ =	shalt  }
0x68: {  	_ =	shalt  }
0x69: {  	_ =	shalt  }
0x6a: {  	_ =	shalt  }
0x6b: {  	_ =	shalt  }
0x6c: {  	_ =	shalt  }
0x6d: {  	_ =	shalt  }
0x6e: {  	_ =	shalt  }
0x6f: {  	_ =	shalt  }
0x70: {  	_ =	shalt  }
0x71: {  	_ =	shalt  }
0x72: {  	_ =	shalt  }
0x73: {  	_ =	shalt  }
0x74: {  	_ =	shalt  }
0x75: {  	_ =	shalt  }
0x76: {  	_ =	shalt  }
0x77: {  	_ =	shalt  }
0x78: {  	_ =	shalt  }
0x79: {  	_ =	shalt  }
0x7a: {  	_ =	shalt  }
0x7b: {  	_ =	shalt  }
0x7c: {  	_ =	shalt  }
0x7d: {  	_ =	shalt  }
0x7e: {  	_ =	shalt  }
0x7f: {  	_ =	shalt  }
0x80: {  	_ =	shalt  }
0x81: {  	_ =	shalt  }
0x82: {  	_ =	shalt  }
0x83: {  	_ =	shalt  }
0x84: {  	_ =	shalt  }
0x85: {  	_ =	shalt  }
0x86: {  	_ =	shalt  }
0x87: {  	_ =	shalt  }
.Lfunc_end0:
.L_simem_size_0:
called_computation_lowered:
.L_overlay_start_0:
0x88: {  	s2 =	sld [smem:$0x3FD9]  }
0x89: {  	s3 =	sld [smem:$0x3FFE];
	_ =	sdelay $0x1  }
0x8a: {  	s1 =	srdreg.scid  }
0x8b: {  	s0 =	sand.u32 $0x1, s1  }
0x8c: {  	s16 =	sshll.u32 s0, $0xA;
	s2 =	sadd.s32 s3, s2  }
0x8d: {  	s2 =	sadd.s32 s2, s16  }
0x8e: {  	[smem:$0x3FBF] =	sst s2  }
0x8f: {  	_ = 	snop  }
0x90: {  	(tm) =	ssettm $0x1  }
0x91: {  	s17 =	sld [smem:$0x3FFB];
	_ =	sdelay $0x3  }
0x92: {  	_ =	strace s17  }
0x93: {  	s2 =	sld [smem:$0x3FFC];
	_ =	sdelay $0x3  }
0x94: {  	_ =	strace s2  }
0x95: {  	s2 =	sld [smem:$0x3FFD];
	_ =	sdelay $0x3  }
0x96: {  	_ =	strace s2  }
0x97: {  	_ =	strace $0x8FFFFFFF  }
0x98: {  	s18 =	sld [smem:$0x3FDB];
	_ =	sdelay $0x1  }
0x99: {  	s19 =	simm.s32 $_scs_section_size  }
0x9a: {  	s4 =	simm.s32 $_size__tile_overlayer_lowered;
	s5 =	simm.s32 $_tile_overlayer_lowered  }
0x9b: {  	s22 =	simm.s32 $0x1BFF;
	s21 =	sshll.u32 s5, $0x1;
	s2 =	sadd.s32 s19, s18  }
0x9c: {  	s6 =	simm.s32 $0x0;
	s20 =	sshll.u32 s4, $0x1;
	s4 =	sadd.s32 s21, s2  }
0x9d: {  	[timem:s6], [sflag:s22] =	dma.local [hbm:s4], s20  }
0x9e: {  	_ =	swait.ge [sflag:s22], s20  }
0x9f: {  	s3 =	ssub.s32 $0x0, s20;
	[sflag:s22] =	ssyncset.done $0x0  }
0xa0: {  	[sflag:s22] =	ssyncadd.s32 s3;
	_ =	sdelay $0x1  }
0xa1: {  	s23 =	simm.s32 $0x1B8B  }
0xa2: {  	_ =	swait.ge [sflag:s23], $0x1  }
0xa3: {  	[sflag:s23] =	ssyncset.done $0x0  }
0xa4: {  	s25 =	simm.s32 $0x1B8E;
	s24 =	sld [smem:$0x3FFE];
	[sflag:s23] =	ssyncadd.s32 $0xFFFFFFFF  }
0xa5: {  	s26 =	simm.s32 $execute0_lowered;
	[smem:$0x3FD2] =	sst s25  }
0xa6: {  	s4 =	sshll.u32 s26, $0x1;
	_ =	strace $0x80000046;
	[dreg:$0x1] =	wrdreg $0xFFFFFFFF  }
0xa7: {  	s28 =	simm.s32 $_size_execute0_lowered;
	s2 =	sadd.s32 s2, s4;
	[dreg:$0x0] =	wrdreg $0x0  }
0xa8: {  	s4 =	sshll.u32 s28, $0x1;
	[dreg:$0x2] =	wrdreg s2  }
0xa9: {  	[dreg:$0x3] =	wrdreg s4  }
0xaa: {  	[dreg:$0x4] =	wrdreg $0xC0  }
0xab: {  	_ =	task [dreg:s6], $0x5FFFF  }
0xac: {  	[dreg:$0x1] =	wrdreg $0xFFFFFFFF  }
0xad: {  	[dreg:$0x0] =	wrdreg $0x60  }
0xae: {  	[dreg:$0x2] =	wrdreg s24  }
0xaf: {  	[dreg:$0x3] =	wrdreg $0x28800  }
0xb0: {  	[dreg:$0x4] =	wrdreg $0x9  }
0xb1: {  	_ =	task.clear_ibuf [dreg:s6], $0x5FFFF;
	_ =	strace $0x90000046  }
0xb2: {  	s29 =	simm.s32 $0x9;
	_ =	strace $0x80000048  }
0xb3: {  	_ =	swait.ge [sflag:s29], $0x1  }
0xb4: {  	[sflag:s29] =	ssyncadd.s32 $0xFFFFFFFF  }
0xb5: {  	_ =	strace $0x90000048  }
0xb6: {  	_ =	sfence  }
0xb7: {  	s30 =	sld [smem:$0x0];
	_ =	sdelay $0x2  }
0xb8: {  	s31 =	sshll.u32 s1, $0xD;
	s1 =	sshrl.u32 s1, $0x2  }
0xb9: {  	s3 =	sand.u32 $0x4000, s31;
	s1 =	sadd.s32 s1, s30  }
0xba: {  	s0 =	sor.u32 s3, s0;
	s1 =	sshll.u32 s1, $0x11  }
0xbb: {  	s0 =	sor.u32 s1, s0  }
0xbc: {  	s0 =	sadd.s32 $0x8F2B, s0  }
0xbd: {  	[sflag:s0] =	ssyncadd.remote.s32 $0x1  }
0xbe: {  	_ =	sfence.sel $0xFFFF  }
0xbf: {  	[dreg:$0x0] =	wrdreg $0xFFFFFFFF;
	(pc) =	sbr.abs _section_cstart, $3  }
0xc0: {  	[dreg:$0x1] =	wrdreg $0xFFFFFFFF  }
0xc1: {  	_ =	task.clear_ibuf [dreg:s6], $0x2FFFF;
	_ =	strace $0x9FFFFFFF  }
0xc2: {  	(tm) =	ssettm $0x7FFFFFFF  }
0xc3: {  	_ =	shalt  }
tec
execute0_lowered:
.L_overlay_start_1:
0x0: {  	(tag) =	ssettag $0x1  }
0x1: {  	s0 =	srdreg.scid;
	s4 =	rddreg [dreg:$0x0]  }
0x2: {  	s6 =	stileid.u32;
	s1 =	rddreg [dreg:$0x1];
	s2 =	simm.s32 $0x0  }
0x3: {  	s9 =	simm.s32 $0x2800;
	s10 =	simm.s32 $0x1;
	s3 =	sand.u32 $0x1, s0  }
0x4: {  	s11 =	simm.s32 $0x0;
	[smem:$0x7FF] =	sst s2;
	s0 =	sshll.u32 s3, $0x4  }
0x5: {  	p0 =	sne.s32 s6, $0x0;
	s7 =	smul.u32 $0x4F0, s3;
	s5 =	sor.u32 s6, s0  }
0x6: {  	s3 =	ssub.s32 $0x2, s3;
	s0 =	rddreg [dreg:$0x2];
	s5 =	smul.u32 $0x2800, s5  }
0x7: {  	_ =	strace $0x80000047;
	s8 =	sshrl.u32 s3, $0x1;
	s6 =	simm.s32 $0x2  }
0x8: {  	s31 =	ssub.s32 s3, s8;
	s8 =	simm.s32 $0x80;
	s5 =	sshrl.u32 s5, $0x3  }
0x9: {  	s5 =	sadd.s32 s4, s5;
	s4 =	sadd.s32 s7, s4;
	s7 =	simm.s32 $0x2AF8  }
0xa: {  	v0 =	vimm.f32 $1.000000000e+00;
	v1 =	vimm.f32 $0.0e+00;
	s3 =	sadd.s32 $0xC800, s5;
	s4 =	sadd.s32 $0x16800, s4;
	s5 =	smax.u32 s31, $0x1  }
.LBB2_1:
0xb: {  	[tilespmem:$0x2800] =	vst v0  }
0xc: {  	[tilespmem:$0x2810] =	vst v0  }
0xd: {  	[tilespmem:$0x2820] =	vst v0  }
0xe: {  	[tilespmem:$0x2830] =	vst v0  }
0xf: {  	[tilespmem:$0x2840] =	vst v0  }
0x10: {  	[tilespmem:$0x2850] =	vst v0  }
0x11: {  	[tilespmem:$0x2860] =	vst v0  }
.Ltmp0:
0x12: {  	[tilespmem:$0x2870] =	vst v0;
	(pc) =	sbr.rel @p0 .LBB2_5-.Ltmp0, $4  }
0x13: {  	[tilespmem:s2], [sflag:$0x2] =	stream.linear.gather [hbm4b:s3+s2], $0x2800, $0x38;
	[tilespmem:$0x5278] =	vst v63  }
0x14: {  	_ =	swait.ge [sflag:s6], $0x2800  }
0x15: {  	[sflag:s6] =	ssyncset.done $0x0  }
0x16: {  	[sflag:s6] =	ssyncadd.s32 $0xFFFFD800  }
0x17: {  	s12 =	simm.s32 $0x40;
	s13 =	simm.s32 $0x0  }
.LBB2_3:
0x18: {  	p1 =	sne.s32 s12, $0x9DC0;
	[tilespmem:s13+$0x2AF8] =	vst v1;
	s13 =	smov.u32 s12;
	s12 =	sadd.s32 $0x40, s12  }
.Ltmp1:
0x19: {  	(pc) =	sbr.rel @p1 .LBB2_3-.Ltmp1, $2  }
0x1a: {  	_ =	sdelay $0x2  }
0x1b: {  	s13 =	sshra.s32 s13, $0x2  }
0x1c: {  	[tilespmem:s13+$0x2AF8] =	vst v1  }
0x1d: {  	[spmem:s1] =	stream.linear.scatter [tilespmem:s7], [sflag:$0x2], $0x2780, $0x38;
	[tilespmem:$0x5278] =	vst v63  }
0x1e: {  	_ =	swait.ge [sflag:s6], $0x2780  }
0x1f: {  	[sflag:s6] =	ssyncset.done $0x0  }
0x20: {  	[sflag:s6] =	ssyncadd.s32 $0xFFFFD880  }
.LBB2_5:
0x21: {  	[bflag:$0x0] =	sbarrier.arrive $0xFFFF;
	s12 =	simm.s32 $0x200;
	s13 =	simm.s32 $0x0  }
.LBB2_6:
0x22: {  	[spmem:s1] =	stream.indirect.scatter.add.f32 [tilespmem:s9], [sflag:$0x1], $0x1, s13, s8, $0xb8;
	[tilespmem:$0x5278] =	vst v63  }
0x23: {  	s13 =	smov.u32 s12;
	p1 =	sne.s32 s12, $0x9E00  }
.Ltmp2:
0x24: {  	s12 =	sadd.s32 $0x200, s12;
	(pc) =	sbr.rel @p1 .LBB2_6-.Ltmp2, $2  }
0x25: {  	_ =	sdelay $0x2  }
0x26: {  	s13 =	sshra.s32 s13, $0x2  }
0x27: {  	[spmem:s1] =	stream.indirect.scatter.add.f32 [tilespmem:s9], [sflag:$0x1], $0x1, s13, s8, $0xb8;
	[tilespmem:$0x5278] =	vst v63  }
0x28: {  	_ =	swait.ge [sflag:s10], $0x2800  }
0x29: {  	[sflag:s10] =	ssyncset.done $0x0  }
0x2a: {  	[sflag:s10] =	ssyncadd.s32 $0xFFFFD800  }
0x2b: {  	s12 =	simm.s32 @!p0 $0x2AF8;
	s13 =	simm.s32 @!p0 $0x2;
	[bflag:$0x0] =	sbarrier.arrive $0xFFFF  }
0x2c: {  	[tilespmem:s12], [sflag:$0x2] =	stream.linear.gather @!p0 [spmem:s1], $0x2780, $0x38;
	[tilespmem:$0x5278] =	vst v63  }
0x2d: {  	s11 =	sadd.s32 $0x1, s11;
	_ =	swait.ge @!p0 [sflag:s13], $0x2780  }
0x2e: {  	p1 =	sne.s32 s11, s5;
	[sflag:s13] =	ssyncset.done @!p0 $0x0  }
.Ltmp3:
0x2f: {  	s14 =	simm.s32 @!p0 $0x0;
	[sflag:s13] =	ssyncadd.s32 @!p0 $0xFFFFD880;
	(pc) =	sbr.rel @p1 .LBB2_1-.Ltmp3, $4  }
0x30: {  	[hbm4b:s4+s14] =	stream.linear.scatter @!p0 [tilespmem:s12], [sflag:$0x2], $0x2780, $0x38;
	[tilespmem:$0x5278] =	vst v63  }
0x31: {  	_ =	swait.ge @!p0 [sflag:s13], $0x2780  }
0x32: {  	[sflag:s13] =	ssyncset.done @!p0 $0x0  }
0x33: {  	[sflag:s13] =	ssyncadd.s32 @!p0 $0xFFFFD880  }
0x34: {  	_ =	sfence.sel $0x180000  }
0x35: {  	[bflag:$0x0] =	sbarrier.arrive $0xFFFF  }
0x36: {  	_ =	strace $0x90000047  }
0x37: {  	s0 =	sadd.s32 @!p0 $0x100000, s0;
	[bflag:$0x2] =	sbarrier.arrive $0xFFFF  }
0x38: {  	[sflag:s0] =	ssyncadd.tile.s32 @!p0 $0x1;
	_ =	shalt  }
.Lfunc_end2:
_tile_overlayer_lowered:
.L_overlay_start_2:
0x39: {  	(tag) =	ssettag $0x2  }
0x3a: {  	s0 =	rddreg [dreg:$0x0];
	s2 =	stileid.u32  }
0x3b: {  	s1 =	rddreg [dreg:$0x1];
	p0 =	sne.s32 s2, $0x0  }
0x3c: {  	s3 =	rddreg [dreg:$0x2];
	[bflag:$0x3] =	sbarrier.arrive $0xFFFF;
	s2 =	simm.s32 @!p0 $0x1C02  }
0x3d: {  	[timem:s3], [sflag:s2] =	dma.local @!p0 [hbm:s0], s1  }
0x3e: {  	s0 =	simm.s32 @!p0 $0x2  }
0x3f: {  	_ =	swait.ge @!p0 [sflag:s0], s1  }
0x40: {  	s1 =	ssub.s32 @!p0 $0x0, s1;
	[sflag:s0] =	ssyncset.done @!p0 $0x0  }
0x41: {  	[sflag:s0] =	ssyncadd.s32 @!p0 s1  }
0x42: {  	[bflag:$0x3] =	sbarrier.arrive $0xFFFF  }
0x43: {  	_ =	shalt  }

</sc_bundles>
